<compile_context>
chip_gen: v7x
topology: tpu7x:2x2x1
jax: 0.10.2.dev20260603
libtpu: 0.0.44.dev20260713+nightly
codegen_flags: <defaults>
</compile_context>

<pallas_src>
import functools
import jax
import jax.numpy as jnp
from jax import lax
from jax.experimental import pallas as pl
from jax.experimental.pallas import tpu as pltpu
from jax.experimental.pallas import tpu_sc as plsc

N = 10000
E = 160000
D = 128
TILE = 128
NTILES = E // TILE
NC = 2
NS = 16
NW = NC * NS
NJMAX = -(-NTILES // NW)
ZCH = 80
NCH = N // ZCH
F32 = jnp.float32

_mesh = plsc.VectorSubcoreMesh(core_axis_name="c", subcore_axis_name="s")


def _dot(a, b):
    return jnp.dot(a, b, preferred_element_type=F32)



def _zero_acc(z_v, acc, sid):
    @pl.loop(sid, NCH, step=NS)
    def _(k):
        pltpu.sync_copy(z_v.at[pl.ds(0, ZCH)], acc.at[pl.ds(k * ZCH, ZCH)])


def _dump_acc(acc, out_hbm, cid, sid):
    @pl.loop(sid, NCH, step=NS)
    def _(k):
        pltpu.sync_copy(acc.at[pl.ds(k * ZCH, ZCH)],
                        out_hbm.at[cid].at[pl.ds(k * ZCH, ZCH)])


def _ring(wid, nj, njmax, idx_load, idx_wait, data_start, data_wait, post,
          scat):
    idx_load(0, 0)

    @pl.loop(0, njmax, step=2)
    def _(jb):
        for b in (0, 1):
            j = jb + b

            @pl.when(j < nj)
            def _(j=j, b=b):
                idx_wait(b)
                data_start(j, b)

                @pl.when(j >= 1)
                def _():
                    scat(1 - b)

                @pl.when(j + 1 < nj)
                def _():
                    idx_load(j + 1, 1 - b)

                data_wait(b)
                post(j, b)

    @pl.when(nj % 2 == 1)
    def _():
        scat(0)

    @pl.when(nj % 2 == 0)
    def _():
        scat(1)


def _nop(j, b):
    pass



def _k2_call(dst2, src2, x, ef, zrows, ones128):
    outs = (jax.ShapeDtypeStruct((NC, N, D), F32),
            jax.ShapeDtypeStruct((NC, N, D), F32),
            jax.ShapeDtypeStruct((NC, N, D), F32))

    @functools.partial(
        pl.kernel, mesh=_mesh, out_type=outs,
        scratch_types=[
            pltpu.VMEM((TILE,), jnp.int32), pltpu.VMEM((TILE,), jnp.int32),
            pltpu.VMEM((TILE,), jnp.int32), pltpu.VMEM((TILE,), jnp.int32),
            pltpu.VMEM((TILE, D), F32), pltpu.VMEM((TILE, D), F32),
            pltpu.VMEM_SHARED((N, D), F32),
        ] + [pltpu.SemaphoreType.DMA] * 4,
    )
    def k2(dst_h, src_h, x_h, ef_h, zr_h, on_h,
           sx_o, sef_o, cnt_o,
           idxd0, idxd1, idxs0, idxs1, rows0, rows1, accD,
           si0, si1, sg0, sg1):
        cid = lax.axis_index("c")
        sid = lax.axis_index("s")
        wid = sid * NC + cid
        nj = jnp.where(wid < NTILES - NW * (NJMAX - 1), NJMAX, NJMAX - 1)
        idxd = (idxd0, idxd1)
        idxs = (idxs0, idxs1)
        rows = (rows0, rows1)
        sI = (si0, si1)
        sG = (sg0, sg1)

        def idxw(b):
            pltpu.make_async_copy(dst_h.at[0], idxd[b], sI[b]).wait()

        def scat(b):
            pltpu.sync_copy(rows[b], accD.at[idxd[b]], add=True)

        pltpu.sync_copy(zr_h, rows0)
        _zero_acc(rows0, accD, sid)
        plsc.subcore_barrier()

        def a_il(j, b):
            t = wid + j * NW
            pltpu.make_async_copy(dst_h.at[t], idxd[b], sI[b]).start()
            pltpu.make_async_copy(src_h.at[t], idxs[b], sI[b]).start()

        def a_iw(b):
            idxw(b)
            pltpu.make_async_copy(src_h.at[0], idxs[b], sI[b]).wait()

        def a_ds(j, b):
            pltpu.make_async_copy(x_h.at[idxs[b]], rows[b], sG[b]).start()

        def a_dw(b):
            pltpu.make_async_copy(x_h.at[idxs[b]], rows[b], sG[b]).wait()

        _ring(wid, nj, NJMAX, a_il, a_iw, a_ds, a_dw, _nop, scat)
        plsc.subcore_barrier()
        _dump_acc(accD, sx_o, cid, sid)
        pltpu.sync_copy(zr_h, rows0)
        _zero_acc(rows0, accD, sid)
        plsc.subcore_barrier()

        def b_il(j, b):
            pltpu.make_async_copy(dst_h.at[wid + j * NW], idxd[b], sI[b]).start()

        def b_ds(j, b):
            t = wid + j * NW
            pltpu.make_async_copy(ef_h.at[pl.ds(t * TILE, TILE)], rows[b],
                                  sG[b]).start()

        def b_dw(b):
            pltpu.make_async_copy(ef_h.at[pl.ds(0, TILE)], rows[b],
                                  sG[b]).wait()

        _ring(wid, nj, NJMAX, b_il, idxw, b_ds, b_dw, _nop, scat)
        plsc.subcore_barrier()
        _dump_acc(accD, sef_o, cid, sid)
        pltpu.sync_copy(zr_h, rows1)
        _zero_acc(rows1, accD, sid)
        pltpu.sync_copy(on_h, rows0)
        plsc.subcore_barrier()

        def c_scat(b):
            pltpu.sync_copy(rows0, accD.at[idxd[b]], add=True)

        _ring(wid, nj, NJMAX, b_il, idxw, _nop, lambda b: None, _nop, c_scat)
        plsc.subcore_barrier()
        _dump_acc(accD, cnt_o, cid, sid)

    return k2(dst2, src2, x, ef, zrows, ones128)



def _k3_call(dst2, data, zrows):
    @functools.partial(
        pl.kernel, mesh=_mesh,
        out_type=jax.ShapeDtypeStruct((NC, N, D), F32),
        scratch_types=[
            pltpu.VMEM((TILE,), jnp.int32), pltpu.VMEM((TILE,), jnp.int32),
            pltpu.VMEM((TILE, D), F32), pltpu.VMEM((TILE, D), F32),
            pltpu.VMEM_SHARED((N, D), F32),
        ] + [pltpu.SemaphoreType.DMA] * 4,
    )
    def k3(dst_h, data_h, zr_h, out_o,
           idxd0, idxd1, rows0, rows1, acc, si0, si1, sg0, sg1):
        cid = lax.axis_index("c")
        sid = lax.axis_index("s")
        wid = sid * NC + cid
        nj = jnp.where(wid < NTILES - NW * (NJMAX - 1), NJMAX, NJMAX - 1)
        idxd = (idxd0, idxd1)
        rows = (rows0, rows1)
        sI = (si0, si1)
        sG = (sg0, sg1)

        pltpu.sync_copy(zr_h, rows0)
        _zero_acc(rows0, acc, sid)
        plsc.subcore_barrier()

        def il(j, b):
            pltpu.make_async_copy(dst_h.at[wid + j * NW], idxd[b], sI[b]).start()

        def iw(b):
            pltpu.make_async_copy(dst_h.at[0], idxd[b], sI[b]).wait()

        def ds_(j, b):
            t = wid + j * NW
            pltpu.make_async_copy(data_h.at[pl.ds(t * TILE, TILE)], rows[b],
                                  sG[b]).start()

        def dw(b):
            pltpu.make_async_copy(data_h.at[pl.ds(0, TILE)], rows[b],
                                  sG[b]).wait()

        def scat(b):
            pltpu.sync_copy(rows[b], acc.at[idxd[b]], add=True)

        _ring(wid, nj, NJMAX, il, iw, ds_, dw, _nop, scat)
        plsc.subcore_barrier()
        _dump_acc(acc, out_o, cid, sid)

    return k3(dst2, data, zrows)



def _k7_call(dst2, src2, table, zrows):
    @functools.partial(
        pl.kernel, mesh=_mesh,
        out_type=jax.ShapeDtypeStruct((NC, N, D), F32),
        scratch_types=[
            pltpu.VMEM((TILE,), jnp.int32), pltpu.VMEM((TILE,), jnp.int32),
            pltpu.VMEM((TILE,), jnp.int32), pltpu.VMEM((TILE,), jnp.int32),
            pltpu.VMEM((TILE, D), F32), pltpu.VMEM((TILE, D), F32),
            pltpu.VMEM_SHARED((N, D), F32),
        ] + [pltpu.SemaphoreType.DMA] * 4,
    )
    def k7(dst_h, src_h, tab_h, zr_h, out_o,
           idxd0, idxd1, idxs0, idxs1, rows0, rows1, acc,
           si0, si1, sg0, sg1):
        cid = lax.axis_index("c")
        sid = lax.axis_index("s")
        wid = sid * NC + cid
        nj = jnp.where(wid < NTILES - NW * (NJMAX - 1), NJMAX, NJMAX - 1)
        idxd = (idxd0, idxd1)
        idxs = (idxs0, idxs1)
        rows = (rows0, rows1)
        sI = (si0, si1)
        sG = (sg0, sg1)

        pltpu.sync_copy(zr_h, rows0)
        _zero_acc(rows0, acc, sid)
        plsc.subcore_barrier()

        def il(j, b):
            t = wid + j * NW
            pltpu.make_async_copy(dst_h.at[t], idxd[b], sI[b]).start()
            pltpu.make_async_copy(src_h.at[t], idxs[b], sI[b]).start()

        def iw(b):
            pltpu.make_async_copy(dst_h.at[0], idxd[b], sI[b]).wait()
            pltpu.make_async_copy(src_h.at[0], idxs[b], sI[b]).wait()

        def ds_(j, b):
            pltpu.make_async_copy(tab_h.at[idxs[b]], rows[b], sG[b]).start()

        def dw(b):
            pltpu.make_async_copy(tab_h.at[idxs[b]], rows[b], sG[b]).wait()

        def scat(b):
            pltpu.sync_copy(rows[b], acc.at[idxd[b]], add=True)

        _ring(wid, nj, NJMAX, il, iw, ds_, dw, _nop, scat)
        plsc.subcore_barrier()
        _dump_acc(acc, out_o, cid, sid)

    return k7(dst2, src2, table, zrows)



def _k5_call(dst2, src2, a1, b1, c1, zrows):
    outs = (jax.ShapeDtypeStruct((NC, N, D), F32),
            jax.ShapeDtypeStruct((TILE, D), F32))

    @functools.partial(
        pl.kernel, mesh=_mesh, out_type=outs,
        scratch_types=[
            pltpu.VMEM((TILE,), jnp.int32), pltpu.VMEM((TILE,), jnp.int32),
            pltpu.VMEM((TILE,), jnp.int32), pltpu.VMEM((TILE,), jnp.int32),
            pltpu.VMEM((TILE, D), F32), pltpu.VMEM((TILE, D), F32),
            pltpu.VMEM((TILE, D), F32),
            pltpu.VMEM_SHARED((N, D), F32),
        ] + [pltpu.SemaphoreType.DMA] * 4,
    )
    def k5(dst_h, src_h, a_h, b_h, c_h, zr_h, seres_o, e128_o,
           idxd0, idxd1, idxs0, idxs1, ra, rb, rc, acc,
           si0, si1, sg0, sg1):
        cid = lax.axis_index("c")
        sid = lax.axis_index("s")
        wid = sid * NC + cid
        nj = jnp.where(wid < NTILES - NW * (NJMAX - 1), NJMAX, NJMAX - 1)
        idxd = (idxd0, idxd1)
        idxs = (idxs0, idxs1)
        sI = (si0, si1)
        sG = (sg0, sg1)

        _zero_acc(zr_h, acc, sid)
        plsc.subcore_barrier()

        def il(j, b):
            t = wid + j * NW
            pltpu.make_async_copy(dst_h.at[t], idxd[b], sI[b]).start()
            pltpu.make_async_copy(src_h.at[t], idxs[b], sI[b]).start()

        def iw(b):
            pltpu.make_async_copy(dst_h.at[0], idxd[b], sI[b]).wait()
            pltpu.make_async_copy(src_h.at[0], idxs[b], sI[b]).wait()

        def ds_(j, b):
            pltpu.make_async_copy(a_h.at[idxs[b]], ra, sG[b]).start()
            pltpu.make_async_copy(b_h.at[idxd[b]], rb, sG[b]).start()

        def dw(b):
            pass

        def post(j, b):
            t = wid + j * NW
            pltpu.sync_copy(c_h.at[pl.ds(t * TILE, TILE)], rc)
            pltpu.make_async_copy(a_h.at[idxs[b]], ra, sG[b]).wait()
            pltpu.make_async_copy(b_h.at[idxd[b]], rb, sG[b]).wait()

            @plsc.parallel_loop(0, TILE, unroll=4)
            def _(i):
                for jj in range(D // 16):
                    sl = pl.ds(jj * 16, 16)
                    v = ra[i, sl] + rb[i, sl] + rc[i, sl]
                    rc[i, sl] = jnp.maximum(v, 0.0)

            @pl.when(t == 0)
            def _():
                pltpu.sync_copy(rc, e128_o)

        def scat(b):
            pltpu.sync_copy(rc, acc.at[idxd[b]], add=True)

        _ring(wid, nj, NJMAX, il, iw, ds_, dw, post, scat)
        plsc.subcore_barrier()
        _dump_acc(acc, seres_o, cid, sid)

    return k5(dst2, src2, a1, b1, c1, zrows)



def _k1_call(ts, ef, wrow, te_W1T, te_b1row, Web1T, M1T, c1row):
    BE = 1600
    grid = (E // BE,)

    def body(ts_r, ef_r, w_r, w1t_r, b1_r, webt_r, m1t_r, c1c_r, h_o, c1_o):
        h = jnp.sin(ts_r[...] * w_r[...])
        h = jnp.maximum(_dot(h, w1t_r[...]) + b1_r[...], 0.0)
        h_o[...] = h
        c1_o[...] = _dot(ef_r[...], webt_r[...]) + _dot(h, m1t_r[...]) + c1c_r[...]

    rep = pl.BlockSpec((128, 128), lambda i: (0, 0))
    rrow = pl.BlockSpec((1, 128), lambda i: (0, 0))
    return pl.pallas_call(
        body,
        grid=grid,
        in_specs=[pl.BlockSpec((BE, 1), lambda i: (i, 0)),
                  pl.BlockSpec((BE, D), lambda i: (i, 0)),
                  rrow, rep, rrow, rep, rep, rrow],
        out_specs=[pl.BlockSpec((BE, D), lambda i: (i, 0)),
                   pl.BlockSpec((BE, D), lambda i: (i, 0))],
        out_shape=[jax.ShapeDtypeStruct((E, D), F32),
                   jax.ShapeDtypeStruct((E, D), F32)],
    )(ts, ef, wrow, te_W1T, te_b1row, Web1T, M1T, c1row)



NB = 2000


def _k4_call(cnt2, sx2, sef2, sh2, x, WaT, WbT, McT, cconst, WdT, bnrow,
             WeaT, WedT):
    def body(cnt_r, sx_r, sef_r, sh_r, x_r, wa_r, wb_r, mc_r, cc_r, wd_r,
             bn_r, wea_r, wed_r, res_o, a_o, b_o):
        cnt = cnt_r[0, :, 0:1] + cnt_r[1, :, 0:1]
        invc = 1.0 / jnp.maximum(cnt, 1.0)
        ind = (cnt > 0.0).astype(F32)
        sx = (sx_r[0] + sx_r[1]) * invc
        sef = (sef_r[0] + sef_r[1]) * invc
        sh = (sh_r[0] + sh_r[1]) * invc
        nh = (_dot(sx, wa_r[...]) + _dot(sef, wb_r[...]) + _dot(sh, mc_r[...])
              + ind * cc_r[...] + _dot(x_r[...], wd_r[...]) + bn_r[...])
        res_o[...] = jnp.maximum(nh, 0.0)
        a_o[...] = _dot(nh, wea_r[...])
        b_o[...] = _dot(nh, wed_r[...])

    rep = pl.BlockSpec((D, D), lambda i: (0, 0))
    rrow = pl.BlockSpec((1, D), lambda i: (0, 0))
    half = pl.BlockSpec((2, NB, D), lambda i: (0, i, 0))
    nblk = pl.BlockSpec((NB, D), lambda i: (i, 0))
    outs = [jax.ShapeDtypeStruct((N, D), F32)] * 3
    return pl.pallas_call(
        body, grid=(N // NB,),
        in_specs=[half, half, half, half, nblk, rep, rep, rep, rrow, rep,
                  rrow, rep, rep],
        out_specs=[nblk, nblk, nblk],
        out_shape=outs)(
        cnt2, sx2, sef2, sh2, x, WaT, WbT, McT, cconst, WdT, bnrow, WeaT, WedT)



def _k8_call(cnt2, sres2, seres2, sh2, res1, WaT, WbT, McT, cconst, WdT,
             bnrow, WeaT, WedT, e128, Hh, Web2T, M2T, c2row, src_col, dst_col):
    def body(cnt_r, sr_r, se_r, sh_r, res_r, wa_r, wb_r, mc_r, cc_r, wd_r,
             bn_r, wea_r, wed_r, e128_r, hh_r, web_r, m2_r, c2c_r,
             srcc_r, dstc_r, out_o):
        i = pl.program_id(0)
        cnt = cnt_r[0, :, 0:1] + cnt_r[1, :, 0:1]
        invc = 1.0 / jnp.maximum(cnt, 1.0)
        ind = (cnt > 0.0).astype(F32)
        sr = (sr_r[0] + sr_r[1]) * invc
        se = (se_r[0] + se_r[1]) * invc
        sh = (sh_r[0] + sh_r[1]) * invc
        nh = (_dot(sr, wa_r[...]) + _dot(se, wb_r[...]) + _dot(sh, mc_r[...])
              + ind * cc_r[...] + _dot(res_r[...], wd_r[...]) + bn_r[...])
        a2 = _dot(nh, wea_r[...])
        b2 = _dot(nh, wed_r[...])
        io = lax.broadcasted_iota(jnp.int32, (TILE, NB), 1) + i * NB
        oh_s = (io == srcc_r[...]).astype(F32)
        oh_d = (io == dstc_r[...]).astype(F32)

        @pl.when(i == 0)
        def _():
            out_o[...] = (_dot(e128_r[...], web_r[...])
                          + _dot(hh_r[...], m2_r[...]) + c2c_r[...])

        out_o[...] += _dot(oh_s, a2) + _dot(oh_d, b2)

    rep = pl.BlockSpec((D, D), lambda i: (0, 0))
    rrow = pl.BlockSpec((1, D), lambda i: (0, 0))
    half = pl.BlockSpec((2, NB, D), lambda i: (0, i, 0))
    nblk = pl.BlockSpec((NB, D), lambda i: (i, 0))
    col = pl.BlockSpec((TILE, 1), lambda i: (0, 0))
    return pl.pallas_call(
        body, grid=(N // NB,),
        in_specs=[half, half, half, half, nblk, rep, rep, rep, rrow, rep,
                  rrow, rep, rep, rep, rep, rep, rep, rrow, col, col],
        out_specs=pl.BlockSpec((TILE, D), lambda i: (0, 0)),
        out_shape=jax.ShapeDtypeStruct((TILE, D), F32))(
        cnt2, sres2, seres2, sh2, res1, WaT, WbT, McT, cconst, WdT, bnrow,
        WeaT, WedT, e128, Hh, Web2T, M2T, c2row, src_col, dst_col)



def kernel(x, edge_index, edge_feat, ts, w, te_W1, te_b1, te_W2, te_b2,
           g1_Wn, g1_bn, g1_We, g1_be, g2_Wn, g2_bn, g2_We, g2_be):
    src = edge_index[0].astype(jnp.int32)
    dst = edge_index[1].astype(jnp.int32)
    src2 = src.reshape(NTILES, TILE)
    dst2 = dst.reshape(NTILES, TILE)

    def split(W):
        return W[:, :D], W[:, D:2 * D], W[:, 2 * D:3 * D], W[:, 3 * D:]

    Wa1, Wb1, Wc1, Wd1 = split(g1_Wn)
    Wea1, Web1, Wec1, Wed1 = split(g1_We)
    Wa2, Wb2, Wc2, Wd2 = split(g2_Wn)
    Wea2, Web2, Wec2, Wed2 = split(g2_We)
    row = lambda v: v.reshape(1, D)
    zrows = jnp.zeros((TILE, D), F32)
    ones128 = jnp.ones((TILE, D), F32)

    sx2, sef2, cnt2 = _k2_call(dst2, src2, x, edge_feat, zrows, ones128)
    H, c1 = _k1_call(ts, edge_feat, row(w), te_W1.T, row(te_b1), Web1.T,
                     (Wec1 @ te_W2).T, row(te_b2 @ Wec1.T + g1_be))
    sh2 = _k3_call(dst2, H, zrows)

    res1, a1, b1 = _k4_call(
        cnt2, sx2, sef2, sh2, x, Wa1.T, Wb1.T, (Wc1 @ te_W2).T,
        row(te_b2 @ Wc1.T), Wd1.T, row(g1_bn), Wea1.T, Wed1.T)

    seres2, e128 = _k5_call(dst2, src2, a1, b1, c1, zrows)
    sres2 = _k7_call(dst2, src2, res1, zrows)

    out = _k8_call(
        cnt2, sres2, seres2, sh2, res1, Wa2.T, Wb2.T, (Wc2 @ te_W2).T,
        row(te_b2 @ Wc2.T), Wd2.T, row(g2_bn), Wea2.T, Wed2.T,
        e128, H[:TILE], Web2.T, (Wec2 @ te_W2).T,
        row(te_b2 @ Wec2.T + g2_be),
        src[:TILE].reshape(TILE, 1), dst[:TILE].reshape(TILE, 1))
    return out

# --- scband reference (transcript-rebuilt; emitter-appended) ---
"""Pipeline reference for scband-etgnn-87917980549282 (READ-ONLY COPY).

The authoritative reference and input builder live on the scoring server;
editing this copy changes nothing except your own understanding.
"""

import jax, jax.numpy as jnp
import numpy as np

N_NODES = 10000
N_EDGES = 160000
D = 128
TIME_DIM = 128
N_TRAIN = 128


def setup_inputs(seed: int = 0) -> dict:
    key = jax.random.key(seed)
    ks = jax.random.split(key, 16)
    x = jax.random.normal(ks[0], (N_NODES, D), dtype=jnp.float32)
    edge_index = jax.random.randint(ks[1], (2, N_EDGES), 0, N_NODES)
    edge_feat = jax.random.normal(ks[2], (N_EDGES, D), dtype=jnp.float32)
    ts = jax.random.uniform(ks[3], (N_EDGES, 1), dtype=jnp.float32)
    sq = int(np.sqrt(TIME_DIM))
    w = jnp.asarray(np.array([sq ** (-(i - 1) / sq) for i in range(1, TIME_DIM + 1)], dtype=np.float32))

    def lin(k, o, i):
        return (jax.random.normal(k, (o, i), dtype=jnp.float32) * np.sqrt(2.0 / (o + i))).astype(jnp.float32)

    te_W1 = lin(ks[4], TIME_DIM, TIME_DIM)
    te_b1 = jnp.zeros((TIME_DIM,), jnp.float32)
    te_W2 = lin(ks[5], TIME_DIM, TIME_DIM)
    te_b2 = jnp.zeros((TIME_DIM,), jnp.float32)
    g1_Wn = lin(ks[6], D, 4 * D)
    g1_bn = jnp.zeros((D,), jnp.float32)
    g1_We = lin(ks[7], D, 4 * D)
    g1_be = jnp.zeros((D,), jnp.float32)
    g2_Wn = lin(ks[8], D, 4 * D)
    g2_bn = jnp.zeros((D,), jnp.float32)
    g2_We = lin(ks[9], D, 4 * D)
    g2_be = jnp.zeros((D,), jnp.float32)
    return {"x": x, "edge_index": edge_index, "edge_feat": edge_feat, "ts": ts, "w": w,
            "te_W1": te_W1, "te_b1": te_b1, "te_W2": te_W2, "te_b2": te_b2,
            "g1_Wn": g1_Wn, "g1_bn": g1_bn, "g1_We": g1_We, "g1_be": g1_be,
            "g2_Wn": g2_Wn, "g2_bn": g2_bn, "g2_We": g2_We, "g2_be": g2_be}


def reference(x, edge_index, edge_feat, ts, w, te_W1, te_b1, te_W2, te_b2,
              g1_Wn, g1_bn, g1_We, g1_be, g2_Wn, g2_bn, g2_We, g2_be):
    src = edge_index[0]
    dst = edge_index[1]
    # GraphMixerTE time encoding (w is a fixed, non-trainable buffer)
    ts_enc = jnp.sin(ts * w[None, :])
    ts_enc = jax.nn.relu(ts_enc @ te_W1.T + te_b1) @ te_W2.T + te_b2

    def layer(feat, ef, Wn, bn, We, be):
        # gcn_msg: cat(src h, edge h, ts_enc) per edge
        msg = jnp.concatenate([feat[src], ef, ts_enc], axis=1)
        # gcn_reduce: mean over mailbox (per dst node), then cat with self h
        summed = jax.ops.segment_sum(msg, dst, num_segments=N_NODES)
        cnt = jax.ops.segment_sum(jnp.ones((N_EDGES,), jnp.float32), dst, num_segments=N_NODES)
        mean = summed / jnp.maximum(cnt, 1.0)[:, None]
        nh = jnp.concatenate([mean, feat], axis=1) @ Wn.T + bn  # apply_nodes
        # apply_edges runs AFTER apply_nodes, so it sees updated node h
        eh = jnp.concatenate([nh[src], ef, ts_enc, nh[dst]], axis=1) @ We.T + be
        return nh, eh

    res, eres = layer(x, edge_feat, g1_Wn, g1_bn, g1_We, g1_be)
    res = jax.nn.relu(res)
    eres = jax.nn.relu(eres)
    res, eres = layer(res, eres, g2_Wn, g2_bn, g2_We, g2_be)
    return eres[:N_TRAIN]

if __name__ == "__main__":
    import jax
    _d = setup_inputs()
    print(jax.jit(kernel)(*tuple(_d.values())))

</pallas_src>

<mosaic_0001>
#map = affine_map<(d0, d1) -> (0, 0)>
#map1 = affine_map<(d0, d1) -> (0, 0, 0)>
module attributes {stable_mosaic.version = 14 : i64} {
  func.func @k7(%arg0: i32, %arg1: i32, %arg2: memref<1250x128xi32, #tpu.memory_space<hbm>>, %arg3: memref<1250x128xi32, #tpu.memory_space<hbm>>, %arg4: memref<10000x128xf32, #tpu.memory_space<hbm>>, %arg5: memref<128x128xf32, #tpu.memory_space<hbm>>, %arg6: memref<2x10000x128xf32, #tpu.memory_space<hbm>>, %arg7: memref<128xi32, #tpu.memory_space<vmem>>, %arg8: memref<128xi32, #tpu.memory_space<vmem>>, %arg9: memref<128xi32, #tpu.memory_space<vmem>>, %arg10: memref<128xi32, #tpu.memory_space<vmem>>, %arg11: memref<128x128xf32, #tpu.memory_space<vmem>>, %arg12: memref<128x128xf32, #tpu.memory_space<vmem>>, %arg13: memref<10000x128xf32, #tpu.memory_space<vmem_shared>>, %arg14: memref<!tpu.dma_semaphore, #tpu.memory_space<semaphore_mem>>, %arg15: memref<!tpu.dma_semaphore, #tpu.memory_space<semaphore_mem>>, %arg16: memref<!tpu.dma_semaphore, #tpu.memory_space<semaphore_mem>>, %arg17: memref<!tpu.dma_semaphore, #tpu.memory_space<semaphore_mem>>) attributes {dimension_semantics = [#tpu.dimension_semantics<core_parallel>, #tpu.dimension_semantics<subcore_parallel>], iteration_bounds = array<i64: 2, 16>, scalar_prefetch = 0 : i64, scratch_operands = 11 : i64, tpu.core_type = #tpu.core_type<sc_vector_subcore>, window_params = [{transform_indices = #map}, {transform_indices = #map}, {transform_indices = #map}, {transform_indices = #map}, {transform_indices = #map1}]} {
    %mul3A = arith.constant 2 : i32
    %mul3A_0 = arith.muli %arg1, %mul3A : i32
    %add3A = arith.addi %mul3A_0, %arg0 : i32
    %lt3A = arith.constant 2 : i32
    %lt3A_1 = arith.cmpi slt, %add3A, %lt3A : i32
    %jit3A = arith.constant 40 : i32
    %jit3A_2 = arith.constant 39 : i32
    %select_n3A = arith.select %lt3A_1, %jit3A, %jit3A_2 : i32
    "tpu.region"() ({
      %run_scoped3A = tpu.sem_alloc : memref<!tpu.dma_semaphore, #tpu.memory_space<semaphore_mem>>
      tpu.enqueue_dma source(%arg5 : memref<128x128xf32, #tpu.memory_space<hbm>>) target(%arg11 : memref<128x128xf32, #tpu.memory_space<vmem>>) target_semaphore(%run_scoped3A : memref<!tpu.dma_semaphore, #tpu.memory_space<semaphore_mem>>)
      tpu.wait_dma2 semaphore(%run_scoped3A : memref<!tpu.dma_semaphore, #tpu.memory_space<semaphore_mem>>) src(%arg5 : memref<128x128xf32, #tpu.memory_space<hbm>>) dst(%arg11 : memref<128x128xf32, #tpu.memory_space<vmem>>)
      tpu.yield
    }) : () -> ()
    %sub3A = arith.constant 125 : i32
    %sub3A_3 = arith.subi %sub3A, %arg1 : i32
    %sub3A_4 = arith.constant 16 : i32
    %sub3A_5 = arith.constant 1 : i32
    %sub3A_6 = arith.subi %sub3A_4, %sub3A_5 : i32
    %add3A_7 = arith.addi %sub3A_3, %sub3A_6 : i32
    %div3A = arith.constant 16 : i32
    %div3A_8 = arith.divsi %add3A_7, %div3A : i32
    %while3A = arith.constant 16 : i32
    %while3A_9 = arith.constant 0 : i32
    %while3A_10 = arith.subi %div3A_8, %while3A_9 : i32
    %while3A_11 = arith.addi %while3A_9, %while3A_10 : i32
    %while3A_12 = arith.constant 1 : i32
    %while3A_13 = arith.divsi %while3A_10, %while3A_12 : i32
    %while3A_14 = arith.muli %while3A_13, %while3A_12 : i32
    %while3A_15 = arith.addi %while3A_9, %while3A_14 : i32
    %while3A_16 = arith.constant 1 : i32
    scf.for %while3A_90 = %while3A_9 to %while3A_15 step %while3A_16  : i32 {
      %mul3A_91 = arith.muli %while3A_90, %while3A : i32
      %add3A_92 = arith.addi %arg1, %mul3A_91 : i32
      %mul3A_93 = arith.constant 80 : i32
      %mul3A_94 = arith.muli %add3A_92, %mul3A_93 : i32
      "tpu.region"() ({
        %run_scoped3A = tpu.sem_alloc : memref<!tpu.dma_semaphore, #tpu.memory_space<semaphore_mem>>
        %dma_start3A_95 = arith.constant 0 : i32
        %dma_start3A_96 = arith.constant 0 : i32
        %dma_start3A_97 = tpu.memref_slice %arg11[%dma_start3A_95, %dma_start3A_96] : memref<128x128xf32, #tpu.memory_space<vmem>> -> memref<80x128xf32, #tpu.memory_space<vmem>>
        %dma_start3A_98 = arith.constant 0 : i32
        %dma_start3A_99 = tpu.memref_slice %arg13[%mul3A_94, %dma_start3A_98] : memref<10000x128xf32, #tpu.memory_space<vmem_shared>> -> memref<80x128xf32, #tpu.memory_space<vmem_shared>>
        %dma_start3A_100 = arith.constant 0 : i32
        %dma_start3A_101 = tpu.memref_slice %arg13[%mul3A_94, %dma_start3A_100] : memref<10000x128xf32, #tpu.memory_space<vmem_shared>> -> memref<80x128xf32, #tpu.memory_space<vmem_shared>>
        %dma_start3A_102 = arith.constant 0 : i32
        %dma_start3A_103 = arith.constant 0 : i32
        %dma_start3A_104 = tpu.memref_slice %arg11[%dma_start3A_102, %dma_start3A_103] : memref<128x128xf32, #tpu.memory_space<vmem>> -> memref<80x128xf32, #tpu.memory_space<vmem>>
        tpu.enqueue_dma source(%dma_start3A_104 : memref<80x128xf32, #tpu.memory_space<vmem>>) target(%dma_start3A_101 : memref<80x128xf32, #tpu.memory_space<vmem_shared>>) target_semaphore(%run_scoped3A : memref<!tpu.dma_semaphore, #tpu.memory_space<semaphore_mem>>)
        %dma_wait3A = arith.constant 0 : i32
        %dma_wait3A_105 = arith.constant 0 : i32
        %dma_wait3A_106 = tpu.memref_slice %arg11[%dma_wait3A, %dma_wait3A_105] : memref<128x128xf32, #tpu.memory_space<vmem>> -> memref<80x128xf32, #tpu.memory_space<vmem>>
        %dma_wait3A_107 = arith.constant 0 : i32
        %dma_wait3A_108 = tpu.memref_slice %arg13[%mul3A_94, %dma_wait3A_107] : memref<10000x128xf32, #tpu.memory_space<vmem_shared>> -> memref<80x128xf32, #tpu.memory_space<vmem_shared>>
        %dma_wait3A_109 = arith.constant 0 : i32
        %dma_wait3A_110 = tpu.memref_slice %arg13[%mul3A_94, %dma_wait3A_109] : memref<10000x128xf32, #tpu.memory_space<vmem_shared>> -> memref<80x128xf32, #tpu.memory_space<vmem_shared>>
        %dma_wait3A_111 = arith.constant 0 : i32
        %dma_wait3A_112 = arith.constant 0 : i32
        %dma_wait3A_113 = tpu.memref_slice %arg11[%dma_wait3A_111, %dma_wait3A_112] : memref<128x128xf32, #tpu.memory_space<vmem>> -> memref<80x128xf32, #tpu.memory_space<vmem>>
        tpu.wait_dma2 semaphore(%run_scoped3A : memref<!tpu.dma_semaphore, #tpu.memory_space<semaphore_mem>>) src(%dma_wait3A_113 : memref<80x128xf32, #tpu.memory_space<vmem>>) dst(%dma_wait3A_110 : memref<80x128xf32, #tpu.memory_space<vmem_shared>>)
        tpu.yield
      }) : () -> ()
    }
    %while3A_17 = arith.constant 1 : i32
    scf.for %while3A_90 = %while3A_15 to %while3A_11 step %while3A_17  : i32 {
      %mul3A_91 = arith.muli %while3A_90, %while3A : i32
      %add3A_92 = arith.addi %arg1, %mul3A_91 : i32
      %mul3A_93 = arith.constant 80 : i32
      %mul3A_94 = arith.muli %add3A_92, %mul3A_93 : i32
      "tpu.region"() ({
        %run_scoped3A = tpu.sem_alloc : memref<!tpu.dma_semaphore, #tpu.memory_space<semaphore_mem>>
        %dma_start3A_95 = arith.constant 0 : i32
        %dma_start3A_96 = arith.constant 0 : i32
        %dma_start3A_97 = tpu.memref_slice %arg11[%dma_start3A_95, %dma_start3A_96] : memref<128x128xf32, #tpu.memory_space<vmem>> -> memref<80x128xf32, #tpu.memory_space<vmem>>
        %dma_start3A_98 = arith.constant 0 : i32
        %dma_start3A_99 = tpu.memref_slice %arg13[%mul3A_94, %dma_start3A_98] : memref<10000x128xf32, #tpu.memory_space<vmem_shared>> -> memref<80x128xf32, #tpu.memory_space<vmem_shared>>
        %dma_start3A_100 = arith.constant 0 : i32
        %dma_start3A_101 = tpu.memref_slice %arg13[%mul3A_94, %dma_start3A_100] : memref<10000x128xf32, #tpu.memory_space<vmem_shared>> -> memref<80x128xf32, #tpu.memory_space<vmem_shared>>
        %dma_start3A_102 = arith.constant 0 : i32
        %dma_start3A_103 = arith.constant 0 : i32
        %dma_start3A_104 = tpu.memref_slice %arg11[%dma_start3A_102, %dma_start3A_103] : memref<128x128xf32, #tpu.memory_space<vmem>> -> memref<80x128xf32, #tpu.memory_space<vmem>>
        tpu.enqueue_dma source(%dma_start3A_104 : memref<80x128xf32, #tpu.memory_space<vmem>>) target(%dma_start3A_101 : memref<80x128xf32, #tpu.memory_space<vmem_shared>>) target_semaphore(%run_scoped3A : memref<!tpu.dma_semaphore, #tpu.memory_space<semaphore_mem>>)
        %dma_wait3A = arith.constant 0 : i32
        %dma_wait3A_105 = arith.constant 0 : i32
        %dma_wait3A_106 = tpu.memref_slice %arg11[%dma_wait3A, %dma_wait3A_105] : memref<128x128xf32, #tpu.memory_space<vmem>> -> memref<80x128xf32, #tpu.memory_space<vmem>>
        %dma_wait3A_107 = arith.constant 0 : i32
        %dma_wait3A_108 = tpu.memref_slice %arg13[%mul3A_94, %dma_wait3A_107] : memref<10000x128xf32, #tpu.memory_space<vmem_shared>> -> memref<80x128xf32, #tpu.memory_space<vmem_shared>>
        %dma_wait3A_109 = arith.constant 0 : i32
        %dma_wait3A_110 = tpu.memref_slice %arg13[%mul3A_94, %dma_wait3A_109] : memref<10000x128xf32, #tpu.memory_space<vmem_shared>> -> memref<80x128xf32, #tpu.memory_space<vmem_shared>>
        %dma_wait3A_111 = arith.constant 0 : i32
        %dma_wait3A_112 = arith.constant 0 : i32
        %dma_wait3A_113 = tpu.memref_slice %arg11[%dma_wait3A_111, %dma_wait3A_112] : memref<128x128xf32, #tpu.memory_space<vmem>> -> memref<80x128xf32, #tpu.memory_space<vmem>>
        tpu.wait_dma2 semaphore(%run_scoped3A : memref<!tpu.dma_semaphore, #tpu.memory_space<semaphore_mem>>) src(%dma_wait3A_113 : memref<80x128xf32, #tpu.memory_space<vmem>>) dst(%dma_wait3A_110 : memref<80x128xf32, #tpu.memory_space<vmem_shared>>)
        tpu.yield
      }) : () -> ()
    }
    %barrier3A = arith.constant 0 : index
    tpu.barrier barrier_id(%barrier3A)
    %add3A_18 = arith.constant 0 : i32
    %add3A_19 = arith.addi %add3A, %add3A_18 : i32
    %dma_start3A = arith.constant 0 : i32
    %dma_start3A_20 = tpu.memref_slice %arg2[%add3A_19, %dma_start3A] : memref<1250x128xi32, #tpu.memory_space<hbm>> -> memref<1x128xi32, #tpu.memory_space<hbm>>
    %dma_start3A_21 = tpu.memref_squeeze %dma_start3A_20 : memref<1x128xi32, #tpu.memory_space<hbm>> -> memref<128xi32, #tpu.memory_space<hbm>>
    %dma_start3A_22 = arith.constant 0 : i32
    %dma_start3A_23 = tpu.memref_slice %arg2[%add3A_19, %dma_start3A_22] : memref<1250x128xi32, #tpu.memory_space<hbm>> -> memref<1x128xi32, #tpu.memory_space<hbm>>
    %dma_start3A_24 = tpu.memref_squeeze %dma_start3A_23 : memref<1x128xi32, #tpu.memory_space<hbm>> -> memref<128xi32, #tpu.memory_space<hbm>>
    tpu.enqueue_dma source(%dma_start3A_24 : memref<128xi32, #tpu.memory_space<hbm>>) target(%arg7 : memref<128xi32, #tpu.memory_space<vmem>>) target_semaphore(%arg14 : memref<!tpu.dma_semaphore, #tpu.memory_space<semaphore_mem>>)
    %dma_start3A_25 = arith.constant 0 : i32
    %dma_start3A_26 = tpu.memref_slice %arg3[%add3A_19, %dma_start3A_25] : memref<1250x128xi32, #tpu.memory_space<hbm>> -> memref<1x128xi32, #tpu.memory_space<hbm>>
    %dma_start3A_27 = tpu.memref_squeeze %dma_start3A_26 : memref<1x128xi32, #tpu.memory_space<hbm>> -> memref<128xi32, #tpu.memory_space<hbm>>
    %dma_start3A_28 = arith.constant 0 : i32
    %dma_start3A_29 = tpu.memref_slice %arg3[%add3A_19, %dma_start3A_28] : memref<1250x128xi32, #tpu.memory_space<hbm>> -> memref<1x128xi32, #tpu.memory_space<hbm>>
    %dma_start3A_30 = tpu.memref_squeeze %dma_start3A_29 : memref<1x128xi32, #tpu.memory_space<hbm>> -> memref<128xi32, #tpu.memory_space<hbm>>
    tpu.enqueue_dma source(%dma_start3A_30 : memref<128xi32, #tpu.memory_space<hbm>>) target(%arg9 : memref<128xi32, #tpu.memory_space<vmem>>) target_semaphore(%arg14 : memref<!tpu.dma_semaphore, #tpu.memory_space<semaphore_mem>>)
    %scan3A = arith.constant 0 : i32
    %scan3A_31 = arith.constant 20 : i32
    %scan3A_32 = arith.addi %scan3A, %scan3A_31 : i32
    %scan3A_33 = arith.constant 1 : i32
    scf.for %scan3A_90 = %scan3A to %scan3A_32 step %scan3A_33  : i32 {
      %mul3A_91 = arith.constant 2 : i32
      %mul3A_92 = arith.muli %scan3A_90, %mul3A_91 : i32
      %add3A_93 = arith.constant 0 : i32
      %add3A_94 = arith.addi %add3A_93, %mul3A_92 : i32
      %add3A_95 = arith.constant 0 : i32
      %add3A_96 = arith.addi %add3A_94, %add3A_95 : i32
      %lt3A_97 = arith.cmpi slt, %add3A_96, %select_n3A : i32
      %convert_element_type3A_98 = arith.extui %lt3A_97 : i1 to i32
      %cond3A_99 = arith.constant 0 : i32
      %cond3A_100 = arith.cmpi ne, %convert_element_type3A_98, %cond3A_99 : i32
      scf.if %cond3A_100 {
        %dma_wait3A = arith.constant 0 : i32
        %dma_wait3A_107 = arith.constant 0 : i32
        %dma_wait3A_108 = tpu.memref_slice %arg2[%dma_wait3A, %dma_wait3A_107] : memref<1250x128xi32, #tpu.memory_space<hbm>> -> memref<1x128xi32, #tpu.memory_space<hbm>>
        %dma_wait3A_109 = tpu.memref_squeeze %dma_wait3A_108 : memref<1x128xi32, #tpu.memory_space<hbm>> -> memref<128xi32, #tpu.memory_space<hbm>>
        %dma_wait3A_110 = arith.constant 0 : i32
        %dma_wait3A_111 = tpu.memref_slice %arg2[%dma_wait3A, %dma_wait3A_110] : memref<1250x128xi32, #tpu.memory_space<hbm>> -> memref<1x128xi32, #tpu.memory_space<hbm>>
        %dma_wait3A_112 = tpu.memref_squeeze %dma_wait3A_111 : memref<1x128xi32, #tpu.memory_space<hbm>> -> memref<128xi32, #tpu.memory_space<hbm>>
        tpu.wait_dma2 semaphore(%arg14 : memref<!tpu.dma_semaphore, #tpu.memory_space<semaphore_mem>>) src(%dma_wait3A_112 : memref<128xi32, #tpu.memory_space<hbm>>) dst(%arg7 : memref<128xi32, #tpu.memory_space<vmem>>)
        %dma_wait3A_113 = arith.constant 0 : i32
        %dma_wait3A_114 = arith.constant 0 : i32
        %dma_wait3A_115 = tpu.memref_slice %arg3[%dma_wait3A_113, %dma_wait3A_114] : memref<1250x128xi32, #tpu.memory_space<hbm>> -> memref<1x128xi32, #tpu.memory_space<hbm>>
        %dma_wait3A_116 = tpu.memref_squeeze %dma_wait3A_115 : memref<1x128xi32, #tpu.memory_space<hbm>> -> memref<128xi32, #tpu.memory_space<hbm>>
        %dma_wait3A_117 = arith.constant 0 : i32
        %dma_wait3A_118 = tpu.memref_slice %arg3[%dma_wait3A_113, %dma_wait3A_117] : memref<1250x128xi32, #tpu.memory_space<hbm>> -> memref<1x128xi32, #tpu.memory_space<hbm>>
        %dma_wait3A_119 = tpu.memref_squeeze %dma_wait3A_118 : memref<1x128xi32, #tpu.memory_space<hbm>> -> memref<128xi32, #tpu.memory_space<hbm>>
        tpu.wait_dma2 semaphore(%arg14 : memref<!tpu.dma_semaphore, #tpu.memory_space<semaphore_mem>>) src(%dma_wait3A_119 : memref<128xi32, #tpu.memory_space<hbm>>) dst(%arg9 : memref<128xi32, #tpu.memory_space<vmem>>)
        %dma_start3A_120 = arith.constant 0 : i32
        %dma_start3A_121 = arith.constant 0 : i32
        %dma_start3A_122 = tpu.memref_slice %arg4[%dma_start3A_120, %dma_start3A_121] : memref<10000x128xf32, #tpu.memory_space<hbm>> -> memref<10000x128xf32, #tpu.memory_space<hbm>>
        tpu.enqueue_indirect_dma source(%dma_start3A_122 : memref<10000x128xf32, #tpu.memory_space<hbm>>) target(%arg11 : memref<128x128xf32, #tpu.memory_space<vmem>>) offsets(%arg9 : memref<128xi32, #tpu.memory_space<vmem>>) semaphore(%arg16 : memref<!tpu.dma_semaphore, #tpu.memory_space<semaphore_mem>>)
        %ge3A = arith.constant 1 : i32
        %ge3A_123 = arith.cmpi sge, %add3A_96, %ge3A : i32
        %convert_element_type3A_124 = arith.extui %ge3A_123 : i1 to i32
        %cond3A_125 = arith.constant 0 : i32
        %cond3A_126 = arith.cmpi ne, %convert_element_type3A_124, %cond3A_125 : i32
        scf.if %cond3A_126 {
          "tpu.region"() ({
            %run_scoped3A = tpu.sem_alloc : memref<!tpu.dma_semaphore, #tpu.memory_space<semaphore_mem>>
            %dma_start3A_136 = arith.constant 0 : i32
            %dma_start3A_137 = arith.constant 0 : i32
            %dma_start3A_138 = tpu.memref_slice %arg13[%dma_start3A_136, %dma_start3A_137] : memref<10000x128xf32, #tpu.memory_space<vmem_shared>> -> memref<10000x128xf32, #tpu.memory_space<vmem_shared>>
            tpu.enqueue_indirect_dma source(%arg12 : memref<128x128xf32, #tpu.memory_space<vmem>>) target(%dma_start3A_138 : memref<10000x128xf32, #tpu.memory_space<vmem_shared>>) offsets(%arg8 : memref<128xi32, #tpu.memory_space<vmem>>) semaphore(%run_scoped3A : memref<!tpu.dma_semaphore, #tpu.memory_space<semaphore_mem>>) {add = true}
            %dma_wait3A_139 = arith.constant 0 : i32
            %dma_wait3A_140 = arith.constant 0 : i32
            %dma_wait3A_141 = tpu.memref_slice %arg13[%dma_wait3A_139, %dma_wait3A_140] : memref<10000x128xf32, #tpu.memory_space<vmem_shared>> -> memref<10000x128xf32, #tpu.memory_space<vmem_shared>>
            tpu.wait_indirect_dma semaphore(%run_scoped3A : memref<!tpu.dma_semaphore, #tpu.memory_space<semaphore_mem>>) src(%arg12 : memref<128x128xf32, #tpu.memory_space<vmem>>) dst(%dma_wait3A_141 : memref<10000x128xf32, #tpu.memory_space<vmem_shared>>)
            tpu.yield
          }) : () -> ()
        } else {
        }
        %add3A_127 = arith.constant 1 : i32
        %add3A_128 = arith.addi %add3A_96, %add3A_127 : i32
        %lt3A_129 = arith.cmpi slt, %add3A_128, %select_n3A : i32
        %convert_element_type3A_130 = arith.extui %lt3A_129 : i1 to i32
        %cond3A_131 = arith.constant 0 : i32
        %cond3A_132 = arith.cmpi ne, %convert_element_type3A_130, %cond3A_131 : i32
        scf.if %cond3A_132 {
          %add3A_136 = arith.constant 1 : i32
          %add3A_137 = arith.addi %add3A_96, %add3A_136 : i32
          %mul3A_138 = arith.constant 32 : i32
          %mul3A_139 = arith.muli %add3A_137, %mul3A_138 : i32
          %add3A_140 = arith.addi %add3A, %mul3A_139 : i32
          %dma_start3A_141 = arith.constant 0 : i32
          %dma_start3A_142 = tpu.memref_slice %arg2[%add3A_140, %dma_start3A_141] : memref<1250x128xi32, #tpu.memory_space<hbm>> -> memref<1x128xi32, #tpu.memory_space<hbm>>
          %dma_start3A_143 = tpu.memref_squeeze %dma_start3A_142 : memref<1x128xi32, #tpu.memory_space<hbm>> -> memref<128xi32, #tpu.memory_space<hbm>>
          %dma_start3A_144 = arith.constant 0 : i32
          %dma_start3A_145 = tpu.memref_slice %arg2[%add3A_140, %dma_start3A_144] : memref<1250x128xi32, #tpu.memory_space<hbm>> -> memref<1x128xi32, #tpu.memory_space<hbm>>
          %dma_start3A_146 = tpu.memref_squeeze %dma_start3A_145 : memref<1x128xi32, #tpu.memory_space<hbm>> -> memref<128xi32, #tpu.memory_space<hbm>>
          tpu.enqueue_dma source(%dma_start3A_146 : memref<128xi32, #tpu.memory_space<hbm>>) target(%arg8 : memref<128xi32, #tpu.memory_space<vmem>>) target_semaphore(%arg15 : memref<!tpu.dma_semaphore, #tpu.memory_space<semaphore_mem>>)
          %dma_start3A_147 = arith.constant 0 : i32
          %dma_start3A_148 = tpu.memref_slice %arg3[%add3A_140, %dma_start3A_147] : memref<1250x128xi32, #tpu.memory_space<hbm>> -> memref<1x128xi32, #tpu.memory_space<hbm>>
          %dma_start3A_149 = tpu.memref_squeeze %dma_start3A_148 : memref<1x128xi32, #tpu.memory_space<hbm>> -> memref<128xi32, #tpu.memory_space<hbm>>
          %dma_start3A_150 = arith.constant 0 : i32
          %dma_start3A_151 = tpu.memref_slice %arg3[%add3A_140, %dma_start3A_150] : memref<1250x128xi32, #tpu.memory_space<hbm>> -> memref<1x128xi32, #tpu.memory_space<hbm>>
          %dma_start3A_152 = tpu.memref_squeeze %dma_start3A_151 : memref<1x128xi32, #tpu.memory_space<hbm>> -> memref<128xi32, #tpu.memory_space<hbm>>
          tpu.enqueue_dma source(%dma_start3A_152 : memref<128xi32, #tpu.memory_space<hbm>>) target(%arg10 : memref<128xi32, #tpu.memory_space<vmem>>) target_semaphore(%arg15 : memref<!tpu.dma_semaphore, #tpu.memory_space<semaphore_mem>>)
        } else {
        }
        %dma_wait3A_133 = arith.constant 0 : i32
        %dma_wait3A_134 = arith.constant 0 : i32
        %dma_wait3A_135 = tpu.memref_slice %arg4[%dma_wait3A_133, %dma_wait3A_134] : memref<10000x128xf32, #tpu.memory_space<hbm>> -> memref<10000x128xf32, #tpu.memory_space<hbm>>
        tpu.wait_indirect_dma semaphore(%arg16 : memref<!tpu.dma_semaphore, #tpu.memory_space<semaphore_mem>>) src(%dma_wait3A_135 : memref<10000x128xf32, #tpu.memory_space<hbm>>) dst(%arg11 : memref<128x128xf32, #tpu.memory_space<vmem>>)
      } else {
      }
      %add3A_101 = arith.constant 1 : i32
      %add3A_102 = arith.addi %add3A_94, %add3A_101 : i32
      %lt3A_103 = arith.cmpi slt, %add3A_102, %select_n3A : i32
      %convert_element_type3A_104 = arith.extui %lt3A_103 : i1 to i32
      %cond3A_105 = arith.constant 0 : i32
      %cond3A_106 = arith.cmpi ne, %convert_element_type3A_104, %cond3A_105 : i32
      scf.if %cond3A_106 {
        %dma_wait3A = arith.constant 0 : i32
        %dma_wait3A_107 = arith.constant 0 : i32
        %dma_wait3A_108 = tpu.memref_slice %arg2[%dma_wait3A, %dma_wait3A_107] : memref<1250x128xi32, #tpu.memory_space<hbm>> -> memref<1x128xi32, #tpu.memory_space<hbm>>
        %dma_wait3A_109 = tpu.memref_squeeze %dma_wait3A_108 : memref<1x128xi32, #tpu.memory_space<hbm>> -> memref<128xi32, #tpu.memory_space<hbm>>
        %dma_wait3A_110 = arith.constant 0 : i32
        %dma_wait3A_111 = tpu.memref_slice %arg2[%dma_wait3A, %dma_wait3A_110] : memref<1250x128xi32, #tpu.memory_space<hbm>> -> memref<1x128xi32, #tpu.memory_space<hbm>>
        %dma_wait3A_112 = tpu.memref_squeeze %dma_wait3A_111 : memref<1x128xi32, #tpu.memory_space<hbm>> -> memref<128xi32, #tpu.memory_space<hbm>>
        tpu.wait_dma2 semaphore(%arg15 : memref<!tpu.dma_semaphore, #tpu.memory_space<semaphore_mem>>) src(%dma_wait3A_112 : memref<128xi32, #tpu.memory_space<hbm>>) dst(%arg8 : memref<128xi32, #tpu.memory_space<vmem>>)
        %dma_wait3A_113 = arith.constant 0 : i32
        %dma_wait3A_114 = arith.constant 0 : i32
        %dma_wait3A_115 = tpu.memref_slice %arg3[%dma_wait3A_113, %dma_wait3A_114] : memref<1250x128xi32, #tpu.memory_space<hbm>> -> memref<1x128xi32, #tpu.memory_space<hbm>>
        %dma_wait3A_116 = tpu.memref_squeeze %dma_wait3A_115 : memref<1x128xi32, #tpu.memory_space<hbm>> -> memref<128xi32, #tpu.memory_space<hbm>>
        %dma_wait3A_117 = arith.constant 0 : i32
        %dma_wait3A_118 = tpu.memref_slice %arg3[%dma_wait3A_113, %dma_wait3A_117] : memref<1250x128xi32, #tpu.memory_space<hbm>> -> memref<1x128xi32, #tpu.memory_space<hbm>>
        %dma_wait3A_119 = tpu.memref_squeeze %dma_wait3A_118 : memref<1x128xi32, #tpu.memory_space<hbm>> -> memref<128xi32, #tpu.memory_space<hbm>>
        tpu.wait_dma2 semaphore(%arg15 : memref<!tpu.dma_semaphore, #tpu.memory_space<semaphore_mem>>) src(%dma_wait3A_119 : memref<128xi32, #tpu.memory_space<hbm>>) dst(%arg10 : memref<128xi32, #tpu.memory_space<vmem>>)
        %dma_start3A_120 = arith.constant 0 : i32
        %dma_start3A_121 = arith.constant 0 : i32
        %dma_start3A_122 = tpu.memref_slice %arg4[%dma_start3A_120, %dma_start3A_121] : memref<10000x128xf32, #tpu.memory_space<hbm>> -> memref<10000x128xf32, #tpu.memory_space<hbm>>
        tpu.enqueue_indirect_dma source(%dma_start3A_122 : memref<10000x128xf32, #tpu.memory_space<hbm>>) target(%arg12 : memref<128x128xf32, #tpu.memory_space<vmem>>) offsets(%arg10 : memref<128xi32, #tpu.memory_space<vmem>>) semaphore(%arg17 : memref<!tpu.dma_semaphore, #tpu.memory_space<semaphore_mem>>)
        %ge3A = arith.constant 1 : i32
        %ge3A_123 = arith.cmpi sge, %add3A_102, %ge3A : i32
        %convert_element_type3A_124 = arith.extui %ge3A_123 : i1 to i32
        %cond3A_125 = arith.constant 0 : i32
        %cond3A_126 = arith.cmpi ne, %convert_element_type3A_124, %cond3A_125 : i32
        scf.if %cond3A_126 {
          "tpu.region"() ({
            %run_scoped3A = tpu.sem_alloc : memref<!tpu.dma_semaphore, #tpu.memory_space<semaphore_mem>>
            %dma_start3A_136 = arith.constant 0 : i32
            %dma_start3A_137 = arith.constant 0 : i32
            %dma_start3A_138 = tpu.memref_slice %arg13[%dma_start3A_136, %dma_start3A_137] : memref<10000x128xf32, #tpu.memory_space<vmem_shared>> -> memref<10000x128xf32, #tpu.memory_space<vmem_shared>>
            tpu.enqueue_indirect_dma source(%arg11 : memref<128x128xf32, #tpu.memory_space<vmem>>) target(%dma_start3A_138 : memref<10000x128xf32, #tpu.memory_space<vmem_shared>>) offsets(%arg7 : memref<128xi32, #tpu.memory_space<vmem>>) semaphore(%run_scoped3A : memref<!tpu.dma_semaphore, #tpu.memory_space<semaphore_mem>>) {add = true}
            %dma_wait3A_139 = arith.constant 0 : i32
            %dma_wait3A_140 = arith.constant 0 : i32
            %dma_wait3A_141 = tpu.memref_slice %arg13[%dma_wait3A_139, %dma_wait3A_140] : memref<10000x128xf32, #tpu.memory_space<vmem_shared>> -> memref<10000x128xf32, #tpu.memory_space<vmem_shared>>
            tpu.wait_indirect_dma semaphore(%run_scoped3A : memref<!tpu.dma_semaphore, #tpu.memory_space<semaphore_mem>>) src(%arg11 : memref<128x128xf32, #tpu.memory_space<vmem>>) dst(%dma_wait3A_141 : memref<10000x128xf32, #tpu.memory_space<vmem_shared>>)
            tpu.yield
          }) : () -> ()
        } else {
        }
        %add3A_127 = arith.constant 1 : i32
        %add3A_128 = arith.addi %add3A_102, %add3A_127 : i32
        %lt3A_129 = arith.cmpi slt, %add3A_128, %select_n3A : i32
        %convert_element_type3A_130 = arith.extui %lt3A_129 : i1 to i32
        %cond3A_131 = arith.constant 0 : i32
        %cond3A_132 = arith.cmpi ne, %convert_element_type3A_130, %cond3A_131 : i32
        scf.if %cond3A_132 {
          %add3A_136 = arith.constant 1 : i32
          %add3A_137 = arith.addi %add3A_102, %add3A_136 : i32
          %mul3A_138 = arith.constant 32 : i32
          %mul3A_139 = arith.muli %add3A_137, %mul3A_138 : i32
          %add3A_140 = arith.addi %add3A, %mul3A_139 : i32
          %dma_start3A_141 = arith.constant 0 : i32
          %dma_start3A_142 = tpu.memref_slice %arg2[%add3A_140, %dma_start3A_141] : memref<1250x128xi32, #tpu.memory_space<hbm>> -> memref<1x128xi32, #tpu.memory_space<hbm>>
          %dma_start3A_143 = tpu.memref_squeeze %dma_start3A_142 : memref<1x128xi32, #tpu.memory_space<hbm>> -> memref<128xi32, #tpu.memory_space<hbm>>
          %dma_start3A_144 = arith.constant 0 : i32
          %dma_start3A_145 = tpu.memref_slice %arg2[%add3A_140, %dma_start3A_144] : memref<1250x128xi32, #tpu.memory_space<hbm>> -> memref<1x128xi32, #tpu.memory_space<hbm>>
          %dma_start3A_146 = tpu.memref_squeeze %dma_start3A_145 : memref<1x128xi32, #tpu.memory_space<hbm>> -> memref<128xi32, #tpu.memory_space<hbm>>
          tpu.enqueue_dma source(%dma_start3A_146 : memref<128xi32, #tpu.memory_space<hbm>>) target(%arg7 : memref<128xi32, #tpu.memory_space<vmem>>) target_semaphore(%arg14 : memref<!tpu.dma_semaphore, #tpu.memory_space<semaphore_mem>>)
          %dma_start3A_147 = arith.constant 0 : i32
          %dma_start3A_148 = tpu.memref_slice %arg3[%add3A_140, %dma_start3A_147] : memref<1250x128xi32, #tpu.memory_space<hbm>> -> memref<1x128xi32, #tpu.memory_space<hbm>>
          %dma_start3A_149 = tpu.memref_squeeze %dma_start3A_148 : memref<1x128xi32, #tpu.memory_space<hbm>> -> memref<128xi32, #tpu.memory_space<hbm>>
          %dma_start3A_150 = arith.constant 0 : i32
          %dma_start3A_151 = tpu.memref_slice %arg3[%add3A_140, %dma_start3A_150] : memref<1250x128xi32, #tpu.memory_space<hbm>> -> memref<1x128xi32, #tpu.memory_space<hbm>>
          %dma_start3A_152 = tpu.memref_squeeze %dma_start3A_151 : memref<1x128xi32, #tpu.memory_space<hbm>> -> memref<128xi32, #tpu.memory_space<hbm>>
          tpu.enqueue_dma source(%dma_start3A_152 : memref<128xi32, #tpu.memory_space<hbm>>) target(%arg9 : memref<128xi32, #tpu.memory_space<vmem>>) target_semaphore(%arg14 : memref<!tpu.dma_semaphore, #tpu.memory_space<semaphore_mem>>)
        } else {
        }
        %dma_wait3A_133 = arith.constant 0 : i32
        %dma_wait3A_134 = arith.constant 0 : i32
        %dma_wait3A_135 = tpu.memref_slice %arg4[%dma_wait3A_133, %dma_wait3A_134] : memref<10000x128xf32, #tpu.memory_space<hbm>> -> memref<10000x128xf32, #tpu.memory_space<hbm>>
        tpu.wait_indirect_dma semaphore(%arg17 : memref<!tpu.dma_semaphore, #tpu.memory_space<semaphore_mem>>) src(%dma_wait3A_135 : memref<10000x128xf32, #tpu.memory_space<hbm>>) dst(%arg12 : memref<128x128xf32, #tpu.memory_space<vmem>>)
      } else {
      }
    }
    %scan3A_34 = arith.constant 20 : i32
    %jit3A_35 = arith.constant 2 : i32
    %eq3A = arith.constant 0 : i32
    %eq3A_36 = arith.cmpi eq, %jit3A_35, %eq3A : i32
    %jit3A_37 = arith.constant 1 : i32
    %select_n3A_38 = arith.select %eq3A_36, %jit3A_37, %jit3A_35 : i32
    %rem3A = arith.remsi %select_n3A, %select_n3A_38 : i32
    %ne3A = arith.constant 0 : i32
    %ne3A_39 = arith.cmpi ne, %rem3A, %ne3A : i32
    %lt3A_40 = arith.constant 0 : i32
    %lt3A_41 = arith.cmpi slt, %rem3A, %lt3A_40 : i32
    %lt3A_42 = arith.constant 0 : i32
    %lt3A_43 = arith.cmpi slt, %select_n3A_38, %lt3A_42 : i32
    %ne3A_44 = arith.xori %lt3A_41, %lt3A_43 : i1
    %and3A = arith.andi %ne3A_44, %ne3A_39 : i1
    %add3A_45 = arith.addi %rem3A, %select_n3A_38 : i32
    %select_n3A_46 = arith.select %and3A, %add3A_45, %rem3A : i32
    %eq3A_47 = arith.constant 1 : i32
    %eq3A_48 = arith.cmpi eq, %select_n3A_46, %eq3A_47 : i32
    %convert_element_type3A = arith.extui %eq3A_48 : i1 to i32
    %cond3A = arith.constant 0 : i32
    %cond3A_49 = arith.cmpi ne, %convert_element_type3A, %cond3A : i32
    scf.if %cond3A_49 {
      "tpu.region"() ({
        %run_scoped3A = tpu.sem_alloc : memref<!tpu.dma_semaphore, #tpu.memory_space<semaphore_mem>>
        %dma_start3A_90 = arith.constant 0 : i32
        %dma_start3A_91 = arith.constant 0 : i32
        %dma_start3A_92 = tpu.memref_slice %arg13[%dma_start3A_90, %dma_start3A_91] : memref<10000x128xf32, #tpu.memory_space<vmem_shared>> -> memref<10000x128xf32, #tpu.memory_space<vmem_shared>>
        tpu.enqueue_indirect_dma source(%arg11 : memref<128x128xf32, #tpu.memory_space<vmem>>) target(%dma_start3A_92 : memref<10000x128xf32, #tpu.memory_space<vmem_shared>>) offsets(%arg7 : memref<128xi32, #tpu.memory_space<vmem>>) semaphore(%run_scoped3A : memref<!tpu.dma_semaphore, #tpu.memory_space<semaphore_mem>>) {add = true}
        %dma_wait3A = arith.constant 0 : i32
        %dma_wait3A_93 = arith.constant 0 : i32
        %dma_wait3A_94 = tpu.memref_slice %arg13[%dma_wait3A, %dma_wait3A_93] : memref<10000x128xf32, #tpu.memory_space<vmem_shared>> -> memref<10000x128xf32, #tpu.memory_space<vmem_shared>>
        tpu.wait_indirect_dma semaphore(%run_scoped3A : memref<!tpu.dma_semaphore, #tpu.memory_space<semaphore_mem>>) src(%arg11 : memref<128x128xf32, #tpu.memory_space<vmem>>) dst(%dma_wait3A_94 : memref<10000x128xf32, #tpu.memory_space<vmem_shared>>)
        tpu.yield
      }) : () -> ()
    } else {
    }
    %jit3A_50 = arith.constant 2 : i32
    %eq3A_51 = arith.constant 0 : i32
    %eq3A_52 = arith.cmpi eq, %jit3A_50, %eq3A_51 : i32
    %jit3A_53 = arith.constant 1 : i32
    %select_n3A_54 = arith.select %eq3A_52, %jit3A_53, %jit3A_50 : i32
    %rem3A_55 = arith.remsi %select_n3A, %select_n3A_54 : i32
    %ne3A_56 = arith.constant 0 : i32
    %ne3A_57 = arith.cmpi ne, %rem3A_55, %ne3A_56 : i32
    %lt3A_58 = arith.constant 0 : i32
    %lt3A_59 = arith.cmpi slt, %rem3A_55, %lt3A_58 : i32
    %lt3A_60 = arith.constant 0 : i32
    %lt3A_61 = arith.cmpi slt, %select_n3A_54, %lt3A_60 : i32
    %ne3A_62 = arith.xori %lt3A_59, %lt3A_61 : i1
    %and3A_63 = arith.andi %ne3A_62, %ne3A_57 : i1
    %add3A_64 = arith.addi %rem3A_55, %select_n3A_54 : i32
    %select_n3A_65 = arith.select %and3A_63, %add3A_64, %rem3A_55 : i32
    %eq3A_66 = arith.constant 0 : i32
    %eq3A_67 = arith.cmpi eq, %select_n3A_65, %eq3A_66 : i32
    %convert_element_type3A_68 = arith.extui %eq3A_67 : i1 to i32
    %cond3A_69 = arith.constant 0 : i32
    %cond3A_70 = arith.cmpi ne, %convert_element_type3A_68, %cond3A_69 : i32
    scf.if %cond3A_70 {
      "tpu.region"() ({
        %run_scoped3A = tpu.sem_alloc : memref<!tpu.dma_semaphore, #tpu.memory_space<semaphore_mem>>
        %dma_start3A_90 = arith.constant 0 : i32
        %dma_start3A_91 = arith.constant 0 : i32
        %dma_start3A_92 = tpu.memref_slice %arg13[%dma_start3A_90, %dma_start3A_91] : memref<10000x128xf32, #tpu.memory_space<vmem_shared>> -> memref<10000x128xf32, #tpu.memory_space<vmem_shared>>
        tpu.enqueue_indirect_dma source(%arg12 : memref<128x128xf32, #tpu.memory_space<vmem>>) target(%dma_start3A_92 : memref<10000x128xf32, #tpu.memory_space<vmem_shared>>) offsets(%arg8 : memref<128xi32, #tpu.memory_space<vmem>>) semaphore(%run_scoped3A : memref<!tpu.dma_semaphore, #tpu.memory_space<semaphore_mem>>) {add = true}
        %dma_wait3A = arith.constant 0 : i32
        %dma_wait3A_93 = arith.constant 0 : i32
        %dma_wait3A_94 = tpu.memref_slice %arg13[%dma_wait3A, %dma_wait3A_93] : memref<10000x128xf32, #tpu.memory_space<vmem_shared>> -> memref<10000x128xf32, #tpu.memory_space<vmem_shared>>
        tpu.wait_indirect_dma semaphore(%run_scoped3A : memref<!tpu.dma_semaphore, #tpu.memory_space<semaphore_mem>>) src(%arg12 : memref<128x128xf32, #tpu.memory_space<vmem>>) dst(%dma_wait3A_94 : memref<10000x128xf32, #tpu.memory_space<vmem_shared>>)
        tpu.yield
      }) : () -> ()
    } else {
    }
    %barrier3A_71 = arith.constant 0 : index
    tpu.barrier barrier_id(%barrier3A_71)
    %sub3A_72 = arith.constant 125 : i32
    %sub3A_73 = arith.subi %sub3A_72, %arg1 : i32
    %sub3A_74 = arith.constant 16 : i32
    %sub3A_75 = arith.constant 1 : i32
    %sub3A_76 = arith.subi %sub3A_74, %sub3A_75 : i32
    %add3A_77 = arith.addi %sub3A_73, %sub3A_76 : i32
    %div3A_78 = arith.constant 16 : i32
    %div3A_79 = arith.divsi %add3A_77, %div3A_78 : i32
    %while3A_80 = arith.constant 16 : i32
    %while3A_81 = arith.constant 0 : i32
    %while3A_82 = arith.subi %div3A_79, %while3A_81 : i32
    %while3A_83 = arith.addi %while3A_81, %while3A_82 : i32
    %while3A_84 = arith.constant 1 : i32
    %while3A_85 = arith.divsi %while3A_82, %while3A_84 : i32
    %while3A_86 = arith.muli %while3A_85, %while3A_84 : i32
    %while3A_87 = arith.addi %while3A_81, %while3A_86 : i32
    %while3A_88 = arith.constant 1 : i32
    scf.for %while3A_90 = %while3A_81 to %while3A_87 step %while3A_88  : i32 {
      %mul3A_91 = arith.muli %while3A_90, %while3A_80 : i32
      %add3A_92 = arith.addi %arg1, %mul3A_91 : i32
      %mul3A_93 = arith.constant 80 : i32
      %mul3A_94 = arith.muli %add3A_92, %mul3A_93 : i32
      %mul3A_95 = arith.constant 80 : i32
      %mul3A_96 = arith.muli %add3A_92, %mul3A_95 : i32
      "tpu.region"() ({
        %run_scoped3A = tpu.sem_alloc : memref<!tpu.dma_semaphore, #tpu.memory_space<semaphore_mem>>
        %dma_start3A_97 = arith.constant 0 : i32
        %dma_start3A_98 = arith.constant 0 : i32
        %dma_start3A_99 = tpu.memref_slice %arg6[%arg0, %dma_start3A_97, %dma_start3A_98] : memref<2x10000x128xf32, #tpu.memory_space<hbm>> -> memref<1x10000x128xf32, #tpu.memory_space<hbm>>
        %dma_start3A_100 = tpu.memref_squeeze %dma_start3A_99 : memref<1x10000x128xf32, #tpu.memory_space<hbm>> -> memref<10000x128xf32, #tpu.memory_space<hbm>>
        %dma_start3A_101 = arith.constant 0 : i32
        %dma_start3A_102 = tpu.memref_slice %dma_start3A_100[%mul3A_96, %dma_start3A_101] : memref<10000x128xf32, #tpu.memory_space<hbm>> -> memref<80x128xf32, #tpu.memory_space<hbm>>
        %dma_start3A_103 = arith.constant 0 : i32
        %dma_start3A_104 = tpu.memref_slice %arg13[%mul3A_94, %dma_start3A_103] : memref<10000x128xf32, #tpu.memory_space<vmem_shared>> -> memref<80x128xf32, #tpu.memory_space<vmem_shared>>
        tpu.enqueue_dma source(%dma_start3A_104 : memref<80x128xf32, #tpu.memory_space<vmem_shared>>) target(%dma_start3A_102 : memref<80x128xf32, #tpu.memory_space<hbm>>) target_semaphore(%run_scoped3A : memref<!tpu.dma_semaphore, #tpu.memory_space<semaphore_mem>>)
        %dma_wait3A = arith.constant 0 : i32
        %dma_wait3A_105 = arith.constant 0 : i32
        %dma_wait3A_106 = tpu.memref_slice %arg6[%arg0, %dma_wait3A, %dma_wait3A_105] : memref<2x10000x128xf32, #tpu.memory_space<hbm>> -> memref<1x10000x128xf32, #tpu.memory_space<hbm>>
        %dma_wait3A_107 = tpu.memref_squeeze %dma_wait3A_106 : memref<1x10000x128xf32, #tpu.memory_space<hbm>> -> memref<10000x128xf32, #tpu.memory_space<hbm>>
        %dma_wait3A_108 = arith.constant 0 : i32
        %dma_wait3A_109 = tpu.memref_slice %dma_wait3A_107[%mul3A_96, %dma_wait3A_108] : memref<10000x128xf32, #tpu.memory_space<hbm>> -> memref<80x128xf32, #tpu.memory_space<hbm>>
        %dma_wait3A_110 = arith.constant 0 : i32
        %dma_wait3A_111 = tpu.memref_slice %arg13[%mul3A_94, %dma_wait3A_110] : memref<10000x128xf32, #tpu.memory_space<vmem_shared>> -> memref<80x128xf32, #tpu.memory_space<vmem_shared>>
        tpu.wait_dma2 semaphore(%run_scoped3A : memref<!tpu.dma_semaphore, #tpu.memory_space<semaphore_mem>>) src(%dma_wait3A_111 : memref<80x128xf32, #tpu.memory_space<vmem_shared>>) dst(%dma_wait3A_109 : memref<80x128xf32, #tpu.memory_space<hbm>>)
        tpu.yield
      }) : () -> ()
    }
    %while3A_89 = arith.constant 1 : i32
    scf.for %while3A_90 = %while3A_87 to %while3A_83 step %while3A_89  : i32 {
      %mul3A_91 = arith.muli %while3A_90, %while3A_80 : i32
      %add3A_92 = arith.addi %arg1, %mul3A_91 : i32
      %mul3A_93 = arith.constant 80 : i32
      %mul3A_94 = arith.muli %add3A_92, %mul3A_93 : i32
      %mul3A_95 = arith.constant 80 : i32
      %mul3A_96 = arith.muli %add3A_92, %mul3A_95 : i32
      "tpu.region"() ({
        %run_scoped3A = tpu.sem_alloc : memref<!tpu.dma_semaphore, #tpu.memory_space<semaphore_mem>>
        %dma_start3A_97 = arith.constant 0 : i32
        %dma_start3A_98 = arith.constant 0 : i32
        %dma_start3A_99 = tpu.memref_slice %arg6[%arg0, %dma_start3A_97, %dma_start3A_98] : memref<2x10000x128xf32, #tpu.memory_space<hbm>> -> memref<1x10000x128xf32, #tpu.memory_space<hbm>>
        %dma_start3A_100 = tpu.memref_squeeze %dma_start3A_99 : memref<1x10000x128xf32, #tpu.memory_space<hbm>> -> memref<10000x128xf32, #tpu.memory_space<hbm>>
        %dma_start3A_101 = arith.constant 0 : i32
        %dma_start3A_102 = tpu.memref_slice %dma_start3A_100[%mul3A_96, %dma_start3A_101] : memref<10000x128xf32, #tpu.memory_space<hbm>> -> memref<80x128xf32, #tpu.memory_space<hbm>>
        %dma_start3A_103 = arith.constant 0 : i32
        %dma_start3A_104 = tpu.memref_slice %arg13[%mul3A_94, %dma_start3A_103] : memref<10000x128xf32, #tpu.memory_space<vmem_shared>> -> memref<80x128xf32, #tpu.memory_space<vmem_shared>>
        tpu.enqueue_dma source(%dma_start3A_104 : memref<80x128xf32, #tpu.memory_space<vmem_shared>>) target(%dma_start3A_102 : memref<80x128xf32, #tpu.memory_space<hbm>>) target_semaphore(%run_scoped3A : memref<!tpu.dma_semaphore, #tpu.memory_space<semaphore_mem>>)
        %dma_wait3A = arith.constant 0 : i32
        %dma_wait3A_105 = arith.constant 0 : i32
        %dma_wait3A_106 = tpu.memref_slice %arg6[%arg0, %dma_wait3A, %dma_wait3A_105] : memref<2x10000x128xf32, #tpu.memory_space<hbm>> -> memref<1x10000x128xf32, #tpu.memory_space<hbm>>
        %dma_wait3A_107 = tpu.memref_squeeze %dma_wait3A_106 : memref<1x10000x128xf32, #tpu.memory_space<hbm>> -> memref<10000x128xf32, #tpu.memory_space<hbm>>
        %dma_wait3A_108 = arith.constant 0 : i32
        %dma_wait3A_109 = tpu.memref_slice %dma_wait3A_107[%mul3A_96, %dma_wait3A_108] : memref<10000x128xf32, #tpu.memory_space<hbm>> -> memref<80x128xf32, #tpu.memory_space<hbm>>
        %dma_wait3A_110 = arith.constant 0 : i32
        %dma_wait3A_111 = tpu.memref_slice %arg13[%mul3A_94, %dma_wait3A_110] : memref<10000x128xf32, #tpu.memory_space<vmem_shared>> -> memref<80x128xf32, #tpu.memory_space<vmem_shared>>
        tpu.wait_dma2 semaphore(%run_scoped3A : memref<!tpu.dma_semaphore, #tpu.memory_space<semaphore_mem>>) src(%dma_wait3A_111 : memref<80x128xf32, #tpu.memory_space<vmem_shared>>) dst(%dma_wait3A_109 : memref<80x128xf32, #tpu.memory_space<hbm>>)
        tpu.yield
      }) : () -> ()
    }
    return
  }
}

#map = affine_map<(d0, d1) -> (0, 0)>
#map1 = affine_map<(d0, d1) -> (0, 0, 0)>
module attributes {stable_mosaic.version = 14 : i64} {
  func.func @k2(%arg0: i32, %arg1: i32, %arg2: memref<1250x128xi32, #tpu.memory_space<hbm>>, %arg3: memref<1250x128xi32, #tpu.memory_space<hbm>>, %arg4: memref<10000x128xf32, #tpu.memory_space<hbm>>, %arg5: memref<160000x128xf32, #tpu.memory_space<hbm>>, %arg6: memref<128x128xf32, #tpu.memory_space<hbm>>, %arg7: memref<128x128xf32, #tpu.memory_space<hbm>>, %arg8: memref<2x10000x128xf32, #tpu.memory_space<hbm>>, %arg9: memref<2x10000x128xf32, #tpu.memory_space<hbm>>, %arg10: memref<2x10000x128xf32, #tpu.memory_space<hbm>>, %arg11: memref<128xi32, #tpu.memory_space<vmem>>, %arg12: memref<128xi32, #tpu.memory_space<vmem>>, %arg13: memref<128xi32, #tpu.memory_space<vmem>>, %arg14: memref<128xi32, #tpu.memory_space<vmem>>, %arg15: memref<128x128xf32, #tpu.memory_space<vmem>>, %arg16: memref<128x128xf32, #tpu.memory_space<vmem>>, %arg17: memref<10000x128xf32, #tpu.memory_space<vmem_shared>>, %arg18: memref<!tpu.dma_semaphore, #tpu.memory_space<semaphore_mem>>, %arg19: memref<!tpu.dma_semaphore, #tpu.memory_space<semaphore_mem>>, %arg20: memref<!tpu.dma_semaphore, #tpu.memory_space<semaphore_mem>>, %arg21: memref<!tpu.dma_semaphore, #tpu.memory_space<semaphore_mem>>) attributes {dimension_semantics = [#tpu.dimension_semantics<core_parallel>, #tpu.dimension_semantics<subcore_parallel>], iteration_bounds = array<i64: 2, 16>, scalar_prefetch = 0 : i64, scratch_operands = 11 : i64, tpu.core_type = #tpu.core_type<sc_vector_subcore>, window_params = [{transform_indices = #map}, {transform_indices = #map}, {transform_indices = #map}, {transform_indices = #map}, {transform_indices = #map}, {transform_indices = #map}, {transform_indices = #map1}, {transform_indices = #map1}, {transform_indices = #map1}]} {
    %mul3A = arith.constant 2 : i32
    %mul3A_0 = arith.muli %arg1, %mul3A : i32
    %add3A = arith.addi %mul3A_0, %arg0 : i32
    %lt3A = arith.constant 2 : i32
    %lt3A_1 = arith.cmpi slt, %add3A, %lt3A : i32
    %jit3A = arith.constant 40 : i32
    %jit3A_2 = arith.constant 39 : i32
    %select_n3A = arith.select %lt3A_1, %jit3A, %jit3A_2 : i32
    "tpu.region"() ({
      %run_scoped3A = tpu.sem_alloc : memref<!tpu.dma_semaphore, #tpu.memory_space<semaphore_mem>>
      tpu.enqueue_dma source(%arg6 : memref<128x128xf32, #tpu.memory_space<hbm>>) target(%arg15 : memref<128x128xf32, #tpu.memory_space<vmem>>) target_semaphore(%run_scoped3A : memref<!tpu.dma_semaphore, #tpu.memory_space<semaphore_mem>>)
      tpu.wait_dma2 semaphore(%run_scoped3A : memref<!tpu.dma_semaphore, #tpu.memory_space<semaphore_mem>>) src(%arg6 : memref<128x128xf32, #tpu.memory_space<hbm>>) dst(%arg15 : memref<128x128xf32, #tpu.memory_space<vmem>>)
      tpu.yield
    }) : () -> ()
    %sub3A = arith.constant 125 : i32
    %sub3A_3 = arith.subi %sub3A, %arg1 : i32
    %sub3A_4 = arith.constant 16 : i32
    %sub3A_5 = arith.constant 1 : i32
    %sub3A_6 = arith.subi %sub3A_4, %sub3A_5 : i32
    %add3A_7 = arith.addi %sub3A_3, %sub3A_6 : i32
    %div3A = arith.constant 16 : i32
    %div3A_8 = arith.divsi %add3A_7, %div3A : i32
    %while3A = arith.constant 16 : i32
    %while3A_9 = arith.constant 0 : i32
    %while3A_10 = arith.subi %div3A_8, %while3A_9 : i32
    %while3A_11 = arith.addi %while3A_9, %while3A_10 : i32
    %while3A_12 = arith.constant 1 : i32
    %while3A_13 = arith.divsi %while3A_10, %while3A_12 : i32
    %while3A_14 = arith.muli %while3A_13, %while3A_12 : i32
    %while3A_15 = arith.addi %while3A_9, %while3A_14 : i32
    %while3A_16 = arith.constant 1 : i32
    scf.for %while3A_276 = %while3A_9 to %while3A_15 step %while3A_16  : i32 {
      %mul3A_277 = arith.muli %while3A_276, %while3A : i32
      %add3A_278 = arith.addi %arg1, %mul3A_277 : i32
      %mul3A_279 = arith.constant 80 : i32
      %mul3A_280 = arith.muli %add3A_278, %mul3A_279 : i32
      "tpu.region"() ({
        %run_scoped3A = tpu.sem_alloc : memref<!tpu.dma_semaphore, #tpu.memory_space<semaphore_mem>>
        %dma_start3A_281 = arith.constant 0 : i32
        %dma_start3A_282 = arith.constant 0 : i32
        %dma_start3A_283 = tpu.memref_slice %arg15[%dma_start3A_281, %dma_start3A_282] : memref<128x128xf32, #tpu.memory_space<vmem>> -> memref<80x128xf32, #tpu.memory_space<vmem>>
        %dma_start3A_284 = arith.constant 0 : i32
        %dma_start3A_285 = tpu.memref_slice %arg17[%mul3A_280, %dma_start3A_284] : memref<10000x128xf32, #tpu.memory_space<vmem_shared>> -> memref<80x128xf32, #tpu.memory_space<vmem_shared>>
        %dma_start3A_286 = arith.constant 0 : i32
        %dma_start3A_287 = tpu.memref_slice %arg17[%mul3A_280, %dma_start3A_286] : memref<10000x128xf32, #tpu.memory_space<vmem_shared>> -> memref<80x128xf32, #tpu.memory_space<vmem_shared>>
        %dma_start3A_288 = arith.constant 0 : i32
        %dma_start3A_289 = arith.constant 0 : i32
        %dma_start3A_290 = tpu.memref_slice %arg15[%dma_start3A_288, %dma_start3A_289] : memref<128x128xf32, #tpu.memory_space<vmem>> -> memref<80x128xf32, #tpu.memory_space<vmem>>
        tpu.enqueue_dma source(%dma_start3A_290 : memref<80x128xf32, #tpu.memory_space<vmem>>) target(%dma_start3A_287 : memref<80x128xf32, #tpu.memory_space<vmem_shared>>) target_semaphore(%run_scoped3A : memref<!tpu.dma_semaphore, #tpu.memory_space<semaphore_mem>>)
        %dma_wait3A = arith.constant 0 : i32
        %dma_wait3A_291 = arith.constant 0 : i32
        %dma_wait3A_292 = tpu.memref_slice %arg15[%dma_wait3A, %dma_wait3A_291] : memref<128x128xf32, #tpu.memory_space<vmem>> -> memref<80x128xf32, #tpu.memory_space<vmem>>
        %dma_wait3A_293 = arith.constant 0 : i32
        %dma_wait3A_294 = tpu.memref_slice %arg17[%mul3A_280, %dma_wait3A_293] : memref<10000x128xf32, #tpu.memory_space<vmem_shared>> -> memref<80x128xf32, #tpu.memory_space<vmem_shared>>
        %dma_wait3A_295 = arith.constant 0 : i32
        %dma_wait3A_296 = tpu.memref_slice %arg17[%mul3A_280, %dma_wait3A_295] : memref<10000x128xf32, #tpu.memory_space<vmem_shared>> -> memref<80x128xf32, #tpu.memory_space<vmem_shared>>
        %dma_wait3A_297 = arith.constant 0 : i32
        %dma_wait3A_298 = arith.constant 0 : i32
        %dma_wait3A_299 = tpu.memref_slice %arg15[%dma_wait3A_297, %dma_wait3A_298] : memref<128x128xf32, #tpu.memory_space<vmem>> -> memref<80x128xf32, #tpu.memory_space<vmem>>
        tpu.wait_dma2 semaphore(%run_scoped3A : memref<!tpu.dma_semaphore, #tpu.memory_space<semaphore_mem>>) src(%dma_wait3A_299 : memref<80x128xf32, #tpu.memory_space<vmem>>) dst(%dma_wait3A_296 : memref<80x128xf32, #tpu.memory_space<vmem_shared>>)
        tpu.yield
      }) : () -> ()
    }
    %while3A_17 = arith.constant 1 : i32
    scf.for %while3A_276 = %while3A_15 to %while3A_11 step %while3A_17  : i32 {
      %mul3A_277 = arith.muli %while3A_276, %while3A : i32
      %add3A_278 = arith.addi %arg1, %mul3A_277 : i32
      %mul3A_279 = arith.constant 80 : i32
      %mul3A_280 = arith.muli %add3A_278, %mul3A_279 : i32
      "tpu.region"() ({
        %run_scoped3A = tpu.sem_alloc : memref<!tpu.dma_semaphore, #tpu.memory_space<semaphore_mem>>
        %dma_start3A_281 = arith.constant 0 : i32
        %dma_start3A_282 = arith.constant 0 : i32
        %dma_start3A_283 = tpu.memref_slice %arg15[%dma_start3A_281, %dma_start3A_282] : memref<128x128xf32, #tpu.memory_space<vmem>> -> memref<80x128xf32, #tpu.memory_space<vmem>>
        %dma_start3A_284 = arith.constant 0 : i32
        %dma_start3A_285 = tpu.memref_slice %arg17[%mul3A_280, %dma_start3A_284] : memref<10000x128xf32, #tpu.memory_space<vmem_shared>> -> memref<80x128xf32, #tpu.memory_space<vmem_shared>>
        %dma_start3A_286 = arith.constant 0 : i32
        %dma_start3A_287 = tpu.memref_slice %arg17[%mul3A_280, %dma_start3A_286] : memref<10000x128xf32, #tpu.memory_space<vmem_shared>> -> memref<80x128xf32, #tpu.memory_space<vmem_shared>>
        %dma_start3A_288 = arith.constant 0 : i32
        %dma_start3A_289 = arith.constant 0 : i32
        %dma_start3A_290 = tpu.memref_slice %arg15[%dma_start3A_288, %dma_start3A_289] : memref<128x128xf32, #tpu.memory_space<vmem>> -> memref<80x128xf32, #tpu.memory_space<vmem>>
        tpu.enqueue_dma source(%dma_start3A_290 : memref<80x128xf32, #tpu.memory_space<vmem>>) target(%dma_start3A_287 : memref<80x128xf32, #tpu.memory_space<vmem_shared>>) target_semaphore(%run_scoped3A : memref<!tpu.dma_semaphore, #tpu.memory_space<semaphore_mem>>)
        %dma_wait3A = arith.constant 0 : i32
        %dma_wait3A_291 = arith.constant 0 : i32
        %dma_wait3A_292 = tpu.memref_slice %arg15[%dma_wait3A, %dma_wait3A_291] : memref<128x128xf32, #tpu.memory_space<vmem>> -> memref<80x128xf32, #tpu.memory_space<vmem>>
        %dma_wait3A_293 = arith.constant 0 : i32
        %dma_wait3A_294 = tpu.memref_slice %arg17[%mul3A_280, %dma_wait3A_293] : memref<10000x128xf32, #tpu.memory_space<vmem_shared>> -> memref<80x128xf32, #tpu.memory_space<vmem_shared>>
        %dma_wait3A_295 = arith.constant 0 : i32
        %dma_wait3A_296 = tpu.memref_slice %arg17[%mul3A_280, %dma_wait3A_295] : memref<10000x128xf32, #tpu.memory_space<vmem_shared>> -> memref<80x128xf32, #tpu.memory_space<vmem_shared>>
        %dma_wait3A_297 = arith.constant 0 : i32
        %dma_wait3A_298 = arith.constant 0 : i32
        %dma_wait3A_299 = tpu.memref_slice %arg15[%dma_wait3A_297, %dma_wait3A_298] : memref<128x128xf32, #tpu.memory_space<vmem>> -> memref<80x128xf32, #tpu.memory_space<vmem>>
        tpu.wait_dma2 semaphore(%run_scoped3A : memref<!tpu.dma_semaphore, #tpu.memory_space<semaphore_mem>>) src(%dma_wait3A_299 : memref<80x128xf32, #tpu.memory_space<vmem>>) dst(%dma_wait3A_296 : memref<80x128xf32, #tpu.memory_space<vmem_shared>>)
        tpu.yield
      }) : () -> ()
    }
    %barrier3A = arith.constant 0 : index
    tpu.barrier barrier_id(%barrier3A)
    %add3A_18 = arith.constant 0 : i32
    %add3A_19 = arith.addi %add3A, %add3A_18 : i32
    %dma_start3A = arith.constant 0 : i32
    %dma_start3A_20 = tpu.memref_slice %arg2[%add3A_19, %dma_start3A] : memref<1250x128xi32, #tpu.memory_space<hbm>> -> memref<1x128xi32, #tpu.memory_space<hbm>>
    %dma_start3A_21 = tpu.memref_squeeze %dma_start3A_20 : memref<1x128xi32, #tpu.memory_space<hbm>> -> memref<128xi32, #tpu.memory_space<hbm>>
    %dma_start3A_22 = arith.constant 0 : i32
    %dma_start3A_23 = tpu.memref_slice %arg2[%add3A_19, %dma_start3A_22] : memref<1250x128xi32, #tpu.memory_space<hbm>> -> memref<1x128xi32, #tpu.memory_space<hbm>>
    %dma_start3A_24 = tpu.memref_squeeze %dma_start3A_23 : memref<1x128xi32, #tpu.memory_space<hbm>> -> memref<128xi32, #tpu.memory_space<hbm>>
    tpu.enqueue_dma source(%dma_start3A_24 : memref<128xi32, #tpu.memory_space<hbm>>) target(%arg11 : memref<128xi32, #tpu.memory_space<vmem>>) target_semaphore(%arg18 : memref<!tpu.dma_semaphore, #tpu.memory_space<semaphore_mem>>)
    %dma_start3A_25 = arith.constant 0 : i32
    %dma_start3A_26 = tpu.memref_slice %arg3[%add3A_19, %dma_start3A_25] : memref<1250x128xi32, #tpu.memory_space<hbm>> -> memref<1x128xi32, #tpu.memory_space<hbm>>
    %dma_start3A_27 = tpu.memref_squeeze %dma_start3A_26 : memref<1x128xi32, #tpu.memory_space<hbm>> -> memref<128xi32, #tpu.memory_space<hbm>>
    %dma_start3A_28 = arith.constant 0 : i32
    %dma_start3A_29 = tpu.memref_slice %arg3[%add3A_19, %dma_start3A_28] : memref<1250x128xi32, #tpu.memory_space<hbm>> -> memref<1x128xi32, #tpu.memory_space<hbm>>
    %dma_start3A_30 = tpu.memref_squeeze %dma_start3A_29 : memref<1x128xi32, #tpu.memory_space<hbm>> -> memref<128xi32, #tpu.memory_space<hbm>>
    tpu.enqueue_dma source(%dma_start3A_30 : memref<128xi32, #tpu.memory_space<hbm>>) target(%arg13 : memref<128xi32, #tpu.memory_space<vmem>>) target_semaphore(%arg18 : memref<!tpu.dma_semaphore, #tpu.memory_space<semaphore_mem>>)
    %scan3A = arith.constant 0 : i32
    %scan3A_31 = arith.constant 20 : i32
    %scan3A_32 = arith.addi %scan3A, %scan3A_31 : i32
    %scan3A_33 = arith.constant 1 : i32
    scf.for %scan3A_276 = %scan3A to %scan3A_32 step %scan3A_33  : i32 {
      %mul3A_277 = arith.constant 2 : i32
      %mul3A_278 = arith.muli %scan3A_276, %mul3A_277 : i32
      %add3A_279 = arith.constant 0 : i32
      %add3A_280 = arith.addi %add3A_279, %mul3A_278 : i32
      %add3A_281 = arith.constant 0 : i32
      %add3A_282 = arith.addi %add3A_280, %add3A_281 : i32
      %lt3A_283 = arith.cmpi slt, %add3A_282, %select_n3A : i32
      %convert_element_type3A_284 = arith.extui %lt3A_283 : i1 to i32
      %cond3A_285 = arith.constant 0 : i32
      %cond3A_286 = arith.cmpi ne, %convert_element_type3A_284, %cond3A_285 : i32
      scf.if %cond3A_286 {
        %dma_wait3A = arith.constant 0 : i32
        %dma_wait3A_293 = arith.constant 0 : i32
        %dma_wait3A_294 = tpu.memref_slice %arg2[%dma_wait3A, %dma_wait3A_293] : memref<1250x128xi32, #tpu.memory_space<hbm>> -> memref<1x128xi32, #tpu.memory_space<hbm>>
        %dma_wait3A_295 = tpu.memref_squeeze %dma_wait3A_294 : memref<1x128xi32, #tpu.memory_space<hbm>> -> memref<128xi32, #tpu.memory_space<hbm>>
        %dma_wait3A_296 = arith.constant 0 : i32
        %dma_wait3A_297 = tpu.memref_slice %arg2[%dma_wait3A, %dma_wait3A_296] : memref<1250x128xi32, #tpu.memory_space<hbm>> -> memref<1x128xi32, #tpu.memory_space<hbm>>
        %dma_wait3A_298 = tpu.memref_squeeze %dma_wait3A_297 : memref<1x128xi32, #tpu.memory_space<hbm>> -> memref<128xi32, #tpu.memory_space<hbm>>
        tpu.wait_dma2 semaphore(%arg18 : memref<!tpu.dma_semaphore, #tpu.memory_space<semaphore_mem>>) src(%dma_wait3A_298 : memref<128xi32, #tpu.memory_space<hbm>>) dst(%arg11 : memref<128xi32, #tpu.memory_space<vmem>>)
        %dma_wait3A_299 = arith.constant 0 : i32
        %dma_wait3A_300 = arith.constant 0 : i32
        %dma_wait3A_301 = tpu.memref_slice %arg3[%dma_wait3A_299, %dma_wait3A_300] : memref<1250x128xi32, #tpu.memory_space<hbm>> -> memref<1x128xi32, #tpu.memory_space<hbm>>
        %dma_wait3A_302 = tpu.memref_squeeze %dma_wait3A_301 : memref<1x128xi32, #tpu.memory_space<hbm>> -> memref<128xi32, #tpu.memory_space<hbm>>
        %dma_wait3A_303 = arith.constant 0 : i32
        %dma_wait3A_304 = tpu.memref_slice %arg3[%dma_wait3A_299, %dma_wait3A_303] : memref<1250x128xi32, #tpu.memory_space<hbm>> -> memref<1x128xi32, #tpu.memory_space<hbm>>
        %dma_wait3A_305 = tpu.memref_squeeze %dma_wait3A_304 : memref<1x128xi32, #tpu.memory_space<hbm>> -> memref<128xi32, #tpu.memory_space<hbm>>
        tpu.wait_dma2 semaphore(%arg18 : memref<!tpu.dma_semaphore, #tpu.memory_space<semaphore_mem>>) src(%dma_wait3A_305 : memref<128xi32, #tpu.memory_space<hbm>>) dst(%arg13 : memref<128xi32, #tpu.memory_space<vmem>>)
        %dma_start3A_306 = arith.constant 0 : i32
        %dma_start3A_307 = arith.constant 0 : i32
        %dma_start3A_308 = tpu.memref_slice %arg4[%dma_start3A_306, %dma_start3A_307] : memref<10000x128xf32, #tpu.memory_space<hbm>> -> memref<10000x128xf32, #tpu.memory_space<hbm>>
        tpu.enqueue_indirect_dma source(%dma_start3A_308 : memref<10000x128xf32, #tpu.memory_space<hbm>>) target(%arg15 : memref<128x128xf32, #tpu.memory_space<vmem>>) offsets(%arg13 : memref<128xi32, #tpu.memory_space<vmem>>) semaphore(%arg20 : memref<!tpu.dma_semaphore, #tpu.memory_space<semaphore_mem>>)
        %ge3A = arith.constant 1 : i32
        %ge3A_309 = arith.cmpi sge, %add3A_282, %ge3A : i32
        %convert_element_type3A_310 = arith.extui %ge3A_309 : i1 to i32
        %cond3A_311 = arith.constant 0 : i32
        %cond3A_312 = arith.cmpi ne, %convert_element_type3A_310, %cond3A_311 : i32
        scf.if %cond3A_312 {
          "tpu.region"() ({
            %run_scoped3A = tpu.sem_alloc : memref<!tpu.dma_semaphore, #tpu.memory_space<semaphore_mem>>
            %dma_start3A_322 = arith.constant 0 : i32
            %dma_start3A_323 = arith.constant 0 : i32
            %dma_start3A_324 = tpu.memref_slice %arg17[%dma_start3A_322, %dma_start3A_323] : memref<10000x128xf32, #tpu.memory_space<vmem_shared>> -> memref<10000x128xf32, #tpu.memory_space<vmem_shared>>
            tpu.enqueue_indirect_dma source(%arg16 : memref<128x128xf32, #tpu.memory_space<vmem>>) target(%dma_start3A_324 : memref<10000x128xf32, #tpu.memory_space<vmem_shared>>) offsets(%arg12 : memref<128xi32, #tpu.memory_space<vmem>>) semaphore(%run_scoped3A : memref<!tpu.dma_semaphore, #tpu.memory_space<semaphore_mem>>) {add = true}
            %dma_wait3A_325 = arith.constant 0 : i32
            %dma_wait3A_326 = arith.constant 0 : i32
            %dma_wait3A_327 = tpu.memref_slice %arg17[%dma_wait3A_325, %dma_wait3A_326] : memref<10000x128xf32, #tpu.memory_space<vmem_shared>> -> memref<10000x128xf32, #tpu.memory_space<vmem_shared>>
            tpu.wait_indirect_dma semaphore(%run_scoped3A : memref<!tpu.dma_semaphore, #tpu.memory_space<semaphore_mem>>) src(%arg16 : memref<128x128xf32, #tpu.memory_space<vmem>>) dst(%dma_wait3A_327 : memref<10000x128xf32, #tpu.memory_space<vmem_shared>>)
            tpu.yield
          }) : () -> ()
        } else {
        }
        %add3A_313 = arith.constant 1 : i32
        %add3A_314 = arith.addi %add3A_282, %add3A_313 : i32
        %lt3A_315 = arith.cmpi slt, %add3A_314, %select_n3A : i32
        %convert_element_type3A_316 = arith.extui %lt3A_315 : i1 to i32
        %cond3A_317 = arith.constant 0 : i32
        %cond3A_318 = arith.cmpi ne, %convert_element_type3A_316, %cond3A_317 : i32
        scf.if %cond3A_318 {
          %add3A_322 = arith.constant 1 : i32
          %add3A_323 = arith.addi %add3A_282, %add3A_322 : i32
          %mul3A_324 = arith.constant 32 : i32
          %mul3A_325 = arith.muli %add3A_323, %mul3A_324 : i32
          %add3A_326 = arith.addi %add3A, %mul3A_325 : i32
          %dma_start3A_327 = arith.constant 0 : i32
          %dma_start3A_328 = tpu.memref_slice %arg2[%add3A_326, %dma_start3A_327] : memref<1250x128xi32, #tpu.memory_space<hbm>> -> memref<1x128xi32, #tpu.memory_space<hbm>>
          %dma_start3A_329 = tpu.memref_squeeze %dma_start3A_328 : memref<1x128xi32, #tpu.memory_space<hbm>> -> memref<128xi32, #tpu.memory_space<hbm>>
          %dma_start3A_330 = arith.constant 0 : i32
          %dma_start3A_331 = tpu.memref_slice %arg2[%add3A_326, %dma_start3A_330] : memref<1250x128xi32, #tpu.memory_space<hbm>> -> memref<1x128xi32, #tpu.memory_space<hbm>>
          %dma_start3A_332 = tpu.memref_squeeze %dma_start3A_331 : memref<1x128xi32, #tpu.memory_space<hbm>> -> memref<128xi32, #tpu.memory_space<hbm>>
          tpu.enqueue_dma source(%dma_start3A_332 : memref<128xi32, #tpu.memory_space<hbm>>) target(%arg12 : memref<128xi32, #tpu.memory_space<vmem>>) target_semaphore(%arg19 : memref<!tpu.dma_semaphore, #tpu.memory_space<semaphore_mem>>)
          %dma_start3A_333 = arith.constant 0 : i32
          %dma_start3A_334 = tpu.memref_slice %arg3[%add3A_326, %dma_start3A_333] : memref<1250x128xi32, #tpu.memory_space<hbm>> -> memref<1x128xi32, #tpu.memory_space<hbm>>
          %dma_start3A_335 = tpu.memref_squeeze %dma_start3A_334 : memref<1x128xi32, #tpu.memory_space<hbm>> -> memref<128xi32, #tpu.memory_space<hbm>>
          %dma_start3A_336 = arith.constant 0 : i32
          %dma_start3A_337 = tpu.memref_slice %arg3[%add3A_326, %dma_start3A_336] : memref<1250x128xi32, #tpu.memory_space<hbm>> -> memref<1x128xi32, #tpu.memory_space<hbm>>
          %dma_start3A_338 = tpu.memref_squeeze %dma_start3A_337 : memref<1x128xi32, #tpu.memory_space<hbm>> -> memref<128xi32, #tpu.memory_space<hbm>>
          tpu.enqueue_dma source(%dma_start3A_338 : memref<128xi32, #tpu.memory_space<hbm>>) target(%arg14 : memref<128xi32, #tpu.memory_space<vmem>>) target_semaphore(%arg19 : memref<!tpu.dma_semaphore, #tpu.memory_space<semaphore_mem>>)
        } else {
        }
        %dma_wait3A_319 = arith.constant 0 : i32
        %dma_wait3A_320 = arith.constant 0 : i32
        %dma_wait3A_321 = tpu.memref_slice %arg4[%dma_wait3A_319, %dma_wait3A_320] : memref<10000x128xf32, #tpu.memory_space<hbm>> -> memref<10000x128xf32, #tpu.memory_space<hbm>>
        tpu.wait_indirect_dma semaphore(%arg20 : memref<!tpu.dma_semaphore, #tpu.memory_space<semaphore_mem>>) src(%dma_wait3A_321 : memref<10000x128xf32, #tpu.memory_space<hbm>>) dst(%arg15 : memref<128x128xf32, #tpu.memory_space<vmem>>)
      } else {
      }
      %add3A_287 = arith.constant 1 : i32
      %add3A_288 = arith.addi %add3A_280, %add3A_287 : i32
      %lt3A_289 = arith.cmpi slt, %add3A_288, %select_n3A : i32
      %convert_element_type3A_290 = arith.extui %lt3A_289 : i1 to i32
      %cond3A_291 = arith.constant 0 : i32
      %cond3A_292 = arith.cmpi ne, %convert_element_type3A_290, %cond3A_291 : i32
      scf.if %cond3A_292 {
        %dma_wait3A = arith.constant 0 : i32
        %dma_wait3A_293 = arith.constant 0 : i32
        %dma_wait3A_294 = tpu.memref_slice %arg2[%dma_wait3A, %dma_wait3A_293] : memref<1250x128xi32, #tpu.memory_space<hbm>> -> memref<1x128xi32, #tpu.memory_space<hbm>>
        %dma_wait3A_295 = tpu.memref_squeeze %dma_wait3A_294 : memref<1x128xi32, #tpu.memory_space<hbm>> -> memref<128xi32, #tpu.memory_space<hbm>>
        %dma_wait3A_296 = arith.constant 0 : i32
        %dma_wait3A_297 = tpu.memref_slice %arg2[%dma_wait3A, %dma_wait3A_296] : memref<1250x128xi32, #tpu.memory_space<hbm>> -> memref<1x128xi32, #tpu.memory_space<hbm>>
        %dma_wait3A_298 = tpu.memref_squeeze %dma_wait3A_297 : memref<1x128xi32, #tpu.memory_space<hbm>> -> memref<128xi32, #tpu.memory_space<hbm>>
        tpu.wait_dma2 semaphore(%arg19 : memref<!tpu.dma_semaphore, #tpu.memory_space<semaphore_mem>>) src(%dma_wait3A_298 : memref<128xi32, #tpu.memory_space<hbm>>) dst(%arg12 : memref<128xi32, #tpu.memory_space<vmem>>)
        %dma_wait3A_299 = arith.constant 0 : i32
        %dma_wait3A_300 = arith.constant 0 : i32
        %dma_wait3A_301 = tpu.memref_slice %arg3[%dma_wait3A_299, %dma_wait3A_300] : memref<1250x128xi32, #tpu.memory_space<hbm>> -> memref<1x128xi32, #tpu.memory_space<hbm>>
        %dma_wait3A_302 = tpu.memref_squeeze %dma_wait3A_301 : memref<1x128xi32, #tpu.memory_space<hbm>> -> memref<128xi32, #tpu.memory_space<hbm>>
        %dma_wait3A_303 = arith.constant 0 : i32
        %dma_wait3A_304 = tpu.memref_slice %arg3[%dma_wait3A_299, %dma_wait3A_303] : memref<1250x128xi32, #tpu.memory_space<hbm>> -> memref<1x128xi32, #tpu.memory_space<hbm>>
        %dma_wait3A_305 = tpu.memref_squeeze %dma_wait3A_304 : memref<1x128xi32, #tpu.memory_space<hbm>> -> memref<128xi32, #tpu.memory_space<hbm>>
        tpu.wait_dma2 semaphore(%arg19 : memref<!tpu.dma_semaphore, #tpu.memory_space<semaphore_mem>>) src(%dma_wait3A_305 : memref<128xi32, #tpu.memory_space<hbm>>) dst(%arg14 : memref<128xi32, #tpu.memory_space<vmem>>)
        %dma_start3A_306 = arith.constant 0 : i32
        %dma_start3A_307 = arith.constant 0 : i32
        %dma_start3A_308 = tpu.memref_slice %arg4[%dma_start3A_306, %dma_start3A_307] : memref<10000x128xf32, #tpu.memory_space<hbm>> -> memref<10000x128xf32, #tpu.memory_space<hbm>>
        tpu.enqueue_indirect_dma source(%dma_start3A_308 : memref<10000x128xf32, #tpu.memory_space<hbm>>) target(%arg16 : memref<128x128xf32, #tpu.memory_space<vmem>>) offsets(%arg14 : memref<128xi32, #tpu.memory_space<vmem>>) semaphore(%arg21 : memref<!tpu.dma_semaphore, #tpu.memory_space<semaphore_mem>>)
        %ge3A = arith.constant 1 : i32
        %ge3A_309 = arith.cmpi sge, %add3A_288, %ge3A : i32
        %convert_element_type3A_310 = arith.extui %ge3A_309 : i1 to i32
        %cond3A_311 = arith.constant 0 : i32
        %cond3A_312 = arith.cmpi ne, %convert_element_type3A_310, %cond3A_311 : i32
        scf.if %cond3A_312 {
          "tpu.region"() ({
            %run_scoped3A = tpu.sem_alloc : memref<!tpu.dma_semaphore, #tpu.memory_space<semaphore_mem>>
            %dma_start3A_322 = arith.constant 0 : i32
            %dma_start3A_323 = arith.constant 0 : i32
            %dma_start3A_324 = tpu.memref_slice %arg17[%dma_start3A_322, %dma_start3A_323] : memref<10000x128xf32, #tpu.memory_space<vmem_shared>> -> memref<10000x128xf32, #tpu.memory_space<vmem_shared>>
            tpu.enqueue_indirect_dma source(%arg15 : memref<128x128xf32, #tpu.memory_space<vmem>>) target(%dma_start3A_324 : memref<10000x128xf32, #tpu.memory_space<vmem_shared>>) offsets(%arg11 : memref<128xi32, #tpu.memory_space<vmem>>) semaphore(%run_scoped3A : memref<!tpu.dma_semaphore, #tpu.memory_space<semaphore_mem>>) {add = true}
            %dma_wait3A_325 = arith.constant 0 : i32
            %dma_wait3A_326 = arith.constant 0 : i32
            %dma_wait3A_327 = tpu.memref_slice %arg17[%dma_wait3A_325, %dma_wait3A_326] : memref<10000x128xf32, #tpu.memory_space<vmem_shared>> -> memref<10000x128xf32, #tpu.memory_space<vmem_shared>>
            tpu.wait_indirect_dma semaphore(%run_scoped3A : memref<!tpu.dma_semaphore, #tpu.memory_space<semaphore_mem>>) src(%arg15 : memref<128x128xf32, #tpu.memory_space<vmem>>) dst(%dma_wait3A_327 : memref<10000x128xf32, #tpu.memory_space<vmem_shared>>)
            tpu.yield
          }) : () -> ()
        } else {
        }
        %add3A_313 = arith.constant 1 : i32
        %add3A_314 = arith.addi %add3A_288, %add3A_313 : i32
        %lt3A_315 = arith.cmpi slt, %add3A_314, %select_n3A : i32
        %convert_element_type3A_316 = arith.extui %lt3A_315 : i1 to i32
        %cond3A_317 = arith.constant 0 : i32
        %cond3A_318 = arith.cmpi ne, %convert_element_type3A_316, %cond3A_317 : i32
        scf.if %cond3A_318 {
          %add3A_322 = arith.constant 1 : i32
          %add3A_323 = arith.addi %add3A_288, %add3A_322 : i32
          %mul3A_324 = arith.constant 32 : i32
          %mul3A_325 = arith.muli %add3A_323, %mul3A_324 : i32
          %add3A_326 = arith.addi %add3A, %mul3A_325 : i32
          %dma_start3A_327 = arith.constant 0 : i32
          %dma_start3A_328 = tpu.memref_slice %arg2[%add3A_326, %dma_start3A_327] : memref<1250x128xi32, #tpu.memory_space<hbm>> -> memref<1x128xi32, #tpu.memory_space<hbm>>
          %dma_start3A_329 = tpu.memref_squeeze %dma_start3A_328 : memref<1x128xi32, #tpu.memory_space<hbm>> -> memref<128xi32, #tpu.memory_space<hbm>>
          %dma_start3A_330 = arith.constant 0 : i32
          %dma_start3A_331 = tpu.memref_slice %arg2[%add3A_326, %dma_start3A_330] : memref<1250x128xi32, #tpu.memory_space<hbm>> -> memref<1x128xi32, #tpu.memory_space<hbm>>
          %dma_start3A_332 = tpu.memref_squeeze %dma_start3A_331 : memref<1x128xi32, #tpu.memory_space<hbm>> -> memref<128xi32, #tpu.memory_space<hbm>>
          tpu.enqueue_dma source(%dma_start3A_332 : memref<128xi32, #tpu.memory_space<hbm>>) target(%arg11 : memref<128xi32, #tpu.memory_space<vmem>>) target_semaphore(%arg18 : memref<!tpu.dma_semaphore, #tpu.memory_space<semaphore_mem>>)
          %dma_start3A_333 = arith.constant 0 : i32
          %dma_start3A_334 = tpu.memref_slice %arg3[%add3A_326, %dma_start3A_333] : memref<1250x128xi32, #tpu.memory_space<hbm>> -> memref<1x128xi32, #tpu.memory_space<hbm>>
          %dma_start3A_335 = tpu.memref_squeeze %dma_start3A_334 : memref<1x128xi32, #tpu.memory_space<hbm>> -> memref<128xi32, #tpu.memory_space<hbm>>
          %dma_start3A_336 = arith.constant 0 : i32
          %dma_start3A_337 = tpu.memref_slice %arg3[%add3A_326, %dma_start3A_336] : memref<1250x128xi32, #tpu.memory_space<hbm>> -> memref<1x128xi32, #tpu.memory_space<hbm>>
          %dma_start3A_338 = tpu.memref_squeeze %dma_start3A_337 : memref<1x128xi32, #tpu.memory_space<hbm>> -> memref<128xi32, #tpu.memory_space<hbm>>
          tpu.enqueue_dma source(%dma_start3A_338 : memref<128xi32, #tpu.memory_space<hbm>>) target(%arg13 : memref<128xi32, #tpu.memory_space<vmem>>) target_semaphore(%arg18 : memref<!tpu.dma_semaphore, #tpu.memory_space<semaphore_mem>>)
        } else {
        }
        %dma_wait3A_319 = arith.constant 0 : i32
        %dma_wait3A_320 = arith.constant 0 : i32
        %dma_wait3A_321 = tpu.memref_slice %arg4[%dma_wait3A_319, %dma_wait3A_320] : memref<10000x128xf32, #tpu.memory_space<hbm>> -> memref<10000x128xf32, #tpu.memory_space<hbm>>
        tpu.wait_indirect_dma semaphore(%arg21 : memref<!tpu.dma_semaphore, #tpu.memory_space<semaphore_mem>>) src(%dma_wait3A_321 : memref<10000x128xf32, #tpu.memory_space<hbm>>) dst(%arg16 : memref<128x128xf32, #tpu.memory_space<vmem>>)
      } else {
      }
    }
    %scan3A_34 = arith.constant 20 : i32
    %jit3A_35 = arith.constant 2 : i32
    %eq3A = arith.constant 0 : i32
    %eq3A_36 = arith.cmpi eq, %jit3A_35, %eq3A : i32
    %jit3A_37 = arith.constant 1 : i32
    %select_n3A_38 = arith.select %eq3A_36, %jit3A_37, %jit3A_35 : i32
    %rem3A = arith.remsi %select_n3A, %select_n3A_38 : i32
    %ne3A = arith.constant 0 : i32
    %ne3A_39 = arith.cmpi ne, %rem3A, %ne3A : i32
    %lt3A_40 = arith.constant 0 : i32
    %lt3A_41 = arith.cmpi slt, %rem3A, %lt3A_40 : i32
    %lt3A_42 = arith.constant 0 : i32
    %lt3A_43 = arith.cmpi slt, %select_n3A_38, %lt3A_42 : i32
    %ne3A_44 = arith.xori %lt3A_41, %lt3A_43 : i1
    %and3A = arith.andi %ne3A_44, %ne3A_39 : i1
    %add3A_45 = arith.addi %rem3A, %select_n3A_38 : i32
    %select_n3A_46 = arith.select %and3A, %add3A_45, %rem3A : i32
    %eq3A_47 = arith.constant 1 : i32
    %eq3A_48 = arith.cmpi eq, %select_n3A_46, %eq3A_47 : i32
    %convert_element_type3A = arith.extui %eq3A_48 : i1 to i32
    %cond3A = arith.constant 0 : i32
    %cond3A_49 = arith.cmpi ne, %convert_element_type3A, %cond3A : i32
    scf.if %cond3A_49 {
      "tpu.region"() ({
        %run_scoped3A = tpu.sem_alloc : memref<!tpu.dma_semaphore, #tpu.memory_space<semaphore_mem>>
        %dma_start3A_276 = arith.constant 0 : i32
        %dma_start3A_277 = arith.constant 0 : i32
        %dma_start3A_278 = tpu.memref_slice %arg17[%dma_start3A_276, %dma_start3A_277] : memref<10000x128xf32, #tpu.memory_space<vmem_shared>> -> memref<10000x128xf32, #tpu.memory_space<vmem_shared>>
        tpu.enqueue_indirect_dma source(%arg15 : memref<128x128xf32, #tpu.memory_space<vmem>>) target(%dma_start3A_278 : memref<10000x128xf32, #tpu.memory_space<vmem_shared>>) offsets(%arg11 : memref<128xi32, #tpu.memory_space<vmem>>) semaphore(%run_scoped3A : memref<!tpu.dma_semaphore, #tpu.memory_space<semaphore_mem>>) {add = true}
        %dma_wait3A = arith.constant 0 : i32
        %dma_wait3A_279 = arith.constant 0 : i32
        %dma_wait3A_280 = tpu.memref_slice %arg17[%dma_wait3A, %dma_wait3A_279] : memref<10000x128xf32, #tpu.memory_space<vmem_shared>> -> memref<10000x128xf32, #tpu.memory_space<vmem_shared>>
        tpu.wait_indirect_dma semaphore(%run_scoped3A : memref<!tpu.dma_semaphore, #tpu.memory_space<semaphore_mem>>) src(%arg15 : memref<128x128xf32, #tpu.memory_space<vmem>>) dst(%dma_wait3A_280 : memref<10000x128xf32, #tpu.memory_space<vmem_shared>>)
        tpu.yield
      }) : () -> ()
    } else {
    }
    %jit3A_50 = arith.constant 2 : i32
    %eq3A_51 = arith.constant 0 : i32
    %eq3A_52 = arith.cmpi eq, %jit3A_50, %eq3A_51 : i32
    %jit3A_53 = arith.constant 1 : i32
    %select_n3A_54 = arith.select %eq3A_52, %jit3A_53, %jit3A_50 : i32
    %rem3A_55 = arith.remsi %select_n3A, %select_n3A_54 : i32
    %ne3A_56 = arith.constant 0 : i32
    %ne3A_57 = arith.cmpi ne, %rem3A_55, %ne3A_56 : i32
    %lt3A_58 = arith.constant 0 : i32
    %lt3A_59 = arith.cmpi slt, %rem3A_55, %lt3A_58 : i32
    %lt3A_60 = arith.constant 0 : i32
    %lt3A_61 = arith.cmpi slt, %select_n3A_54, %lt3A_60 : i32
    %ne3A_62 = arith.xori %lt3A_59, %lt3A_61 : i1
    %and3A_63 = arith.andi %ne3A_62, %ne3A_57 : i1
    %add3A_64 = arith.addi %rem3A_55, %select_n3A_54 : i32
    %select_n3A_65 = arith.select %and3A_63, %add3A_64, %rem3A_55 : i32
    %eq3A_66 = arith.constant 0 : i32
    %eq3A_67 = arith.cmpi eq, %select_n3A_65, %eq3A_66 : i32
    %convert_element_type3A_68 = arith.extui %eq3A_67 : i1 to i32
    %cond3A_69 = arith.constant 0 : i32
    %cond3A_70 = arith.cmpi ne, %convert_element_type3A_68, %cond3A_69 : i32
    scf.if %cond3A_70 {
      "tpu.region"() ({
        %run_scoped3A = tpu.sem_alloc : memref<!tpu.dma_semaphore, #tpu.memory_space<semaphore_mem>>
        %dma_start3A_276 = arith.constant 0 : i32
        %dma_start3A_277 = arith.constant 0 : i32
        %dma_start3A_278 = tpu.memref_slice %arg17[%dma_start3A_276, %dma_start3A_277] : memref<10000x128xf32, #tpu.memory_space<vmem_shared>> -> memref<10000x128xf32, #tpu.memory_space<vmem_shared>>
        tpu.enqueue_indirect_dma source(%arg16 : memref<128x128xf32, #tpu.memory_space<vmem>>) target(%dma_start3A_278 : memref<10000x128xf32, #tpu.memory_space<vmem_shared>>) offsets(%arg12 : memref<128xi32, #tpu.memory_space<vmem>>) semaphore(%run_scoped3A : memref<!tpu.dma_semaphore, #tpu.memory_space<semaphore_mem>>) {add = true}
        %dma_wait3A = arith.constant 0 : i32
        %dma_wait3A_279 = arith.constant 0 : i32
        %dma_wait3A_280 = tpu.memref_slice %arg17[%dma_wait3A, %dma_wait3A_279] : memref<10000x128xf32, #tpu.memory_space<vmem_shared>> -> memref<10000x128xf32, #tpu.memory_space<vmem_shared>>
        tpu.wait_indirect_dma semaphore(%run_scoped3A : memref<!tpu.dma_semaphore, #tpu.memory_space<semaphore_mem>>) src(%arg16 : memref<128x128xf32, #tpu.memory_space<vmem>>) dst(%dma_wait3A_280 : memref<10000x128xf32, #tpu.memory_space<vmem_shared>>)
        tpu.yield
      }) : () -> ()
    } else {
    }
    %barrier3A_71 = arith.constant 0 : index
    tpu.barrier barrier_id(%barrier3A_71)
    %sub3A_72 = arith.constant 125 : i32
    %sub3A_73 = arith.subi %sub3A_72, %arg1 : i32
    %sub3A_74 = arith.constant 16 : i32
    %sub3A_75 = arith.constant 1 : i32
    %sub3A_76 = arith.subi %sub3A_74, %sub3A_75 : i32
    %add3A_77 = arith.addi %sub3A_73, %sub3A_76 : i32
    %div3A_78 = arith.constant 16 : i32
    %div3A_79 = arith.divsi %add3A_77, %div3A_78 : i32
    %while3A_80 = arith.constant 16 : i32
    %while3A_81 = arith.constant 0 : i32
    %while3A_82 = arith.subi %div3A_79, %while3A_81 : i32
    %while3A_83 = arith.addi %while3A_81, %while3A_82 : i32
    %while3A_84 = arith.constant 1 : i32
    %while3A_85 = arith.divsi %while3A_82, %while3A_84 : i32
    %while3A_86 = arith.muli %while3A_85, %while3A_84 : i32
    %while3A_87 = arith.addi %while3A_81, %while3A_86 : i32
    %while3A_88 = arith.constant 1 : i32
    scf.for %while3A_276 = %while3A_81 to %while3A_87 step %while3A_88  : i32 {
      %mul3A_277 = arith.muli %while3A_276, %while3A_80 : i32
      %add3A_278 = arith.addi %arg1, %mul3A_277 : i32
      %mul3A_279 = arith.constant 80 : i32
      %mul3A_280 = arith.muli %add3A_278, %mul3A_279 : i32
      %mul3A_281 = arith.constant 80 : i32
      %mul3A_282 = arith.muli %add3A_278, %mul3A_281 : i32
      "tpu.region"() ({
        %run_scoped3A = tpu.sem_alloc : memref<!tpu.dma_semaphore, #tpu.memory_space<semaphore_mem>>
        %dma_start3A_283 = arith.constant 0 : i32
        %dma_start3A_284 = arith.constant 0 : i32
        %dma_start3A_285 = tpu.memref_slice %arg8[%arg0, %dma_start3A_283, %dma_start3A_284] : memref<2x10000x128xf32, #tpu.memory_space<hbm>> -> memref<1x10000x128xf32, #tpu.memory_space<hbm>>
        %dma_start3A_286 = tpu.memref_squeeze %dma_start3A_285 : memref<1x10000x128xf32, #tpu.memory_space<hbm>> -> memref<10000x128xf32, #tpu.memory_space<hbm>>
        %dma_start3A_287 = arith.constant 0 : i32
        %dma_start3A_288 = tpu.memref_slice %dma_start3A_286[%mul3A_282, %dma_start3A_287] : memref<10000x128xf32, #tpu.memory_space<hbm>> -> memref<80x128xf32, #tpu.memory_space<hbm>>
        %dma_start3A_289 = arith.constant 0 : i32
        %dma_start3A_290 = tpu.memref_slice %arg17[%mul3A_280, %dma_start3A_289] : memref<10000x128xf32, #tpu.memory_space<vmem_shared>> -> memref<80x128xf32, #tpu.memory_space<vmem_shared>>
        tpu.enqueue_dma source(%dma_start3A_290 : memref<80x128xf32, #tpu.memory_space<vmem_shared>>) target(%dma_start3A_288 : memref<80x128xf32, #tpu.memory_space<hbm>>) target_semaphore(%run_scoped3A : memref<!tpu.dma_semaphore, #tpu.memory_space<semaphore_mem>>)
        %dma_wait3A = arith.constant 0 : i32
        %dma_wait3A_291 = arith.constant 0 : i32
        %dma_wait3A_292 = tpu.memref_slice %arg8[%arg0, %dma_wait3A, %dma_wait3A_291] : memref<2x10000x128xf32, #tpu.memory_space<hbm>> -> memref<1x10000x128xf32, #tpu.memory_space<hbm>>
        %dma_wait3A_293 = tpu.memref_squeeze %dma_wait3A_292 : memref<1x10000x128xf32, #tpu.memory_space<hbm>> -> memref<10000x128xf32, #tpu.memory_space<hbm>>
        %dma_wait3A_294 = arith.constant 0 : i32
        %dma_wait3A_295 = tpu.memref_slice %dma_wait3A_293[%mul3A_282, %dma_wait3A_294] : memref<10000x128xf32, #tpu.memory_space<hbm>> -> memref<80x128xf32, #tpu.memory_space<hbm>>
        %dma_wait3A_296 = arith.constant 0 : i32
        %dma_wait3A_297 = tpu.memref_slice %arg17[%mul3A_280, %dma_wait3A_296] : memref<10000x128xf32, #tpu.memory_space<vmem_shared>> -> memref<80x128xf32, #tpu.memory_space<vmem_shared>>
        tpu.wait_dma2 semaphore(%run_scoped3A : memref<!tpu.dma_semaphore, #tpu.memory_space<semaphore_mem>>) src(%dma_wait3A_297 : memref<80x128xf32, #tpu.memory_space<vmem_shared>>) dst(%dma_wait3A_295 : memref<80x128xf32, #tpu.memory_space<hbm>>)
        tpu.yield
      }) : () -> ()
    }
    %while3A_89 = arith.constant 1 : i32
    scf.for %while3A_276 = %while3A_87 to %while3A_83 step %while3A_89  : i32 {
      %mul3A_277 = arith.muli %while3A_276, %while3A_80 : i32
      %add3A_278 = arith.addi %arg1, %mul3A_277 : i32
      %mul3A_279 = arith.constant 80 : i32
      %mul3A_280 = arith.muli %add3A_278, %mul3A_279 : i32
      %mul3A_281 = arith.constant 80 : i32
      %mul3A_282 = arith.muli %add3A_278, %mul3A_281 : i32
      "tpu.region"() ({
        %run_scoped3A = tpu.sem_alloc : memref<!tpu.dma_semaphore, #tpu.memory_space<semaphore_mem>>
        %dma_start3A_283 = arith.constant 0 : i32
        %dma_start3A_284 = arith.constant 0 : i32
        %dma_start3A_285 = tpu.memref_slice %arg8[%arg0, %dma_start3A_283, %dma_start3A_284] : memref<2x10000x128xf32, #tpu.memory_space<hbm>> -> memref<1x10000x128xf32, #tpu.memory_space<hbm>>
        %dma_start3A_286 = tpu.memref_squeeze %dma_start3A_285 : memref<1x10000x128xf32, #tpu.memory_space<hbm>> -> memref<10000x128xf32, #tpu.memory_space<hbm>>
        %dma_start3A_287 = arith.constant 0 : i32
        %dma_start3A_288 = tpu.memref_slice %dma_start3A_286[%mul3A_282, %dma_start3A_287] : memref<10000x128xf32, #tpu.memory_space<hbm>> -> memref<80x128xf32, #tpu.memory_space<hbm>>
        %dma_start3A_289 = arith.constant 0 : i32
        %dma_start3A_290 = tpu.memref_slice %arg17[%mul3A_280, %dma_start3A_289] : memref<10000x128xf32, #tpu.memory_space<vmem_shared>> -> memref<80x128xf32, #tpu.memory_space<vmem_shared>>
        tpu.enqueue_dma source(%dma_start3A_290 : memref<80x128xf32, #tpu.memory_space<vmem_shared>>) target(%dma_start3A_288 : memref<80x128xf32, #tpu.memory_space<hbm>>) target_semaphore(%run_scoped3A : memref<!tpu.dma_semaphore, #tpu.memory_space<semaphore_mem>>)
        %dma_wait3A = arith.constant 0 : i32
        %dma_wait3A_291 = arith.constant 0 : i32
        %dma_wait3A_292 = tpu.memref_slice %arg8[%arg0, %dma_wait3A, %dma_wait3A_291] : memref<2x10000x128xf32, #tpu.memory_space<hbm>> -> memref<1x10000x128xf32, #tpu.memory_space<hbm>>
        %dma_wait3A_293 = tpu.memref_squeeze %dma_wait3A_292 : memref<1x10000x128xf32, #tpu.memory_space<hbm>> -> memref<10000x128xf32, #tpu.memory_space<hbm>>
        %dma_wait3A_294 = arith.constant 0 : i32
        %dma_wait3A_295 = tpu.memref_slice %dma_wait3A_293[%mul3A_282, %dma_wait3A_294] : memref<10000x128xf32, #tpu.memory_space<hbm>> -> memref<80x128xf32, #tpu.memory_space<hbm>>
        %dma_wait3A_296 = arith.constant 0 : i32
        %dma_wait3A_297 = tpu.memref_slice %arg17[%mul3A_280, %dma_wait3A_296] : memref<10000x128xf32, #tpu.memory_space<vmem_shared>> -> memref<80x128xf32, #tpu.memory_space<vmem_shared>>
        tpu.wait_dma2 semaphore(%run_scoped3A : memref<!tpu.dma_semaphore, #tpu.memory_space<semaphore_mem>>) src(%dma_wait3A_297 : memref<80x128xf32, #tpu.memory_space<vmem_shared>>) dst(%dma_wait3A_295 : memref<80x128xf32, #tpu.memory_space<hbm>>)
        tpu.yield
      }) : () -> ()
    }
    "tpu.region"() ({
      %run_scoped3A = tpu.sem_alloc : memref<!tpu.dma_semaphore, #tpu.memory_space<semaphore_mem>>
      tpu.enqueue_dma source(%arg6 : memref<128x128xf32, #tpu.memory_space<hbm>>) target(%arg15 : memref<128x128xf32, #tpu.memory_space<vmem>>) target_semaphore(%run_scoped3A : memref<!tpu.dma_semaphore, #tpu.memory_space<semaphore_mem>>)
      tpu.wait_dma2 semaphore(%run_scoped3A : memref<!tpu.dma_semaphore, #tpu.memory_space<semaphore_mem>>) src(%arg6 : memref<128x128xf32, #tpu.memory_space<hbm>>) dst(%arg15 : memref<128x128xf32, #tpu.memory_space<vmem>>)
      tpu.yield
    }) : () -> ()
    %sub3A_90 = arith.constant 125 : i32
    %sub3A_91 = arith.subi %sub3A_90, %arg1 : i32
    %sub3A_92 = arith.constant 16 : i32
    %sub3A_93 = arith.constant 1 : i32
    %sub3A_94 = arith.subi %sub3A_92, %sub3A_93 : i32
    %add3A_95 = arith.addi %sub3A_91, %sub3A_94 : i32
    %div3A_96 = arith.constant 16 : i32
    %div3A_97 = arith.divsi %add3A_95, %div3A_96 : i32
    %while3A_98 = arith.constant 16 : i32
    %while3A_99 = arith.constant 0 : i32
    %while3A_100 = arith.subi %div3A_97, %while3A_99 : i32
    %while3A_101 = arith.addi %while3A_99, %while3A_100 : i32
    %while3A_102 = arith.constant 1 : i32
    %while3A_103 = arith.divsi %while3A_100, %while3A_102 : i32
    %while3A_104 = arith.muli %while3A_103, %while3A_102 : i32
    %while3A_105 = arith.addi %while3A_99, %while3A_104 : i32
    %while3A_106 = arith.constant 1 : i32
    scf.for %while3A_276 = %while3A_99 to %while3A_105 step %while3A_106  : i32 {
      %mul3A_277 = arith.muli %while3A_276, %while3A_98 : i32
      %add3A_278 = arith.addi %arg1, %mul3A_277 : i32
      %mul3A_279 = arith.constant 80 : i32
      %mul3A_280 = arith.muli %add3A_278, %mul3A_279 : i32
      "tpu.region"() ({
        %run_scoped3A = tpu.sem_alloc : memref<!tpu.dma_semaphore, #tpu.memory_space<semaphore_mem>>
        %dma_start3A_281 = arith.constant 0 : i32
        %dma_start3A_282 = arith.constant 0 : i32
        %dma_start3A_283 = tpu.memref_slice %arg15[%dma_start3A_281, %dma_start3A_282] : memref<128x128xf32, #tpu.memory_space<vmem>> -> memref<80x128xf32, #tpu.memory_space<vmem>>
        %dma_start3A_284 = arith.constant 0 : i32
        %dma_start3A_285 = tpu.memref_slice %arg17[%mul3A_280, %dma_start3A_284] : memref<10000x128xf32, #tpu.memory_space<vmem_shared>> -> memref<80x128xf32, #tpu.memory_space<vmem_shared>>
        %dma_start3A_286 = arith.constant 0 : i32
        %dma_start3A_287 = tpu.memref_slice %arg17[%mul3A_280, %dma_start3A_286] : memref<10000x128xf32, #tpu.memory_space<vmem_shared>> -> memref<80x128xf32, #tpu.memory_space<vmem_shared>>
        %dma_start3A_288 = arith.constant 0 : i32
        %dma_start3A_289 = arith.constant 0 : i32
        %dma_start3A_290 = tpu.memref_slice %arg15[%dma_start3A_288, %dma_start3A_289] : memref<128x128xf32, #tpu.memory_space<vmem>> -> memref<80x128xf32, #tpu.memory_space<vmem>>
        tpu.enqueue_dma source(%dma_start3A_290 : memref<80x128xf32, #tpu.memory_space<vmem>>) target(%dma_start3A_287 : memref<80x128xf32, #tpu.memory_space<vmem_shared>>) target_semaphore(%run_scoped3A : memref<!tpu.dma_semaphore, #tpu.memory_space<semaphore_mem>>)
        %dma_wait3A = arith.constant 0 : i32
        %dma_wait3A_291 = arith.constant 0 : i32
        %dma_wait3A_292 = tpu.memref_slice %arg15[%dma_wait3A, %dma_wait3A_291] : memref<128x128xf32, #tpu.memory_space<vmem>> -> memref<80x128xf32, #tpu.memory_space<vmem>>
        %dma_wait3A_293 = arith.constant 0 : i32
        %dma_wait3A_294 = tpu.memref_slice %arg17[%mul3A_280, %dma_wait3A_293] : memref<10000x128xf32, #tpu.memory_space<vmem_shared>> -> memref<80x128xf32, #tpu.memory_space<vmem_shared>>
        %dma_wait3A_295 = arith.constant 0 : i32
        %dma_wait3A_296 = tpu.memref_slice %arg17[%mul3A_280, %dma_wait3A_295] : memref<10000x128xf32, #tpu.memory_space<vmem_shared>> -> memref<80x128xf32, #tpu.memory_space<vmem_shared>>
        %dma_wait3A_297 = arith.constant 0 : i32
        %dma_wait3A_298 = arith.constant 0 : i32
        %dma_wait3A_299 = tpu.memref_slice %arg15[%dma_wait3A_297, %dma_wait3A_298] : memref<128x128xf32, #tpu.memory_space<vmem>> -> memref<80x128xf32, #tpu.memory_space<vmem>>
        tpu.wait_dma2 semaphore(%run_scoped3A : memref<!tpu.dma_semaphore, #tpu.memory_space<semaphore_mem>>) src(%dma_wait3A_299 : memref<80x128xf32, #tpu.memory_space<vmem>>) dst(%dma_wait3A_296 : memref<80x128xf32, #tpu.memory_space<vmem_shared>>)
        tpu.yield
      }) : () -> ()
    }
    %while3A_107 = arith.constant 1 : i32
    scf.for %while3A_276 = %while3A_105 to %while3A_101 step %while3A_107  : i32 {
      %mul3A_277 = arith.muli %while3A_276, %while3A_98 : i32
      %add3A_278 = arith.addi %arg1, %mul3A_277 : i32
      %mul3A_279 = arith.constant 80 : i32
      %mul3A_280 = arith.muli %add3A_278, %mul3A_279 : i32
      "tpu.region"() ({
        %run_scoped3A = tpu.sem_alloc : memref<!tpu.dma_semaphore, #tpu.memory_space<semaphore_mem>>
        %dma_start3A_281 = arith.constant 0 : i32
        %dma_start3A_282 = arith.constant 0 : i32
        %dma_start3A_283 = tpu.memref_slice %arg15[%dma_start3A_281, %dma_start3A_282] : memref<128x128xf32, #tpu.memory_space<vmem>> -> memref<80x128xf32, #tpu.memory_space<vmem>>
        %dma_start3A_284 = arith.constant 0 : i32
        %dma_start3A_285 = tpu.memref_slice %arg17[%mul3A_280, %dma_start3A_284] : memref<10000x128xf32, #tpu.memory_space<vmem_shared>> -> memref<80x128xf32, #tpu.memory_space<vmem_shared>>
        %dma_start3A_286 = arith.constant 0 : i32
        %dma_start3A_287 = tpu.memref_slice %arg17[%mul3A_280, %dma_start3A_286] : memref<10000x128xf32, #tpu.memory_space<vmem_shared>> -> memref<80x128xf32, #tpu.memory_space<vmem_shared>>
        %dma_start3A_288 = arith.constant 0 : i32
        %dma_start3A_289 = arith.constant 0 : i32
        %dma_start3A_290 = tpu.memref_slice %arg15[%dma_start3A_288, %dma_start3A_289] : memref<128x128xf32, #tpu.memory_space<vmem>> -> memref<80x128xf32, #tpu.memory_space<vmem>>
        tpu.enqueue_dma source(%dma_start3A_290 : memref<80x128xf32, #tpu.memory_space<vmem>>) target(%dma_start3A_287 : memref<80x128xf32, #tpu.memory_space<vmem_shared>>) target_semaphore(%run_scoped3A : memref<!tpu.dma_semaphore, #tpu.memory_space<semaphore_mem>>)
        %dma_wait3A = arith.constant 0 : i32
        %dma_wait3A_291 = arith.constant 0 : i32
        %dma_wait3A_292 = tpu.memref_slice %arg15[%dma_wait3A, %dma_wait3A_291] : memref<128x128xf32, #tpu.memory_space<vmem>> -> memref<80x128xf32, #tpu.memory_space<vmem>>
        %dma_wait3A_293 = arith.constant 0 : i32
        %dma_wait3A_294 = tpu.memref_slice %arg17[%mul3A_280, %dma_wait3A_293] : memref<10000x128xf32, #tpu.memory_space<vmem_shared>> -> memref<80x128xf32, #tpu.memory_space<vmem_shared>>
        %dma_wait3A_295 = arith.constant 0 : i32
        %dma_wait3A_296 = tpu.memref_slice %arg17[%mul3A_280, %dma_wait3A_295] : memref<10000x128xf32, #tpu.memory_space<vmem_shared>> -> memref<80x128xf32, #tpu.memory_space<vmem_shared>>
        %dma_wait3A_297 = arith.constant 0 : i32
        %dma_wait3A_298 = arith.constant 0 : i32
        %dma_wait3A_299 = tpu.memref_slice %arg15[%dma_wait3A_297, %dma_wait3A_298] : memref<128x128xf32, #tpu.memory_space<vmem>> -> memref<80x128xf32, #tpu.memory_space<vmem>>
        tpu.wait_dma2 semaphore(%run_scoped3A : memref<!tpu.dma_semaphore, #tpu.memory_space<semaphore_mem>>) src(%dma_wait3A_299 : memref<80x128xf32, #tpu.memory_space<vmem>>) dst(%dma_wait3A_296 : memref<80x128xf32, #tpu.memory_space<vmem_shared>>)
        tpu.yield
      }) : () -> ()
    }
    %barrier3A_108 = arith.constant 0 : index
    tpu.barrier barrier_id(%barrier3A_108)
    %add3A_109 = arith.constant 0 : i32
    %add3A_110 = arith.addi %add3A, %add3A_109 : i32
    %dma_start3A_111 = arith.constant 0 : i32
    %dma_start3A_112 = tpu.memref_slice %arg2[%add3A_110, %dma_start3A_111] : memref<1250x128xi32, #tpu.memory_space<hbm>> -> memref<1x128xi32, #tpu.memory_space<hbm>>
    %dma_start3A_113 = tpu.memref_squeeze %dma_start3A_112 : memref<1x128xi32, #tpu.memory_space<hbm>> -> memref<128xi32, #tpu.memory_space<hbm>>
    %dma_start3A_114 = arith.constant 0 : i32
    %dma_start3A_115 = tpu.memref_slice %arg2[%add3A_110, %dma_start3A_114] : memref<1250x128xi32, #tpu.memory_space<hbm>> -> memref<1x128xi32, #tpu.memory_space<hbm>>
    %dma_start3A_116 = tpu.memref_squeeze %dma_start3A_115 : memref<1x128xi32, #tpu.memory_space<hbm>> -> memref<128xi32, #tpu.memory_space<hbm>>
    tpu.enqueue_dma source(%dma_start3A_116 : memref<128xi32, #tpu.memory_space<hbm>>) target(%arg11 : memref<128xi32, #tpu.memory_space<vmem>>) target_semaphore(%arg18 : memref<!tpu.dma_semaphore, #tpu.memory_space<semaphore_mem>>)
    %scan3A_117 = arith.constant 0 : i32
    %scan3A_118 = arith.constant 20 : i32
    %scan3A_119 = arith.addi %scan3A_117, %scan3A_118 : i32
    %scan3A_120 = arith.constant 1 : i32
    scf.for %scan3A_276 = %scan3A_117 to %scan3A_119 step %scan3A_120  : i32 {
      %mul3A_277 = arith.constant 2 : i32
      %mul3A_278 = arith.muli %scan3A_276, %mul3A_277 : i32
      %add3A_279 = arith.constant 0 : i32
      %add3A_280 = arith.addi %add3A_279, %mul3A_278 : i32
      %add3A_281 = arith.constant 0 : i32
      %add3A_282 = arith.addi %add3A_280, %add3A_281 : i32
      %lt3A_283 = arith.cmpi slt, %add3A_282, %select_n3A : i32
      %convert_element_type3A_284 = arith.extui %lt3A_283 : i1 to i32
      %cond3A_285 = arith.constant 0 : i32
      %cond3A_286 = arith.cmpi ne, %convert_element_type3A_284, %cond3A_285 : i32
      scf.if %cond3A_286 {
        %dma_wait3A = arith.constant 0 : i32
        %dma_wait3A_293 = arith.constant 0 : i32
        %dma_wait3A_294 = tpu.memref_slice %arg2[%dma_wait3A, %dma_wait3A_293] : memref<1250x128xi32, #tpu.memory_space<hbm>> -> memref<1x128xi32, #tpu.memory_space<hbm>>
        %dma_wait3A_295 = tpu.memref_squeeze %dma_wait3A_294 : memref<1x128xi32, #tpu.memory_space<hbm>> -> memref<128xi32, #tpu.memory_space<hbm>>
        %dma_wait3A_296 = arith.constant 0 : i32
        %dma_wait3A_297 = tpu.memref_slice %arg2[%dma_wait3A, %dma_wait3A_296] : memref<1250x128xi32, #tpu.memory_space<hbm>> -> memref<1x128xi32, #tpu.memory_space<hbm>>
        %dma_wait3A_298 = tpu.memref_squeeze %dma_wait3A_297 : memref<1x128xi32, #tpu.memory_space<hbm>> -> memref<128xi32, #tpu.memory_space<hbm>>
        tpu.wait_dma2 semaphore(%arg18 : memref<!tpu.dma_semaphore, #tpu.memory_space<semaphore_mem>>) src(%dma_wait3A_298 : memref<128xi32, #tpu.memory_space<hbm>>) dst(%arg11 : memref<128xi32, #tpu.memory_space<vmem>>)
        %mul3A_299 = arith.constant 32 : i32
        %mul3A_300 = arith.muli %add3A_282, %mul3A_299 : i32
        %add3A_301 = arith.addi %add3A, %mul3A_300 : i32
        %mul3A_302 = arith.constant 128 : i32
        %mul3A_303 = arith.muli %add3A_301, %mul3A_302 : i32
        %dma_start3A_304 = arith.constant 0 : i32
        %dma_start3A_305 = tpu.memref_slice %arg5[%mul3A_303, %dma_start3A_304] : memref<160000x128xf32, #tpu.memory_space<hbm>> -> memref<128x128xf32, #tpu.memory_space<hbm>>
        %dma_start3A_306 = arith.constant 0 : i32
        %dma_start3A_307 = tpu.memref_slice %arg5[%mul3A_303, %dma_start3A_306] : memref<160000x128xf32, #tpu.memory_space<hbm>> -> memref<128x128xf32, #tpu.memory_space<hbm>>
        tpu.enqueue_dma source(%dma_start3A_307 : memref<128x128xf32, #tpu.memory_space<hbm>>) target(%arg15 : memref<128x128xf32, #tpu.memory_space<vmem>>) target_semaphore(%arg20 : memref<!tpu.dma_semaphore, #tpu.memory_space<semaphore_mem>>)
        %ge3A = arith.constant 1 : i32
        %ge3A_308 = arith.cmpi sge, %add3A_282, %ge3A : i32
        %convert_element_type3A_309 = arith.extui %ge3A_308 : i1 to i32
        %cond3A_310 = arith.constant 0 : i32
        %cond3A_311 = arith.cmpi ne, %convert_element_type3A_309, %cond3A_310 : i32
        scf.if %cond3A_311 {
          "tpu.region"() ({
            %run_scoped3A = tpu.sem_alloc : memref<!tpu.dma_semaphore, #tpu.memory_space<semaphore_mem>>
            %dma_start3A_324 = arith.constant 0 : i32
            %dma_start3A_325 = arith.constant 0 : i32
            %dma_start3A_326 = tpu.memref_slice %arg17[%dma_start3A_324, %dma_start3A_325] : memref<10000x128xf32, #tpu.memory_space<vmem_shared>> -> memref<10000x128xf32, #tpu.memory_space<vmem_shared>>
            tpu.enqueue_indirect_dma source(%arg16 : memref<128x128xf32, #tpu.memory_space<vmem>>) target(%dma_start3A_326 : memref<10000x128xf32, #tpu.memory_space<vmem_shared>>) offsets(%arg12 : memref<128xi32, #tpu.memory_space<vmem>>) semaphore(%run_scoped3A : memref<!tpu.dma_semaphore, #tpu.memory_space<semaphore_mem>>) {add = true}
            %dma_wait3A_327 = arith.constant 0 : i32
            %dma_wait3A_328 = arith.constant 0 : i32
            %dma_wait3A_329 = tpu.memref_slice %arg17[%dma_wait3A_327, %dma_wait3A_328] : memref<10000x128xf32, #tpu.memory_space<vmem_shared>> -> memref<10000x128xf32, #tpu.memory_space<vmem_shared>>
            tpu.wait_indirect_dma semaphore(%run_scoped3A : memref<!tpu.dma_semaphore, #tpu.memory_space<semaphore_mem>>) src(%arg16 : memref<128x128xf32, #tpu.memory_space<vmem>>) dst(%dma_wait3A_329 : memref<10000x128xf32, #tpu.memory_space<vmem_shared>>)
            tpu.yield
          }) : () -> ()
        } else {
        }
        %add3A_312 = arith.constant 1 : i32
        %add3A_313 = arith.addi %add3A_282, %add3A_312 : i32
        %lt3A_314 = arith.cmpi slt, %add3A_313, %select_n3A : i32
        %convert_element_type3A_315 = arith.extui %lt3A_314 : i1 to i32
        %cond3A_316 = arith.constant 0 : i32
        %cond3A_317 = arith.cmpi ne, %convert_element_type3A_315, %cond3A_316 : i32
        scf.if %cond3A_317 {
          %add3A_324 = arith.constant 1 : i32
          %add3A_325 = arith.addi %add3A_282, %add3A_324 : i32
          %mul3A_326 = arith.constant 32 : i32
          %mul3A_327 = arith.muli %add3A_325, %mul3A_326 : i32
          %add3A_328 = arith.addi %add3A, %mul3A_327 : i32
          %dma_start3A_329 = arith.constant 0 : i32
          %dma_start3A_330 = tpu.memref_slice %arg2[%add3A_328, %dma_start3A_329] : memref<1250x128xi32, #tpu.memory_space<hbm>> -> memref<1x128xi32, #tpu.memory_space<hbm>>
          %dma_start3A_331 = tpu.memref_squeeze %dma_start3A_330 : memref<1x128xi32, #tpu.memory_space<hbm>> -> memref<128xi32, #tpu.memory_space<hbm>>
          %dma_start3A_332 = arith.constant 0 : i32
          %dma_start3A_333 = tpu.memref_slice %arg2[%add3A_328, %dma_start3A_332] : memref<1250x128xi32, #tpu.memory_space<hbm>> -> memref<1x128xi32, #tpu.memory_space<hbm>>
          %dma_start3A_334 = tpu.memref_squeeze %dma_start3A_333 : memref<1x128xi32, #tpu.memory_space<hbm>> -> memref<128xi32, #tpu.memory_space<hbm>>
          tpu.enqueue_dma source(%dma_start3A_334 : memref<128xi32, #tpu.memory_space<hbm>>) target(%arg12 : memref<128xi32, #tpu.memory_space<vmem>>) target_semaphore(%arg19 : memref<!tpu.dma_semaphore, #tpu.memory_space<semaphore_mem>>)
        } else {
        }
        %dma_wait3A_318 = arith.constant 0 : i32
        %dma_wait3A_319 = arith.constant 0 : i32
        %dma_wait3A_320 = tpu.memref_slice %arg5[%dma_wait3A_318, %dma_wait3A_319] : memref<160000x128xf32, #tpu.memory_space<hbm>> -> memref<128x128xf32, #tpu.memory_space<hbm>>
        %dma_wait3A_321 = arith.constant 0 : i32
        %dma_wait3A_322 = arith.constant 0 : i32
        %dma_wait3A_323 = tpu.memref_slice %arg5[%dma_wait3A_321, %dma_wait3A_322] : memref<160000x128xf32, #tpu.memory_space<hbm>> -> memref<128x128xf32, #tpu.memory_space<hbm>>
        tpu.wait_dma2 semaphore(%arg20 : memref<!tpu.dma_semaphore, #tpu.memory_space<semaphore_mem>>) src(%dma_wait3A_323 : memref<128x128xf32, #tpu.memory_space<hbm>>) dst(%arg15 : memref<128x128xf32, #tpu.memory_space<vmem>>)
      } else {
      }
      %add3A_287 = arith.constant 1 : i32
      %add3A_288 = arith.addi %add3A_280, %add3A_287 : i32
      %lt3A_289 = arith.cmpi slt, %add3A_288, %select_n3A : i32
      %convert_element_type3A_290 = arith.extui %lt3A_289 : i1 to i32
      %cond3A_291 = arith.constant 0 : i32
      %cond3A_292 = arith.cmpi ne, %convert_element_type3A_290, %cond3A_291 : i32
      scf.if %cond3A_292 {
        %dma_wait3A = arith.constant 0 : i32
        %dma_wait3A_293 = arith.constant 0 : i32
        %dma_wait3A_294 = tpu.memref_slice %arg2[%dma_wait3A, %dma_wait3A_293] : memref<1250x128xi32, #tpu.memory_space<hbm>> -> memref<1x128xi32, #tpu.memory_space<hbm>>
        %dma_wait3A_295 = tpu.memref_squeeze %dma_wait3A_294 : memref<1x128xi32, #tpu.memory_space<hbm>> -> memref<128xi32, #tpu.memory_space<hbm>>
        %dma_wait3A_296 = arith.constant 0 : i32
        %dma_wait3A_297 = tpu.memref_slice %arg2[%dma_wait3A, %dma_wait3A_296] : memref<1250x128xi32, #tpu.memory_space<hbm>> -> memref<1x128xi32, #tpu.memory_space<hbm>>
        %dma_wait3A_298 = tpu.memref_squeeze %dma_wait3A_297 : memref<1x128xi32, #tpu.memory_space<hbm>> -> memref<128xi32, #tpu.memory_space<hbm>>
        tpu.wait_dma2 semaphore(%arg19 : memref<!tpu.dma_semaphore, #tpu.memory_space<semaphore_mem>>) src(%dma_wait3A_298 : memref<128xi32, #tpu.memory_space<hbm>>) dst(%arg12 : memref<128xi32, #tpu.memory_space<vmem>>)
        %mul3A_299 = arith.constant 32 : i32
        %mul3A_300 = arith.muli %add3A_288, %mul3A_299 : i32
        %add3A_301 = arith.addi %add3A, %mul3A_300 : i32
        %mul3A_302 = arith.constant 128 : i32
        %mul3A_303 = arith.muli %add3A_301, %mul3A_302 : i32
        %dma_start3A_304 = arith.constant 0 : i32
        %dma_start3A_305 = tpu.memref_slice %arg5[%mul3A_303, %dma_start3A_304] : memref<160000x128xf32, #tpu.memory_space<hbm>> -> memref<128x128xf32, #tpu.memory_space<hbm>>
        %dma_start3A_306 = arith.constant 0 : i32
        %dma_start3A_307 = tpu.memref_slice %arg5[%mul3A_303, %dma_start3A_306] : memref<160000x128xf32, #tpu.memory_space<hbm>> -> memref<128x128xf32, #tpu.memory_space<hbm>>
        tpu.enqueue_dma source(%dma_start3A_307 : memref<128x128xf32, #tpu.memory_space<hbm>>) target(%arg16 : memref<128x128xf32, #tpu.memory_space<vmem>>) target_semaphore(%arg21 : memref<!tpu.dma_semaphore, #tpu.memory_space<semaphore_mem>>)
        %ge3A = arith.constant 1 : i32
        %ge3A_308 = arith.cmpi sge, %add3A_288, %ge3A : i32
        %convert_element_type3A_309 = arith.extui %ge3A_308 : i1 to i32
        %cond3A_310 = arith.constant 0 : i32
        %cond3A_311 = arith.cmpi ne, %convert_element_type3A_309, %cond3A_310 : i32
        scf.if %cond3A_311 {
          "tpu.region"() ({
            %run_scoped3A = tpu.sem_alloc : memref<!tpu.dma_semaphore, #tpu.memory_space<semaphore_mem>>
            %dma_start3A_324 = arith.constant 0 : i32
            %dma_start3A_325 = arith.constant 0 : i32
            %dma_start3A_326 = tpu.memref_slice %arg17[%dma_start3A_324, %dma_start3A_325] : memref<10000x128xf32, #tpu.memory_space<vmem_shared>> -> memref<10000x128xf32, #tpu.memory_space<vmem_shared>>
            tpu.enqueue_indirect_dma source(%arg15 : memref<128x128xf32, #tpu.memory_space<vmem>>) target(%dma_start3A_326 : memref<10000x128xf32, #tpu.memory_space<vmem_shared>>) offsets(%arg11 : memref<128xi32, #tpu.memory_space<vmem>>) semaphore(%run_scoped3A : memref<!tpu.dma_semaphore, #tpu.memory_space<semaphore_mem>>) {add = true}
            %dma_wait3A_327 = arith.constant 0 : i32
            %dma_wait3A_328 = arith.constant 0 : i32
            %dma_wait3A_329 = tpu.memref_slice %arg17[%dma_wait3A_327, %dma_wait3A_328] : memref<10000x128xf32, #tpu.memory_space<vmem_shared>> -> memref<10000x128xf32, #tpu.memory_space<vmem_shared>>
            tpu.wait_indirect_dma semaphore(%run_scoped3A : memref<!tpu.dma_semaphore, #tpu.memory_space<semaphore_mem>>) src(%arg15 : memref<128x128xf32, #tpu.memory_space<vmem>>) dst(%dma_wait3A_329 : memref<10000x128xf32, #tpu.memory_space<vmem_shared>>)
            tpu.yield
          }) : () -> ()
        } else {
        }
        %add3A_312 = arith.constant 1 : i32
        %add3A_313 = arith.addi %add3A_288, %add3A_312 : i32
        %lt3A_314 = arith.cmpi slt, %add3A_313, %select_n3A : i32
        %convert_element_type3A_315 = arith.extui %lt3A_314 : i1 to i32
        %cond3A_316 = arith.constant 0 : i32
        %cond3A_317 = arith.cmpi ne, %convert_element_type3A_315, %cond3A_316 : i32
        scf.if %cond3A_317 {
          %add3A_324 = arith.constant 1 : i32
          %add3A_325 = arith.addi %add3A_288, %add3A_324 : i32
          %mul3A_326 = arith.constant 32 : i32
          %mul3A_327 = arith.muli %add3A_325, %mul3A_326 : i32
          %add3A_328 = arith.addi %add3A, %mul3A_327 : i32
          %dma_start3A_329 = arith.constant 0 : i32
          %dma_start3A_330 = tpu.memref_slice %arg2[%add3A_328, %dma_start3A_329] : memref<1250x128xi32, #tpu.memory_space<hbm>> -> memref<1x128xi32, #tpu.memory_space<hbm>>
          %dma_start3A_331 = tpu.memref_squeeze %dma_start3A_330 : memref<1x128xi32, #tpu.memory_space<hbm>> -> memref<128xi32, #tpu.memory_space<hbm>>
          %dma_start3A_332 = arith.constant 0 : i32
          %dma_start3A_333 = tpu.memref_slice %arg2[%add3A_328, %dma_start3A_332] : memref<1250x128xi32, #tpu.memory_space<hbm>> -> memref<1x128xi32, #tpu.memory_space<hbm>>
          %dma_start3A_334 = tpu.memref_squeeze %dma_start3A_333 : memref<1x128xi32, #tpu.memory_space<hbm>> -> memref<128xi32, #tpu.memory_space<hbm>>
          tpu.enqueue_dma source(%dma_start3A_334 : memref<128xi32, #tpu.memory_space<hbm>>) target(%arg11 : memref<128xi32, #tpu.memory_space<vmem>>) target_semaphore(%arg18 : memref<!tpu.dma_semaphore, #tpu.memory_space<semaphore_mem>>)
        } else {
        }
        %dma_wait3A_318 = arith.constant 0 : i32
        %dma_wait3A_319 = arith.constant 0 : i32
        %dma_wait3A_320 = tpu.memref_slice %arg5[%dma_wait3A_318, %dma_wait3A_319] : memref<160000x128xf32, #tpu.memory_space<hbm>> -> memref<128x128xf32, #tpu.memory_space<hbm>>
        %dma_wait3A_321 = arith.constant 0 : i32
        %dma_wait3A_322 = arith.constant 0 : i32
        %dma_wait3A_323 = tpu.memref_slice %arg5[%dma_wait3A_321, %dma_wait3A_322] : memref<160000x128xf32, #tpu.memory_space<hbm>> -> memref<128x128xf32, #tpu.memory_space<hbm>>
        tpu.wait_dma2 semaphore(%arg21 : memref<!tpu.dma_semaphore, #tpu.memory_space<semaphore_mem>>) src(%dma_wait3A_323 : memref<128x128xf32, #tpu.memory_space<hbm>>) dst(%arg16 : memref<128x128xf32, #tpu.memory_space<vmem>>)
      } else {
      }
    }
    %scan3A_121 = arith.constant 20 : i32
    %jit3A_122 = arith.constant 2 : i32
    %eq3A_123 = arith.constant 0 : i32
    %eq3A_124 = arith.cmpi eq, %jit3A_122, %eq3A_123 : i32
    %jit3A_125 = arith.constant 1 : i32
    %select_n3A_126 = arith.select %eq3A_124, %jit3A_125, %jit3A_122 : i32
    %rem3A_127 = arith.remsi %select_n3A, %select_n3A_126 : i32
    %ne3A_128 = arith.constant 0 : i32
    %ne3A_129 = arith.cmpi ne, %rem3A_127, %ne3A_128 : i32
    %lt3A_130 = arith.constant 0 : i32
    %lt3A_131 = arith.cmpi slt, %rem3A_127, %lt3A_130 : i32
    %lt3A_132 = arith.constant 0 : i32
    %lt3A_133 = arith.cmpi slt, %select_n3A_126, %lt3A_132 : i32
    %ne3A_134 = arith.xori %lt3A_131, %lt3A_133 : i1
    %and3A_135 = arith.andi %ne3A_134, %ne3A_129 : i1
    %add3A_136 = arith.addi %rem3A_127, %select_n3A_126 : i32
    %select_n3A_137 = arith.select %and3A_135, %add3A_136, %rem3A_127 : i32
    %eq3A_138 = arith.constant 1 : i32
    %eq3A_139 = arith.cmpi eq, %select_n3A_137, %eq3A_138 : i32
    %convert_element_type3A_140 = arith.extui %eq3A_139 : i1 to i32
    %cond3A_141 = arith.constant 0 : i32
    %cond3A_142 = arith.cmpi ne, %convert_element_type3A_140, %cond3A_141 : i32
    scf.if %cond3A_142 {
      "tpu.region"() ({
        %run_scoped3A = tpu.sem_alloc : memref<!tpu.dma_semaphore, #tpu.memory_space<semaphore_mem>>
        %dma_start3A_276 = arith.constant 0 : i32
        %dma_start3A_277 = arith.constant 0 : i32
        %dma_start3A_278 = tpu.memref_slice %arg17[%dma_start3A_276, %dma_start3A_277] : memref<10000x128xf32, #tpu.memory_space<vmem_shared>> -> memref<10000x128xf32, #tpu.memory_space<vmem_shared>>
        tpu.enqueue_indirect_dma source(%arg15 : memref<128x128xf32, #tpu.memory_space<vmem>>) target(%dma_start3A_278 : memref<10000x128xf32, #tpu.memory_space<vmem_shared>>) offsets(%arg11 : memref<128xi32, #tpu.memory_space<vmem>>) semaphore(%run_scoped3A : memref<!tpu.dma_semaphore, #tpu.memory_space<semaphore_mem>>) {add = true}
        %dma_wait3A = arith.constant 0 : i32
        %dma_wait3A_279 = arith.constant 0 : i32
        %dma_wait3A_280 = tpu.memref_slice %arg17[%dma_wait3A, %dma_wait3A_279] : memref<10000x128xf32, #tpu.memory_space<vmem_shared>> -> memref<10000x128xf32, #tpu.memory_space<vmem_shared>>
        tpu.wait_indirect_dma semaphore(%run_scoped3A : memref<!tpu.dma_semaphore, #tpu.memory_space<semaphore_mem>>) src(%arg15 : memref<128x128xf32, #tpu.memory_space<vmem>>) dst(%dma_wait3A_280 : memref<10000x128xf32, #tpu.memory_space<vmem_shared>>)
        tpu.yield
      }) : () -> ()
    } else {
    }
    %jit3A_143 = arith.constant 2 : i32
    %eq3A_144 = arith.constant 0 : i32
    %eq3A_145 = arith.cmpi eq, %jit3A_143, %eq3A_144 : i32
    %jit3A_146 = arith.constant 1 : i32
    %select_n3A_147 = arith.select %eq3A_145, %jit3A_146, %jit3A_143 : i32
    %rem3A_148 = arith.remsi %select_n3A, %select_n3A_147 : i32
    %ne3A_149 = arith.constant 0 : i32
    %ne3A_150 = arith.cmpi ne, %rem3A_148, %ne3A_149 : i32
    %lt3A_151 = arith.constant 0 : i32
    %lt3A_152 = arith.cmpi slt, %rem3A_148, %lt3A_151 : i32
    %lt3A_153 = arith.constant 0 : i32
    %lt3A_154 = arith.cmpi slt, %select_n3A_147, %lt3A_153 : i32
    %ne3A_155 = arith.xori %lt3A_152, %lt3A_154 : i1
    %and3A_156 = arith.andi %ne3A_155, %ne3A_150 : i1
    %add3A_157 = arith.addi %rem3A_148, %select_n3A_147 : i32
    %select_n3A_158 = arith.select %and3A_156, %add3A_157, %rem3A_148 : i32
    %eq3A_159 = arith.constant 0 : i32
    %eq3A_160 = arith.cmpi eq, %select_n3A_158, %eq3A_159 : i32
    %convert_element_type3A_161 = arith.extui %eq3A_160 : i1 to i32
    %cond3A_162 = arith.constant 0 : i32
    %cond3A_163 = arith.cmpi ne, %convert_element_type3A_161, %cond3A_162 : i32
    scf.if %cond3A_163 {
      "tpu.region"() ({
        %run_scoped3A = tpu.sem_alloc : memref<!tpu.dma_semaphore, #tpu.memory_space<semaphore_mem>>
        %dma_start3A_276 = arith.constant 0 : i32
        %dma_start3A_277 = arith.constant 0 : i32
        %dma_start3A_278 = tpu.memref_slice %arg17[%dma_start3A_276, %dma_start3A_277] : memref<10000x128xf32, #tpu.memory_space<vmem_shared>> -> memref<10000x128xf32, #tpu.memory_space<vmem_shared>>
        tpu.enqueue_indirect_dma source(%arg16 : memref<128x128xf32, #tpu.memory_space<vmem>>) target(%dma_start3A_278 : memref<10000x128xf32, #tpu.memory_space<vmem_shared>>) offsets(%arg12 : memref<128xi32, #tpu.memory_space<vmem>>) semaphore(%run_scoped3A : memref<!tpu.dma_semaphore, #tpu.memory_space<semaphore_mem>>) {add = true}
        %dma_wait3A = arith.constant 0 : i32
        %dma_wait3A_279 = arith.constant 0 : i32
        %dma_wait3A_280 = tpu.memref_slice %arg17[%dma_wait3A, %dma_wait3A_279] : memref<10000x128xf32, #tpu.memory_space<vmem_shared>> -> memref<10000x128xf32, #tpu.memory_space<vmem_shared>>
        tpu.wait_indirect_dma semaphore(%run_scoped3A : memref<!tpu.dma_semaphore, #tpu.memory_space<semaphore_mem>>) src(%arg16 : memref<128x128xf32, #tpu.memory_space<vmem>>) dst(%dma_wait3A_280 : memref<10000x128xf32, #tpu.memory_space<vmem_shared>>)
        tpu.yield
      }) : () -> ()
    } else {
    }
    %barrier3A_164 = arith.constant 0 : index
    tpu.barrier barrier_id(%barrier3A_164)
    %sub3A_165 = arith.constant 125 : i32
    %sub3A_166 = arith.subi %sub3A_165, %arg1 : i32
    %sub3A_167 = arith.constant 16 : i32
    %sub3A_168 = arith.constant 1 : i32
    %sub3A_169 = arith.subi %sub3A_167, %sub3A_168 : i32
    %add3A_170 = arith.addi %sub3A_166, %sub3A_169 : i32
    %div3A_171 = arith.constant 16 : i32
    %div3A_172 = arith.divsi %add3A_170, %div3A_171 : i32
    %while3A_173 = arith.constant 16 : i32
    %while3A_174 = arith.constant 0 : i32
    %while3A_175 = arith.subi %div3A_172, %while3A_174 : i32
    %while3A_176 = arith.addi %while3A_174, %while3A_175 : i32
    %while3A_177 = arith.constant 1 : i32
    %while3A_178 = arith.divsi %while3A_175, %while3A_177 : i32
    %while3A_179 = arith.muli %while3A_178, %while3A_177 : i32
    %while3A_180 = arith.addi %while3A_174, %while3A_179 : i32
    %while3A_181 = arith.constant 1 : i32
    scf.for %while3A_276 = %while3A_174 to %while3A_180 step %while3A_181  : i32 {
      %mul3A_277 = arith.muli %while3A_276, %while3A_173 : i32
      %add3A_278 = arith.addi %arg1, %mul3A_277 : i32
      %mul3A_279 = arith.constant 80 : i32
      %mul3A_280 = arith.muli %add3A_278, %mul3A_279 : i32
      %mul3A_281 = arith.constant 80 : i32
      %mul3A_282 = arith.muli %add3A_278, %mul3A_281 : i32
      "tpu.region"() ({
        %run_scoped3A = tpu.sem_alloc : memref<!tpu.dma_semaphore, #tpu.memory_space<semaphore_mem>>
        %dma_start3A_283 = arith.constant 0 : i32
        %dma_start3A_284 = arith.constant 0 : i32
        %dma_start3A_285 = tpu.memref_slice %arg9[%arg0, %dma_start3A_283, %dma_start3A_284] : memref<2x10000x128xf32, #tpu.memory_space<hbm>> -> memref<1x10000x128xf32, #tpu.memory_space<hbm>>
        %dma_start3A_286 = tpu.memref_squeeze %dma_start3A_285 : memref<1x10000x128xf32, #tpu.memory_space<hbm>> -> memref<10000x128xf32, #tpu.memory_space<hbm>>
        %dma_start3A_287 = arith.constant 0 : i32
        %dma_start3A_288 = tpu.memref_slice %dma_start3A_286[%mul3A_282, %dma_start3A_287] : memref<10000x128xf32, #tpu.memory_space<hbm>> -> memref<80x128xf32, #tpu.memory_space<hbm>>
        %dma_start3A_289 = arith.constant 0 : i32
        %dma_start3A_290 = tpu.memref_slice %arg17[%mul3A_280, %dma_start3A_289] : memref<10000x128xf32, #tpu.memory_space<vmem_shared>> -> memref<80x128xf32, #tpu.memory_space<vmem_shared>>
        tpu.enqueue_dma source(%dma_start3A_290 : memref<80x128xf32, #tpu.memory_space<vmem_shared>>) target(%dma_start3A_288 : memref<80x128xf32, #tpu.memory_space<hbm>>) target_semaphore(%run_scoped3A : memref<!tpu.dma_semaphore, #tpu.memory_space<semaphore_mem>>)
        %dma_wait3A = arith.constant 0 : i32
        %dma_wait3A_291 = arith.constant 0 : i32
        %dma_wait3A_292 = tpu.memref_slice %arg9[%arg0, %dma_wait3A, %dma_wait3A_291] : memref<2x10000x128xf32, #tpu.memory_space<hbm>> -> memref<1x10000x128xf32, #tpu.memory_space<hbm>>
        %dma_wait3A_293 = tpu.memref_squeeze %dma_wait3A_292 : memref<1x10000x128xf32, #tpu.memory_space<hbm>> -> memref<10000x128xf32, #tpu.memory_space<hbm>>
        %dma_wait3A_294 = arith.constant 0 : i32
        %dma_wait3A_295 = tpu.memref_slice %dma_wait3A_293[%mul3A_282, %dma_wait3A_294] : memref<10000x128xf32, #tpu.memory_space<hbm>> -> memref<80x128xf32, #tpu.memory_space<hbm>>
        %dma_wait3A_296 = arith.constant 0 : i32
        %dma_wait3A_297 = tpu.memref_slice %arg17[%mul3A_280, %dma_wait3A_296] : memref<10000x128xf32, #tpu.memory_space<vmem_shared>> -> memref<80x128xf32, #tpu.memory_space<vmem_shared>>
        tpu.wait_dma2 semaphore(%run_scoped3A : memref<!tpu.dma_semaphore, #tpu.memory_space<semaphore_mem>>) src(%dma_wait3A_297 : memref<80x128xf32, #tpu.memory_space<vmem_shared>>) dst(%dma_wait3A_295 : memref<80x128xf32, #tpu.memory_space<hbm>>)
        tpu.yield
      }) : () -> ()
    }
    %while3A_182 = arith.constant 1 : i32
    scf.for %while3A_276 = %while3A_180 to %while3A_176 step %while3A_182  : i32 {
      %mul3A_277 = arith.muli %while3A_276, %while3A_173 : i32
      %add3A_278 = arith.addi %arg1, %mul3A_277 : i32
      %mul3A_279 = arith.constant 80 : i32
      %mul3A_280 = arith.muli %add3A_278, %mul3A_279 : i32
      %mul3A_281 = arith.constant 80 : i32
      %mul3A_282 = arith.muli %add3A_278, %mul3A_281 : i32
      "tpu.region"() ({
        %run_scoped3A = tpu.sem_alloc : memref<!tpu.dma_semaphore, #tpu.memory_space<semaphore_mem>>
        %dma_start3A_283 = arith.constant 0 : i32
        %dma_start3A_284 = arith.constant 0 : i32
        %dma_start3A_285 = tpu.memref_slice %arg9[%arg0, %dma_start3A_283, %dma_start3A_284] : memref<2x10000x128xf32, #tpu.memory_space<hbm>> -> memref<1x10000x128xf32, #tpu.memory_space<hbm>>
        %dma_start3A_286 = tpu.memref_squeeze %dma_start3A_285 : memref<1x10000x128xf32, #tpu.memory_space<hbm>> -> memref<10000x128xf32, #tpu.memory_space<hbm>>
        %dma_start3A_287 = arith.constant 0 : i32
        %dma_start3A_288 = tpu.memref_slice %dma_start3A_286[%mul3A_282, %dma_start3A_287] : memref<10000x128xf32, #tpu.memory_space<hbm>> -> memref<80x128xf32, #tpu.memory_space<hbm>>
        %dma_start3A_289 = arith.constant 0 : i32
        %dma_start3A_290 = tpu.memref_slice %arg17[%mul3A_280, %dma_start3A_289] : memref<10000x128xf32, #tpu.memory_space<vmem_shared>> -> memref<80x128xf32, #tpu.memory_space<vmem_shared>>
        tpu.enqueue_dma source(%dma_start3A_290 : memref<80x128xf32, #tpu.memory_space<vmem_shared>>) target(%dma_start3A_288 : memref<80x128xf32, #tpu.memory_space<hbm>>) target_semaphore(%run_scoped3A : memref<!tpu.dma_semaphore, #tpu.memory_space<semaphore_mem>>)
        %dma_wait3A = arith.constant 0 : i32
        %dma_wait3A_291 = arith.constant 0 : i32
        %dma_wait3A_292 = tpu.memref_slice %arg9[%arg0, %dma_wait3A, %dma_wait3A_291] : memref<2x10000x128xf32, #tpu.memory_space<hbm>> -> memref<1x10000x128xf32, #tpu.memory_space<hbm>>
        %dma_wait3A_293 = tpu.memref_squeeze %dma_wait3A_292 : memref<1x10000x128xf32, #tpu.memory_space<hbm>> -> memref<10000x128xf32, #tpu.memory_space<hbm>>
        %dma_wait3A_294 = arith.constant 0 : i32
        %dma_wait3A_295 = tpu.memref_slice %dma_wait3A_293[%mul3A_282, %dma_wait3A_294] : memref<10000x128xf32, #tpu.memory_space<hbm>> -> memref<80x128xf32, #tpu.memory_space<hbm>>
        %dma_wait3A_296 = arith.constant 0 : i32
        %dma_wait3A_297 = tpu.memref_slice %arg17[%mul3A_280, %dma_wait3A_296] : memref<10000x128xf32, #tpu.memory_space<vmem_shared>> -> memref<80x128xf32, #tpu.memory_space<vmem_shared>>
        tpu.wait_dma2 semaphore(%run_scoped3A : memref<!tpu.dma_semaphore, #tpu.memory_space<semaphore_mem>>) src(%dma_wait3A_297 : memref<80x128xf32, #tpu.memory_space<vmem_shared>>) dst(%dma_wait3A_295 : memref<80x128xf32, #tpu.memory_space<hbm>>)
        tpu.yield
      }) : () -> ()
    }
    "tpu.region"() ({
      %run_scoped3A = tpu.sem_alloc : memref<!tpu.dma_semaphore, #tpu.memory_space<semaphore_mem>>
      tpu.enqueue_dma source(%arg6 : memref<128x128xf32, #tpu.memory_space<hbm>>) target(%arg16 : memref<128x128xf32, #tpu.memory_space<vmem>>) target_semaphore(%run_scoped3A : memref<!tpu.dma_semaphore, #tpu.memory_space<semaphore_mem>>)
      tpu.wait_dma2 semaphore(%run_scoped3A : memref<!tpu.dma_semaphore, #tpu.memory_space<semaphore_mem>>) src(%arg6 : memref<128x128xf32, #tpu.memory_space<hbm>>) dst(%arg16 : memref<128x128xf32, #tpu.memory_space<vmem>>)
      tpu.yield
    }) : () -> ()
    %sub3A_183 = arith.constant 125 : i32
    %sub3A_184 = arith.subi %sub3A_183, %arg1 : i32
    %sub3A_185 = arith.constant 16 : i32
    %sub3A_186 = arith.constant 1 : i32
    %sub3A_187 = arith.subi %sub3A_185, %sub3A_186 : i32
    %add3A_188 = arith.addi %sub3A_184, %sub3A_187 : i32
    %div3A_189 = arith.constant 16 : i32
    %div3A_190 = arith.divsi %add3A_188, %div3A_189 : i32
    %while3A_191 = arith.constant 16 : i32
    %while3A_192 = arith.constant 0 : i32
    %while3A_193 = arith.subi %div3A_190, %while3A_192 : i32
    %while3A_194 = arith.addi %while3A_192, %while3A_193 : i32
    %while3A_195 = arith.constant 1 : i32
    %while3A_196 = arith.divsi %while3A_193, %while3A_195 : i32
    %while3A_197 = arith.muli %while3A_196, %while3A_195 : i32
    %while3A_198 = arith.addi %while3A_192, %while3A_197 : i32
    %while3A_199 = arith.constant 1 : i32
    scf.for %while3A_276 = %while3A_192 to %while3A_198 step %while3A_199  : i32 {
      %mul3A_277 = arith.muli %while3A_276, %while3A_191 : i32
      %add3A_278 = arith.addi %arg1, %mul3A_277 : i32
      %mul3A_279 = arith.constant 80 : i32
      %mul3A_280 = arith.muli %add3A_278, %mul3A_279 : i32
      "tpu.region"() ({
        %run_scoped3A = tpu.sem_alloc : memref<!tpu.dma_semaphore, #tpu.memory_space<semaphore_mem>>
        %dma_start3A_281 = arith.constant 0 : i32
        %dma_start3A_282 = arith.constant 0 : i32
        %dma_start3A_283 = tpu.memref_slice %arg16[%dma_start3A_281, %dma_start3A_282] : memref<128x128xf32, #tpu.memory_space<vmem>> -> memref<80x128xf32, #tpu.memory_space<vmem>>
        %dma_start3A_284 = arith.constant 0 : i32
        %dma_start3A_285 = tpu.memref_slice %arg17[%mul3A_280, %dma_start3A_284] : memref<10000x128xf32, #tpu.memory_space<vmem_shared>> -> memref<80x128xf32, #tpu.memory_space<vmem_shared>>
        %dma_start3A_286 = arith.constant 0 : i32
        %dma_start3A_287 = tpu.memref_slice %arg17[%mul3A_280, %dma_start3A_286] : memref<10000x128xf32, #tpu.memory_space<vmem_shared>> -> memref<80x128xf32, #tpu.memory_space<vmem_shared>>
        %dma_start3A_288 = arith.constant 0 : i32
        %dma_start3A_289 = arith.constant 0 : i32
        %dma_start3A_290 = tpu.memref_slice %arg16[%dma_start3A_288, %dma_start3A_289] : memref<128x128xf32, #tpu.memory_space<vmem>> -> memref<80x128xf32, #tpu.memory_space<vmem>>
        tpu.enqueue_dma source(%dma_start3A_290 : memref<80x128xf32, #tpu.memory_space<vmem>>) target(%dma_start3A_287 : memref<80x128xf32, #tpu.memory_space<vmem_shared>>) target_semaphore(%run_scoped3A : memref<!tpu.dma_semaphore, #tpu.memory_space<semaphore_mem>>)
        %dma_wait3A = arith.constant 0 : i32
        %dma_wait3A_291 = arith.constant 0 : i32
        %dma_wait3A_292 = tpu.memref_slice %arg16[%dma_wait3A, %dma_wait3A_291] : memref<128x128xf32, #tpu.memory_space<vmem>> -> memref<80x128xf32, #tpu.memory_space<vmem>>
        %dma_wait3A_293 = arith.constant 0 : i32
        %dma_wait3A_294 = tpu.memref_slice %arg17[%mul3A_280, %dma_wait3A_293] : memref<10000x128xf32, #tpu.memory_space<vmem_shared>> -> memref<80x128xf32, #tpu.memory_space<vmem_shared>>
        %dma_wait3A_295 = arith.constant 0 : i32
        %dma_wait3A_296 = tpu.memref_slice %arg17[%mul3A_280, %dma_wait3A_295] : memref<10000x128xf32, #tpu.memory_space<vmem_shared>> -> memref<80x128xf32, #tpu.memory_space<vmem_shared>>
        %dma_wait3A_297 = arith.constant 0 : i32
        %dma_wait3A_298 = arith.constant 0 : i32
        %dma_wait3A_299 = tpu.memref_slice %arg16[%dma_wait3A_297, %dma_wait3A_298] : memref<128x128xf32, #tpu.memory_space<vmem>> -> memref<80x128xf32, #tpu.memory_space<vmem>>
        tpu.wait_dma2 semaphore(%run_scoped3A : memref<!tpu.dma_semaphore, #tpu.memory_space<semaphore_mem>>) src(%dma_wait3A_299 : memref<80x128xf32, #tpu.memory_space<vmem>>) dst(%dma_wait3A_296 : memref<80x128xf32, #tpu.memory_space<vmem_shared>>)
        tpu.yield
      }) : () -> ()
    }
    %while3A_200 = arith.constant 1 : i32
    scf.for %while3A_276 = %while3A_198 to %while3A_194 step %while3A_200  : i32 {
      %mul3A_277 = arith.muli %while3A_276, %while3A_191 : i32
      %add3A_278 = arith.addi %arg1, %mul3A_277 : i32
      %mul3A_279 = arith.constant 80 : i32
      %mul3A_280 = arith.muli %add3A_278, %mul3A_279 : i32
      "tpu.region"() ({
        %run_scoped3A = tpu.sem_alloc : memref<!tpu.dma_semaphore, #tpu.memory_space<semaphore_mem>>
        %dma_start3A_281 = arith.constant 0 : i32
        %dma_start3A_282 = arith.constant 0 : i32
        %dma_start3A_283 = tpu.memref_slice %arg16[%dma_start3A_281, %dma_start3A_282] : memref<128x128xf32, #tpu.memory_space<vmem>> -> memref<80x128xf32, #tpu.memory_space<vmem>>
        %dma_start3A_284 = arith.constant 0 : i32
        %dma_start3A_285 = tpu.memref_slice %arg17[%mul3A_280, %dma_start3A_284] : memref<10000x128xf32, #tpu.memory_space<vmem_shared>> -> memref<80x128xf32, #tpu.memory_space<vmem_shared>>
        %dma_start3A_286 = arith.constant 0 : i32
        %dma_start3A_287 = tpu.memref_slice %arg17[%mul3A_280, %dma_start3A_286] : memref<10000x128xf32, #tpu.memory_space<vmem_shared>> -> memref<80x128xf32, #tpu.memory_space<vmem_shared>>
        %dma_start3A_288 = arith.constant 0 : i32
        %dma_start3A_289 = arith.constant 0 : i32
        %dma_start3A_290 = tpu.memref_slice %arg16[%dma_start3A_288, %dma_start3A_289] : memref<128x128xf32, #tpu.memory_space<vmem>> -> memref<80x128xf32, #tpu.memory_space<vmem>>
        tpu.enqueue_dma source(%dma_start3A_290 : memref<80x128xf32, #tpu.memory_space<vmem>>) target(%dma_start3A_287 : memref<80x128xf32, #tpu.memory_space<vmem_shared>>) target_semaphore(%run_scoped3A : memref<!tpu.dma_semaphore, #tpu.memory_space<semaphore_mem>>)
        %dma_wait3A = arith.constant 0 : i32
        %dma_wait3A_291 = arith.constant 0 : i32
        %dma_wait3A_292 = tpu.memref_slice %arg16[%dma_wait3A, %dma_wait3A_291] : memref<128x128xf32, #tpu.memory_space<vmem>> -> memref<80x128xf32, #tpu.memory_space<vmem>>
        %dma_wait3A_293 = arith.constant 0 : i32
        %dma_wait3A_294 = tpu.memref_slice %arg17[%mul3A_280, %dma_wait3A_293] : memref<10000x128xf32, #tpu.memory_space<vmem_shared>> -> memref<80x128xf32, #tpu.memory_space<vmem_shared>>
        %dma_wait3A_295 = arith.constant 0 : i32
        %dma_wait3A_296 = tpu.memref_slice %arg17[%mul3A_280, %dma_wait3A_295] : memref<10000x128xf32, #tpu.memory_space<vmem_shared>> -> memref<80x128xf32, #tpu.memory_space<vmem_shared>>
        %dma_wait3A_297 = arith.constant 0 : i32
        %dma_wait3A_298 = arith.constant 0 : i32
        %dma_wait3A_299 = tpu.memref_slice %arg16[%dma_wait3A_297, %dma_wait3A_298] : memref<128x128xf32, #tpu.memory_space<vmem>> -> memref<80x128xf32, #tpu.memory_space<vmem>>
        tpu.wait_dma2 semaphore(%run_scoped3A : memref<!tpu.dma_semaphore, #tpu.memory_space<semaphore_mem>>) src(%dma_wait3A_299 : memref<80x128xf32, #tpu.memory_space<vmem>>) dst(%dma_wait3A_296 : memref<80x128xf32, #tpu.memory_space<vmem_shared>>)
        tpu.yield
      }) : () -> ()
    }
    "tpu.region"() ({
      %run_scoped3A = tpu.sem_alloc : memref<!tpu.dma_semaphore, #tpu.memory_space<semaphore_mem>>
      tpu.enqueue_dma source(%arg7 : memref<128x128xf32, #tpu.memory_space<hbm>>) target(%arg15 : memref<128x128xf32, #tpu.memory_space<vmem>>) target_semaphore(%run_scoped3A : memref<!tpu.dma_semaphore, #tpu.memory_space<semaphore_mem>>)
      tpu.wait_dma2 semaphore(%run_scoped3A : memref<!tpu.dma_semaphore, #tpu.memory_space<semaphore_mem>>) src(%arg7 : memref<128x128xf32, #tpu.memory_space<hbm>>) dst(%arg15 : memref<128x128xf32, #tpu.memory_space<vmem>>)
      tpu.yield
    }) : () -> ()
    %barrier3A_201 = arith.constant 0 : index
    tpu.barrier barrier_id(%barrier3A_201)
    %add3A_202 = arith.constant 0 : i32
    %add3A_203 = arith.addi %add3A, %add3A_202 : i32
    %dma_start3A_204 = arith.constant 0 : i32
    %dma_start3A_205 = tpu.memref_slice %arg2[%add3A_203, %dma_start3A_204] : memref<1250x128xi32, #tpu.memory_space<hbm>> -> memref<1x128xi32, #tpu.memory_space<hbm>>
    %dma_start3A_206 = tpu.memref_squeeze %dma_start3A_205 : memref<1x128xi32, #tpu.memory_space<hbm>> -> memref<128xi32, #tpu.memory_space<hbm>>
    %dma_start3A_207 = arith.constant 0 : i32
    %dma_start3A_208 = tpu.memref_slice %arg2[%add3A_203, %dma_start3A_207] : memref<1250x128xi32, #tpu.memory_space<hbm>> -> memref<1x128xi32, #tpu.memory_space<hbm>>
    %dma_start3A_209 = tpu.memref_squeeze %dma_start3A_208 : memref<1x128xi32, #tpu.memory_space<hbm>> -> memref<128xi32, #tpu.memory_space<hbm>>
    tpu.enqueue_dma source(%dma_start3A_209 : memref<128xi32, #tpu.memory_space<hbm>>) target(%arg11 : memref<128xi32, #tpu.memory_space<vmem>>) target_semaphore(%arg18 : memref<!tpu.dma_semaphore, #tpu.memory_space<semaphore_mem>>)
    %scan3A_210 = arith.constant 0 : i32
    %scan3A_211 = arith.constant 20 : i32
    %scan3A_212 = arith.addi %scan3A_210, %scan3A_211 : i32
    %scan3A_213 = arith.constant 1 : i32
    scf.for %scan3A_276 = %scan3A_210 to %scan3A_212 step %scan3A_213  : i32 {
      %mul3A_277 = arith.constant 2 : i32
      %mul3A_278 = arith.muli %scan3A_276, %mul3A_277 : i32
      %add3A_279 = arith.constant 0 : i32
      %add3A_280 = arith.addi %add3A_279, %mul3A_278 : i32
      %add3A_281 = arith.constant 0 : i32
      %add3A_282 = arith.addi %add3A_280, %add3A_281 : i32
      %lt3A_283 = arith.cmpi slt, %add3A_282, %select_n3A : i32
      %convert_element_type3A_284 = arith.extui %lt3A_283 : i1 to i32
      %cond3A_285 = arith.constant 0 : i32
      %cond3A_286 = arith.cmpi ne, %convert_element_type3A_284, %cond3A_285 : i32
      scf.if %cond3A_286 {
        %dma_wait3A = arith.constant 0 : i32
        %dma_wait3A_293 = arith.constant 0 : i32
        %dma_wait3A_294 = tpu.memref_slice %arg2[%dma_wait3A, %dma_wait3A_293] : memref<1250x128xi32, #tpu.memory_space<hbm>> -> memref<1x128xi32, #tpu.memory_space<hbm>>
        %dma_wait3A_295 = tpu.memref_squeeze %dma_wait3A_294 : memref<1x128xi32, #tpu.memory_space<hbm>> -> memref<128xi32, #tpu.memory_space<hbm>>
        %dma_wait3A_296 = arith.constant 0 : i32
        %dma_wait3A_297 = tpu.memref_slice %arg2[%dma_wait3A, %dma_wait3A_296] : memref<1250x128xi32, #tpu.memory_space<hbm>> -> memref<1x128xi32, #tpu.memory_space<hbm>>
        %dma_wait3A_298 = tpu.memref_squeeze %dma_wait3A_297 : memref<1x128xi32, #tpu.memory_space<hbm>> -> memref<128xi32, #tpu.memory_space<hbm>>
        tpu.wait_dma2 semaphore(%arg18 : memref<!tpu.dma_semaphore, #tpu.memory_space<semaphore_mem>>) src(%dma_wait3A_298 : memref<128xi32, #tpu.memory_space<hbm>>) dst(%arg11 : memref<128xi32, #tpu.memory_space<vmem>>)
        %ge3A = arith.constant 1 : i32
        %ge3A_299 = arith.cmpi sge, %add3A_282, %ge3A : i32
        %convert_element_type3A_300 = arith.extui %ge3A_299 : i1 to i32
        %cond3A_301 = arith.constant 0 : i32
        %cond3A_302 = arith.cmpi ne, %convert_element_type3A_300, %cond3A_301 : i32
        scf.if %cond3A_302 {
          "tpu.region"() ({
            %run_scoped3A = tpu.sem_alloc : memref<!tpu.dma_semaphore, #tpu.memory_space<semaphore_mem>>
            %dma_start3A_309 = arith.constant 0 : i32
            %dma_start3A_310 = arith.constant 0 : i32
            %dma_start3A_311 = tpu.memref_slice %arg17[%dma_start3A_309, %dma_start3A_310] : memref<10000x128xf32, #tpu.memory_space<vmem_shared>> -> memref<10000x128xf32, #tpu.memory_space<vmem_shared>>
            tpu.enqueue_indirect_dma source(%arg15 : memref<128x128xf32, #tpu.memory_space<vmem>>) target(%dma_start3A_311 : memref<10000x128xf32, #tpu.memory_space<vmem_shared>>) offsets(%arg12 : memref<128xi32, #tpu.memory_space<vmem>>) semaphore(%run_scoped3A : memref<!tpu.dma_semaphore, #tpu.memory_space<semaphore_mem>>) {add = true}
            %dma_wait3A_312 = arith.constant 0 : i32
            %dma_wait3A_313 = arith.constant 0 : i32
            %dma_wait3A_314 = tpu.memref_slice %arg17[%dma_wait3A_312, %dma_wait3A_313] : memref<10000x128xf32, #tpu.memory_space<vmem_shared>> -> memref<10000x128xf32, #tpu.memory_space<vmem_shared>>
            tpu.wait_indirect_dma semaphore(%run_scoped3A : memref<!tpu.dma_semaphore, #tpu.memory_space<semaphore_mem>>) src(%arg15 : memref<128x128xf32, #tpu.memory_space<vmem>>) dst(%dma_wait3A_314 : memref<10000x128xf32, #tpu.memory_space<vmem_shared>>)
            tpu.yield
          }) : () -> ()
        } else {
        }
        %add3A_303 = arith.constant 1 : i32
        %add3A_304 = arith.addi %add3A_282, %add3A_303 : i32
        %lt3A_305 = arith.cmpi slt, %add3A_304, %select_n3A : i32
        %convert_element_type3A_306 = arith.extui %lt3A_305 : i1 to i32
        %cond3A_307 = arith.constant 0 : i32
        %cond3A_308 = arith.cmpi ne, %convert_element_type3A_306, %cond3A_307 : i32
        scf.if %cond3A_308 {
          %add3A_309 = arith.constant 1 : i32
          %add3A_310 = arith.addi %add3A_282, %add3A_309 : i32
          %mul3A_311 = arith.constant 32 : i32
          %mul3A_312 = arith.muli %add3A_310, %mul3A_311 : i32
          %add3A_313 = arith.addi %add3A, %mul3A_312 : i32
          %dma_start3A_314 = arith.constant 0 : i32
          %dma_start3A_315 = tpu.memref_slice %arg2[%add3A_313, %dma_start3A_314] : memref<1250x128xi32, #tpu.memory_space<hbm>> -> memref<1x128xi32, #tpu.memory_space<hbm>>
          %dma_start3A_316 = tpu.memref_squeeze %dma_start3A_315 : memref<1x128xi32, #tpu.memory_space<hbm>> -> memref<128xi32, #tpu.memory_space<hbm>>
          %dma_start3A_317 = arith.constant 0 : i32
          %dma_start3A_318 = tpu.memref_slice %arg2[%add3A_313, %dma_start3A_317] : memref<1250x128xi32, #tpu.memory_space<hbm>> -> memref<1x128xi32, #tpu.memory_space<hbm>>
          %dma_start3A_319 = tpu.memref_squeeze %dma_start3A_318 : memref<1x128xi32, #tpu.memory_space<hbm>> -> memref<128xi32, #tpu.memory_space<hbm>>
          tpu.enqueue_dma source(%dma_start3A_319 : memref<128xi32, #tpu.memory_space<hbm>>) target(%arg12 : memref<128xi32, #tpu.memory_space<vmem>>) target_semaphore(%arg19 : memref<!tpu.dma_semaphore, #tpu.memory_space<semaphore_mem>>)
        } else {
        }
      } else {
      }
      %add3A_287 = arith.constant 1 : i32
      %add3A_288 = arith.addi %add3A_280, %add3A_287 : i32
      %lt3A_289 = arith.cmpi slt, %add3A_288, %select_n3A : i32
      %convert_element_type3A_290 = arith.extui %lt3A_289 : i1 to i32
      %cond3A_291 = arith.constant 0 : i32
      %cond3A_292 = arith.cmpi ne, %convert_element_type3A_290, %cond3A_291 : i32
      scf.if %cond3A_292 {
        %dma_wait3A = arith.constant 0 : i32
        %dma_wait3A_293 = arith.constant 0 : i32
        %dma_wait3A_294 = tpu.memref_slice %arg2[%dma_wait3A, %dma_wait3A_293] : memref<1250x128xi32, #tpu.memory_space<hbm>> -> memref<1x128xi32, #tpu.memory_space<hbm>>
        %dma_wait3A_295 = tpu.memref_squeeze %dma_wait3A_294 : memref<1x128xi32, #tpu.memory_space<hbm>> -> memref<128xi32, #tpu.memory_space<hbm>>
        %dma_wait3A_296 = arith.constant 0 : i32
        %dma_wait3A_297 = tpu.memref_slice %arg2[%dma_wait3A, %dma_wait3A_296] : memref<1250x128xi32, #tpu.memory_space<hbm>> -> memref<1x128xi32, #tpu.memory_space<hbm>>
        %dma_wait3A_298 = tpu.memref_squeeze %dma_wait3A_297 : memref<1x128xi32, #tpu.memory_space<hbm>> -> memref<128xi32, #tpu.memory_space<hbm>>
        tpu.wait_dma2 semaphore(%arg19 : memref<!tpu.dma_semaphore, #tpu.memory_space<semaphore_mem>>) src(%dma_wait3A_298 : memref<128xi32, #tpu.memory_space<hbm>>) dst(%arg12 : memref<128xi32, #tpu.memory_space<vmem>>)
        %ge3A = arith.constant 1 : i32
        %ge3A_299 = arith.cmpi sge, %add3A_288, %ge3A : i32
        %convert_element_type3A_300 = arith.extui %ge3A_299 : i1 to i32
        %cond3A_301 = arith.constant 0 : i32
        %cond3A_302 = arith.cmpi ne, %convert_element_type3A_300, %cond3A_301 : i32
        scf.if %cond3A_302 {
          "tpu.region"() ({
            %run_scoped3A = tpu.sem_alloc : memref<!tpu.dma_semaphore, #tpu.memory_space<semaphore_mem>>
            %dma_start3A_309 = arith.constant 0 : i32
            %dma_start3A_310 = arith.constant 0 : i32
            %dma_start3A_311 = tpu.memref_slice %arg17[%dma_start3A_309, %dma_start3A_310] : memref<10000x128xf32, #tpu.memory_space<vmem_shared>> -> memref<10000x128xf32, #tpu.memory_space<vmem_shared>>
            tpu.enqueue_indirect_dma source(%arg15 : memref<128x128xf32, #tpu.memory_space<vmem>>) target(%dma_start3A_311 : memref<10000x128xf32, #tpu.memory_space<vmem_shared>>) offsets(%arg11 : memref<128xi32, #tpu.memory_space<vmem>>) semaphore(%run_scoped3A : memref<!tpu.dma_semaphore, #tpu.memory_space<semaphore_mem>>) {add = true}
            %dma_wait3A_312 = arith.constant 0 : i32
            %dma_wait3A_313 = arith.constant 0 : i32
            %dma_wait3A_314 = tpu.memref_slice %arg17[%dma_wait3A_312, %dma_wait3A_313] : memref<10000x128xf32, #tpu.memory_space<vmem_shared>> -> memref<10000x128xf32, #tpu.memory_space<vmem_shared>>
            tpu.wait_indirect_dma semaphore(%run_scoped3A : memref<!tpu.dma_semaphore, #tpu.memory_space<semaphore_mem>>) src(%arg15 : memref<128x128xf32, #tpu.memory_space<vmem>>) dst(%dma_wait3A_314 : memref<10000x128xf32, #tpu.memory_space<vmem_shared>>)
            tpu.yield
          }) : () -> ()
        } else {
        }
        %add3A_303 = arith.constant 1 : i32
        %add3A_304 = arith.addi %add3A_288, %add3A_303 : i32
        %lt3A_305 = arith.cmpi slt, %add3A_304, %select_n3A : i32
        %convert_element_type3A_306 = arith.extui %lt3A_305 : i1 to i32
        %cond3A_307 = arith.constant 0 : i32
        %cond3A_308 = arith.cmpi ne, %convert_element_type3A_306, %cond3A_307 : i32
        scf.if %cond3A_308 {
          %add3A_309 = arith.constant 1 : i32
          %add3A_310 = arith.addi %add3A_288, %add3A_309 : i32
          %mul3A_311 = arith.constant 32 : i32
          %mul3A_312 = arith.muli %add3A_310, %mul3A_311 : i32
          %add3A_313 = arith.addi %add3A, %mul3A_312 : i32
          %dma_start3A_314 = arith.constant 0 : i32
          %dma_start3A_315 = tpu.memref_slice %arg2[%add3A_313, %dma_start3A_314] : memref<1250x128xi32, #tpu.memory_space<hbm>> -> memref<1x128xi32, #tpu.memory_space<hbm>>
          %dma_start3A_316 = tpu.memref_squeeze %dma_start3A_315 : memref<1x128xi32, #tpu.memory_space<hbm>> -> memref<128xi32, #tpu.memory_space<hbm>>
          %dma_start3A_317 = arith.constant 0 : i32
          %dma_start3A_318 = tpu.memref_slice %arg2[%add3A_313, %dma_start3A_317] : memref<1250x128xi32, #tpu.memory_space<hbm>> -> memref<1x128xi32, #tpu.memory_space<hbm>>
          %dma_start3A_319 = tpu.memref_squeeze %dma_start3A_318 : memref<1x128xi32, #tpu.memory_space<hbm>> -> memref<128xi32, #tpu.memory_space<hbm>>
          tpu.enqueue_dma source(%dma_start3A_319 : memref<128xi32, #tpu.memory_space<hbm>>) target(%arg11 : memref<128xi32, #tpu.memory_space<vmem>>) target_semaphore(%arg18 : memref<!tpu.dma_semaphore, #tpu.memory_space<semaphore_mem>>)
        } else {
        }
      } else {
      }
    }
    %scan3A_214 = arith.constant 20 : i32
    %jit3A_215 = arith.constant 2 : i32
    %eq3A_216 = arith.constant 0 : i32
    %eq3A_217 = arith.cmpi eq, %jit3A_215, %eq3A_216 : i32
    %jit3A_218 = arith.constant 1 : i32
    %select_n3A_219 = arith.select %eq3A_217, %jit3A_218, %jit3A_215 : i32
    %rem3A_220 = arith.remsi %select_n3A, %select_n3A_219 : i32
    %ne3A_221 = arith.constant 0 : i32
    %ne3A_222 = arith.cmpi ne, %rem3A_220, %ne3A_221 : i32
    %lt3A_223 = arith.constant 0 : i32
    %lt3A_224 = arith.cmpi slt, %rem3A_220, %lt3A_223 : i32
    %lt3A_225 = arith.constant 0 : i32
    %lt3A_226 = arith.cmpi slt, %select_n3A_219, %lt3A_225 : i32
    %ne3A_227 = arith.xori %lt3A_224, %lt3A_226 : i1
    %and3A_228 = arith.andi %ne3A_227, %ne3A_222 : i1
    %add3A_229 = arith.addi %rem3A_220, %select_n3A_219 : i32
    %select_n3A_230 = arith.select %and3A_228, %add3A_229, %rem3A_220 : i32
    %eq3A_231 = arith.constant 1 : i32
    %eq3A_232 = arith.cmpi eq, %select_n3A_230, %eq3A_231 : i32
    %convert_element_type3A_233 = arith.extui %eq3A_232 : i1 to i32
    %cond3A_234 = arith.constant 0 : i32
    %cond3A_235 = arith.cmpi ne, %convert_element_type3A_233, %cond3A_234 : i32
    scf.if %cond3A_235 {
      "tpu.region"() ({
        %run_scoped3A = tpu.sem_alloc : memref<!tpu.dma_semaphore, #tpu.memory_space<semaphore_mem>>
        %dma_start3A_276 = arith.constant 0 : i32
        %dma_start3A_277 = arith.constant 0 : i32
        %dma_start3A_278 = tpu.memref_slice %arg17[%dma_start3A_276, %dma_start3A_277] : memref<10000x128xf32, #tpu.memory_space<vmem_shared>> -> memref<10000x128xf32, #tpu.memory_space<vmem_shared>>
        tpu.enqueue_indirect_dma source(%arg15 : memref<128x128xf32, #tpu.memory_space<vmem>>) target(%dma_start3A_278 : memref<10000x128xf32, #tpu.memory_space<vmem_shared>>) offsets(%arg11 : memref<128xi32, #tpu.memory_space<vmem>>) semaphore(%run_scoped3A : memref<!tpu.dma_semaphore, #tpu.memory_space<semaphore_mem>>) {add = true}
        %dma_wait3A = arith.constant 0 : i32
        %dma_wait3A_279 = arith.constant 0 : i32
        %dma_wait3A_280 = tpu.memref_slice %arg17[%dma_wait3A, %dma_wait3A_279] : memref<10000x128xf32, #tpu.memory_space<vmem_shared>> -> memref<10000x128xf32, #tpu.memory_space<vmem_shared>>
        tpu.wait_indirect_dma semaphore(%run_scoped3A : memref<!tpu.dma_semaphore, #tpu.memory_space<semaphore_mem>>) src(%arg15 : memref<128x128xf32, #tpu.memory_space<vmem>>) dst(%dma_wait3A_280 : memref<10000x128xf32, #tpu.memory_space<vmem_shared>>)
        tpu.yield
      }) : () -> ()
    } else {
    }
    %jit3A_236 = arith.constant 2 : i32
    %eq3A_237 = arith.constant 0 : i32
    %eq3A_238 = arith.cmpi eq, %jit3A_236, %eq3A_237 : i32
    %jit3A_239 = arith.constant 1 : i32
    %select_n3A_240 = arith.select %eq3A_238, %jit3A_239, %jit3A_236 : i32
    %rem3A_241 = arith.remsi %select_n3A, %select_n3A_240 : i32
    %ne3A_242 = arith.constant 0 : i32
    %ne3A_243 = arith.cmpi ne, %rem3A_241, %ne3A_242 : i32
    %lt3A_244 = arith.constant 0 : i32
    %lt3A_245 = arith.cmpi slt, %rem3A_241, %lt3A_244 : i32
    %lt3A_246 = arith.constant 0 : i32
    %lt3A_247 = arith.cmpi slt, %select_n3A_240, %lt3A_246 : i32
    %ne3A_248 = arith.xori %lt3A_245, %lt3A_247 : i1
    %and3A_249 = arith.andi %ne3A_248, %ne3A_243 : i1
    %add3A_250 = arith.addi %rem3A_241, %select_n3A_240 : i32
    %select_n3A_251 = arith.select %and3A_249, %add3A_250, %rem3A_241 : i32
    %eq3A_252 = arith.constant 0 : i32
    %eq3A_253 = arith.cmpi eq, %select_n3A_251, %eq3A_252 : i32
    %convert_element_type3A_254 = arith.extui %eq3A_253 : i1 to i32
    %cond3A_255 = arith.constant 0 : i32
    %cond3A_256 = arith.cmpi ne, %convert_element_type3A_254, %cond3A_255 : i32
    scf.if %cond3A_256 {
      "tpu.region"() ({
        %run_scoped3A = tpu.sem_alloc : memref<!tpu.dma_semaphore, #tpu.memory_space<semaphore_mem>>
        %dma_start3A_276 = arith.constant 0 : i32
        %dma_start3A_277 = arith.constant 0 : i32
        %dma_start3A_278 = tpu.memref_slice %arg17[%dma_start3A_276, %dma_start3A_277] : memref<10000x128xf32, #tpu.memory_space<vmem_shared>> -> memref<10000x128xf32, #tpu.memory_space<vmem_shared>>
        tpu.enqueue_indirect_dma source(%arg15 : memref<128x128xf32, #tpu.memory_space<vmem>>) target(%dma_start3A_278 : memref<10000x128xf32, #tpu.memory_space<vmem_shared>>) offsets(%arg12 : memref<128xi32, #tpu.memory_space<vmem>>) semaphore(%run_scoped3A : memref<!tpu.dma_semaphore, #tpu.memory_space<semaphore_mem>>) {add = true}
        %dma_wait3A = arith.constant 0 : i32
        %dma_wait3A_279 = arith.constant 0 : i32
        %dma_wait3A_280 = tpu.memref_slice %arg17[%dma_wait3A, %dma_wait3A_279] : memref<10000x128xf32, #tpu.memory_space<vmem_shared>> -> memref<10000x128xf32, #tpu.memory_space<vmem_shared>>
        tpu.wait_indirect_dma semaphore(%run_scoped3A : memref<!tpu.dma_semaphore, #tpu.memory_space<semaphore_mem>>) src(%arg15 : memref<128x128xf32, #tpu.memory_space<vmem>>) dst(%dma_wait3A_280 : memref<10000x128xf32, #tpu.memory_space<vmem_shared>>)
        tpu.yield
      }) : () -> ()
    } else {
    }
    %barrier3A_257 = arith.constant 0 : index
    tpu.barrier barrier_id(%barrier3A_257)
    %sub3A_258 = arith.constant 125 : i32
    %sub3A_259 = arith.subi %sub3A_258, %arg1 : i32
    %sub3A_260 = arith.constant 16 : i32
    %sub3A_261 = arith.constant 1 : i32
    %sub3A_262 = arith.subi %sub3A_260, %sub3A_261 : i32
    %add3A_263 = arith.addi %sub3A_259, %sub3A_262 : i32
    %div3A_264 = arith.constant 16 : i32
    %div3A_265 = arith.divsi %add3A_263, %div3A_264 : i32
    %while3A_266 = arith.constant 16 : i32
    %while3A_267 = arith.constant 0 : i32
    %while3A_268 = arith.subi %div3A_265, %while3A_267 : i32
    %while3A_269 = arith.addi %while3A_267, %while3A_268 : i32
    %while3A_270 = arith.constant 1 : i32
    %while3A_271 = arith.divsi %while3A_268, %while3A_270 : i32
    %while3A_272 = arith.muli %while3A_271, %while3A_270 : i32
    %while3A_273 = arith.addi %while3A_267, %while3A_272 : i32
    %while3A_274 = arith.constant 1 : i32
    scf.for %while3A_276 = %while3A_267 to %while3A_273 step %while3A_274  : i32 {
      %mul3A_277 = arith.muli %while3A_276, %while3A_266 : i32
      %add3A_278 = arith.addi %arg1, %mul3A_277 : i32
      %mul3A_279 = arith.constant 80 : i32
      %mul3A_280 = arith.muli %add3A_278, %mul3A_279 : i32
      %mul3A_281 = arith.constant 80 : i32
      %mul3A_282 = arith.muli %add3A_278, %mul3A_281 : i32
      "tpu.region"() ({
        %run_scoped3A = tpu.sem_alloc : memref<!tpu.dma_semaphore, #tpu.memory_space<semaphore_mem>>
        %dma_start3A_283 = arith.constant 0 : i32
        %dma_start3A_284 = arith.constant 0 : i32
        %dma_start3A_285 = tpu.memref_slice %arg10[%arg0, %dma_start3A_283, %dma_start3A_284] : memref<2x10000x128xf32, #tpu.memory_space<hbm>> -> memref<1x10000x128xf32, #tpu.memory_space<hbm>>
        %dma_start3A_286 = tpu.memref_squeeze %dma_start3A_285 : memref<1x10000x128xf32, #tpu.memory_space<hbm>> -> memref<10000x128xf32, #tpu.memory_space<hbm>>
        %dma_start3A_287 = arith.constant 0 : i32
        %dma_start3A_288 = tpu.memref_slice %dma_start3A_286[%mul3A_282, %dma_start3A_287] : memref<10000x128xf32, #tpu.memory_space<hbm>> -> memref<80x128xf32, #tpu.memory_space<hbm>>
        %dma_start3A_289 = arith.constant 0 : i32
        %dma_start3A_290 = tpu.memref_slice %arg17[%mul3A_280, %dma_start3A_289] : memref<10000x128xf32, #tpu.memory_space<vmem_shared>> -> memref<80x128xf32, #tpu.memory_space<vmem_shared>>
        tpu.enqueue_dma source(%dma_start3A_290 : memref<80x128xf32, #tpu.memory_space<vmem_shared>>) target(%dma_start3A_288 : memref<80x128xf32, #tpu.memory_space<hbm>>) target_semaphore(%run_scoped3A : memref<!tpu.dma_semaphore, #tpu.memory_space<semaphore_mem>>)
        %dma_wait3A = arith.constant 0 : i32
        %dma_wait3A_291 = arith.constant 0 : i32
        %dma_wait3A_292 = tpu.memref_slice %arg10[%arg0, %dma_wait3A, %dma_wait3A_291] : memref<2x10000x128xf32, #tpu.memory_space<hbm>> -> memref<1x10000x128xf32, #tpu.memory_space<hbm>>
        %dma_wait3A_293 = tpu.memref_squeeze %dma_wait3A_292 : memref<1x10000x128xf32, #tpu.memory_space<hbm>> -> memref<10000x128xf32, #tpu.memory_space<hbm>>
        %dma_wait3A_294 = arith.constant 0 : i32
        %dma_wait3A_295 = tpu.memref_slice %dma_wait3A_293[%mul3A_282, %dma_wait3A_294] : memref<10000x128xf32, #tpu.memory_space<hbm>> -> memref<80x128xf32, #tpu.memory_space<hbm>>
        %dma_wait3A_296 = arith.constant 0 : i32
        %dma_wait3A_297 = tpu.memref_slice %arg17[%mul3A_280, %dma_wait3A_296] : memref<10000x128xf32, #tpu.memory_space<vmem_shared>> -> memref<80x128xf32, #tpu.memory_space<vmem_shared>>
        tpu.wait_dma2 semaphore(%run_scoped3A : memref<!tpu.dma_semaphore, #tpu.memory_space<semaphore_mem>>) src(%dma_wait3A_297 : memref<80x128xf32, #tpu.memory_space<vmem_shared>>) dst(%dma_wait3A_295 : memref<80x128xf32, #tpu.memory_space<hbm>>)
        tpu.yield
      }) : () -> ()
    }
    %while3A_275 = arith.constant 1 : i32
    scf.for %while3A_276 = %while3A_273 to %while3A_269 step %while3A_275  : i32 {
      %mul3A_277 = arith.muli %while3A_276, %while3A_266 : i32
      %add3A_278 = arith.addi %arg1, %mul3A_277 : i32
      %mul3A_279 = arith.constant 80 : i32
      %mul3A_280 = arith.muli %add3A_278, %mul3A_279 : i32
      %mul3A_281 = arith.constant 80 : i32
      %mul3A_282 = arith.muli %add3A_278, %mul3A_281 : i32
      "tpu.region"() ({
        %run_scoped3A = tpu.sem_alloc : memref<!tpu.dma_semaphore, #tpu.memory_space<semaphore_mem>>
        %dma_start3A_283 = arith.constant 0 : i32
        %dma_start3A_284 = arith.constant 0 : i32
        %dma_start3A_285 = tpu.memref_slice %arg10[%arg0, %dma_start3A_283, %dma_start3A_284] : memref<2x10000x128xf32, #tpu.memory_space<hbm>> -> memref<1x10000x128xf32, #tpu.memory_space<hbm>>
        %dma_start3A_286 = tpu.memref_squeeze %dma_start3A_285 : memref<1x10000x128xf32, #tpu.memory_space<hbm>> -> memref<10000x128xf32, #tpu.memory_space<hbm>>
        %dma_start3A_287 = arith.constant 0 : i32
        %dma_start3A_288 = tpu.memref_slice %dma_start3A_286[%mul3A_282, %dma_start3A_287] : memref<10000x128xf32, #tpu.memory_space<hbm>> -> memref<80x128xf32, #tpu.memory_space<hbm>>
        %dma_start3A_289 = arith.constant 0 : i32
        %dma_start3A_290 = tpu.memref_slice %arg17[%mul3A_280, %dma_start3A_289] : memref<10000x128xf32, #tpu.memory_space<vmem_shared>> -> memref<80x128xf32, #tpu.memory_space<vmem_shared>>
        tpu.enqueue_dma source(%dma_start3A_290 : memref<80x128xf32, #tpu.memory_space<vmem_shared>>) target(%dma_start3A_288 : memref<80x128xf32, #tpu.memory_space<hbm>>) target_semaphore(%run_scoped3A : memref<!tpu.dma_semaphore, #tpu.memory_space<semaphore_mem>>)
        %dma_wait3A = arith.constant 0 : i32
        %dma_wait3A_291 = arith.constant 0 : i32
        %dma_wait3A_292 = tpu.memref_slice %arg10[%arg0, %dma_wait3A, %dma_wait3A_291] : memref<2x10000x128xf32, #tpu.memory_space<hbm>> -> memref<1x10000x128xf32, #tpu.memory_space<hbm>>
        %dma_wait3A_293 = tpu.memref_squeeze %dma_wait3A_292 : memref<1x10000x128xf32, #tpu.memory_space<hbm>> -> memref<10000x128xf32, #tpu.memory_space<hbm>>
        %dma_wait3A_294 = arith.constant 0 : i32
        %dma_wait3A_295 = tpu.memref_slice %dma_wait3A_293[%mul3A_282, %dma_wait3A_294] : memref<10000x128xf32, #tpu.memory_space<hbm>> -> memref<80x128xf32, #tpu.memory_space<hbm>>
        %dma_wait3A_296 = arith.constant 0 : i32
        %dma_wait3A_297 = tpu.memref_slice %arg17[%mul3A_280, %dma_wait3A_296] : memref<10000x128xf32, #tpu.memory_space<vmem_shared>> -> memref<80x128xf32, #tpu.memory_space<vmem_shared>>
        tpu.wait_dma2 semaphore(%run_scoped3A : memref<!tpu.dma_semaphore, #tpu.memory_space<semaphore_mem>>) src(%dma_wait3A_297 : memref<80x128xf32, #tpu.memory_space<vmem_shared>>) dst(%dma_wait3A_295 : memref<80x128xf32, #tpu.memory_space<hbm>>)
        tpu.yield
      }) : () -> ()
    }
    return
  }
}

#map = affine_map<(d0, d1) -> (0, 0)>
#map1 = affine_map<(d0, d1) -> (0, 0, 0)>
module attributes {stable_mosaic.version = 14 : i64} {
  func.func @k3(%arg0: i32, %arg1: i32, %arg2: memref<1250x128xi32, #tpu.memory_space<hbm>>, %arg3: memref<160000x128xf32, #tpu.memory_space<hbm>>, %arg4: memref<128x128xf32, #tpu.memory_space<hbm>>, %arg5: memref<2x10000x128xf32, #tpu.memory_space<hbm>>, %arg6: memref<128xi32, #tpu.memory_space<vmem>>, %arg7: memref<128xi32, #tpu.memory_space<vmem>>, %arg8: memref<128x128xf32, #tpu.memory_space<vmem>>, %arg9: memref<128x128xf32, #tpu.memory_space<vmem>>, %arg10: memref<10000x128xf32, #tpu.memory_space<vmem_shared>>, %arg11: memref<!tpu.dma_semaphore, #tpu.memory_space<semaphore_mem>>, %arg12: memref<!tpu.dma_semaphore, #tpu.memory_space<semaphore_mem>>, %arg13: memref<!tpu.dma_semaphore, #tpu.memory_space<semaphore_mem>>, %arg14: memref<!tpu.dma_semaphore, #tpu.memory_space<semaphore_mem>>) attributes {dimension_semantics = [#tpu.dimension_semantics<core_parallel>, #tpu.dimension_semantics<subcore_parallel>], iteration_bounds = array<i64: 2, 16>, scalar_prefetch = 0 : i64, scratch_operands = 9 : i64, tpu.core_type = #tpu.core_type<sc_vector_subcore>, window_params = [{transform_indices = #map}, {transform_indices = #map}, {transform_indices = #map}, {transform_indices = #map1}]} {
    %mul3A = arith.constant 2 : i32
    %mul3A_0 = arith.muli %arg1, %mul3A : i32
    %add3A = arith.addi %mul3A_0, %arg0 : i32
    %lt3A = arith.constant 2 : i32
    %lt3A_1 = arith.cmpi slt, %add3A, %lt3A : i32
    %jit3A = arith.constant 40 : i32
    %jit3A_2 = arith.constant 39 : i32
    %select_n3A = arith.select %lt3A_1, %jit3A, %jit3A_2 : i32
    "tpu.region"() ({
      %run_scoped3A = tpu.sem_alloc : memref<!tpu.dma_semaphore, #tpu.memory_space<semaphore_mem>>
      tpu.enqueue_dma source(%arg4 : memref<128x128xf32, #tpu.memory_space<hbm>>) target(%arg8 : memref<128x128xf32, #tpu.memory_space<vmem>>) target_semaphore(%run_scoped3A : memref<!tpu.dma_semaphore, #tpu.memory_space<semaphore_mem>>)
      tpu.wait_dma2 semaphore(%run_scoped3A : memref<!tpu.dma_semaphore, #tpu.memory_space<semaphore_mem>>) src(%arg4 : memref<128x128xf32, #tpu.memory_space<hbm>>) dst(%arg8 : memref<128x128xf32, #tpu.memory_space<vmem>>)
      tpu.yield
    }) : () -> ()
    %sub3A = arith.constant 125 : i32
    %sub3A_3 = arith.subi %sub3A, %arg1 : i32
    %sub3A_4 = arith.constant 16 : i32
    %sub3A_5 = arith.constant 1 : i32
    %sub3A_6 = arith.subi %sub3A_4, %sub3A_5 : i32
    %add3A_7 = arith.addi %sub3A_3, %sub3A_6 : i32
    %div3A = arith.constant 16 : i32
    %div3A_8 = arith.divsi %add3A_7, %div3A : i32
    %while3A = arith.constant 16 : i32
    %while3A_9 = arith.constant 0 : i32
    %while3A_10 = arith.subi %div3A_8, %while3A_9 : i32
    %while3A_11 = arith.addi %while3A_9, %while3A_10 : i32
    %while3A_12 = arith.constant 1 : i32
    %while3A_13 = arith.divsi %while3A_10, %while3A_12 : i32
    %while3A_14 = arith.muli %while3A_13, %while3A_12 : i32
    %while3A_15 = arith.addi %while3A_9, %while3A_14 : i32
    %while3A_16 = arith.constant 1 : i32
    scf.for %while3A_84 = %while3A_9 to %while3A_15 step %while3A_16  : i32 {
      %mul3A_85 = arith.muli %while3A_84, %while3A : i32
      %add3A_86 = arith.addi %arg1, %mul3A_85 : i32
      %mul3A_87 = arith.constant 80 : i32
      %mul3A_88 = arith.muli %add3A_86, %mul3A_87 : i32
      "tpu.region"() ({
        %run_scoped3A = tpu.sem_alloc : memref<!tpu.dma_semaphore, #tpu.memory_space<semaphore_mem>>
        %dma_start3A_89 = arith.constant 0 : i32
        %dma_start3A_90 = arith.constant 0 : i32
        %dma_start3A_91 = tpu.memref_slice %arg8[%dma_start3A_89, %dma_start3A_90] : memref<128x128xf32, #tpu.memory_space<vmem>> -> memref<80x128xf32, #tpu.memory_space<vmem>>
        %dma_start3A_92 = arith.constant 0 : i32
        %dma_start3A_93 = tpu.memref_slice %arg10[%mul3A_88, %dma_start3A_92] : memref<10000x128xf32, #tpu.memory_space<vmem_shared>> -> memref<80x128xf32, #tpu.memory_space<vmem_shared>>
        %dma_start3A_94 = arith.constant 0 : i32
        %dma_start3A_95 = tpu.memref_slice %arg10[%mul3A_88, %dma_start3A_94] : memref<10000x128xf32, #tpu.memory_space<vmem_shared>> -> memref<80x128xf32, #tpu.memory_space<vmem_shared>>
        %dma_start3A_96 = arith.constant 0 : i32
        %dma_start3A_97 = arith.constant 0 : i32
        %dma_start3A_98 = tpu.memref_slice %arg8[%dma_start3A_96, %dma_start3A_97] : memref<128x128xf32, #tpu.memory_space<vmem>> -> memref<80x128xf32, #tpu.memory_space<vmem>>
        tpu.enqueue_dma source(%dma_start3A_98 : memref<80x128xf32, #tpu.memory_space<vmem>>) target(%dma_start3A_95 : memref<80x128xf32, #tpu.memory_space<vmem_shared>>) target_semaphore(%run_scoped3A : memref<!tpu.dma_semaphore, #tpu.memory_space<semaphore_mem>>)
        %dma_wait3A = arith.constant 0 : i32
        %dma_wait3A_99 = arith.constant 0 : i32
        %dma_wait3A_100 = tpu.memref_slice %arg8[%dma_wait3A, %dma_wait3A_99] : memref<128x128xf32, #tpu.memory_space<vmem>> -> memref<80x128xf32, #tpu.memory_space<vmem>>
        %dma_wait3A_101 = arith.constant 0 : i32
        %dma_wait3A_102 = tpu.memref_slice %arg10[%mul3A_88, %dma_wait3A_101] : memref<10000x128xf32, #tpu.memory_space<vmem_shared>> -> memref<80x128xf32, #tpu.memory_space<vmem_shared>>
        %dma_wait3A_103 = arith.constant 0 : i32
        %dma_wait3A_104 = tpu.memref_slice %arg10[%mul3A_88, %dma_wait3A_103] : memref<10000x128xf32, #tpu.memory_space<vmem_shared>> -> memref<80x128xf32, #tpu.memory_space<vmem_shared>>
        %dma_wait3A_105 = arith.constant 0 : i32
        %dma_wait3A_106 = arith.constant 0 : i32
        %dma_wait3A_107 = tpu.memref_slice %arg8[%dma_wait3A_105, %dma_wait3A_106] : memref<128x128xf32, #tpu.memory_space<vmem>> -> memref<80x128xf32, #tpu.memory_space<vmem>>
        tpu.wait_dma2 semaphore(%run_scoped3A : memref<!tpu.dma_semaphore, #tpu.memory_space<semaphore_mem>>) src(%dma_wait3A_107 : memref<80x128xf32, #tpu.memory_space<vmem>>) dst(%dma_wait3A_104 : memref<80x128xf32, #tpu.memory_space<vmem_shared>>)
        tpu.yield
      }) : () -> ()
    }
    %while3A_17 = arith.constant 1 : i32
    scf.for %while3A_84 = %while3A_15 to %while3A_11 step %while3A_17  : i32 {
      %mul3A_85 = arith.muli %while3A_84, %while3A : i32
      %add3A_86 = arith.addi %arg1, %mul3A_85 : i32
      %mul3A_87 = arith.constant 80 : i32
      %mul3A_88 = arith.muli %add3A_86, %mul3A_87 : i32
      "tpu.region"() ({
        %run_scoped3A = tpu.sem_alloc : memref<!tpu.dma_semaphore, #tpu.memory_space<semaphore_mem>>
        %dma_start3A_89 = arith.constant 0 : i32
        %dma_start3A_90 = arith.constant 0 : i32
        %dma_start3A_91 = tpu.memref_slice %arg8[%dma_start3A_89, %dma_start3A_90] : memref<128x128xf32, #tpu.memory_space<vmem>> -> memref<80x128xf32, #tpu.memory_space<vmem>>
        %dma_start3A_92 = arith.constant 0 : i32
        %dma_start3A_93 = tpu.memref_slice %arg10[%mul3A_88, %dma_start3A_92] : memref<10000x128xf32, #tpu.memory_space<vmem_shared>> -> memref<80x128xf32, #tpu.memory_space<vmem_shared>>
        %dma_start3A_94 = arith.constant 0 : i32
        %dma_start3A_95 = tpu.memref_slice %arg10[%mul3A_88, %dma_start3A_94] : memref<10000x128xf32, #tpu.memory_space<vmem_shared>> -> memref<80x128xf32, #tpu.memory_space<vmem_shared>>
        %dma_start3A_96 = arith.constant 0 : i32
        %dma_start3A_97 = arith.constant 0 : i32
        %dma_start3A_98 = tpu.memref_slice %arg8[%dma_start3A_96, %dma_start3A_97] : memref<128x128xf32, #tpu.memory_space<vmem>> -> memref<80x128xf32, #tpu.memory_space<vmem>>
        tpu.enqueue_dma source(%dma_start3A_98 : memref<80x128xf32, #tpu.memory_space<vmem>>) target(%dma_start3A_95 : memref<80x128xf32, #tpu.memory_space<vmem_shared>>) target_semaphore(%run_scoped3A : memref<!tpu.dma_semaphore, #tpu.memory_space<semaphore_mem>>)
        %dma_wait3A = arith.constant 0 : i32
        %dma_wait3A_99 = arith.constant 0 : i32
        %dma_wait3A_100 = tpu.memref_slice %arg8[%dma_wait3A, %dma_wait3A_99] : memref<128x128xf32, #tpu.memory_space<vmem>> -> memref<80x128xf32, #tpu.memory_space<vmem>>
        %dma_wait3A_101 = arith.constant 0 : i32
        %dma_wait3A_102 = tpu.memref_slice %arg10[%mul3A_88, %dma_wait3A_101] : memref<10000x128xf32, #tpu.memory_space<vmem_shared>> -> memref<80x128xf32, #tpu.memory_space<vmem_shared>>
        %dma_wait3A_103 = arith.constant 0 : i32
        %dma_wait3A_104 = tpu.memref_slice %arg10[%mul3A_88, %dma_wait3A_103] : memref<10000x128xf32, #tpu.memory_space<vmem_shared>> -> memref<80x128xf32, #tpu.memory_space<vmem_shared>>
        %dma_wait3A_105 = arith.constant 0 : i32
        %dma_wait3A_106 = arith.constant 0 : i32
        %dma_wait3A_107 = tpu.memref_slice %arg8[%dma_wait3A_105, %dma_wait3A_106] : memref<128x128xf32, #tpu.memory_space<vmem>> -> memref<80x128xf32, #tpu.memory_space<vmem>>
        tpu.wait_dma2 semaphore(%run_scoped3A : memref<!tpu.dma_semaphore, #tpu.memory_space<semaphore_mem>>) src(%dma_wait3A_107 : memref<80x128xf32, #tpu.memory_space<vmem>>) dst(%dma_wait3A_104 : memref<80x128xf32, #tpu.memory_space<vmem_shared>>)
        tpu.yield
      }) : () -> ()
    }
    %barrier3A = arith.constant 0 : index
    tpu.barrier barrier_id(%barrier3A)
    %add3A_18 = arith.constant 0 : i32
    %add3A_19 = arith.addi %add3A, %add3A_18 : i32
    %dma_start3A = arith.constant 0 : i32
    %dma_start3A_20 = tpu.memref_slice %arg2[%add3A_19, %dma_start3A] : memref<1250x128xi32, #tpu.memory_space<hbm>> -> memref<1x128xi32, #tpu.memory_space<hbm>>
    %dma_start3A_21 = tpu.memref_squeeze %dma_start3A_20 : memref<1x128xi32, #tpu.memory_space<hbm>> -> memref<128xi32, #tpu.memory_space<hbm>>
    %dma_start3A_22 = arith.constant 0 : i32
    %dma_start3A_23 = tpu.memref_slice %arg2[%add3A_19, %dma_start3A_22] : memref<1250x128xi32, #tpu.memory_space<hbm>> -> memref<1x128xi32, #tpu.memory_space<hbm>>
    %dma_start3A_24 = tpu.memref_squeeze %dma_start3A_23 : memref<1x128xi32, #tpu.memory_space<hbm>> -> memref<128xi32, #tpu.memory_space<hbm>>
    tpu.enqueue_dma source(%dma_start3A_24 : memref<128xi32, #tpu.memory_space<hbm>>) target(%arg6 : memref<128xi32, #tpu.memory_space<vmem>>) target_semaphore(%arg11 : memref<!tpu.dma_semaphore, #tpu.memory_space<semaphore_mem>>)
    %scan3A = arith.constant 0 : i32
    %scan3A_25 = arith.constant 20 : i32
    %scan3A_26 = arith.addi %scan3A, %scan3A_25 : i32
    %scan3A_27 = arith.constant 1 : i32
    scf.for %scan3A_84 = %scan3A to %scan3A_26 step %scan3A_27  : i32 {
      %mul3A_85 = arith.constant 2 : i32
      %mul3A_86 = arith.muli %scan3A_84, %mul3A_85 : i32
      %add3A_87 = arith.constant 0 : i32
      %add3A_88 = arith.addi %add3A_87, %mul3A_86 : i32
      %add3A_89 = arith.constant 0 : i32
      %add3A_90 = arith.addi %add3A_88, %add3A_89 : i32
      %lt3A_91 = arith.cmpi slt, %add3A_90, %select_n3A : i32
      %convert_element_type3A_92 = arith.extui %lt3A_91 : i1 to i32
      %cond3A_93 = arith.constant 0 : i32
      %cond3A_94 = arith.cmpi ne, %convert_element_type3A_92, %cond3A_93 : i32
      scf.if %cond3A_94 {
        %dma_wait3A = arith.constant 0 : i32
        %dma_wait3A_101 = arith.constant 0 : i32
        %dma_wait3A_102 = tpu.memref_slice %arg2[%dma_wait3A, %dma_wait3A_101] : memref<1250x128xi32, #tpu.memory_space<hbm>> -> memref<1x128xi32, #tpu.memory_space<hbm>>
        %dma_wait3A_103 = tpu.memref_squeeze %dma_wait3A_102 : memref<1x128xi32, #tpu.memory_space<hbm>> -> memref<128xi32, #tpu.memory_space<hbm>>
        %dma_wait3A_104 = arith.constant 0 : i32
        %dma_wait3A_105 = tpu.memref_slice %arg2[%dma_wait3A, %dma_wait3A_104] : memref<1250x128xi32, #tpu.memory_space<hbm>> -> memref<1x128xi32, #tpu.memory_space<hbm>>
        %dma_wait3A_106 = tpu.memref_squeeze %dma_wait3A_105 : memref<1x128xi32, #tpu.memory_space<hbm>> -> memref<128xi32, #tpu.memory_space<hbm>>
        tpu.wait_dma2 semaphore(%arg11 : memref<!tpu.dma_semaphore, #tpu.memory_space<semaphore_mem>>) src(%dma_wait3A_106 : memref<128xi32, #tpu.memory_space<hbm>>) dst(%arg6 : memref<128xi32, #tpu.memory_space<vmem>>)
        %mul3A_107 = arith.constant 32 : i32
        %mul3A_108 = arith.muli %add3A_90, %mul3A_107 : i32
        %add3A_109 = arith.addi %add3A, %mul3A_108 : i32
        %mul3A_110 = arith.constant 128 : i32
        %mul3A_111 = arith.muli %add3A_109, %mul3A_110 : i32
        %dma_start3A_112 = arith.constant 0 : i32
        %dma_start3A_113 = tpu.memref_slice %arg3[%mul3A_111, %dma_start3A_112] : memref<160000x128xf32, #tpu.memory_space<hbm>> -> memref<128x128xf32, #tpu.memory_space<hbm>>
        %dma_start3A_114 = arith.constant 0 : i32
        %dma_start3A_115 = tpu.memref_slice %arg3[%mul3A_111, %dma_start3A_114] : memref<160000x128xf32, #tpu.memory_space<hbm>> -> memref<128x128xf32, #tpu.memory_space<hbm>>
        tpu.enqueue_dma source(%dma_start3A_115 : memref<128x128xf32, #tpu.memory_space<hbm>>) target(%arg8 : memref<128x128xf32, #tpu.memory_space<vmem>>) target_semaphore(%arg13 : memref<!tpu.dma_semaphore, #tpu.memory_space<semaphore_mem>>)
        %ge3A = arith.constant 1 : i32
        %ge3A_116 = arith.cmpi sge, %add3A_90, %ge3A : i32
        %convert_element_type3A_117 = arith.extui %ge3A_116 : i1 to i32
        %cond3A_118 = arith.constant 0 : i32
        %cond3A_119 = arith.cmpi ne, %convert_element_type3A_117, %cond3A_118 : i32
        scf.if %cond3A_119 {
          "tpu.region"() ({
            %run_scoped3A = tpu.sem_alloc : memref<!tpu.dma_semaphore, #tpu.memory_space<semaphore_mem>>
            %dma_start3A_132 = arith.constant 0 : i32
            %dma_start3A_133 = arith.constant 0 : i32
            %dma_start3A_134 = tpu.memref_slice %arg10[%dma_start3A_132, %dma_start3A_133] : memref<10000x128xf32, #tpu.memory_space<vmem_shared>> -> memref<10000x128xf32, #tpu.memory_space<vmem_shared>>
            tpu.enqueue_indirect_dma source(%arg9 : memref<128x128xf32, #tpu.memory_space<vmem>>) target(%dma_start3A_134 : memref<10000x128xf32, #tpu.memory_space<vmem_shared>>) offsets(%arg7 : memref<128xi32, #tpu.memory_space<vmem>>) semaphore(%run_scoped3A : memref<!tpu.dma_semaphore, #tpu.memory_space<semaphore_mem>>) {add = true}
            %dma_wait3A_135 = arith.constant 0 : i32
            %dma_wait3A_136 = arith.constant 0 : i32
            %dma_wait3A_137 = tpu.memref_slice %arg10[%dma_wait3A_135, %dma_wait3A_136] : memref<10000x128xf32, #tpu.memory_space<vmem_shared>> -> memref<10000x128xf32, #tpu.memory_space<vmem_shared>>
            tpu.wait_indirect_dma semaphore(%run_scoped3A : memref<!tpu.dma_semaphore, #tpu.memory_space<semaphore_mem>>) src(%arg9 : memref<128x128xf32, #tpu.memory_space<vmem>>) dst(%dma_wait3A_137 : memref<10000x128xf32, #tpu.memory_space<vmem_shared>>)
            tpu.yield
          }) : () -> ()
        } else {
        }
        %add3A_120 = arith.constant 1 : i32
        %add3A_121 = arith.addi %add3A_90, %add3A_120 : i32
        %lt3A_122 = arith.cmpi slt, %add3A_121, %select_n3A : i32
        %convert_element_type3A_123 = arith.extui %lt3A_122 : i1 to i32
        %cond3A_124 = arith.constant 0 : i32
        %cond3A_125 = arith.cmpi ne, %convert_element_type3A_123, %cond3A_124 : i32
        scf.if %cond3A_125 {
          %add3A_132 = arith.constant 1 : i32
          %add3A_133 = arith.addi %add3A_90, %add3A_132 : i32
          %mul3A_134 = arith.constant 32 : i32
          %mul3A_135 = arith.muli %add3A_133, %mul3A_134 : i32
          %add3A_136 = arith.addi %add3A, %mul3A_135 : i32
          %dma_start3A_137 = arith.constant 0 : i32
          %dma_start3A_138 = tpu.memref_slice %arg2[%add3A_136, %dma_start3A_137] : memref<1250x128xi32, #tpu.memory_space<hbm>> -> memref<1x128xi32, #tpu.memory_space<hbm>>
          %dma_start3A_139 = tpu.memref_squeeze %dma_start3A_138 : memref<1x128xi32, #tpu.memory_space<hbm>> -> memref<128xi32, #tpu.memory_space<hbm>>
          %dma_start3A_140 = arith.constant 0 : i32
          %dma_start3A_141 = tpu.memref_slice %arg2[%add3A_136, %dma_start3A_140] : memref<1250x128xi32, #tpu.memory_space<hbm>> -> memref<1x128xi32, #tpu.memory_space<hbm>>
          %dma_start3A_142 = tpu.memref_squeeze %dma_start3A_141 : memref<1x128xi32, #tpu.memory_space<hbm>> -> memref<128xi32, #tpu.memory_space<hbm>>
          tpu.enqueue_dma source(%dma_start3A_142 : memref<128xi32, #tpu.memory_space<hbm>>) target(%arg7 : memref<128xi32, #tpu.memory_space<vmem>>) target_semaphore(%arg12 : memref<!tpu.dma_semaphore, #tpu.memory_space<semaphore_mem>>)
        } else {
        }
        %dma_wait3A_126 = arith.constant 0 : i32
        %dma_wait3A_127 = arith.constant 0 : i32
        %dma_wait3A_128 = tpu.memref_slice %arg3[%dma_wait3A_126, %dma_wait3A_127] : memref<160000x128xf32, #tpu.memory_space<hbm>> -> memref<128x128xf32, #tpu.memory_space<hbm>>
        %dma_wait3A_129 = arith.constant 0 : i32
        %dma_wait3A_130 = arith.constant 0 : i32
        %dma_wait3A_131 = tpu.memref_slice %arg3[%dma_wait3A_129, %dma_wait3A_130] : memref<160000x128xf32, #tpu.memory_space<hbm>> -> memref<128x128xf32, #tpu.memory_space<hbm>>
        tpu.wait_dma2 semaphore(%arg13 : memref<!tpu.dma_semaphore, #tpu.memory_space<semaphore_mem>>) src(%dma_wait3A_131 : memref<128x128xf32, #tpu.memory_space<hbm>>) dst(%arg8 : memref<128x128xf32, #tpu.memory_space<vmem>>)
      } else {
      }
      %add3A_95 = arith.constant 1 : i32
      %add3A_96 = arith.addi %add3A_88, %add3A_95 : i32
      %lt3A_97 = arith.cmpi slt, %add3A_96, %select_n3A : i32
      %convert_element_type3A_98 = arith.extui %lt3A_97 : i1 to i32
      %cond3A_99 = arith.constant 0 : i32
      %cond3A_100 = arith.cmpi ne, %convert_element_type3A_98, %cond3A_99 : i32
      scf.if %cond3A_100 {
        %dma_wait3A = arith.constant 0 : i32
        %dma_wait3A_101 = arith.constant 0 : i32
        %dma_wait3A_102 = tpu.memref_slice %arg2[%dma_wait3A, %dma_wait3A_101] : memref<1250x128xi32, #tpu.memory_space<hbm>> -> memref<1x128xi32, #tpu.memory_space<hbm>>
        %dma_wait3A_103 = tpu.memref_squeeze %dma_wait3A_102 : memref<1x128xi32, #tpu.memory_space<hbm>> -> memref<128xi32, #tpu.memory_space<hbm>>
        %dma_wait3A_104 = arith.constant 0 : i32
        %dma_wait3A_105 = tpu.memref_slice %arg2[%dma_wait3A, %dma_wait3A_104] : memref<1250x128xi32, #tpu.memory_space<hbm>> -> memref<1x128xi32, #tpu.memory_space<hbm>>
        %dma_wait3A_106 = tpu.memref_squeeze %dma_wait3A_105 : memref<1x128xi32, #tpu.memory_space<hbm>> -> memref<128xi32, #tpu.memory_space<hbm>>
        tpu.wait_dma2 semaphore(%arg12 : memref<!tpu.dma_semaphore, #tpu.memory_space<semaphore_mem>>) src(%dma_wait3A_106 : memref<128xi32, #tpu.memory_space<hbm>>) dst(%arg7 : memref<128xi32, #tpu.memory_space<vmem>>)
        %mul3A_107 = arith.constant 32 : i32
        %mul3A_108 = arith.muli %add3A_96, %mul3A_107 : i32
        %add3A_109 = arith.addi %add3A, %mul3A_108 : i32
        %mul3A_110 = arith.constant 128 : i32
        %mul3A_111 = arith.muli %add3A_109, %mul3A_110 : i32
        %dma_start3A_112 = arith.constant 0 : i32
        %dma_start3A_113 = tpu.memref_slice %arg3[%mul3A_111, %dma_start3A_112] : memref<160000x128xf32, #tpu.memory_space<hbm>> -> memref<128x128xf32, #tpu.memory_space<hbm>>
        %dma_start3A_114 = arith.constant 0 : i32
        %dma_start3A_115 = tpu.memref_slice %arg3[%mul3A_111, %dma_start3A_114] : memref<160000x128xf32, #tpu.memory_space<hbm>> -> memref<128x128xf32, #tpu.memory_space<hbm>>
        tpu.enqueue_dma source(%dma_start3A_115 : memref<128x128xf32, #tpu.memory_space<hbm>>) target(%arg9 : memref<128x128xf32, #tpu.memory_space<vmem>>) target_semaphore(%arg14 : memref<!tpu.dma_semaphore, #tpu.memory_space<semaphore_mem>>)
        %ge3A = arith.constant 1 : i32
        %ge3A_116 = arith.cmpi sge, %add3A_96, %ge3A : i32
        %convert_element_type3A_117 = arith.extui %ge3A_116 : i1 to i32
        %cond3A_118 = arith.constant 0 : i32
        %cond3A_119 = arith.cmpi ne, %convert_element_type3A_117, %cond3A_118 : i32
        scf.if %cond3A_119 {
          "tpu.region"() ({
            %run_scoped3A = tpu.sem_alloc : memref<!tpu.dma_semaphore, #tpu.memory_space<semaphore_mem>>
            %dma_start3A_132 = arith.constant 0 : i32
            %dma_start3A_133 = arith.constant 0 : i32
            %dma_start3A_134 = tpu.memref_slice %arg10[%dma_start3A_132, %dma_start3A_133] : memref<10000x128xf32, #tpu.memory_space<vmem_shared>> -> memref<10000x128xf32, #tpu.memory_space<vmem_shared>>
            tpu.enqueue_indirect_dma source(%arg8 : memref<128x128xf32, #tpu.memory_space<vmem>>) target(%dma_start3A_134 : memref<10000x128xf32, #tpu.memory_space<vmem_shared>>) offsets(%arg6 : memref<128xi32, #tpu.memory_space<vmem>>) semaphore(%run_scoped3A : memref<!tpu.dma_semaphore, #tpu.memory_space<semaphore_mem>>) {add = true}
            %dma_wait3A_135 = arith.constant 0 : i32
            %dma_wait3A_136 = arith.constant 0 : i32
            %dma_wait3A_137 = tpu.memref_slice %arg10[%dma_wait3A_135, %dma_wait3A_136] : memref<10000x128xf32, #tpu.memory_space<vmem_shared>> -> memref<10000x128xf32, #tpu.memory_space<vmem_shared>>
            tpu.wait_indirect_dma semaphore(%run_scoped3A : memref<!tpu.dma_semaphore, #tpu.memory_space<semaphore_mem>>) src(%arg8 : memref<128x128xf32, #tpu.memory_space<vmem>>) dst(%dma_wait3A_137 : memref<10000x128xf32, #tpu.memory_space<vmem_shared>>)
            tpu.yield
          }) : () -> ()
        } else {
        }
        %add3A_120 = arith.constant 1 : i32
        %add3A_121 = arith.addi %add3A_96, %add3A_120 : i32
        %lt3A_122 = arith.cmpi slt, %add3A_121, %select_n3A : i32
        %convert_element_type3A_123 = arith.extui %lt3A_122 : i1 to i32
        %cond3A_124 = arith.constant 0 : i32
        %cond3A_125 = arith.cmpi ne, %convert_element_type3A_123, %cond3A_124 : i32
        scf.if %cond3A_125 {
          %add3A_132 = arith.constant 1 : i32
          %add3A_133 = arith.addi %add3A_96, %add3A_132 : i32
          %mul3A_134 = arith.constant 32 : i32
          %mul3A_135 = arith.muli %add3A_133, %mul3A_134 : i32
          %add3A_136 = arith.addi %add3A, %mul3A_135 : i32
          %dma_start3A_137 = arith.constant 0 : i32
          %dma_start3A_138 = tpu.memref_slice %arg2[%add3A_136, %dma_start3A_137] : memref<1250x128xi32, #tpu.memory_space<hbm>> -> memref<1x128xi32, #tpu.memory_space<hbm>>
          %dma_start3A_139 = tpu.memref_squeeze %dma_start3A_138 : memref<1x128xi32, #tpu.memory_space<hbm>> -> memref<128xi32, #tpu.memory_space<hbm>>
          %dma_start3A_140 = arith.constant 0 : i32
          %dma_start3A_141 = tpu.memref_slice %arg2[%add3A_136, %dma_start3A_140] : memref<1250x128xi32, #tpu.memory_space<hbm>> -> memref<1x128xi32, #tpu.memory_space<hbm>>
          %dma_start3A_142 = tpu.memref_squeeze %dma_start3A_141 : memref<1x128xi32, #tpu.memory_space<hbm>> -> memref<128xi32, #tpu.memory_space<hbm>>
          tpu.enqueue_dma source(%dma_start3A_142 : memref<128xi32, #tpu.memory_space<hbm>>) target(%arg6 : memref<128xi32, #tpu.memory_space<vmem>>) target_semaphore(%arg11 : memref<!tpu.dma_semaphore, #tpu.memory_space<semaphore_mem>>)
        } else {
        }
        %dma_wait3A_126 = arith.constant 0 : i32
        %dma_wait3A_127 = arith.constant 0 : i32
        %dma_wait3A_128 = tpu.memref_slice %arg3[%dma_wait3A_126, %dma_wait3A_127] : memref<160000x128xf32, #tpu.memory_space<hbm>> -> memref<128x128xf32, #tpu.memory_space<hbm>>
        %dma_wait3A_129 = arith.constant 0 : i32
        %dma_wait3A_130 = arith.constant 0 : i32
        %dma_wait3A_131 = tpu.memref_slice %arg3[%dma_wait3A_129, %dma_wait3A_130] : memref<160000x128xf32, #tpu.memory_space<hbm>> -> memref<128x128xf32, #tpu.memory_space<hbm>>
        tpu.wait_dma2 semaphore(%arg14 : memref<!tpu.dma_semaphore, #tpu.memory_space<semaphore_mem>>) src(%dma_wait3A_131 : memref<128x128xf32, #tpu.memory_space<hbm>>) dst(%arg9 : memref<128x128xf32, #tpu.memory_space<vmem>>)
      } else {
      }
    }
    %scan3A_28 = arith.constant 20 : i32
    %jit3A_29 = arith.constant 2 : i32
    %eq3A = arith.constant 0 : i32
    %eq3A_30 = arith.cmpi eq, %jit3A_29, %eq3A : i32
    %jit3A_31 = arith.constant 1 : i32
    %select_n3A_32 = arith.select %eq3A_30, %jit3A_31, %jit3A_29 : i32
    %rem3A = arith.remsi %select_n3A, %select_n3A_32 : i32
    %ne3A = arith.constant 0 : i32
    %ne3A_33 = arith.cmpi ne, %rem3A, %ne3A : i32
    %lt3A_34 = arith.constant 0 : i32
    %lt3A_35 = arith.cmpi slt, %rem3A, %lt3A_34 : i32
    %lt3A_36 = arith.constant 0 : i32
    %lt3A_37 = arith.cmpi slt, %select_n3A_32, %lt3A_36 : i32
    %ne3A_38 = arith.xori %lt3A_35, %lt3A_37 : i1
    %and3A = arith.andi %ne3A_38, %ne3A_33 : i1
    %add3A_39 = arith.addi %rem3A, %select_n3A_32 : i32
    %select_n3A_40 = arith.select %and3A, %add3A_39, %rem3A : i32
    %eq3A_41 = arith.constant 1 : i32
    %eq3A_42 = arith.cmpi eq, %select_n3A_40, %eq3A_41 : i32
    %convert_element_type3A = arith.extui %eq3A_42 : i1 to i32
    %cond3A = arith.constant 0 : i32
    %cond3A_43 = arith.cmpi ne, %convert_element_type3A, %cond3A : i32
    scf.if %cond3A_43 {
      "tpu.region"() ({
        %run_scoped3A = tpu.sem_alloc : memref<!tpu.dma_semaphore, #tpu.memory_space<semaphore_mem>>
        %dma_start3A_84 = arith.constant 0 : i32
        %dma_start3A_85 = arith.constant 0 : i32
        %dma_start3A_86 = tpu.memref_slice %arg10[%dma_start3A_84, %dma_start3A_85] : memref<10000x128xf32, #tpu.memory_space<vmem_shared>> -> memref<10000x128xf32, #tpu.memory_space<vmem_shared>>
        tpu.enqueue_indirect_dma source(%arg8 : memref<128x128xf32, #tpu.memory_space<vmem>>) target(%dma_start3A_86 : memref<10000x128xf32, #tpu.memory_space<vmem_shared>>) offsets(%arg6 : memref<128xi32, #tpu.memory_space<vmem>>) semaphore(%run_scoped3A : memref<!tpu.dma_semaphore, #tpu.memory_space<semaphore_mem>>) {add = true}
        %dma_wait3A = arith.constant 0 : i32
        %dma_wait3A_87 = arith.constant 0 : i32
        %dma_wait3A_88 = tpu.memref_slice %arg10[%dma_wait3A, %dma_wait3A_87] : memref<10000x128xf32, #tpu.memory_space<vmem_shared>> -> memref<10000x128xf32, #tpu.memory_space<vmem_shared>>
        tpu.wait_indirect_dma semaphore(%run_scoped3A : memref<!tpu.dma_semaphore, #tpu.memory_space<semaphore_mem>>) src(%arg8 : memref<128x128xf32, #tpu.memory_space<vmem>>) dst(%dma_wait3A_88 : memref<10000x128xf32, #tpu.memory_space<vmem_shared>>)
        tpu.yield
      }) : () -> ()
    } else {
    }
    %jit3A_44 = arith.constant 2 : i32
    %eq3A_45 = arith.constant 0 : i32
    %eq3A_46 = arith.cmpi eq, %jit3A_44, %eq3A_45 : i32
    %jit3A_47 = arith.constant 1 : i32
    %select_n3A_48 = arith.select %eq3A_46, %jit3A_47, %jit3A_44 : i32
    %rem3A_49 = arith.remsi %select_n3A, %select_n3A_48 : i32
    %ne3A_50 = arith.constant 0 : i32
    %ne3A_51 = arith.cmpi ne, %rem3A_49, %ne3A_50 : i32
    %lt3A_52 = arith.constant 0 : i32
    %lt3A_53 = arith.cmpi slt, %rem3A_49, %lt3A_52 : i32
    %lt3A_54 = arith.constant 0 : i32
    %lt3A_55 = arith.cmpi slt, %select_n3A_48, %lt3A_54 : i32
    %ne3A_56 = arith.xori %lt3A_53, %lt3A_55 : i1
    %and3A_57 = arith.andi %ne3A_56, %ne3A_51 : i1
    %add3A_58 = arith.addi %rem3A_49, %select_n3A_48 : i32
    %select_n3A_59 = arith.select %and3A_57, %add3A_58, %rem3A_49 : i32
    %eq3A_60 = arith.constant 0 : i32
    %eq3A_61 = arith.cmpi eq, %select_n3A_59, %eq3A_60 : i32
    %convert_element_type3A_62 = arith.extui %eq3A_61 : i1 to i32
    %cond3A_63 = arith.constant 0 : i32
    %cond3A_64 = arith.cmpi ne, %convert_element_type3A_62, %cond3A_63 : i32
    scf.if %cond3A_64 {
      "tpu.region"() ({
        %run_scoped3A = tpu.sem_alloc : memref<!tpu.dma_semaphore, #tpu.memory_space<semaphore_mem>>
        %dma_start3A_84 = arith.constant 0 : i32
        %dma_start3A_85 = arith.constant 0 : i32
        %dma_start3A_86 = tpu.memref_slice %arg10[%dma_start3A_84, %dma_start3A_85] : memref<10000x128xf32, #tpu.memory_space<vmem_shared>> -> memref<10000x128xf32, #tpu.memory_space<vmem_shared>>
        tpu.enqueue_indirect_dma source(%arg9 : memref<128x128xf32, #tpu.memory_space<vmem>>) target(%dma_start3A_86 : memref<10000x128xf32, #tpu.memory_space<vmem_shared>>) offsets(%arg7 : memref<128xi32, #tpu.memory_space<vmem>>) semaphore(%run_scoped3A : memref<!tpu.dma_semaphore, #tpu.memory_space<semaphore_mem>>) {add = true}
        %dma_wait3A = arith.constant 0 : i32
        %dma_wait3A_87 = arith.constant 0 : i32
        %dma_wait3A_88 = tpu.memref_slice %arg10[%dma_wait3A, %dma_wait3A_87] : memref<10000x128xf32, #tpu.memory_space<vmem_shared>> -> memref<10000x128xf32, #tpu.memory_space<vmem_shared>>
        tpu.wait_indirect_dma semaphore(%run_scoped3A : memref<!tpu.dma_semaphore, #tpu.memory_space<semaphore_mem>>) src(%arg9 : memref<128x128xf32, #tpu.memory_space<vmem>>) dst(%dma_wait3A_88 : memref<10000x128xf32, #tpu.memory_space<vmem_shared>>)
        tpu.yield
      }) : () -> ()
    } else {
    }
    %barrier3A_65 = arith.constant 0 : index
    tpu.barrier barrier_id(%barrier3A_65)
    %sub3A_66 = arith.constant 125 : i32
    %sub3A_67 = arith.subi %sub3A_66, %arg1 : i32
    %sub3A_68 = arith.constant 16 : i32
    %sub3A_69 = arith.constant 1 : i32
    %sub3A_70 = arith.subi %sub3A_68, %sub3A_69 : i32
    %add3A_71 = arith.addi %sub3A_67, %sub3A_70 : i32
    %div3A_72 = arith.constant 16 : i32
    %div3A_73 = arith.divsi %add3A_71, %div3A_72 : i32
    %while3A_74 = arith.constant 16 : i32
    %while3A_75 = arith.constant 0 : i32
    %while3A_76 = arith.subi %div3A_73, %while3A_75 : i32
    %while3A_77 = arith.addi %while3A_75, %while3A_76 : i32
    %while3A_78 = arith.constant 1 : i32
    %while3A_79 = arith.divsi %while3A_76, %while3A_78 : i32
    %while3A_80 = arith.muli %while3A_79, %while3A_78 : i32
    %while3A_81 = arith.addi %while3A_75, %while3A_80 : i32
    %while3A_82 = arith.constant 1 : i32
    scf.for %while3A_84 = %while3A_75 to %while3A_81 step %while3A_82  : i32 {
      %mul3A_85 = arith.muli %while3A_84, %while3A_74 : i32
      %add3A_86 = arith.addi %arg1, %mul3A_85 : i32
      %mul3A_87 = arith.constant 80 : i32
      %mul3A_88 = arith.muli %add3A_86, %mul3A_87 : i32
      %mul3A_89 = arith.constant 80 : i32
      %mul3A_90 = arith.muli %add3A_86, %mul3A_89 : i32
      "tpu.region"() ({
        %run_scoped3A = tpu.sem_alloc : memref<!tpu.dma_semaphore, #tpu.memory_space<semaphore_mem>>
        %dma_start3A_91 = arith.constant 0 : i32
        %dma_start3A_92 = arith.constant 0 : i32
        %dma_start3A_93 = tpu.memref_slice %arg5[%arg0, %dma_start3A_91, %dma_start3A_92] : memref<2x10000x128xf32, #tpu.memory_space<hbm>> -> memref<1x10000x128xf32, #tpu.memory_space<hbm>>
        %dma_start3A_94 = tpu.memref_squeeze %dma_start3A_93 : memref<1x10000x128xf32, #tpu.memory_space<hbm>> -> memref<10000x128xf32, #tpu.memory_space<hbm>>
        %dma_start3A_95 = arith.constant 0 : i32
        %dma_start3A_96 = tpu.memref_slice %dma_start3A_94[%mul3A_90, %dma_start3A_95] : memref<10000x128xf32, #tpu.memory_space<hbm>> -> memref<80x128xf32, #tpu.memory_space<hbm>>
        %dma_start3A_97 = arith.constant 0 : i32
        %dma_start3A_98 = tpu.memref_slice %arg10[%mul3A_88, %dma_start3A_97] : memref<10000x128xf32, #tpu.memory_space<vmem_shared>> -> memref<80x128xf32, #tpu.memory_space<vmem_shared>>
        tpu.enqueue_dma source(%dma_start3A_98 : memref<80x128xf32, #tpu.memory_space<vmem_shared>>) target(%dma_start3A_96 : memref<80x128xf32, #tpu.memory_space<hbm>>) target_semaphore(%run_scoped3A : memref<!tpu.dma_semaphore, #tpu.memory_space<semaphore_mem>>)
        %dma_wait3A = arith.constant 0 : i32
        %dma_wait3A_99 = arith.constant 0 : i32
        %dma_wait3A_100 = tpu.memref_slice %arg5[%arg0, %dma_wait3A, %dma_wait3A_99] : memref<2x10000x128xf32, #tpu.memory_space<hbm>> -> memref<1x10000x128xf32, #tpu.memory_space<hbm>>
        %dma_wait3A_101 = tpu.memref_squeeze %dma_wait3A_100 : memref<1x10000x128xf32, #tpu.memory_space<hbm>> -> memref<10000x128xf32, #tpu.memory_space<hbm>>
        %dma_wait3A_102 = arith.constant 0 : i32
        %dma_wait3A_103 = tpu.memref_slice %dma_wait3A_101[%mul3A_90, %dma_wait3A_102] : memref<10000x128xf32, #tpu.memory_space<hbm>> -> memref<80x128xf32, #tpu.memory_space<hbm>>
        %dma_wait3A_104 = arith.constant 0 : i32
        %dma_wait3A_105 = tpu.memref_slice %arg10[%mul3A_88, %dma_wait3A_104] : memref<10000x128xf32, #tpu.memory_space<vmem_shared>> -> memref<80x128xf32, #tpu.memory_space<vmem_shared>>
        tpu.wait_dma2 semaphore(%run_scoped3A : memref<!tpu.dma_semaphore, #tpu.memory_space<semaphore_mem>>) src(%dma_wait3A_105 : memref<80x128xf32, #tpu.memory_space<vmem_shared>>) dst(%dma_wait3A_103 : memref<80x128xf32, #tpu.memory_space<hbm>>)
        tpu.yield
      }) : () -> ()
    }
    %while3A_83 = arith.constant 1 : i32
    scf.for %while3A_84 = %while3A_81 to %while3A_77 step %while3A_83  : i32 {
      %mul3A_85 = arith.muli %while3A_84, %while3A_74 : i32
      %add3A_86 = arith.addi %arg1, %mul3A_85 : i32
      %mul3A_87 = arith.constant 80 : i32
      %mul3A_88 = arith.muli %add3A_86, %mul3A_87 : i32
      %mul3A_89 = arith.constant 80 : i32
      %mul3A_90 = arith.muli %add3A_86, %mul3A_89 : i32
      "tpu.region"() ({
        %run_scoped3A = tpu.sem_alloc : memref<!tpu.dma_semaphore, #tpu.memory_space<semaphore_mem>>
        %dma_start3A_91 = arith.constant 0 : i32
        %dma_start3A_92 = arith.constant 0 : i32
        %dma_start3A_93 = tpu.memref_slice %arg5[%arg0, %dma_start3A_91, %dma_start3A_92] : memref<2x10000x128xf32, #tpu.memory_space<hbm>> -> memref<1x10000x128xf32, #tpu.memory_space<hbm>>
        %dma_start3A_94 = tpu.memref_squeeze %dma_start3A_93 : memref<1x10000x128xf32, #tpu.memory_space<hbm>> -> memref<10000x128xf32, #tpu.memory_space<hbm>>
        %dma_start3A_95 = arith.constant 0 : i32
        %dma_start3A_96 = tpu.memref_slice %dma_start3A_94[%mul3A_90, %dma_start3A_95] : memref<10000x128xf32, #tpu.memory_space<hbm>> -> memref<80x128xf32, #tpu.memory_space<hbm>>
        %dma_start3A_97 = arith.constant 0 : i32
        %dma_start3A_98 = tpu.memref_slice %arg10[%mul3A_88, %dma_start3A_97] : memref<10000x128xf32, #tpu.memory_space<vmem_shared>> -> memref<80x128xf32, #tpu.memory_space<vmem_shared>>
        tpu.enqueue_dma source(%dma_start3A_98 : memref<80x128xf32, #tpu.memory_space<vmem_shared>>) target(%dma_start3A_96 : memref<80x128xf32, #tpu.memory_space<hbm>>) target_semaphore(%run_scoped3A : memref<!tpu.dma_semaphore, #tpu.memory_space<semaphore_mem>>)
        %dma_wait3A = arith.constant 0 : i32
        %dma_wait3A_99 = arith.constant 0 : i32
        %dma_wait3A_100 = tpu.memref_slice %arg5[%arg0, %dma_wait3A, %dma_wait3A_99] : memref<2x10000x128xf32, #tpu.memory_space<hbm>> -> memref<1x10000x128xf32, #tpu.memory_space<hbm>>
        %dma_wait3A_101 = tpu.memref_squeeze %dma_wait3A_100 : memref<1x10000x128xf32, #tpu.memory_space<hbm>> -> memref<10000x128xf32, #tpu.memory_space<hbm>>
        %dma_wait3A_102 = arith.constant 0 : i32
        %dma_wait3A_103 = tpu.memref_slice %dma_wait3A_101[%mul3A_90, %dma_wait3A_102] : memref<10000x128xf32, #tpu.memory_space<hbm>> -> memref<80x128xf32, #tpu.memory_space<hbm>>
        %dma_wait3A_104 = arith.constant 0 : i32
        %dma_wait3A_105 = tpu.memref_slice %arg10[%mul3A_88, %dma_wait3A_104] : memref<10000x128xf32, #tpu.memory_space<vmem_shared>> -> memref<80x128xf32, #tpu.memory_space<vmem_shared>>
        tpu.wait_dma2 semaphore(%run_scoped3A : memref<!tpu.dma_semaphore, #tpu.memory_space<semaphore_mem>>) src(%dma_wait3A_105 : memref<80x128xf32, #tpu.memory_space<vmem_shared>>) dst(%dma_wait3A_103 : memref<80x128xf32, #tpu.memory_space<hbm>>)
        tpu.yield
      }) : () -> ()
    }
    return
  }
}

#map = affine_map<(d0, d1) -> (0, 0)>
#map1 = affine_map<(d0, d1) -> (0, 0, 0)>
module attributes {stable_mosaic.version = 14 : i64} {
  func.func @k5(%arg0: i32, %arg1: i32, %arg2: memref<1250x128xi32, #tpu.memory_space<hbm>>, %arg3: memref<1250x128xi32, #tpu.memory_space<hbm>>, %arg4: memref<10000x128xf32, #tpu.memory_space<hbm>>, %arg5: memref<10000x128xf32, #tpu.memory_space<hbm>>, %arg6: memref<160000x128xf32, #tpu.memory_space<hbm>>, %arg7: memref<128x128xf32, #tpu.memory_space<hbm>>, %arg8: memref<2x10000x128xf32, #tpu.memory_space<hbm>>, %arg9: memref<128x128xf32, #tpu.memory_space<hbm>>, %arg10: memref<128xi32, #tpu.memory_space<vmem>>, %arg11: memref<128xi32, #tpu.memory_space<vmem>>, %arg12: memref<128xi32, #tpu.memory_space<vmem>>, %arg13: memref<128xi32, #tpu.memory_space<vmem>>, %arg14: memref<128x128xf32, #tpu.memory_space<vmem>>, %arg15: memref<128x128xf32, #tpu.memory_space<vmem>>, %arg16: memref<128x128xf32, #tpu.memory_space<vmem>>, %arg17: memref<10000x128xf32, #tpu.memory_space<vmem_shared>>, %arg18: memref<!tpu.dma_semaphore, #tpu.memory_space<semaphore_mem>>, %arg19: memref<!tpu.dma_semaphore, #tpu.memory_space<semaphore_mem>>, %arg20: memref<!tpu.dma_semaphore, #tpu.memory_space<semaphore_mem>>, %arg21: memref<!tpu.dma_semaphore, #tpu.memory_space<semaphore_mem>>) attributes {dimension_semantics = [#tpu.dimension_semantics<core_parallel>, #tpu.dimension_semantics<subcore_parallel>], iteration_bounds = array<i64: 2, 16>, scalar_prefetch = 0 : i64, scratch_operands = 12 : i64, tpu.core_type = #tpu.core_type<sc_vector_subcore>, window_params = [{transform_indices = #map}, {transform_indices = #map}, {transform_indices = #map}, {transform_indices = #map}, {transform_indices = #map}, {transform_indices = #map}, {transform_indices = #map1}, {transform_indices = #map}]} {
    %mul3A = arith.constant 2 : i32
    %mul3A_0 = arith.muli %arg1, %mul3A : i32
    %add3A = arith.addi %mul3A_0, %arg0 : i32
    %lt3A = arith.constant 2 : i32
    %lt3A_1 = arith.cmpi slt, %add3A, %lt3A : i32
    %jit3A = arith.constant 40 : i32
    %jit3A_2 = arith.constant 39 : i32
    %select_n3A = arith.select %lt3A_1, %jit3A, %jit3A_2 : i32
    %sub3A = arith.constant 125 : i32
    %sub3A_3 = arith.subi %sub3A, %arg1 : i32
    %sub3A_4 = arith.constant 16 : i32
    %sub3A_5 = arith.constant 1 : i32
    %sub3A_6 = arith.subi %sub3A_4, %sub3A_5 : i32
    %add3A_7 = arith.addi %sub3A_3, %sub3A_6 : i32
    %div3A = arith.constant 16 : i32
    %div3A_8 = arith.divsi %add3A_7, %div3A : i32
    %while3A = arith.constant 16 : i32
    %while3A_9 = arith.constant 0 : i32
    %while3A_10 = arith.subi %div3A_8, %while3A_9 : i32
    %while3A_11 = arith.addi %while3A_9, %while3A_10 : i32
    %while3A_12 = arith.constant 1 : i32
    %while3A_13 = arith.divsi %while3A_10, %while3A_12 : i32
    %while3A_14 = arith.muli %while3A_13, %while3A_12 : i32
    %while3A_15 = arith.addi %while3A_9, %while3A_14 : i32
    %while3A_16 = arith.constant 1 : i32
    scf.for %while3A_90 = %while3A_9 to %while3A_15 step %while3A_16  : i32 {
      %mul3A_91 = arith.muli %while3A_90, %while3A : i32
      %add3A_92 = arith.addi %arg1, %mul3A_91 : i32
      %mul3A_93 = arith.constant 80 : i32
      %mul3A_94 = arith.muli %add3A_92, %mul3A_93 : i32
      "tpu.region"() ({
        %run_scoped3A = tpu.sem_alloc : memref<!tpu.dma_semaphore, #tpu.memory_space<semaphore_mem>>
        %dma_start3A_95 = arith.constant 0 : i32
        %dma_start3A_96 = tpu.memref_slice %arg17[%mul3A_94, %dma_start3A_95] : memref<10000x128xf32, #tpu.memory_space<vmem_shared>> -> memref<80x128xf32, #tpu.memory_space<vmem_shared>>
        %dma_start3A_97 = arith.constant 0 : i32
        %dma_start3A_98 = arith.constant 0 : i32
        %dma_start3A_99 = tpu.memref_slice %arg7[%dma_start3A_97, %dma_start3A_98] : memref<128x128xf32, #tpu.memory_space<hbm>> -> memref<80x128xf32, #tpu.memory_space<hbm>>
        tpu.enqueue_dma source(%dma_start3A_99 : memref<80x128xf32, #tpu.memory_space<hbm>>) target(%dma_start3A_96 : memref<80x128xf32, #tpu.memory_space<vmem_shared>>) target_semaphore(%run_scoped3A : memref<!tpu.dma_semaphore, #tpu.memory_space<semaphore_mem>>)
        %dma_wait3A = arith.constant 0 : i32
        %dma_wait3A_100 = tpu.memref_slice %arg17[%mul3A_94, %dma_wait3A] : memref<10000x128xf32, #tpu.memory_space<vmem_shared>> -> memref<80x128xf32, #tpu.memory_space<vmem_shared>>
        %dma_wait3A_101 = arith.constant 0 : i32
        %dma_wait3A_102 = arith.constant 0 : i32
        %dma_wait3A_103 = tpu.memref_slice %arg7[%dma_wait3A_101, %dma_wait3A_102] : memref<128x128xf32, #tpu.memory_space<hbm>> -> memref<80x128xf32, #tpu.memory_space<hbm>>
        tpu.wait_dma2 semaphore(%run_scoped3A : memref<!tpu.dma_semaphore, #tpu.memory_space<semaphore_mem>>) src(%dma_wait3A_103 : memref<80x128xf32, #tpu.memory_space<hbm>>) dst(%dma_wait3A_100 : memref<80x128xf32, #tpu.memory_space<vmem_shared>>)
        tpu.yield
      }) : () -> ()
    }
    %while3A_17 = arith.constant 1 : i32
    scf.for %while3A_90 = %while3A_15 to %while3A_11 step %while3A_17  : i32 {
      %mul3A_91 = arith.muli %while3A_90, %while3A : i32
      %add3A_92 = arith.addi %arg1, %mul3A_91 : i32
      %mul3A_93 = arith.constant 80 : i32
      %mul3A_94 = arith.muli %add3A_92, %mul3A_93 : i32
      "tpu.region"() ({
        %run_scoped3A = tpu.sem_alloc : memref<!tpu.dma_semaphore, #tpu.memory_space<semaphore_mem>>
        %dma_start3A_95 = arith.constant 0 : i32
        %dma_start3A_96 = tpu.memref_slice %arg17[%mul3A_94, %dma_start3A_95] : memref<10000x128xf32, #tpu.memory_space<vmem_shared>> -> memref<80x128xf32, #tpu.memory_space<vmem_shared>>
        %dma_start3A_97 = arith.constant 0 : i32
        %dma_start3A_98 = arith.constant 0 : i32
        %dma_start3A_99 = tpu.memref_slice %arg7[%dma_start3A_97, %dma_start3A_98] : memref<128x128xf32, #tpu.memory_space<hbm>> -> memref<80x128xf32, #tpu.memory_space<hbm>>
        tpu.enqueue_dma source(%dma_start3A_99 : memref<80x128xf32, #tpu.memory_space<hbm>>) target(%dma_start3A_96 : memref<80x128xf32, #tpu.memory_space<vmem_shared>>) target_semaphore(%run_scoped3A : memref<!tpu.dma_semaphore, #tpu.memory_space<semaphore_mem>>)
        %dma_wait3A = arith.constant 0 : i32
        %dma_wait3A_100 = tpu.memref_slice %arg17[%mul3A_94, %dma_wait3A] : memref<10000x128xf32, #tpu.memory_space<vmem_shared>> -> memref<80x128xf32, #tpu.memory_space<vmem_shared>>
        %dma_wait3A_101 = arith.constant 0 : i32
        %dma_wait3A_102 = arith.constant 0 : i32
        %dma_wait3A_103 = tpu.memref_slice %arg7[%dma_wait3A_101, %dma_wait3A_102] : memref<128x128xf32, #tpu.memory_space<hbm>> -> memref<80x128xf32, #tpu.memory_space<hbm>>
        tpu.wait_dma2 semaphore(%run_scoped3A : memref<!tpu.dma_semaphore, #tpu.memory_space<semaphore_mem>>) src(%dma_wait3A_103 : memref<80x128xf32, #tpu.memory_space<hbm>>) dst(%dma_wait3A_100 : memref<80x128xf32, #tpu.memory_space<vmem_shared>>)
        tpu.yield
      }) : () -> ()
    }
    %barrier3A = arith.constant 0 : index
    tpu.barrier barrier_id(%barrier3A)
    %add3A_18 = arith.constant 0 : i32
    %add3A_19 = arith.addi %add3A, %add3A_18 : i32
    %dma_start3A = arith.constant 0 : i32
    %dma_start3A_20 = tpu.memref_slice %arg2[%add3A_19, %dma_start3A] : memref<1250x128xi32, #tpu.memory_space<hbm>> -> memref<1x128xi32, #tpu.memory_space<hbm>>
    %dma_start3A_21 = tpu.memref_squeeze %dma_start3A_20 : memref<1x128xi32, #tpu.memory_space<hbm>> -> memref<128xi32, #tpu.memory_space<hbm>>
    %dma_start3A_22 = arith.constant 0 : i32
    %dma_start3A_23 = tpu.memref_slice %arg2[%add3A_19, %dma_start3A_22] : memref<1250x128xi32, #tpu.memory_space<hbm>> -> memref<1x128xi32, #tpu.memory_space<hbm>>
    %dma_start3A_24 = tpu.memref_squeeze %dma_start3A_23 : memref<1x128xi32, #tpu.memory_space<hbm>> -> memref<128xi32, #tpu.memory_space<hbm>>
    tpu.enqueue_dma source(%dma_start3A_24 : memref<128xi32, #tpu.memory_space<hbm>>) target(%arg10 : memref<128xi32, #tpu.memory_space<vmem>>) target_semaphore(%arg18 : memref<!tpu.dma_semaphore, #tpu.memory_space<semaphore_mem>>)
    %dma_start3A_25 = arith.constant 0 : i32
    %dma_start3A_26 = tpu.memref_slice %arg3[%add3A_19, %dma_start3A_25] : memref<1250x128xi32, #tpu.memory_space<hbm>> -> memref<1x128xi32, #tpu.memory_space<hbm>>
    %dma_start3A_27 = tpu.memref_squeeze %dma_start3A_26 : memref<1x128xi32, #tpu.memory_space<hbm>> -> memref<128xi32, #tpu.memory_space<hbm>>
    %dma_start3A_28 = arith.constant 0 : i32
    %dma_start3A_29 = tpu.memref_slice %arg3[%add3A_19, %dma_start3A_28] : memref<1250x128xi32, #tpu.memory_space<hbm>> -> memref<1x128xi32, #tpu.memory_space<hbm>>
    %dma_start3A_30 = tpu.memref_squeeze %dma_start3A_29 : memref<1x128xi32, #tpu.memory_space<hbm>> -> memref<128xi32, #tpu.memory_space<hbm>>
    tpu.enqueue_dma source(%dma_start3A_30 : memref<128xi32, #tpu.memory_space<hbm>>) target(%arg12 : memref<128xi32, #tpu.memory_space<vmem>>) target_semaphore(%arg18 : memref<!tpu.dma_semaphore, #tpu.memory_space<semaphore_mem>>)
    %scan3A = arith.constant 0 : i32
    %scan3A_31 = arith.constant 20 : i32
    %scan3A_32 = arith.addi %scan3A, %scan3A_31 : i32
    %scan3A_33 = arith.constant 1 : i32
    scf.for %scan3A_90 = %scan3A to %scan3A_32 step %scan3A_33  : i32 {
      %mul3A_91 = arith.constant 2 : i32
      %mul3A_92 = arith.muli %scan3A_90, %mul3A_91 : i32
      %add3A_93 = arith.constant 0 : i32
      %add3A_94 = arith.addi %add3A_93, %mul3A_92 : i32
      %add3A_95 = arith.constant 0 : i32
      %add3A_96 = arith.addi %add3A_94, %add3A_95 : i32
      %lt3A_97 = arith.cmpi slt, %add3A_96, %select_n3A : i32
      %convert_element_type3A_98 = arith.extui %lt3A_97 : i1 to i32
      %cond3A_99 = arith.constant 0 : i32
      %cond3A_100 = arith.cmpi ne, %convert_element_type3A_98, %cond3A_99 : i32
      scf.if %cond3A_100 {
        %dma_wait3A = arith.constant 0 : i32
        %dma_wait3A_107 = arith.constant 0 : i32
        %dma_wait3A_108 = tpu.memref_slice %arg2[%dma_wait3A, %dma_wait3A_107] : memref<1250x128xi32, #tpu.memory_space<hbm>> -> memref<1x128xi32, #tpu.memory_space<hbm>>
        %dma_wait3A_109 = tpu.memref_squeeze %dma_wait3A_108 : memref<1x128xi32, #tpu.memory_space<hbm>> -> memref<128xi32, #tpu.memory_space<hbm>>
        %dma_wait3A_110 = arith.constant 0 : i32
        %dma_wait3A_111 = tpu.memref_slice %arg2[%dma_wait3A, %dma_wait3A_110] : memref<1250x128xi32, #tpu.memory_space<hbm>> -> memref<1x128xi32, #tpu.memory_space<hbm>>
        %dma_wait3A_112 = tpu.memref_squeeze %dma_wait3A_111 : memref<1x128xi32, #tpu.memory_space<hbm>> -> memref<128xi32, #tpu.memory_space<hbm>>
        tpu.wait_dma2 semaphore(%arg18 : memref<!tpu.dma_semaphore, #tpu.memory_space<semaphore_mem>>) src(%dma_wait3A_112 : memref<128xi32, #tpu.memory_space<hbm>>) dst(%arg10 : memref<128xi32, #tpu.memory_space<vmem>>)
        %dma_wait3A_113 = arith.constant 0 : i32
        %dma_wait3A_114 = arith.constant 0 : i32
        %dma_wait3A_115 = tpu.memref_slice %arg3[%dma_wait3A_113, %dma_wait3A_114] : memref<1250x128xi32, #tpu.memory_space<hbm>> -> memref<1x128xi32, #tpu.memory_space<hbm>>
        %dma_wait3A_116 = tpu.memref_squeeze %dma_wait3A_115 : memref<1x128xi32, #tpu.memory_space<hbm>> -> memref<128xi32, #tpu.memory_space<hbm>>
        %dma_wait3A_117 = arith.constant 0 : i32
        %dma_wait3A_118 = tpu.memref_slice %arg3[%dma_wait3A_113, %dma_wait3A_117] : memref<1250x128xi32, #tpu.memory_space<hbm>> -> memref<1x128xi32, #tpu.memory_space<hbm>>
        %dma_wait3A_119 = tpu.memref_squeeze %dma_wait3A_118 : memref<1x128xi32, #tpu.memory_space<hbm>> -> memref<128xi32, #tpu.memory_space<hbm>>
        tpu.wait_dma2 semaphore(%arg18 : memref<!tpu.dma_semaphore, #tpu.memory_space<semaphore_mem>>) src(%dma_wait3A_119 : memref<128xi32, #tpu.memory_space<hbm>>) dst(%arg12 : memref<128xi32, #tpu.memory_space<vmem>>)
        %dma_start3A_120 = arith.constant 0 : i32
        %dma_start3A_121 = arith.constant 0 : i32
        %dma_start3A_122 = tpu.memref_slice %arg4[%dma_start3A_120, %dma_start3A_121] : memref<10000x128xf32, #tpu.memory_space<hbm>> -> memref<10000x128xf32, #tpu.memory_space<hbm>>
        tpu.enqueue_indirect_dma source(%dma_start3A_122 : memref<10000x128xf32, #tpu.memory_space<hbm>>) target(%arg14 : memref<128x128xf32, #tpu.memory_space<vmem>>) offsets(%arg12 : memref<128xi32, #tpu.memory_space<vmem>>) semaphore(%arg20 : memref<!tpu.dma_semaphore, #tpu.memory_space<semaphore_mem>>)
        %dma_start3A_123 = arith.constant 0 : i32
        %dma_start3A_124 = arith.constant 0 : i32
        %dma_start3A_125 = tpu.memref_slice %arg5[%dma_start3A_123, %dma_start3A_124] : memref<10000x128xf32, #tpu.memory_space<hbm>> -> memref<10000x128xf32, #tpu.memory_space<hbm>>
        tpu.enqueue_indirect_dma source(%dma_start3A_125 : memref<10000x128xf32, #tpu.memory_space<hbm>>) target(%arg15 : memref<128x128xf32, #tpu.memory_space<vmem>>) offsets(%arg10 : memref<128xi32, #tpu.memory_space<vmem>>) semaphore(%arg20 : memref<!tpu.dma_semaphore, #tpu.memory_space<semaphore_mem>>)
        %ge3A = arith.constant 1 : i32
        %ge3A_126 = arith.cmpi sge, %add3A_96, %ge3A : i32
        %convert_element_type3A_127 = arith.extui %ge3A_126 : i1 to i32
        %cond3A_128 = arith.constant 0 : i32
        %cond3A_129 = arith.cmpi ne, %convert_element_type3A_127, %cond3A_128 : i32
        scf.if %cond3A_129 {
          "tpu.region"() ({
            %run_scoped3A = tpu.sem_alloc : memref<!tpu.dma_semaphore, #tpu.memory_space<semaphore_mem>>
            %dma_start3A_154 = arith.constant 0 : i32
            %dma_start3A_155 = arith.constant 0 : i32
            %dma_start3A_156 = tpu.memref_slice %arg17[%dma_start3A_154, %dma_start3A_155] : memref<10000x128xf32, #tpu.memory_space<vmem_shared>> -> memref<10000x128xf32, #tpu.memory_space<vmem_shared>>
            tpu.enqueue_indirect_dma source(%arg16 : memref<128x128xf32, #tpu.memory_space<vmem>>) target(%dma_start3A_156 : memref<10000x128xf32, #tpu.memory_space<vmem_shared>>) offsets(%arg11 : memref<128xi32, #tpu.memory_space<vmem>>) semaphore(%run_scoped3A : memref<!tpu.dma_semaphore, #tpu.memory_space<semaphore_mem>>) {add = true}
            %dma_wait3A_157 = arith.constant 0 : i32
            %dma_wait3A_158 = arith.constant 0 : i32
            %dma_wait3A_159 = tpu.memref_slice %arg17[%dma_wait3A_157, %dma_wait3A_158] : memref<10000x128xf32, #tpu.memory_space<vmem_shared>> -> memref<10000x128xf32, #tpu.memory_space<vmem_shared>>
            tpu.wait_indirect_dma semaphore(%run_scoped3A : memref<!tpu.dma_semaphore, #tpu.memory_space<semaphore_mem>>) src(%arg16 : memref<128x128xf32, #tpu.memory_space<vmem>>) dst(%dma_wait3A_159 : memref<10000x128xf32, #tpu.memory_space<vmem_shared>>)
            tpu.yield
          }) : () -> ()
        } else {
        }
        %add3A_130 = arith.constant 1 : i32
        %add3A_131 = arith.addi %add3A_96, %add3A_130 : i32
        %lt3A_132 = arith.cmpi slt, %add3A_131, %select_n3A : i32
        %convert_element_type3A_133 = arith.extui %lt3A_132 : i1 to i32
        %cond3A_134 = arith.constant 0 : i32
        %cond3A_135 = arith.cmpi ne, %convert_element_type3A_133, %cond3A_134 : i32
        scf.if %cond3A_135 {
          %add3A_154 = arith.constant 1 : i32
          %add3A_155 = arith.addi %add3A_96, %add3A_154 : i32
          %mul3A_156 = arith.constant 32 : i32
          %mul3A_157 = arith.muli %add3A_155, %mul3A_156 : i32
          %add3A_158 = arith.addi %add3A, %mul3A_157 : i32
          %dma_start3A_159 = arith.constant 0 : i32
          %dma_start3A_160 = tpu.memref_slice %arg2[%add3A_158, %dma_start3A_159] : memref<1250x128xi32, #tpu.memory_space<hbm>> -> memref<1x128xi32, #tpu.memory_space<hbm>>
          %dma_start3A_161 = tpu.memref_squeeze %dma_start3A_160 : memref<1x128xi32, #tpu.memory_space<hbm>> -> memref<128xi32, #tpu.memory_space<hbm>>
          %dma_start3A_162 = arith.constant 0 : i32
          %dma_start3A_163 = tpu.memref_slice %arg2[%add3A_158, %dma_start3A_162] : memref<1250x128xi32, #tpu.memory_space<hbm>> -> memref<1x128xi32, #tpu.memory_space<hbm>>
          %dma_start3A_164 = tpu.memref_squeeze %dma_start3A_163 : memref<1x128xi32, #tpu.memory_space<hbm>> -> memref<128xi32, #tpu.memory_space<hbm>>
          tpu.enqueue_dma source(%dma_start3A_164 : memref<128xi32, #tpu.memory_space<hbm>>) target(%arg11 : memref<128xi32, #tpu.memory_space<vmem>>) target_semaphore(%arg19 : memref<!tpu.dma_semaphore, #tpu.memory_space<semaphore_mem>>)
          %dma_start3A_165 = arith.constant 0 : i32
          %dma_start3A_166 = tpu.memref_slice %arg3[%add3A_158, %dma_start3A_165] : memref<1250x128xi32, #tpu.memory_space<hbm>> -> memref<1x128xi32, #tpu.memory_space<hbm>>
          %dma_start3A_167 = tpu.memref_squeeze %dma_start3A_166 : memref<1x128xi32, #tpu.memory_space<hbm>> -> memref<128xi32, #tpu.memory_space<hbm>>
          %dma_start3A_168 = arith.constant 0 : i32
          %dma_start3A_169 = tpu.memref_slice %arg3[%add3A_158, %dma_start3A_168] : memref<1250x128xi32, #tpu.memory_space<hbm>> -> memref<1x128xi32, #tpu.memory_space<hbm>>
          %dma_start3A_170 = tpu.memref_squeeze %dma_start3A_169 : memref<1x128xi32, #tpu.memory_space<hbm>> -> memref<128xi32, #tpu.memory_space<hbm>>
          tpu.enqueue_dma source(%dma_start3A_170 : memref<128xi32, #tpu.memory_space<hbm>>) target(%arg13 : memref<128xi32, #tpu.memory_space<vmem>>) target_semaphore(%arg19 : memref<!tpu.dma_semaphore, #tpu.memory_space<semaphore_mem>>)
        } else {
        }
        %mul3A_136 = arith.constant 32 : i32
        %mul3A_137 = arith.muli %add3A_96, %mul3A_136 : i32
        %add3A_138 = arith.addi %add3A, %mul3A_137 : i32
        %mul3A_139 = arith.constant 128 : i32
        %mul3A_140 = arith.muli %add3A_138, %mul3A_139 : i32
        "tpu.region"() ({
          %run_scoped3A = tpu.sem_alloc : memref<!tpu.dma_semaphore, #tpu.memory_space<semaphore_mem>>
          %dma_start3A_154 = arith.constant 0 : i32
          %dma_start3A_155 = tpu.memref_slice %arg6[%mul3A_140, %dma_start3A_154] : memref<160000x128xf32, #tpu.memory_space<hbm>> -> memref<128x128xf32, #tpu.memory_space<hbm>>
          %dma_start3A_156 = arith.constant 0 : i32
          %dma_start3A_157 = tpu.memref_slice %arg6[%mul3A_140, %dma_start3A_156] : memref<160000x128xf32, #tpu.memory_space<hbm>> -> memref<128x128xf32, #tpu.memory_space<hbm>>
          tpu.enqueue_dma source(%dma_start3A_157 : memref<128x128xf32, #tpu.memory_space<hbm>>) target(%arg16 : memref<128x128xf32, #tpu.memory_space<vmem>>) target_semaphore(%run_scoped3A : memref<!tpu.dma_semaphore, #tpu.memory_space<semaphore_mem>>)
          %dma_wait3A_158 = arith.constant 0 : i32
          %dma_wait3A_159 = tpu.memref_slice %arg6[%mul3A_140, %dma_wait3A_158] : memref<160000x128xf32, #tpu.memory_space<hbm>> -> memref<128x128xf32, #tpu.memory_space<hbm>>
          %dma_wait3A_160 = arith.constant 0 : i32
          %dma_wait3A_161 = tpu.memref_slice %arg6[%mul3A_140, %dma_wait3A_160] : memref<160000x128xf32, #tpu.memory_space<hbm>> -> memref<128x128xf32, #tpu.memory_space<hbm>>
          tpu.wait_dma2 semaphore(%run_scoped3A : memref<!tpu.dma_semaphore, #tpu.memory_space<semaphore_mem>>) src(%dma_wait3A_161 : memref<128x128xf32, #tpu.memory_space<hbm>>) dst(%arg16 : memref<128x128xf32, #tpu.memory_space<vmem>>)
          tpu.yield
        }) : () -> ()
        %dma_wait3A_141 = arith.constant 0 : i32
        %dma_wait3A_142 = arith.constant 0 : i32
        %dma_wait3A_143 = tpu.memref_slice %arg4[%dma_wait3A_141, %dma_wait3A_142] : memref<10000x128xf32, #tpu.memory_space<hbm>> -> memref<10000x128xf32, #tpu.memory_space<hbm>>
        tpu.wait_indirect_dma semaphore(%arg20 : memref<!tpu.dma_semaphore, #tpu.memory_space<semaphore_mem>>) src(%dma_wait3A_143 : memref<10000x128xf32, #tpu.memory_space<hbm>>) dst(%arg14 : memref<128x128xf32, #tpu.memory_space<vmem>>)
        %dma_wait3A_144 = arith.constant 0 : i32
        %dma_wait3A_145 = arith.constant 0 : i32
        %dma_wait3A_146 = tpu.memref_slice %arg5[%dma_wait3A_144, %dma_wait3A_145] : memref<10000x128xf32, #tpu.memory_space<hbm>> -> memref<10000x128xf32, #tpu.memory_space<hbm>>
        tpu.wait_indirect_dma semaphore(%arg20 : memref<!tpu.dma_semaphore, #tpu.memory_space<semaphore_mem>>) src(%dma_wait3A_146 : memref<10000x128xf32, #tpu.memory_space<hbm>>) dst(%arg15 : memref<128x128xf32, #tpu.memory_space<vmem>>)
        %parallel_loop3A = arith.constant 0 : i32
        %parallel_loop3A_147 = arith.constant 128 : i32
        %parallel_loop3A_148 = arith.constant 1 : i32
        scf.for %parallel_loop3A_154 = %parallel_loop3A to %parallel_loop3A_147 step %parallel_loop3A_148  : i32 {
          %parallel_loop3A_155 = arith.index_cast %parallel_loop3A_154 : i32 to index
          %parallel_loop3A_156 = arith.constant 0 : index
          %parallel_loop3A_157 = tpu.vector_load %arg14[%parallel_loop3A_155, %parallel_loop3A_156] {strides = array<i32>} : memref<128x128xf32, #tpu.memory_space<vmem>>, vector<1x16xf32>,
          %parallel_loop3A_158 = vector.shape_cast %parallel_loop3A_157 : vector<1x16xf32> to vector<16xf32>
          %parallel_loop3A_159 = arith.index_cast %parallel_loop3A_154 : i32 to index
          %parallel_loop3A_160 = arith.constant 0 : index
          %parallel_loop3A_161 = tpu.vector_load %arg15[%parallel_loop3A_159, %parallel_loop3A_160] {strides = array<i32>} : memref<128x128xf32, #tpu.memory_space<vmem>>, vector<1x16xf32>,
          %parallel_loop3A_162 = vector.shape_cast %parallel_loop3A_161 : vector<1x16xf32> to vector<16xf32>
          %parallel_loop3A_163 = arith.addf %parallel_loop3A_158, %parallel_loop3A_162 : vector<16xf32>
          %parallel_loop3A_164 = arith.index_cast %parallel_loop3A_154 : i32 to index
          %parallel_loop3A_165 = arith.constant 0 : index
          %parallel_loop3A_166 = tpu.vector_load %arg16[%parallel_loop3A_164, %parallel_loop3A_165] {strides = array<i32>} : memref<128x128xf32, #tpu.memory_space<vmem>>, vector<1x16xf32>,
          %parallel_loop3A_167 = vector.shape_cast %parallel_loop3A_166 : vector<1x16xf32> to vector<16xf32>
          %parallel_loop3A_168 = arith.addf %parallel_loop3A_163, %parallel_loop3A_167 : vector<16xf32>
          %parallel_loop3A_169 = arith.constant 0.000000e+00 : f32
          %parallel_loop3A_170 = vector.broadcast %parallel_loop3A_169 : f32 to vector<16xf32>
          %parallel_loop3A_171 = arith.maximumf %parallel_loop3A_168, %parallel_loop3A_170 : vector<16xf32>
          %parallel_loop3A_172 = arith.index_cast %parallel_loop3A_154 : i32 to index
          %parallel_loop3A_173 = arith.constant 0 : index
          %parallel_loop3A_174 = tpu.vector_load %arg16[%parallel_loop3A_172, %parallel_loop3A_173] {strides = array<i32>} : memref<128x128xf32, #tpu.memory_space<vmem>>, vector<1x16xf32>,
          %parallel_loop3A_175 = vector.shape_cast %parallel_loop3A_174 : vector<1x16xf32> to vector<16xf32>
          %parallel_loop3A_176 = vector.shape_cast %parallel_loop3A_171 : vector<16xf32> to vector<1x16xf32>
          tpu.vector_store %arg16[%parallel_loop3A_172, %parallel_loop3A_173], %parallel_loop3A_176 {strides = array<i32>} : memref<128x128xf32, #tpu.memory_space<vmem>>, vector<1x16xf32>,
          %parallel_loop3A_177 = arith.index_cast %parallel_loop3A_154 : i32 to index
          %parallel_loop3A_178 = arith.constant 16 : index
          %parallel_loop3A_179 = tpu.vector_load %arg14[%parallel_loop3A_177, %parallel_loop3A_178] {strides = array<i32>} : memref<128x128xf32, #tpu.memory_space<vmem>>, vector<1x16xf32>,
          %parallel_loop3A_180 = vector.shape_cast %parallel_loop3A_179 : vector<1x16xf32> to vector<16xf32>
          %parallel_loop3A_181 = arith.index_cast %parallel_loop3A_154 : i32 to index
          %parallel_loop3A_182 = arith.constant 16 : index
          %parallel_loop3A_183 = tpu.vector_load %arg15[%parallel_loop3A_181, %parallel_loop3A_182] {strides = array<i32>} : memref<128x128xf32, #tpu.memory_space<vmem>>, vector<1x16xf32>,
          %parallel_loop3A_184 = vector.shape_cast %parallel_loop3A_183 : vector<1x16xf32> to vector<16xf32>
          %parallel_loop3A_185 = arith.addf %parallel_loop3A_180, %parallel_loop3A_184 : vector<16xf32>
          %parallel_loop3A_186 = arith.index_cast %parallel_loop3A_154 : i32 to index
          %parallel_loop3A_187 = arith.constant 16 : index
          %parallel_loop3A_188 = tpu.vector_load %arg16[%parallel_loop3A_186, %parallel_loop3A_187] {strides = array<i32>} : memref<128x128xf32, #tpu.memory_space<vmem>>, vector<1x16xf32>,
          %parallel_loop3A_189 = vector.shape_cast %parallel_loop3A_188 : vector<1x16xf32> to vector<16xf32>
          %parallel_loop3A_190 = arith.addf %parallel_loop3A_185, %parallel_loop3A_189 : vector<16xf32>
          %parallel_loop3A_191 = arith.constant 0.000000e+00 : f32
          %parallel_loop3A_192 = vector.broadcast %parallel_loop3A_191 : f32 to vector<16xf32>
          %parallel_loop3A_193 = arith.maximumf %parallel_loop3A_190, %parallel_loop3A_192 : vector<16xf32>
          %parallel_loop3A_194 = arith.index_cast %parallel_loop3A_154 : i32 to index
          %parallel_loop3A_195 = arith.constant 16 : index
          %parallel_loop3A_196 = tpu.vector_load %arg16[%parallel_loop3A_194, %parallel_loop3A_195] {strides = array<i32>} : memref<128x128xf32, #tpu.memory_space<vmem>>, vector<1x16xf32>,
          %parallel_loop3A_197 = vector.shape_cast %parallel_loop3A_196 : vector<1x16xf32> to vector<16xf32>
          %parallel_loop3A_198 = vector.shape_cast %parallel_loop3A_193 : vector<16xf32> to vector<1x16xf32>
          tpu.vector_store %arg16[%parallel_loop3A_194, %parallel_loop3A_195], %parallel_loop3A_198 {strides = array<i32>} : memref<128x128xf32, #tpu.memory_space<vmem>>, vector<1x16xf32>,
          %parallel_loop3A_199 = arith.index_cast %parallel_loop3A_154 : i32 to index
          %parallel_loop3A_200 = arith.constant 32 : index
          %parallel_loop3A_201 = tpu.vector_load %arg14[%parallel_loop3A_199, %parallel_loop3A_200] {strides = array<i32>} : memref<128x128xf32, #tpu.memory_space<vmem>>, vector<1x16xf32>,
          %parallel_loop3A_202 = vector.shape_cast %parallel_loop3A_201 : vector<1x16xf32> to vector<16xf32>
          %parallel_loop3A_203 = arith.index_cast %parallel_loop3A_154 : i32 to index
          %parallel_loop3A_204 = arith.constant 32 : index
          %parallel_loop3A_205 = tpu.vector_load %arg15[%parallel_loop3A_203, %parallel_loop3A_204] {strides = array<i32>} : memref<128x128xf32, #tpu.memory_space<vmem>>, vector<1x16xf32>,
          %parallel_loop3A_206 = vector.shape_cast %parallel_loop3A_205 : vector<1x16xf32> to vector<16xf32>
          %parallel_loop3A_207 = arith.addf %parallel_loop3A_202, %parallel_loop3A_206 : vector<16xf32>
          %parallel_loop3A_208 = arith.index_cast %parallel_loop3A_154 : i32 to index
          %parallel_loop3A_209 = arith.constant 32 : index
          %parallel_loop3A_210 = tpu.vector_load %arg16[%parallel_loop3A_208, %parallel_loop3A_209] {strides = array<i32>} : memref<128x128xf32, #tpu.memory_space<vmem>>, vector<1x16xf32>,
          %parallel_loop3A_211 = vector.shape_cast %parallel_loop3A_210 : vector<1x16xf32> to vector<16xf32>
          %parallel_loop3A_212 = arith.addf %parallel_loop3A_207, %parallel_loop3A_211 : vector<16xf32>
          %parallel_loop3A_213 = arith.constant 0.000000e+00 : f32
          %parallel_loop3A_214 = vector.broadcast %parallel_loop3A_213 : f32 to vector<16xf32>
          %parallel_loop3A_215 = arith.maximumf %parallel_loop3A_212, %parallel_loop3A_214 : vector<16xf32>
          %parallel_loop3A_216 = arith.index_cast %parallel_loop3A_154 : i32 to index
          %parallel_loop3A_217 = arith.constant 32 : index
          %parallel_loop3A_218 = tpu.vector_load %arg16[%parallel_loop3A_216, %parallel_loop3A_217] {strides = array<i32>} : memref<128x128xf32, #tpu.memory_space<vmem>>, vector<1x16xf32>,
          %parallel_loop3A_219 = vector.shape_cast %parallel_loop3A_218 : vector<1x16xf32> to vector<16xf32>
          %parallel_loop3A_220 = vector.shape_cast %parallel_loop3A_215 : vector<16xf32> to vector<1x16xf32>
          tpu.vector_store %arg16[%parallel_loop3A_216, %parallel_loop3A_217], %parallel_loop3A_220 {strides = array<i32>} : memref<128x128xf32, #tpu.memory_space<vmem>>, vector<1x16xf32>,
          %parallel_loop3A_221 = arith.index_cast %parallel_loop3A_154 : i32 to index
          %parallel_loop3A_222 = arith.constant 48 : index
          %parallel_loop3A_223 = tpu.vector_load %arg14[%parallel_loop3A_221, %parallel_loop3A_222] {strides = array<i32>} : memref<128x128xf32, #tpu.memory_space<vmem>>, vector<1x16xf32>,
          %parallel_loop3A_224 = vector.shape_cast %parallel_loop3A_223 : vector<1x16xf32> to vector<16xf32>
          %parallel_loop3A_225 = arith.index_cast %parallel_loop3A_154 : i32 to index
          %parallel_loop3A_226 = arith.constant 48 : index
          %parallel_loop3A_227 = tpu.vector_load %arg15[%parallel_loop3A_225, %parallel_loop3A_226] {strides = array<i32>} : memref<128x128xf32, #tpu.memory_space<vmem>>, vector<1x16xf32>,
          %parallel_loop3A_228 = vector.shape_cast %parallel_loop3A_227 : vector<1x16xf32> to vector<16xf32>
          %parallel_loop3A_229 = arith.addf %parallel_loop3A_224, %parallel_loop3A_228 : vector<16xf32>
          %parallel_loop3A_230 = arith.index_cast %parallel_loop3A_154 : i32 to index
          %parallel_loop3A_231 = arith.constant 48 : index
          %parallel_loop3A_232 = tpu.vector_load %arg16[%parallel_loop3A_230, %parallel_loop3A_231] {strides = array<i32>} : memref<128x128xf32, #tpu.memory_space<vmem>>, vector<1x16xf32>,
          %parallel_loop3A_233 = vector.shape_cast %parallel_loop3A_232 : vector<1x16xf32> to vector<16xf32>
          %parallel_loop3A_234 = arith.addf %parallel_loop3A_229, %parallel_loop3A_233 : vector<16xf32>
          %parallel_loop3A_235 = arith.constant 0.000000e+00 : f32
          %parallel_loop3A_236 = vector.broadcast %parallel_loop3A_235 : f32 to vector<16xf32>
          %parallel_loop3A_237 = arith.maximumf %parallel_loop3A_234, %parallel_loop3A_236 : vector<16xf32>
          %parallel_loop3A_238 = arith.index_cast %parallel_loop3A_154 : i32 to index
          %parallel_loop3A_239 = arith.constant 48 : index
          %parallel_loop3A_240 = tpu.vector_load %arg16[%parallel_loop3A_238, %parallel_loop3A_239] {strides = array<i32>} : memref<128x128xf32, #tpu.memory_space<vmem>>, vector<1x16xf32>,
          %parallel_loop3A_241 = vector.shape_cast %parallel_loop3A_240 : vector<1x16xf32> to vector<16xf32>
          %parallel_loop3A_242 = vector.shape_cast %parallel_loop3A_237 : vector<16xf32> to vector<1x16xf32>
          tpu.vector_store %arg16[%parallel_loop3A_238, %parallel_loop3A_239], %parallel_loop3A_242 {strides = array<i32>} : memref<128x128xf32, #tpu.memory_space<vmem>>, vector<1x16xf32>,
          %parallel_loop3A_243 = arith.index_cast %parallel_loop3A_154 : i32 to index
          %parallel_loop3A_244 = arith.constant 64 : index
          %parallel_loop3A_245 = tpu.vector_load %arg14[%parallel_loop3A_243, %parallel_loop3A_244] {strides = array<i32>} : memref<128x128xf32, #tpu.memory_space<vmem>>, vector<1x16xf32>,
          %parallel_loop3A_246 = vector.shape_cast %parallel_loop3A_245 : vector<1x16xf32> to vector<16xf32>
          %parallel_loop3A_247 = arith.index_cast %parallel_loop3A_154 : i32 to index
          %parallel_loop3A_248 = arith.constant 64 : index
          %parallel_loop3A_249 = tpu.vector_load %arg15[%parallel_loop3A_247, %parallel_loop3A_248] {strides = array<i32>} : memref<128x128xf32, #tpu.memory_space<vmem>>, vector<1x16xf32>,
          %parallel_loop3A_250 = vector.shape_cast %parallel_loop3A_249 : vector<1x16xf32> to vector<16xf32>
          %parallel_loop3A_251 = arith.addf %parallel_loop3A_246, %parallel_loop3A_250 : vector<16xf32>
          %parallel_loop3A_252 = arith.index_cast %parallel_loop3A_154 : i32 to index
          %parallel_loop3A_253 = arith.constant 64 : index
          %parallel_loop3A_254 = tpu.vector_load %arg16[%parallel_loop3A_252, %parallel_loop3A_253] {strides = array<i32>} : memref<128x128xf32, #tpu.memory_space<vmem>>, vector<1x16xf32>,
          %parallel_loop3A_255 = vector.shape_cast %parallel_loop3A_254 : vector<1x16xf32> to vector<16xf32>
          %parallel_loop3A_256 = arith.addf %parallel_loop3A_251, %parallel_loop3A_255 : vector<16xf32>
          %parallel_loop3A_257 = arith.constant 0.000000e+00 : f32
          %parallel_loop3A_258 = vector.broadcast %parallel_loop3A_257 : f32 to vector<16xf32>
          %parallel_loop3A_259 = arith.maximumf %parallel_loop3A_256, %parallel_loop3A_258 : vector<16xf32>
          %parallel_loop3A_260 = arith.index_cast %parallel_loop3A_154 : i32 to index
          %parallel_loop3A_261 = arith.constant 64 : index
          %parallel_loop3A_262 = tpu.vector_load %arg16[%parallel_loop3A_260, %parallel_loop3A_261] {strides = array<i32>} : memref<128x128xf32, #tpu.memory_space<vmem>>, vector<1x16xf32>,
          %parallel_loop3A_263 = vector.shape_cast %parallel_loop3A_262 : vector<1x16xf32> to vector<16xf32>
          %parallel_loop3A_264 = vector.shape_cast %parallel_loop3A_259 : vector<16xf32> to vector<1x16xf32>
          tpu.vector_store %arg16[%parallel_loop3A_260, %parallel_loop3A_261], %parallel_loop3A_264 {strides = array<i32>} : memref<128x128xf32, #tpu.memory_space<vmem>>, vector<1x16xf32>,
          %parallel_loop3A_265 = arith.index_cast %parallel_loop3A_154 : i32 to index
          %parallel_loop3A_266 = arith.constant 80 : index
          %parallel_loop3A_267 = tpu.vector_load %arg14[%parallel_loop3A_265, %parallel_loop3A_266] {strides = array<i32>} : memref<128x128xf32, #tpu.memory_space<vmem>>, vector<1x16xf32>,
          %parallel_loop3A_268 = vector.shape_cast %parallel_loop3A_267 : vector<1x16xf32> to vector<16xf32>
          %parallel_loop3A_269 = arith.index_cast %parallel_loop3A_154 : i32 to index
          %parallel_loop3A_270 = arith.constant 80 : index
          %parallel_loop3A_271 = tpu.vector_load %arg15[%parallel_loop3A_269, %parallel_loop3A_270] {strides = array<i32>} : memref<128x128xf32, #tpu.memory_space<vmem>>, vector<1x16xf32>,
          %parallel_loop3A_272 = vector.shape_cast %parallel_loop3A_271 : vector<1x16xf32> to vector<16xf32>
          %parallel_loop3A_273 = arith.addf %parallel_loop3A_268, %parallel_loop3A_272 : vector<16xf32>
          %parallel_loop3A_274 = arith.index_cast %parallel_loop3A_154 : i32 to index
          %parallel_loop3A_275 = arith.constant 80 : index
          %parallel_loop3A_276 = tpu.vector_load %arg16[%parallel_loop3A_274, %parallel_loop3A_275] {strides = array<i32>} : memref<128x128xf32, #tpu.memory_space<vmem>>, vector<1x16xf32>,
          %parallel_loop3A_277 = vector.shape_cast %parallel_loop3A_276 : vector<1x16xf32> to vector<16xf32>
          %parallel_loop3A_278 = arith.addf %parallel_loop3A_273, %parallel_loop3A_277 : vector<16xf32>
          %parallel_loop3A_279 = arith.constant 0.000000e+00 : f32
          %parallel_loop3A_280 = vector.broadcast %parallel_loop3A_279 : f32 to vector<16xf32>
          %parallel_loop3A_281 = arith.maximumf %parallel_loop3A_278, %parallel_loop3A_280 : vector<16xf32>
          %parallel_loop3A_282 = arith.index_cast %parallel_loop3A_154 : i32 to index
          %parallel_loop3A_283 = arith.constant 80 : index
          %parallel_loop3A_284 = tpu.vector_load %arg16[%parallel_loop3A_282, %parallel_loop3A_283] {strides = array<i32>} : memref<128x128xf32, #tpu.memory_space<vmem>>, vector<1x16xf32>,
          %parallel_loop3A_285 = vector.shape_cast %parallel_loop3A_284 : vector<1x16xf32> to vector<16xf32>
          %parallel_loop3A_286 = vector.shape_cast %parallel_loop3A_281 : vector<16xf32> to vector<1x16xf32>
          tpu.vector_store %arg16[%parallel_loop3A_282, %parallel_loop3A_283], %parallel_loop3A_286 {strides = array<i32>} : memref<128x128xf32, #tpu.memory_space<vmem>>, vector<1x16xf32>,
          %parallel_loop3A_287 = arith.index_cast %parallel_loop3A_154 : i32 to index
          %parallel_loop3A_288 = arith.constant 96 : index
          %parallel_loop3A_289 = tpu.vector_load %arg14[%parallel_loop3A_287, %parallel_loop3A_288] {strides = array<i32>} : memref<128x128xf32, #tpu.memory_space<vmem>>, vector<1x16xf32>,
          %parallel_loop3A_290 = vector.shape_cast %parallel_loop3A_289 : vector<1x16xf32> to vector<16xf32>
          %parallel_loop3A_291 = arith.index_cast %parallel_loop3A_154 : i32 to index
          %parallel_loop3A_292 = arith.constant 96 : index
          %parallel_loop3A_293 = tpu.vector_load %arg15[%parallel_loop3A_291, %parallel_loop3A_292] {strides = array<i32>} : memref<128x128xf32, #tpu.memory_space<vmem>>, vector<1x16xf32>,
          %parallel_loop3A_294 = vector.shape_cast %parallel_loop3A_293 : vector<1x16xf32> to vector<16xf32>
          %parallel_loop3A_295 = arith.addf %parallel_loop3A_290, %parallel_loop3A_294 : vector<16xf32>
          %parallel_loop3A_296 = arith.index_cast %parallel_loop3A_154 : i32 to index
          %parallel_loop3A_297 = arith.constant 96 : index
          %parallel_loop3A_298 = tpu.vector_load %arg16[%parallel_loop3A_296, %parallel_loop3A_297] {strides = array<i32>} : memref<128x128xf32, #tpu.memory_space<vmem>>, vector<1x16xf32>,
          %parallel_loop3A_299 = vector.shape_cast %parallel_loop3A_298 : vector<1x16xf32> to vector<16xf32>
          %parallel_loop3A_300 = arith.addf %parallel_loop3A_295, %parallel_loop3A_299 : vector<16xf32>
          %parallel_loop3A_301 = arith.constant 0.000000e+00 : f32
          %parallel_loop3A_302 = vector.broadcast %parallel_loop3A_301 : f32 to vector<16xf32>
          %parallel_loop3A_303 = arith.maximumf %parallel_loop3A_300, %parallel_loop3A_302 : vector<16xf32>
          %parallel_loop3A_304 = arith.index_cast %parallel_loop3A_154 : i32 to index
          %parallel_loop3A_305 = arith.constant 96 : index
          %parallel_loop3A_306 = tpu.vector_load %arg16[%parallel_loop3A_304, %parallel_loop3A_305] {strides = array<i32>} : memref<128x128xf32, #tpu.memory_space<vmem>>, vector<1x16xf32>,
          %parallel_loop3A_307 = vector.shape_cast %parallel_loop3A_306 : vector<1x16xf32> to vector<16xf32>
          %parallel_loop3A_308 = vector.shape_cast %parallel_loop3A_303 : vector<16xf32> to vector<1x16xf32>
          tpu.vector_store %arg16[%parallel_loop3A_304, %parallel_loop3A_305], %parallel_loop3A_308 {strides = array<i32>} : memref<128x128xf32, #tpu.memory_space<vmem>>, vector<1x16xf32>,
          %parallel_loop3A_309 = arith.index_cast %parallel_loop3A_154 : i32 to index
          %parallel_loop3A_310 = arith.constant 112 : index
          %parallel_loop3A_311 = tpu.vector_load %arg14[%parallel_loop3A_309, %parallel_loop3A_310] {strides = array<i32>} : memref<128x128xf32, #tpu.memory_space<vmem>>, vector<1x16xf32>,
          %parallel_loop3A_312 = vector.shape_cast %parallel_loop3A_311 : vector<1x16xf32> to vector<16xf32>
          %parallel_loop3A_313 = arith.index_cast %parallel_loop3A_154 : i32 to index
          %parallel_loop3A_314 = arith.constant 112 : index
          %parallel_loop3A_315 = tpu.vector_load %arg15[%parallel_loop3A_313, %parallel_loop3A_314] {strides = array<i32>} : memref<128x128xf32, #tpu.memory_space<vmem>>, vector<1x16xf32>,
          %parallel_loop3A_316 = vector.shape_cast %parallel_loop3A_315 : vector<1x16xf32> to vector<16xf32>
          %parallel_loop3A_317 = arith.addf %parallel_loop3A_312, %parallel_loop3A_316 : vector<16xf32>
          %parallel_loop3A_318 = arith.index_cast %parallel_loop3A_154 : i32 to index
          %parallel_loop3A_319 = arith.constant 112 : index
          %parallel_loop3A_320 = tpu.vector_load %arg16[%parallel_loop3A_318, %parallel_loop3A_319] {strides = array<i32>} : memref<128x128xf32, #tpu.memory_space<vmem>>, vector<1x16xf32>,
          %parallel_loop3A_321 = vector.shape_cast %parallel_loop3A_320 : vector<1x16xf32> to vector<16xf32>
          %parallel_loop3A_322 = arith.addf %parallel_loop3A_317, %parallel_loop3A_321 : vector<16xf32>
          %parallel_loop3A_323 = arith.constant 0.000000e+00 : f32
          %parallel_loop3A_324 = vector.broadcast %parallel_loop3A_323 : f32 to vector<16xf32>
          %parallel_loop3A_325 = arith.maximumf %parallel_loop3A_322, %parallel_loop3A_324 : vector<16xf32>
          %parallel_loop3A_326 = arith.index_cast %parallel_loop3A_154 : i32 to index
          %parallel_loop3A_327 = arith.constant 112 : index
          %parallel_loop3A_328 = tpu.vector_load %arg16[%parallel_loop3A_326, %parallel_loop3A_327] {strides = array<i32>} : memref<128x128xf32, #tpu.memory_space<vmem>>, vector<1x16xf32>,
          %parallel_loop3A_329 = vector.shape_cast %parallel_loop3A_328 : vector<1x16xf32> to vector<16xf32>
          %parallel_loop3A_330 = vector.shape_cast %parallel_loop3A_325 : vector<16xf32> to vector<1x16xf32>
          tpu.vector_store %arg16[%parallel_loop3A_326, %parallel_loop3A_327], %parallel_loop3A_330 {strides = array<i32>} : memref<128x128xf32, #tpu.memory_space<vmem>>, vector<1x16xf32>,
        } {sc.loop_unroll_factor = 4 : i64, sc.parallel_access}
        %eq3A_149 = arith.constant 0 : i32
        %eq3A_150 = arith.cmpi eq, %add3A_138, %eq3A_149 : i32
        %convert_element_type3A_151 = arith.extui %eq3A_150 : i1 to i32
        %cond3A_152 = arith.constant 0 : i32
        %cond3A_153 = arith.cmpi ne, %convert_element_type3A_151, %cond3A_152 : i32
        scf.if %cond3A_153 {
          "tpu.region"() ({
            %run_scoped3A = tpu.sem_alloc : memref<!tpu.dma_semaphore, #tpu.memory_space<semaphore_mem>>
            tpu.enqueue_dma source(%arg16 : memref<128x128xf32, #tpu.memory_space<vmem>>) target(%arg9 : memref<128x128xf32, #tpu.memory_space<hbm>>) target_semaphore(%run_scoped3A : memref<!tpu.dma_semaphore, #tpu.memory_space<semaphore_mem>>)
            tpu.wait_dma2 semaphore(%run_scoped3A : memref<!tpu.dma_semaphore, #tpu.memory_space<semaphore_mem>>) src(%arg16 : memref<128x128xf32, #tpu.memory_space<vmem>>) dst(%arg9 : memref<128x128xf32, #tpu.memory_space<hbm>>)
            tpu.yield
          }) : () -> ()
        } else {
        }
      } else {
      }
      %add3A_101 = arith.constant 1 : i32
      %add3A_102 = arith.addi %add3A_94, %add3A_101 : i32
      %lt3A_103 = arith.cmpi slt, %add3A_102, %select_n3A : i32
      %convert_element_type3A_104 = arith.extui %lt3A_103 : i1 to i32
      %cond3A_105 = arith.constant 0 : i32
      %cond3A_106 = arith.cmpi ne, %convert_element_type3A_104, %cond3A_105 : i32
      scf.if %cond3A_106 {
        %dma_wait3A = arith.constant 0 : i32
        %dma_wait3A_107 = arith.constant 0 : i32
        %dma_wait3A_108 = tpu.memref_slice %arg2[%dma_wait3A, %dma_wait3A_107] : memref<1250x128xi32, #tpu.memory_space<hbm>> -> memref<1x128xi32, #tpu.memory_space<hbm>>
        %dma_wait3A_109 = tpu.memref_squeeze %dma_wait3A_108 : memref<1x128xi32, #tpu.memory_space<hbm>> -> memref<128xi32, #tpu.memory_space<hbm>>
        %dma_wait3A_110 = arith.constant 0 : i32
        %dma_wait3A_111 = tpu.memref_slice %arg2[%dma_wait3A, %dma_wait3A_110] : memref<1250x128xi32, #tpu.memory_space<hbm>> -> memref<1x128xi32, #tpu.memory_space<hbm>>
        %dma_wait3A_112 = tpu.memref_squeeze %dma_wait3A_111 : memref<1x128xi32, #tpu.memory_space<hbm>> -> memref<128xi32, #tpu.memory_space<hbm>>
        tpu.wait_dma2 semaphore(%arg19 : memref<!tpu.dma_semaphore, #tpu.memory_space<semaphore_mem>>) src(%dma_wait3A_112 : memref<128xi32, #tpu.memory_space<hbm>>) dst(%arg11 : memref<128xi32, #tpu.memory_space<vmem>>)
        %dma_wait3A_113 = arith.constant 0 : i32
        %dma_wait3A_114 = arith.constant 0 : i32
        %dma_wait3A_115 = tpu.memref_slice %arg3[%dma_wait3A_113, %dma_wait3A_114] : memref<1250x128xi32, #tpu.memory_space<hbm>> -> memref<1x128xi32, #tpu.memory_space<hbm>>
        %dma_wait3A_116 = tpu.memref_squeeze %dma_wait3A_115 : memref<1x128xi32, #tpu.memory_space<hbm>> -> memref<128xi32, #tpu.memory_space<hbm>>
        %dma_wait3A_117 = arith.constant 0 : i32
        %dma_wait3A_118 = tpu.memref_slice %arg3[%dma_wait3A_113, %dma_wait3A_117] : memref<1250x128xi32, #tpu.memory_space<hbm>> -> memref<1x128xi32, #tpu.memory_space<hbm>>
        %dma_wait3A_119 = tpu.memref_squeeze %dma_wait3A_118 : memref<1x128xi32, #tpu.memory_space<hbm>> -> memref<128xi32, #tpu.memory_space<hbm>>
        tpu.wait_dma2 semaphore(%arg19 : memref<!tpu.dma_semaphore, #tpu.memory_space<semaphore_mem>>) src(%dma_wait3A_119 : memref<128xi32, #tpu.memory_space<hbm>>) dst(%arg13 : memref<128xi32, #tpu.memory_space<vmem>>)
        %dma_start3A_120 = arith.constant 0 : i32
        %dma_start3A_121 = arith.constant 0 : i32
        %dma_start3A_122 = tpu.memref_slice %arg4[%dma_start3A_120, %dma_start3A_121] : memref<10000x128xf32, #tpu.memory_space<hbm>> -> memref<10000x128xf32, #tpu.memory_space<hbm>>
        tpu.enqueue_indirect_dma source(%dma_start3A_122 : memref<10000x128xf32, #tpu.memory_space<hbm>>) target(%arg14 : memref<128x128xf32, #tpu.memory_space<vmem>>) offsets(%arg13 : memref<128xi32, #tpu.memory_space<vmem>>) semaphore(%arg21 : memref<!tpu.dma_semaphore, #tpu.memory_space<semaphore_mem>>)
        %dma_start3A_123 = arith.constant 0 : i32
        %dma_start3A_124 = arith.constant 0 : i32
        %dma_start3A_125 = tpu.memref_slice %arg5[%dma_start3A_123, %dma_start3A_124] : memref<10000x128xf32, #tpu.memory_space<hbm>> -> memref<10000x128xf32, #tpu.memory_space<hbm>>
        tpu.enqueue_indirect_dma source(%dma_start3A_125 : memref<10000x128xf32, #tpu.memory_space<hbm>>) target(%arg15 : memref<128x128xf32, #tpu.memory_space<vmem>>) offsets(%arg11 : memref<128xi32, #tpu.memory_space<vmem>>) semaphore(%arg21 : memref<!tpu.dma_semaphore, #tpu.memory_space<semaphore_mem>>)
        %ge3A = arith.constant 1 : i32
        %ge3A_126 = arith.cmpi sge, %add3A_102, %ge3A : i32
        %convert_element_type3A_127 = arith.extui %ge3A_126 : i1 to i32
        %cond3A_128 = arith.constant 0 : i32
        %cond3A_129 = arith.cmpi ne, %convert_element_type3A_127, %cond3A_128 : i32
        scf.if %cond3A_129 {
          "tpu.region"() ({
            %run_scoped3A = tpu.sem_alloc : memref<!tpu.dma_semaphore, #tpu.memory_space<semaphore_mem>>
            %dma_start3A_154 = arith.constant 0 : i32
            %dma_start3A_155 = arith.constant 0 : i32
            %dma_start3A_156 = tpu.memref_slice %arg17[%dma_start3A_154, %dma_start3A_155] : memref<10000x128xf32, #tpu.memory_space<vmem_shared>> -> memref<10000x128xf32, #tpu.memory_space<vmem_shared>>
            tpu.enqueue_indirect_dma source(%arg16 : memref<128x128xf32, #tpu.memory_space<vmem>>) target(%dma_start3A_156 : memref<10000x128xf32, #tpu.memory_space<vmem_shared>>) offsets(%arg10 : memref<128xi32, #tpu.memory_space<vmem>>) semaphore(%run_scoped3A : memref<!tpu.dma_semaphore, #tpu.memory_space<semaphore_mem>>) {add = true}
            %dma_wait3A_157 = arith.constant 0 : i32
            %dma_wait3A_158 = arith.constant 0 : i32
            %dma_wait3A_159 = tpu.memref_slice %arg17[%dma_wait3A_157, %dma_wait3A_158] : memref<10000x128xf32, #tpu.memory_space<vmem_shared>> -> memref<10000x128xf32, #tpu.memory_space<vmem_shared>>
            tpu.wait_indirect_dma semaphore(%run_scoped3A : memref<!tpu.dma_semaphore, #tpu.memory_space<semaphore_mem>>) src(%arg16 : memref<128x128xf32, #tpu.memory_space<vmem>>) dst(%dma_wait3A_159 : memref<10000x128xf32, #tpu.memory_space<vmem_shared>>)
            tpu.yield
          }) : () -> ()
        } else {
        }
        %add3A_130 = arith.constant 1 : i32
        %add3A_131 = arith.addi %add3A_102, %add3A_130 : i32
        %lt3A_132 = arith.cmpi slt, %add3A_131, %select_n3A : i32
        %convert_element_type3A_133 = arith.extui %lt3A_132 : i1 to i32
        %cond3A_134 = arith.constant 0 : i32
        %cond3A_135 = arith.cmpi ne, %convert_element_type3A_133, %cond3A_134 : i32
        scf.if %cond3A_135 {
          %add3A_154 = arith.constant 1 : i32
          %add3A_155 = arith.addi %add3A_102, %add3A_154 : i32
          %mul3A_156 = arith.constant 32 : i32
          %mul3A_157 = arith.muli %add3A_155, %mul3A_156 : i32
          %add3A_158 = arith.addi %add3A, %mul3A_157 : i32
          %dma_start3A_159 = arith.constant 0 : i32
          %dma_start3A_160 = tpu.memref_slice %arg2[%add3A_158, %dma_start3A_159] : memref<1250x128xi32, #tpu.memory_space<hbm>> -> memref<1x128xi32, #tpu.memory_space<hbm>>
          %dma_start3A_161 = tpu.memref_squeeze %dma_start3A_160 : memref<1x128xi32, #tpu.memory_space<hbm>> -> memref<128xi32, #tpu.memory_space<hbm>>
          %dma_start3A_162 = arith.constant 0 : i32
          %dma_start3A_163 = tpu.memref_slice %arg2[%add3A_158, %dma_start3A_162] : memref<1250x128xi32, #tpu.memory_space<hbm>> -> memref<1x128xi32, #tpu.memory_space<hbm>>
          %dma_start3A_164 = tpu.memref_squeeze %dma_start3A_163 : memref<1x128xi32, #tpu.memory_space<hbm>> -> memref<128xi32, #tpu.memory_space<hbm>>
          tpu.enqueue_dma source(%dma_start3A_164 : memref<128xi32, #tpu.memory_space<hbm>>) target(%arg10 : memref<128xi32, #tpu.memory_space<vmem>>) target_semaphore(%arg18 : memref<!tpu.dma_semaphore, #tpu.memory_space<semaphore_mem>>)
          %dma_start3A_165 = arith.constant 0 : i32
          %dma_start3A_166 = tpu.memref_slice %arg3[%add3A_158, %dma_start3A_165] : memref<1250x128xi32, #tpu.memory_space<hbm>> -> memref<1x128xi32, #tpu.memory_space<hbm>>
          %dma_start3A_167 = tpu.memref_squeeze %dma_start3A_166 : memref<1x128xi32, #tpu.memory_space<hbm>> -> memref<128xi32, #tpu.memory_space<hbm>>
          %dma_start3A_168 = arith.constant 0 : i32
          %dma_start3A_169 = tpu.memref_slice %arg3[%add3A_158, %dma_start3A_168] : memref<1250x128xi32, #tpu.memory_space<hbm>> -> memref<1x128xi32, #tpu.memory_space<hbm>>
          %dma_start3A_170 = tpu.memref_squeeze %dma_start3A_169 : memref<1x128xi32, #tpu.memory_space<hbm>> -> memref<128xi32, #tpu.memory_space<hbm>>
          tpu.enqueue_dma source(%dma_start3A_170 : memref<128xi32, #tpu.memory_space<hbm>>) target(%arg12 : memref<128xi32, #tpu.memory_space<vmem>>) target_semaphore(%arg18 : memref<!tpu.dma_semaphore, #tpu.memory_space<semaphore_mem>>)
        } else {
        }
        %mul3A_136 = arith.constant 32 : i32
        %mul3A_137 = arith.muli %add3A_102, %mul3A_136 : i32
        %add3A_138 = arith.addi %add3A, %mul3A_137 : i32
        %mul3A_139 = arith.constant 128 : i32
        %mul3A_140 = arith.muli %add3A_138, %mul3A_139 : i32
        "tpu.region"() ({
          %run_scoped3A = tpu.sem_alloc : memref<!tpu.dma_semaphore, #tpu.memory_space<semaphore_mem>>
          %dma_start3A_154 = arith.constant 0 : i32
          %dma_start3A_155 = tpu.memref_slice %arg6[%mul3A_140, %dma_start3A_154] : memref<160000x128xf32, #tpu.memory_space<hbm>> -> memref<128x128xf32, #tpu.memory_space<hbm>>
          %dma_start3A_156 = arith.constant 0 : i32
          %dma_start3A_157 = tpu.memref_slice %arg6[%mul3A_140, %dma_start3A_156] : memref<160000x128xf32, #tpu.memory_space<hbm>> -> memref<128x128xf32, #tpu.memory_space<hbm>>
          tpu.enqueue_dma source(%dma_start3A_157 : memref<128x128xf32, #tpu.memory_space<hbm>>) target(%arg16 : memref<128x128xf32, #tpu.memory_space<vmem>>) target_semaphore(%run_scoped3A : memref<!tpu.dma_semaphore, #tpu.memory_space<semaphore_mem>>)
          %dma_wait3A_158 = arith.constant 0 : i32
          %dma_wait3A_159 = tpu.memref_slice %arg6[%mul3A_140, %dma_wait3A_158] : memref<160000x128xf32, #tpu.memory_space<hbm>> -> memref<128x128xf32, #tpu.memory_space<hbm>>
          %dma_wait3A_160 = arith.constant 0 : i32
          %dma_wait3A_161 = tpu.memref_slice %arg6[%mul3A_140, %dma_wait3A_160] : memref<160000x128xf32, #tpu.memory_space<hbm>> -> memref<128x128xf32, #tpu.memory_space<hbm>>
          tpu.wait_dma2 semaphore(%run_scoped3A : memref<!tpu.dma_semaphore, #tpu.memory_space<semaphore_mem>>) src(%dma_wait3A_161 : memref<128x128xf32, #tpu.memory_space<hbm>>) dst(%arg16 : memref<128x128xf32, #tpu.memory_space<vmem>>)
          tpu.yield
        }) : () -> ()
        %dma_wait3A_141 = arith.constant 0 : i32
        %dma_wait3A_142 = arith.constant 0 : i32
        %dma_wait3A_143 = tpu.memref_slice %arg4[%dma_wait3A_141, %dma_wait3A_142] : memref<10000x128xf32, #tpu.memory_space<hbm>> -> memref<10000x128xf32, #tpu.memory_space<hbm>>
        tpu.wait_indirect_dma semaphore(%arg21 : memref<!tpu.dma_semaphore, #tpu.memory_space<semaphore_mem>>) src(%dma_wait3A_143 : memref<10000x128xf32, #tpu.memory_space<hbm>>) dst(%arg14 : memref<128x128xf32, #tpu.memory_space<vmem>>)
        %dma_wait3A_144 = arith.constant 0 : i32
        %dma_wait3A_145 = arith.constant 0 : i32
        %dma_wait3A_146 = tpu.memref_slice %arg5[%dma_wait3A_144, %dma_wait3A_145] : memref<10000x128xf32, #tpu.memory_space<hbm>> -> memref<10000x128xf32, #tpu.memory_space<hbm>>
        tpu.wait_indirect_dma semaphore(%arg21 : memref<!tpu.dma_semaphore, #tpu.memory_space<semaphore_mem>>) src(%dma_wait3A_146 : memref<10000x128xf32, #tpu.memory_space<hbm>>) dst(%arg15 : memref<128x128xf32, #tpu.memory_space<vmem>>)
        %parallel_loop3A = arith.constant 0 : i32
        %parallel_loop3A_147 = arith.constant 128 : i32
        %parallel_loop3A_148 = arith.constant 1 : i32
        scf.for %parallel_loop3A_154 = %parallel_loop3A to %parallel_loop3A_147 step %parallel_loop3A_148  : i32 {
          %parallel_loop3A_155 = arith.index_cast %parallel_loop3A_154 : i32 to index
          %parallel_loop3A_156 = arith.constant 0 : index
          %parallel_loop3A_157 = tpu.vector_load %arg14[%parallel_loop3A_155, %parallel_loop3A_156] {strides = array<i32>} : memref<128x128xf32, #tpu.memory_space<vmem>>, vector<1x16xf32>,
          %parallel_loop3A_158 = vector.shape_cast %parallel_loop3A_157 : vector<1x16xf32> to vector<16xf32>
          %parallel_loop3A_159 = arith.index_cast %parallel_loop3A_154 : i32 to index
          %parallel_loop3A_160 = arith.constant 0 : index
          %parallel_loop3A_161 = tpu.vector_load %arg15[%parallel_loop3A_159, %parallel_loop3A_160] {strides = array<i32>} : memref<128x128xf32, #tpu.memory_space<vmem>>, vector<1x16xf32>,
          %parallel_loop3A_162 = vector.shape_cast %parallel_loop3A_161 : vector<1x16xf32> to vector<16xf32>
          %parallel_loop3A_163 = arith.addf %parallel_loop3A_158, %parallel_loop3A_162 : vector<16xf32>
          %parallel_loop3A_164 = arith.index_cast %parallel_loop3A_154 : i32 to index
          %parallel_loop3A_165 = arith.constant 0 : index
          %parallel_loop3A_166 = tpu.vector_load %arg16[%parallel_loop3A_164, %parallel_loop3A_165] {strides = array<i32>} : memref<128x128xf32, #tpu.memory_space<vmem>>, vector<1x16xf32>,
          %parallel_loop3A_167 = vector.shape_cast %parallel_loop3A_166 : vector<1x16xf32> to vector<16xf32>
          %parallel_loop3A_168 = arith.addf %parallel_loop3A_163, %parallel_loop3A_167 : vector<16xf32>
          %parallel_loop3A_169 = arith.constant 0.000000e+00 : f32
          %parallel_loop3A_170 = vector.broadcast %parallel_loop3A_169 : f32 to vector<16xf32>
          %parallel_loop3A_171 = arith.maximumf %parallel_loop3A_168, %parallel_loop3A_170 : vector<16xf32>
          %parallel_loop3A_172 = arith.index_cast %parallel_loop3A_154 : i32 to index
          %parallel_loop3A_173 = arith.constant 0 : index
          %parallel_loop3A_174 = tpu.vector_load %arg16[%parallel_loop3A_172, %parallel_loop3A_173] {strides = array<i32>} : memref<128x128xf32, #tpu.memory_space<vmem>>, vector<1x16xf32>,
          %parallel_loop3A_175 = vector.shape_cast %parallel_loop3A_174 : vector<1x16xf32> to vector<16xf32>
          %parallel_loop3A_176 = vector.shape_cast %parallel_loop3A_171 : vector<16xf32> to vector<1x16xf32>
          tpu.vector_store %arg16[%parallel_loop3A_172, %parallel_loop3A_173], %parallel_loop3A_176 {strides = array<i32>} : memref<128x128xf32, #tpu.memory_space<vmem>>, vector<1x16xf32>,
          %parallel_loop3A_177 = arith.index_cast %parallel_loop3A_154 : i32 to index
          %parallel_loop3A_178 = arith.constant 16 : index
          %parallel_loop3A_179 = tpu.vector_load %arg14[%parallel_loop3A_177, %parallel_loop3A_178] {strides = array<i32>} : memref<128x128xf32, #tpu.memory_space<vmem>>, vector<1x16xf32>,
          %parallel_loop3A_180 = vector.shape_cast %parallel_loop3A_179 : vector<1x16xf32> to vector<16xf32>
          %parallel_loop3A_181 = arith.index_cast %parallel_loop3A_154 : i32 to index
          %parallel_loop3A_182 = arith.constant 16 : index
          %parallel_loop3A_183 = tpu.vector_load %arg15[%parallel_loop3A_181, %parallel_loop3A_182] {strides = array<i32>} : memref<128x128xf32, #tpu.memory_space<vmem>>, vector<1x16xf32>,
          %parallel_loop3A_184 = vector.shape_cast %parallel_loop3A_183 : vector<1x16xf32> to vector<16xf32>
          %parallel_loop3A_185 = arith.addf %parallel_loop3A_180, %parallel_loop3A_184 : vector<16xf32>
          %parallel_loop3A_186 = arith.index_cast %parallel_loop3A_154 : i32 to index
          %parallel_loop3A_187 = arith.constant 16 : index
          %parallel_loop3A_188 = tpu.vector_load %arg16[%parallel_loop3A_186, %parallel_loop3A_187] {strides = array<i32>} : memref<128x128xf32, #tpu.memory_space<vmem>>, vector<1x16xf32>,
          %parallel_loop3A_189 = vector.shape_cast %parallel_loop3A_188 : vector<1x16xf32> to vector<16xf32>
          %parallel_loop3A_190 = arith.addf %parallel_loop3A_185, %parallel_loop3A_189 : vector<16xf32>
          %parallel_loop3A_191 = arith.constant 0.000000e+00 : f32
          %parallel_loop3A_192 = vector.broadcast %parallel_loop3A_191 : f32 to vector<16xf32>
          %parallel_loop3A_193 = arith.maximumf %parallel_loop3A_190, %parallel_loop3A_192 : vector<16xf32>
          %parallel_loop3A_194 = arith.index_cast %parallel_loop3A_154 : i32 to index
          %parallel_loop3A_195 = arith.constant 16 : index
          %parallel_loop3A_196 = tpu.vector_load %arg16[%parallel_loop3A_194, %parallel_loop3A_195] {strides = array<i32>} : memref<128x128xf32, #tpu.memory_space<vmem>>, vector<1x16xf32>,
          %parallel_loop3A_197 = vector.shape_cast %parallel_loop3A_196 : vector<1x16xf32> to vector<16xf32>
          %parallel_loop3A_198 = vector.shape_cast %parallel_loop3A_193 : vector<16xf32> to vector<1x16xf32>
          tpu.vector_store %arg16[%parallel_loop3A_194, %parallel_loop3A_195], %parallel_loop3A_198 {strides = array<i32>} : memref<128x128xf32, #tpu.memory_space<vmem>>, vector<1x16xf32>,
          %parallel_loop3A_199 = arith.index_cast %parallel_loop3A_154 : i32 to index
          %parallel_loop3A_200 = arith.constant 32 : index
          %parallel_loop3A_201 = tpu.vector_load %arg14[%parallel_loop3A_199, %parallel_loop3A_200] {strides = array<i32>} : memref<128x128xf32, #tpu.memory_space<vmem>>, vector<1x16xf32>,
          %parallel_loop3A_202 = vector.shape_cast %parallel_loop3A_201 : vector<1x16xf32> to vector<16xf32>
          %parallel_loop3A_203 = arith.index_cast %parallel_loop3A_154 : i32 to index
          %parallel_loop3A_204 = arith.constant 32 : index
          %parallel_loop3A_205 = tpu.vector_load %arg15[%parallel_loop3A_203, %parallel_loop3A_204] {strides = array<i32>} : memref<128x128xf32, #tpu.memory_space<vmem>>, vector<1x16xf32>,
          %parallel_loop3A_206 = vector.shape_cast %parallel_loop3A_205 : vector<1x16xf32> to vector<16xf32>
          %parallel_loop3A_207 = arith.addf %parallel_loop3A_202, %parallel_loop3A_206 : vector<16xf32>
          %parallel_loop3A_208 = arith.index_cast %parallel_loop3A_154 : i32 to index
          %parallel_loop3A_209 = arith.constant 32 : index
          %parallel_loop3A_210 = tpu.vector_load %arg16[%parallel_loop3A_208, %parallel_loop3A_209] {strides = array<i32>} : memref<128x128xf32, #tpu.memory_space<vmem>>, vector<1x16xf32>,
          %parallel_loop3A_211 = vector.shape_cast %parallel_loop3A_210 : vector<1x16xf32> to vector<16xf32>
          %parallel_loop3A_212 = arith.addf %parallel_loop3A_207, %parallel_loop3A_211 : vector<16xf32>
          %parallel_loop3A_213 = arith.constant 0.000000e+00 : f32
          %parallel_loop3A_214 = vector.broadcast %parallel_loop3A_213 : f32 to vector<16xf32>
          %parallel_loop3A_215 = arith.maximumf %parallel_loop3A_212, %parallel_loop3A_214 : vector<16xf32>
          %parallel_loop3A_216 = arith.index_cast %parallel_loop3A_154 : i32 to index
          %parallel_loop3A_217 = arith.constant 32 : index
          %parallel_loop3A_218 = tpu.vector_load %arg16[%parallel_loop3A_216, %parallel_loop3A_217] {strides = array<i32>} : memref<128x128xf32, #tpu.memory_space<vmem>>, vector<1x16xf32>,
          %parallel_loop3A_219 = vector.shape_cast %parallel_loop3A_218 : vector<1x16xf32> to vector<16xf32>
          %parallel_loop3A_220 = vector.shape_cast %parallel_loop3A_215 : vector<16xf32> to vector<1x16xf32>
          tpu.vector_store %arg16[%parallel_loop3A_216, %parallel_loop3A_217], %parallel_loop3A_220 {strides = array<i32>} : memref<128x128xf32, #tpu.memory_space<vmem>>, vector<1x16xf32>,
          %parallel_loop3A_221 = arith.index_cast %parallel_loop3A_154 : i32 to index
          %parallel_loop3A_222 = arith.constant 48 : index
          %parallel_loop3A_223 = tpu.vector_load %arg14[%parallel_loop3A_221, %parallel_loop3A_222] {strides = array<i32>} : memref<128x128xf32, #tpu.memory_space<vmem>>, vector<1x16xf32>,
          %parallel_loop3A_224 = vector.shape_cast %parallel_loop3A_223 : vector<1x16xf32> to vector<16xf32>
          %parallel_loop3A_225 = arith.index_cast %parallel_loop3A_154 : i32 to index
          %parallel_loop3A_226 = arith.constant 48 : index
          %parallel_loop3A_227 = tpu.vector_load %arg15[%parallel_loop3A_225, %parallel_loop3A_226] {strides = array<i32>} : memref<128x128xf32, #tpu.memory_space<vmem>>, vector<1x16xf32>,
          %parallel_loop3A_228 = vector.shape_cast %parallel_loop3A_227 : vector<1x16xf32> to vector<16xf32>
          %parallel_loop3A_229 = arith.addf %parallel_loop3A_224, %parallel_loop3A_228 : vector<16xf32>
          %parallel_loop3A_230 = arith.index_cast %parallel_loop3A_154 : i32 to index
          %parallel_loop3A_231 = arith.constant 48 : index
          %parallel_loop3A_232 = tpu.vector_load %arg16[%parallel_loop3A_230, %parallel_loop3A_231] {strides = array<i32>} : memref<128x128xf32, #tpu.memory_space<vmem>>, vector<1x16xf32>,
          %parallel_loop3A_233 = vector.shape_cast %parallel_loop3A_232 : vector<1x16xf32> to vector<16xf32>
          %parallel_loop3A_234 = arith.addf %parallel_loop3A_229, %parallel_loop3A_233 : vector<16xf32>
          %parallel_loop3A_235 = arith.constant 0.000000e+00 : f32
          %parallel_loop3A_236 = vector.broadcast %parallel_loop3A_235 : f32 to vector<16xf32>
          %parallel_loop3A_237 = arith.maximumf %parallel_loop3A_234, %parallel_loop3A_236 : vector<16xf32>
          %parallel_loop3A_238 = arith.index_cast %parallel_loop3A_154 : i32 to index
          %parallel_loop3A_239 = arith.constant 48 : index
          %parallel_loop3A_240 = tpu.vector_load %arg16[%parallel_loop3A_238, %parallel_loop3A_239] {strides = array<i32>} : memref<128x128xf32, #tpu.memory_space<vmem>>, vector<1x16xf32>,
          %parallel_loop3A_241 = vector.shape_cast %parallel_loop3A_240 : vector<1x16xf32> to vector<16xf32>
          %parallel_loop3A_242 = vector.shape_cast %parallel_loop3A_237 : vector<16xf32> to vector<1x16xf32>
          tpu.vector_store %arg16[%parallel_loop3A_238, %parallel_loop3A_239], %parallel_loop3A_242 {strides = array<i32>} : memref<128x128xf32, #tpu.memory_space<vmem>>, vector<1x16xf32>,
          %parallel_loop3A_243 = arith.index_cast %parallel_loop3A_154 : i32 to index
          %parallel_loop3A_244 = arith.constant 64 : index
          %parallel_loop3A_245 = tpu.vector_load %arg14[%parallel_loop3A_243, %parallel_loop3A_244] {strides = array<i32>} : memref<128x128xf32, #tpu.memory_space<vmem>>, vector<1x16xf32>,
          %parallel_loop3A_246 = vector.shape_cast %parallel_loop3A_245 : vector<1x16xf32> to vector<16xf32>
          %parallel_loop3A_247 = arith.index_cast %parallel_loop3A_154 : i32 to index
          %parallel_loop3A_248 = arith.constant 64 : index
          %parallel_loop3A_249 = tpu.vector_load %arg15[%parallel_loop3A_247, %parallel_loop3A_248] {strides = array<i32>} : memref<128x128xf32, #tpu.memory_space<vmem>>, vector<1x16xf32>,
          %parallel_loop3A_250 = vector.shape_cast %parallel_loop3A_249 : vector<1x16xf32> to vector<16xf32>
          %parallel_loop3A_251 = arith.addf %parallel_loop3A_246, %parallel_loop3A_250 : vector<16xf32>
          %parallel_loop3A_252 = arith.index_cast %parallel_loop3A_154 : i32 to index
          %parallel_loop3A_253 = arith.constant 64 : index
          %parallel_loop3A_254 = tpu.vector_load %arg16[%parallel_loop3A_252, %parallel_loop3A_253] {strides = array<i32>} : memref<128x128xf32, #tpu.memory_space<vmem>>, vector<1x16xf32>,
          %parallel_loop3A_255 = vector.shape_cast %parallel_loop3A_254 : vector<1x16xf32> to vector<16xf32>
          %parallel_loop3A_256 = arith.addf %parallel_loop3A_251, %parallel_loop3A_255 : vector<16xf32>
          %parallel_loop3A_257 = arith.constant 0.000000e+00 : f32
          %parallel_loop3A_258 = vector.broadcast %parallel_loop3A_257 : f32 to vector<16xf32>
          %parallel_loop3A_259 = arith.maximumf %parallel_loop3A_256, %parallel_loop3A_258 : vector<16xf32>
          %parallel_loop3A_260 = arith.index_cast %parallel_loop3A_154 : i32 to index
          %parallel_loop3A_261 = arith.constant 64 : index
          %parallel_loop3A_262 = tpu.vector_load %arg16[%parallel_loop3A_260, %parallel_loop3A_261] {strides = array<i32>} : memref<128x128xf32, #tpu.memory_space<vmem>>, vector<1x16xf32>,
          %parallel_loop3A_263 = vector.shape_cast %parallel_loop3A_262 : vector<1x16xf32> to vector<16xf32>
          %parallel_loop3A_264 = vector.shape_cast %parallel_loop3A_259 : vector<16xf32> to vector<1x16xf32>
          tpu.vector_store %arg16[%parallel_loop3A_260, %parallel_loop3A_261], %parallel_loop3A_264 {strides = array<i32>} : memref<128x128xf32, #tpu.memory_space<vmem>>, vector<1x16xf32>,
          %parallel_loop3A_265 = arith.index_cast %parallel_loop3A_154 : i32 to index
          %parallel_loop3A_266 = arith.constant 80 : index
          %parallel_loop3A_267 = tpu.vector_load %arg14[%parallel_loop3A_265, %parallel_loop3A_266] {strides = array<i32>} : memref<128x128xf32, #tpu.memory_space<vmem>>, vector<1x16xf32>,
          %parallel_loop3A_268 = vector.shape_cast %parallel_loop3A_267 : vector<1x16xf32> to vector<16xf32>
          %parallel_loop3A_269 = arith.index_cast %parallel_loop3A_154 : i32 to index
          %parallel_loop3A_270 = arith.constant 80 : index
          %parallel_loop3A_271 = tpu.vector_load %arg15[%parallel_loop3A_269, %parallel_loop3A_270] {strides = array<i32>} : memref<128x128xf32, #tpu.memory_space<vmem>>, vector<1x16xf32>,
          %parallel_loop3A_272 = vector.shape_cast %parallel_loop3A_271 : vector<1x16xf32> to vector<16xf32>
          %parallel_loop3A_273 = arith.addf %parallel_loop3A_268, %parallel_loop3A_272 : vector<16xf32>
          %parallel_loop3A_274 = arith.index_cast %parallel_loop3A_154 : i32 to index
          %parallel_loop3A_275 = arith.constant 80 : index
          %parallel_loop3A_276 = tpu.vector_load %arg16[%parallel_loop3A_274, %parallel_loop3A_275] {strides = array<i32>} : memref<128x128xf32, #tpu.memory_space<vmem>>, vector<1x16xf32>,
          %parallel_loop3A_277 = vector.shape_cast %parallel_loop3A_276 : vector<1x16xf32> to vector<16xf32>
          %parallel_loop3A_278 = arith.addf %parallel_loop3A_273, %parallel_loop3A_277 : vector<16xf32>
          %parallel_loop3A_279 = arith.constant 0.000000e+00 : f32
          %parallel_loop3A_280 = vector.broadcast %parallel_loop3A_279 : f32 to vector<16xf32>
          %parallel_loop3A_281 = arith.maximumf %parallel_loop3A_278, %parallel_loop3A_280 : vector<16xf32>
          %parallel_loop3A_282 = arith.index_cast %parallel_loop3A_154 : i32 to index
          %parallel_loop3A_283 = arith.constant 80 : index
          %parallel_loop3A_284 = tpu.vector_load %arg16[%parallel_loop3A_282, %parallel_loop3A_283] {strides = array<i32>} : memref<128x128xf32, #tpu.memory_space<vmem>>, vector<1x16xf32>,
          %parallel_loop3A_285 = vector.shape_cast %parallel_loop3A_284 : vector<1x16xf32> to vector<16xf32>
          %parallel_loop3A_286 = vector.shape_cast %parallel_loop3A_281 : vector<16xf32> to vector<1x16xf32>
          tpu.vector_store %arg16[%parallel_loop3A_282, %parallel_loop3A_283], %parallel_loop3A_286 {strides = array<i32>} : memref<128x128xf32, #tpu.memory_space<vmem>>, vector<1x16xf32>,
          %parallel_loop3A_287 = arith.index_cast %parallel_loop3A_154 : i32 to index
          %parallel_loop3A_288 = arith.constant 96 : index
          %parallel_loop3A_289 = tpu.vector_load %arg14[%parallel_loop3A_287, %parallel_loop3A_288] {strides = array<i32>} : memref<128x128xf32, #tpu.memory_space<vmem>>, vector<1x16xf32>,
          %parallel_loop3A_290 = vector.shape_cast %parallel_loop3A_289 : vector<1x16xf32> to vector<16xf32>
          %parallel_loop3A_291 = arith.index_cast %parallel_loop3A_154 : i32 to index
          %parallel_loop3A_292 = arith.constant 96 : index
          %parallel_loop3A_293 = tpu.vector_load %arg15[%parallel_loop3A_291, %parallel_loop3A_292] {strides = array<i32>} : memref<128x128xf32, #tpu.memory_space<vmem>>, vector<1x16xf32>,
          %parallel_loop3A_294 = vector.shape_cast %parallel_loop3A_293 : vector<1x16xf32> to vector<16xf32>
          %parallel_loop3A_295 = arith.addf %parallel_loop3A_290, %parallel_loop3A_294 : vector<16xf32>
          %parallel_loop3A_296 = arith.index_cast %parallel_loop3A_154 : i32 to index
          %parallel_loop3A_297 = arith.constant 96 : index
          %parallel_loop3A_298 = tpu.vector_load %arg16[%parallel_loop3A_296, %parallel_loop3A_297] {strides = array<i32>} : memref<128x128xf32, #tpu.memory_space<vmem>>, vector<1x16xf32>,
          %parallel_loop3A_299 = vector.shape_cast %parallel_loop3A_298 : vector<1x16xf32> to vector<16xf32>
          %parallel_loop3A_300 = arith.addf %parallel_loop3A_295, %parallel_loop3A_299 : vector<16xf32>
          %parallel_loop3A_301 = arith.constant 0.000000e+00 : f32
          %parallel_loop3A_302 = vector.broadcast %parallel_loop3A_301 : f32 to vector<16xf32>
          %parallel_loop3A_303 = arith.maximumf %parallel_loop3A_300, %parallel_loop3A_302 : vector<16xf32>
          %parallel_loop3A_304 = arith.index_cast %parallel_loop3A_154 : i32 to index
          %parallel_loop3A_305 = arith.constant 96 : index
          %parallel_loop3A_306 = tpu.vector_load %arg16[%parallel_loop3A_304, %parallel_loop3A_305] {strides = array<i32>} : memref<128x128xf32, #tpu.memory_space<vmem>>, vector<1x16xf32>,
          %parallel_loop3A_307 = vector.shape_cast %parallel_loop3A_306 : vector<1x16xf32> to vector<16xf32>
          %parallel_loop3A_308 = vector.shape_cast %parallel_loop3A_303 : vector<16xf32> to vector<1x16xf32>
          tpu.vector_store %arg16[%parallel_loop3A_304, %parallel_loop3A_305], %parallel_loop3A_308 {strides = array<i32>} : memref<128x128xf32, #tpu.memory_space<vmem>>, vector<1x16xf32>,
          %parallel_loop3A_309 = arith.index_cast %parallel_loop3A_154 : i32 to index
          %parallel_loop3A_310 = arith.constant 112 : index
          %parallel_loop3A_311 = tpu.vector_load %arg14[%parallel_loop3A_309, %parallel_loop3A_310] {strides = array<i32>} : memref<128x128xf32, #tpu.memory_space<vmem>>, vector<1x16xf32>,
          %parallel_loop3A_312 = vector.shape_cast %parallel_loop3A_311 : vector<1x16xf32> to vector<16xf32>
          %parallel_loop3A_313 = arith.index_cast %parallel_loop3A_154 : i32 to index
          %parallel_loop3A_314 = arith.constant 112 : index
          %parallel_loop3A_315 = tpu.vector_load %arg15[%parallel_loop3A_313, %parallel_loop3A_314] {strides = array<i32>} : memref<128x128xf32, #tpu.memory_space<vmem>>, vector<1x16xf32>,
          %parallel_loop3A_316 = vector.shape_cast %parallel_loop3A_315 : vector<1x16xf32> to vector<16xf32>
          %parallel_loop3A_317 = arith.addf %parallel_loop3A_312, %parallel_loop3A_316 : vector<16xf32>
          %parallel_loop3A_318 = arith.index_cast %parallel_loop3A_154 : i32 to index
          %parallel_loop3A_319 = arith.constant 112 : index
          %parallel_loop3A_320 = tpu.vector_load %arg16[%parallel_loop3A_318, %parallel_loop3A_319] {strides = array<i32>} : memref<128x128xf32, #tpu.memory_space<vmem>>, vector<1x16xf32>,
          %parallel_loop3A_321 = vector.shape_cast %parallel_loop3A_320 : vector<1x16xf32> to vector<16xf32>
          %parallel_loop3A_322 = arith.addf %parallel_loop3A_317, %parallel_loop3A_321 : vector<16xf32>
          %parallel_loop3A_323 = arith.constant 0.000000e+00 : f32
          %parallel_loop3A_324 = vector.broadcast %parallel_loop3A_323 : f32 to vector<16xf32>
          %parallel_loop3A_325 = arith.maximumf %parallel_loop3A_322, %parallel_loop3A_324 : vector<16xf32>
          %parallel_loop3A_326 = arith.index_cast %parallel_loop3A_154 : i32 to index
          %parallel_loop3A_327 = arith.constant 112 : index
          %parallel_loop3A_328 = tpu.vector_load %arg16[%parallel_loop3A_326, %parallel_loop3A_327] {strides = array<i32>} : memref<128x128xf32, #tpu.memory_space<vmem>>, vector<1x16xf32>,
          %parallel_loop3A_329 = vector.shape_cast %parallel_loop3A_328 : vector<1x16xf32> to vector<16xf32>
          %parallel_loop3A_330 = vector.shape_cast %parallel_loop3A_325 : vector<16xf32> to vector<1x16xf32>
          tpu.vector_store %arg16[%parallel_loop3A_326, %parallel_loop3A_327], %parallel_loop3A_330 {strides = array<i32>} : memref<128x128xf32, #tpu.memory_space<vmem>>, vector<1x16xf32>,
        } {sc.loop_unroll_factor = 4 : i64, sc.parallel_access}
        %eq3A_149 = arith.constant 0 : i32
        %eq3A_150 = arith.cmpi eq, %add3A_138, %eq3A_149 : i32
        %convert_element_type3A_151 = arith.extui %eq3A_150 : i1 to i32
        %cond3A_152 = arith.constant 0 : i32
        %cond3A_153 = arith.cmpi ne, %convert_element_type3A_151, %cond3A_152 : i32
        scf.if %cond3A_153 {
          "tpu.region"() ({
            %run_scoped3A = tpu.sem_alloc : memref<!tpu.dma_semaphore, #tpu.memory_space<semaphore_mem>>
            tpu.enqueue_dma source(%arg16 : memref<128x128xf32, #tpu.memory_space<vmem>>) target(%arg9 : memref<128x128xf32, #tpu.memory_space<hbm>>) target_semaphore(%run_scoped3A : memref<!tpu.dma_semaphore, #tpu.memory_space<semaphore_mem>>)
            tpu.wait_dma2 semaphore(%run_scoped3A : memref<!tpu.dma_semaphore, #tpu.memory_space<semaphore_mem>>) src(%arg16 : memref<128x128xf32, #tpu.memory_space<vmem>>) dst(%arg9 : memref<128x128xf32, #tpu.memory_space<hbm>>)
            tpu.yield
          }) : () -> ()
        } else {
        }
      } else {
      }
    }
    %scan3A_34 = arith.constant 20 : i32
    %jit3A_35 = arith.constant 2 : i32
    %eq3A = arith.constant 0 : i32
    %eq3A_36 = arith.cmpi eq, %jit3A_35, %eq3A : i32
    %jit3A_37 = arith.constant 1 : i32
    %select_n3A_38 = arith.select %eq3A_36, %jit3A_37, %jit3A_35 : i32
    %rem3A = arith.remsi %select_n3A, %select_n3A_38 : i32
    %ne3A = arith.constant 0 : i32
    %ne3A_39 = arith.cmpi ne, %rem3A, %ne3A : i32
    %lt3A_40 = arith.constant 0 : i32
    %lt3A_41 = arith.cmpi slt, %rem3A, %lt3A_40 : i32
    %lt3A_42 = arith.constant 0 : i32
    %lt3A_43 = arith.cmpi slt, %select_n3A_38, %lt3A_42 : i32
    %ne3A_44 = arith.xori %lt3A_41, %lt3A_43 : i1
    %and3A = arith.andi %ne3A_44, %ne3A_39 : i1
    %add3A_45 = arith.addi %rem3A, %select_n3A_38 : i32
    %select_n3A_46 = arith.select %and3A, %add3A_45, %rem3A : i32
    %eq3A_47 = arith.constant 1 : i32
    %eq3A_48 = arith.cmpi eq, %select_n3A_46, %eq3A_47 : i32
    %convert_element_type3A = arith.extui %eq3A_48 : i1 to i32
    %cond3A = arith.constant 0 : i32
    %cond3A_49 = arith.cmpi ne, %convert_element_type3A, %cond3A : i32
    scf.if %cond3A_49 {
      "tpu.region"() ({
        %run_scoped3A = tpu.sem_alloc : memref<!tpu.dma_semaphore, #tpu.memory_space<semaphore_mem>>
        %dma_start3A_90 = arith.constant 0 : i32
        %dma_start3A_91 = arith.constant 0 : i32
        %dma_start3A_92 = tpu.memref_slice %arg17[%dma_start3A_90, %dma_start3A_91] : memref<10000x128xf32, #tpu.memory_space<vmem_shared>> -> memref<10000x128xf32, #tpu.memory_space<vmem_shared>>
        tpu.enqueue_indirect_dma source(%arg16 : memref<128x128xf32, #tpu.memory_space<vmem>>) target(%dma_start3A_92 : memref<10000x128xf32, #tpu.memory_space<vmem_shared>>) offsets(%arg10 : memref<128xi32, #tpu.memory_space<vmem>>) semaphore(%run_scoped3A : memref<!tpu.dma_semaphore, #tpu.memory_space<semaphore_mem>>) {add = true}
        %dma_wait3A = arith.constant 0 : i32
        %dma_wait3A_93 = arith.constant 0 : i32
        %dma_wait3A_94 = tpu.memref_slice %arg17[%dma_wait3A, %dma_wait3A_93] : memref<10000x128xf32, #tpu.memory_space<vmem_shared>> -> memref<10000x128xf32, #tpu.memory_space<vmem_shared>>
        tpu.wait_indirect_dma semaphore(%run_scoped3A : memref<!tpu.dma_semaphore, #tpu.memory_space<semaphore_mem>>) src(%arg16 : memref<128x128xf32, #tpu.memory_space<vmem>>) dst(%dma_wait3A_94 : memref<10000x128xf32, #tpu.memory_space<vmem_shared>>)
        tpu.yield
      }) : () -> ()
    } else {
    }
    %jit3A_50 = arith.constant 2 : i32
    %eq3A_51 = arith.constant 0 : i32
    %eq3A_52 = arith.cmpi eq, %jit3A_50, %eq3A_51 : i32
    %jit3A_53 = arith.constant 1 : i32
    %select_n3A_54 = arith.select %eq3A_52, %jit3A_53, %jit3A_50 : i32
    %rem3A_55 = arith.remsi %select_n3A, %select_n3A_54 : i32
    %ne3A_56 = arith.constant 0 : i32
    %ne3A_57 = arith.cmpi ne, %rem3A_55, %ne3A_56 : i32
    %lt3A_58 = arith.constant 0 : i32
    %lt3A_59 = arith.cmpi slt, %rem3A_55, %lt3A_58 : i32
    %lt3A_60 = arith.constant 0 : i32
    %lt3A_61 = arith.cmpi slt, %select_n3A_54, %lt3A_60 : i32
    %ne3A_62 = arith.xori %lt3A_59, %lt3A_61 : i1
    %and3A_63 = arith.andi %ne3A_62, %ne3A_57 : i1
    %add3A_64 = arith.addi %rem3A_55, %select_n3A_54 : i32
    %select_n3A_65 = arith.select %and3A_63, %add3A_64, %rem3A_55 : i32
    %eq3A_66 = arith.constant 0 : i32
    %eq3A_67 = arith.cmpi eq, %select_n3A_65, %eq3A_66 : i32
    %convert_element_type3A_68 = arith.extui %eq3A_67 : i1 to i32
    %cond3A_69 = arith.constant 0 : i32
    %cond3A_70 = arith.cmpi ne, %convert_element_type3A_68, %cond3A_69 : i32
    scf.if %cond3A_70 {
      "tpu.region"() ({
        %run_scoped3A = tpu.sem_alloc : memref<!tpu.dma_semaphore, #tpu.memory_space<semaphore_mem>>
        %dma_start3A_90 = arith.constant 0 : i32
        %dma_start3A_91 = arith.constant 0 : i32
        %dma_start3A_92 = tpu.memref_slice %arg17[%dma_start3A_90, %dma_start3A_91] : memref<10000x128xf32, #tpu.memory_space<vmem_shared>> -> memref<10000x128xf32, #tpu.memory_space<vmem_shared>>
        tpu.enqueue_indirect_dma source(%arg16 : memref<128x128xf32, #tpu.memory_space<vmem>>) target(%dma_start3A_92 : memref<10000x128xf32, #tpu.memory_space<vmem_shared>>) offsets(%arg11 : memref<128xi32, #tpu.memory_space<vmem>>) semaphore(%run_scoped3A : memref<!tpu.dma_semaphore, #tpu.memory_space<semaphore_mem>>) {add = true}
        %dma_wait3A = arith.constant 0 : i32
        %dma_wait3A_93 = arith.constant 0 : i32
        %dma_wait3A_94 = tpu.memref_slice %arg17[%dma_wait3A, %dma_wait3A_93] : memref<10000x128xf32, #tpu.memory_space<vmem_shared>> -> memref<10000x128xf32, #tpu.memory_space<vmem_shared>>
        tpu.wait_indirect_dma semaphore(%run_scoped3A : memref<!tpu.dma_semaphore, #tpu.memory_space<semaphore_mem>>) src(%arg16 : memref<128x128xf32, #tpu.memory_space<vmem>>) dst(%dma_wait3A_94 : memref<10000x128xf32, #tpu.memory_space<vmem_shared>>)
        tpu.yield
      }) : () -> ()
    } else {
    }
    %barrier3A_71 = arith.constant 0 : index
    tpu.barrier barrier_id(%barrier3A_71)
    %sub3A_72 = arith.constant 125 : i32
    %sub3A_73 = arith.subi %sub3A_72, %arg1 : i32
    %sub3A_74 = arith.constant 16 : i32
    %sub3A_75 = arith.constant 1 : i32
    %sub3A_76 = arith.subi %sub3A_74, %sub3A_75 : i32
    %add3A_77 = arith.addi %sub3A_73, %sub3A_76 : i32
    %div3A_78 = arith.constant 16 : i32
    %div3A_79 = arith.divsi %add3A_77, %div3A_78 : i32
    %while3A_80 = arith.constant 16 : i32
    %while3A_81 = arith.constant 0 : i32
    %while3A_82 = arith.subi %div3A_79, %while3A_81 : i32
    %while3A_83 = arith.addi %while3A_81, %while3A_82 : i32
    %while3A_84 = arith.constant 1 : i32
    %while3A_85 = arith.divsi %while3A_82, %while3A_84 : i32
    %while3A_86 = arith.muli %while3A_85, %while3A_84 : i32
    %while3A_87 = arith.addi %while3A_81, %while3A_86 : i32
    %while3A_88 = arith.constant 1 : i32
    scf.for %while3A_90 = %while3A_81 to %while3A_87 step %while3A_88  : i32 {
      %mul3A_91 = arith.muli %while3A_90, %while3A_80 : i32
      %add3A_92 = arith.addi %arg1, %mul3A_91 : i32
      %mul3A_93 = arith.constant 80 : i32
      %mul3A_94 = arith.muli %add3A_92, %mul3A_93 : i32
      %mul3A_95 = arith.constant 80 : i32
      %mul3A_96 = arith.muli %add3A_92, %mul3A_95 : i32
      "tpu.region"() ({
        %run_scoped3A = tpu.sem_alloc : memref<!tpu.dma_semaphore, #tpu.memory_space<semaphore_mem>>
        %dma_start3A_97 = arith.constant 0 : i32
        %dma_start3A_98 = arith.constant 0 : i32
        %dma_start3A_99 = tpu.memref_slice %arg8[%arg0, %dma_start3A_97, %dma_start3A_98] : memref<2x10000x128xf32, #tpu.memory_space<hbm>> -> memref<1x10000x128xf32, #tpu.memory_space<hbm>>
        %dma_start3A_100 = tpu.memref_squeeze %dma_start3A_99 : memref<1x10000x128xf32, #tpu.memory_space<hbm>> -> memref<10000x128xf32, #tpu.memory_space<hbm>>
        %dma_start3A_101 = arith.constant 0 : i32
        %dma_start3A_102 = tpu.memref_slice %dma_start3A_100[%mul3A_96, %dma_start3A_101] : memref<10000x128xf32, #tpu.memory_space<hbm>> -> memref<80x128xf32, #tpu.memory_space<hbm>>
        %dma_start3A_103 = arith.constant 0 : i32
        %dma_start3A_104 = tpu.memref_slice %arg17[%mul3A_94, %dma_start3A_103] : memref<10000x128xf32, #tpu.memory_space<vmem_shared>> -> memref<80x128xf32, #tpu.memory_space<vmem_shared>>
        tpu.enqueue_dma source(%dma_start3A_104 : memref<80x128xf32, #tpu.memory_space<vmem_shared>>) target(%dma_start3A_102 : memref<80x128xf32, #tpu.memory_space<hbm>>) target_semaphore(%run_scoped3A : memref<!tpu.dma_semaphore, #tpu.memory_space<semaphore_mem>>)
        %dma_wait3A = arith.constant 0 : i32
        %dma_wait3A_105 = arith.constant 0 : i32
        %dma_wait3A_106 = tpu.memref_slice %arg8[%arg0, %dma_wait3A, %dma_wait3A_105] : memref<2x10000x128xf32, #tpu.memory_space<hbm>> -> memref<1x10000x128xf32, #tpu.memory_space<hbm>>
        %dma_wait3A_107 = tpu.memref_squeeze %dma_wait3A_106 : memref<1x10000x128xf32, #tpu.memory_space<hbm>> -> memref<10000x128xf32, #tpu.memory_space<hbm>>
        %dma_wait3A_108 = arith.constant 0 : i32
        %dma_wait3A_109 = tpu.memref_slice %dma_wait3A_107[%mul3A_96, %dma_wait3A_108] : memref<10000x128xf32, #tpu.memory_space<hbm>> -> memref<80x128xf32, #tpu.memory_space<hbm>>
        %dma_wait3A_110 = arith.constant 0 : i32
        %dma_wait3A_111 = tpu.memref_slice %arg17[%mul3A_94, %dma_wait3A_110] : memref<10000x128xf32, #tpu.memory_space<vmem_shared>> -> memref<80x128xf32, #tpu.memory_space<vmem_shared>>
        tpu.wait_dma2 semaphore(%run_scoped3A : memref<!tpu.dma_semaphore, #tpu.memory_space<semaphore_mem>>) src(%dma_wait3A_111 : memref<80x128xf32, #tpu.memory_space<vmem_shared>>) dst(%dma_wait3A_109 : memref<80x128xf32, #tpu.memory_space<hbm>>)
        tpu.yield
      }) : () -> ()
    }
    %while3A_89 = arith.constant 1 : i32
    scf.for %while3A_90 = %while3A_87 to %while3A_83 step %while3A_89  : i32 {
      %mul3A_91 = arith.muli %while3A_90, %while3A_80 : i32
      %add3A_92 = arith.addi %arg1, %mul3A_91 : i32
      %mul3A_93 = arith.constant 80 : i32
      %mul3A_94 = arith.muli %add3A_92, %mul3A_93 : i32
      %mul3A_95 = arith.constant 80 : i32
      %mul3A_96 = arith.muli %add3A_92, %mul3A_95 : i32
      "tpu.region"() ({
        %run_scoped3A = tpu.sem_alloc : memref<!tpu.dma_semaphore, #tpu.memory_space<semaphore_mem>>
        %dma_start3A_97 = arith.constant 0 : i32
        %dma_start3A_98 = arith.constant 0 : i32
        %dma_start3A_99 = tpu.memref_slice %arg8[%arg0, %dma_start3A_97, %dma_start3A_98] : memref<2x10000x128xf32, #tpu.memory_space<hbm>> -> memref<1x10000x128xf32, #tpu.memory_space<hbm>>
        %dma_start3A_100 = tpu.memref_squeeze %dma_start3A_99 : memref<1x10000x128xf32, #tpu.memory_space<hbm>> -> memref<10000x128xf32, #tpu.memory_space<hbm>>
        %dma_start3A_101 = arith.constant 0 : i32
        %dma_start3A_102 = tpu.memref_slice %dma_start3A_100[%mul3A_96, %dma_start3A_101] : memref<10000x128xf32, #tpu.memory_space<hbm>> -> memref<80x128xf32, #tpu.memory_space<hbm>>
        %dma_start3A_103 = arith.constant 0 : i32
        %dma_start3A_104 = tpu.memref_slice %arg17[%mul3A_94, %dma_start3A_103] : memref<10000x128xf32, #tpu.memory_space<vmem_shared>> -> memref<80x128xf32, #tpu.memory_space<vmem_shared>>
        tpu.enqueue_dma source(%dma_start3A_104 : memref<80x128xf32, #tpu.memory_space<vmem_shared>>) target(%dma_start3A_102 : memref<80x128xf32, #tpu.memory_space<hbm>>) target_semaphore(%run_scoped3A : memref<!tpu.dma_semaphore, #tpu.memory_space<semaphore_mem>>)
        %dma_wait3A = arith.constant 0 : i32
        %dma_wait3A_105 = arith.constant 0 : i32
        %dma_wait3A_106 = tpu.memref_slice %arg8[%arg0, %dma_wait3A, %dma_wait3A_105] : memref<2x10000x128xf32, #tpu.memory_space<hbm>> -> memref<1x10000x128xf32, #tpu.memory_space<hbm>>
        %dma_wait3A_107 = tpu.memref_squeeze %dma_wait3A_106 : memref<1x10000x128xf32, #tpu.memory_space<hbm>> -> memref<10000x128xf32, #tpu.memory_space<hbm>>
        %dma_wait3A_108 = arith.constant 0 : i32
        %dma_wait3A_109 = tpu.memref_slice %dma_wait3A_107[%mul3A_96, %dma_wait3A_108] : memref<10000x128xf32, #tpu.memory_space<hbm>> -> memref<80x128xf32, #tpu.memory_space<hbm>>
        %dma_wait3A_110 = arith.constant 0 : i32
        %dma_wait3A_111 = tpu.memref_slice %arg17[%mul3A_94, %dma_wait3A_110] : memref<10000x128xf32, #tpu.memory_space<vmem_shared>> -> memref<80x128xf32, #tpu.memory_space<vmem_shared>>
        tpu.wait_dma2 semaphore(%run_scoped3A : memref<!tpu.dma_semaphore, #tpu.memory_space<semaphore_mem>>) src(%dma_wait3A_111 : memref<80x128xf32, #tpu.memory_space<vmem_shared>>) dst(%dma_wait3A_109 : memref<80x128xf32, #tpu.memory_space<hbm>>)
        tpu.yield
      }) : () -> ()
    }
    return
  }
}

module attributes {stable_mosaic.version = 14 : i64} {
  func.func @body(%arg0: i32, %arg1: memref<2x2000x128xf32, #tpu.memory_space<vmem>>, %arg2: memref<2x2000x128xf32, #tpu.memory_space<vmem>>, %arg3: memref<2x2000x128xf32, #tpu.memory_space<vmem>>, %arg4: memref<2x2000x128xf32, #tpu.memory_space<vmem>>, %arg5: memref<2000x128xf32, #tpu.memory_space<vmem>>, %arg6: memref<128x128xf32, #tpu.memory_space<vmem>>, %arg7: memref<128x128xf32, #tpu.memory_space<vmem>>, %arg8: memref<128x128xf32, #tpu.memory_space<vmem>>, %arg9: memref<1x128xf32, #tpu.memory_space<vmem>>, %arg10: memref<128x128xf32, #tpu.memory_space<vmem>>, %arg11: memref<1x128xf32, #tpu.memory_space<vmem>>, %arg12: memref<128x128xf32, #tpu.memory_space<vmem>>, %arg13: memref<128x128xf32, #tpu.memory_space<vmem>>, %arg14: memref<2000x128xf32, #tpu.memory_space<vmem>>, %arg15: memref<2000x128xf32, #tpu.memory_space<vmem>>, %arg16: memref<2000x128xf32, #tpu.memory_space<vmem>>) attributes {dimension_semantics = [#tpu.dimension_semantics<arbitrary>], iteration_bounds = array<i64: 5>, scalar_prefetch = 0 : i64, scratch_operands = 0 : i64, tpu.core_type = #tpu.core_type<tc>, window_params = [{transform_indices = @transform_0, window_bounds = array<i64: 2, 2000, 128>}, {transform_indices = @transform_1, window_bounds = array<i64: 2, 2000, 128>}, {transform_indices = @transform_2, window_bounds = array<i64: 2, 2000, 128>}, {transform_indices = @transform_3, window_bounds = array<i64: 2, 2000, 128>}, {transform_indices = @transform_4, window_bounds = array<i64: 2000, 128>}, {pipeline_mode = #tpu.pipeline_mode<synchronous>, transform_indices = @transform_5, window_bounds = array<i64: 128, 128>}, {pipeline_mode = #tpu.pipeline_mode<synchronous>, transform_indices = @transform_6, window_bounds = array<i64: 128, 128>}, {pipeline_mode = #tpu.pipeline_mode<synchronous>, transform_indices = @transform_7, window_bounds = array<i64: 128, 128>}, {pipeline_mode = #tpu.pipeline_mode<synchronous>, transform_indices = @transform_8, window_bounds = array<i64: 1, 128>}, {pipeline_mode = #tpu.pipeline_mode<synchronous>, transform_indices = @transform_9, window_bounds = array<i64: 128, 128>}, {pipeline_mode = #tpu.pipeline_mode<synchronous>, transform_indices = @transform_10, window_bounds = array<i64: 1, 128>}, {pipeline_mode = #tpu.pipeline_mode<synchronous>, transform_indices = @transform_11, window_bounds = array<i64: 128, 128>}, {pipeline_mode = #tpu.pipeline_mode<synchronous>, transform_indices = @transform_12, window_bounds = array<i64: 128, 128>}, {transform_indices = @transform_13, window_bounds = array<i64: 2000, 128>}, {transform_indices = @transform_14, window_bounds = array<i64: 2000, 128>}, {transform_indices = @transform_15, window_bounds = array<i64: 2000, 128>}]} {
    %get3A = arith.constant 0 : index
    %get3A_0 = arith.constant 0 : index
    %get3A_1 = arith.constant 0 : index
    %get3A_2 = vector.load %arg1[%get3A, %get3A_0, %get3A_1] : memref<2x2000x128xf32, #tpu.memory_space<vmem>>, vector<1x2000x1xf32>
    %get3A_3 = vector.shape_cast %get3A_2 : vector<1x2000x1xf32> to vector<2000x1xf32>
    %get3A_4 = arith.constant 1 : index
    %get3A_5 = arith.constant 0 : index
    %get3A_6 = arith.constant 0 : index
    %get3A_7 = vector.load %arg1[%get3A_4, %get3A_5, %get3A_6] : memref<2x2000x128xf32, #tpu.memory_space<vmem>>, vector<1x2000x1xf32>
    %get3A_8 = vector.shape_cast %get3A_7 : vector<1x2000x1xf32> to vector<2000x1xf32>
    %add3A = arith.addf %get3A_3, %get3A_8 : vector<2000x1xf32>
    %max3A = arith.constant 1.000000e+00 : f32
    %max3A_9 = vector.broadcast %max3A : f32 to vector<2000x1xf32>
    %max3A_10 = arith.maximumf %add3A, %max3A_9 : vector<2000x1xf32>
    %div3A = arith.constant 1.000000e+00 : f32
    %div3A_11 = vector.broadcast %div3A : f32 to vector<2000x1xf32>
    %div3A_12 = arith.divf %div3A_11, %max3A_10 : vector<2000x1xf32>
    %gt3A = arith.constant 0.000000e+00 : f32
    %gt3A_13 = vector.broadcast %gt3A : f32 to vector<2000x1xf32>
    %gt3A_14 = arith.cmpf ogt, %add3A, %gt3A_13 : vector<2000x1xf32>
    %convert_element_type3A = arith.extui %gt3A_14 : vector<2000x1xi1> to vector<2000x1xi32>
    %convert_element_type3A_15 = arith.sitofp %convert_element_type3A : vector<2000x1xi32> to vector<2000x1xf32>
    %get3A_16 = arith.constant 0 : index
    %get3A_17 = arith.constant 0 : index
    %get3A_18 = arith.constant 0 : index
    %get3A_19 = vector.load %arg2[%get3A_16, %get3A_17, %get3A_18] : memref<2x2000x128xf32, #tpu.memory_space<vmem>>, vector<1x2000x128xf32>
    %get3A_20 = vector.shape_cast %get3A_19 : vector<1x2000x128xf32> to vector<2000x128xf32>
    %get3A_21 = arith.constant 1 : index
    %get3A_22 = arith.constant 0 : index
    %get3A_23 = arith.constant 0 : index
    %get3A_24 = vector.load %arg2[%get3A_21, %get3A_22, %get3A_23] : memref<2x2000x128xf32, #tpu.memory_space<vmem>>, vector<1x2000x128xf32>
    %get3A_25 = vector.shape_cast %get3A_24 : vector<1x2000x128xf32> to vector<2000x128xf32>
    %add3A_26 = arith.addf %get3A_20, %get3A_25 : vector<2000x128xf32>
    %mul3A = vector.broadcast %div3A_12 : vector<2000x1xf32> to vector<2000x128xf32>
    %mul3A_27 = arith.mulf %add3A_26, %mul3A : vector<2000x128xf32>
    %get3A_28 = arith.constant 0 : index
    %get3A_29 = arith.constant 0 : index
    %get3A_30 = arith.constant 0 : index
    %get3A_31 = vector.load %arg3[%get3A_28, %get3A_29, %get3A_30] : memref<2x2000x128xf32, #tpu.memory_space<vmem>>, vector<1x2000x128xf32>
    %get3A_32 = vector.shape_cast %get3A_31 : vector<1x2000x128xf32> to vector<2000x128xf32>
    %get3A_33 = arith.constant 1 : index
    %get3A_34 = arith.constant 0 : index
    %get3A_35 = arith.constant 0 : index
    %get3A_36 = vector.load %arg3[%get3A_33, %get3A_34, %get3A_35] : memref<2x2000x128xf32, #tpu.memory_space<vmem>>, vector<1x2000x128xf32>
    %get3A_37 = vector.shape_cast %get3A_36 : vector<1x2000x128xf32> to vector<2000x128xf32>
    %add3A_38 = arith.addf %get3A_32, %get3A_37 : vector<2000x128xf32>
    %mul3A_39 = vector.broadcast %div3A_12 : vector<2000x1xf32> to vector<2000x128xf32>
    %mul3A_40 = arith.mulf %add3A_38, %mul3A_39 : vector<2000x128xf32>
    %get3A_41 = arith.constant 0 : index
    %get3A_42 = arith.constant 0 : index
    %get3A_43 = arith.constant 0 : index
    %get3A_44 = vector.load %arg4[%get3A_41, %get3A_42, %get3A_43] : memref<2x2000x128xf32, #tpu.memory_space<vmem>>, vector<1x2000x128xf32>
    %get3A_45 = vector.shape_cast %get3A_44 : vector<1x2000x128xf32> to vector<2000x128xf32>
    %get3A_46 = arith.constant 1 : index
    %get3A_47 = arith.constant 0 : index
    %get3A_48 = arith.constant 0 : index
    %get3A_49 = vector.load %arg4[%get3A_46, %get3A_47, %get3A_48] : memref<2x2000x128xf32, #tpu.memory_space<vmem>>, vector<1x2000x128xf32>
    %get3A_50 = vector.shape_cast %get3A_49 : vector<1x2000x128xf32> to vector<2000x128xf32>
    %add3A_51 = arith.addf %get3A_45, %get3A_50 : vector<2000x128xf32>
    %mul3A_52 = vector.broadcast %div3A_12 : vector<2000x1xf32> to vector<2000x128xf32>
    %mul3A_53 = arith.mulf %add3A_51, %mul3A_52 : vector<2000x128xf32>
    %get3A_54 = arith.constant 0 : index
    %get3A_55 = arith.constant 0 : index
    %get3A_56 = vector.load %arg6[%get3A_54, %get3A_55] : memref<128x128xf32, #tpu.memory_space<vmem>>, vector<128x128xf32>
    %dot_general3A = arith.constant dense<0.000000e+00> : vector<2000x128xf32>
    %dot_general3A_57 = tpu.matmul %mul3A_27, %get3A_56, %dot_general3A {dimension_numbers = #tpu.dot_dimension_numbers<[1], [0], [0], [1], [0, 0, 1, 1], [], []>, transpose_lhs_hint = false} : vector<2000x128xf32>, vector<128x128xf32>, vector<2000x128xf32> -> vector<2000x128xf32>
    %get3A_58 = arith.constant 0 : index
    %get3A_59 = arith.constant 0 : index
    %get3A_60 = vector.load %arg7[%get3A_58, %get3A_59] : memref<128x128xf32, #tpu.memory_space<vmem>>, vector<128x128xf32>
    %dot_general3A_61 = arith.constant dense<0.000000e+00> : vector<2000x128xf32>
    %dot_general3A_62 = tpu.matmul %mul3A_40, %get3A_60, %dot_general3A_61 {dimension_numbers = #tpu.dot_dimension_numbers<[1], [0], [0], [1], [0, 0, 1, 1], [], []>, transpose_lhs_hint = false} : vector<2000x128xf32>, vector<128x128xf32>, vector<2000x128xf32> -> vector<2000x128xf32>
    %add3A_63 = arith.addf %dot_general3A_57, %dot_general3A_62 : vector<2000x128xf32>
    %get3A_64 = arith.constant 0 : index
    %get3A_65 = arith.constant 0 : index
    %get3A_66 = vector.load %arg8[%get3A_64, %get3A_65] : memref<128x128xf32, #tpu.memory_space<vmem>>, vector<128x128xf32>
    %dot_general3A_67 = arith.constant dense<0.000000e+00> : vector<2000x128xf32>
    %dot_general3A_68 = tpu.matmul %mul3A_53, %get3A_66, %dot_general3A_67 {dimension_numbers = #tpu.dot_dimension_numbers<[1], [0], [0], [1], [0, 0, 1, 1], [], []>, transpose_lhs_hint = false} : vector<2000x128xf32>, vector<128x128xf32>, vector<2000x128xf32> -> vector<2000x128xf32>
    %add3A_69 = arith.addf %add3A_63, %dot_general3A_68 : vector<2000x128xf32>
    %get3A_70 = arith.constant 0 : index
    %get3A_71 = arith.constant 0 : index
    %get3A_72 = vector.load %arg9[%get3A_70, %get3A_71] : memref<1x128xf32, #tpu.memory_space<vmem>>, vector<1x128xf32>
    %mul3A_73 = vector.broadcast %convert_element_type3A_15 : vector<2000x1xf32> to vector<2000x128xf32>
    %mul3A_74 = vector.broadcast %get3A_72 : vector<1x128xf32> to vector<2000x128xf32>
    %mul3A_75 = arith.mulf %mul3A_73, %mul3A_74 : vector<2000x128xf32>
    %add3A_76 = arith.addf %add3A_69, %mul3A_75 : vector<2000x128xf32>
    %get3A_77 = arith.constant 0 : index
    %get3A_78 = arith.constant 0 : index
    %get3A_79 = vector.load %arg5[%get3A_77, %get3A_78] : memref<2000x128xf32, #tpu.memory_space<vmem>>, vector<2000x128xf32>
    %get3A_80 = arith.constant 0 : index
    %get3A_81 = arith.constant 0 : index
    %get3A_82 = vector.load %arg10[%get3A_80, %get3A_81] : memref<128x128xf32, #tpu.memory_space<vmem>>, vector<128x128xf32>
    %dot_general3A_83 = arith.constant dense<0.000000e+00> : vector<2000x128xf32>
    %dot_general3A_84 = tpu.matmul %get3A_79, %get3A_82, %dot_general3A_83 {dimension_numbers = #tpu.dot_dimension_numbers<[1], [0], [0], [1], [0, 0, 1, 1], [], []>, transpose_lhs_hint = false} : vector<2000x128xf32>, vector<128x128xf32>, vector<2000x128xf32> -> vector<2000x128xf32>
    %add3A_85 = arith.addf %add3A_76, %dot_general3A_84 : vector<2000x128xf32>
    %get3A_86 = arith.constant 0 : index
    %get3A_87 = arith.constant 0 : index
    %get3A_88 = vector.load %arg11[%get3A_86, %get3A_87] : memref<1x128xf32, #tpu.memory_space<vmem>>, vector<1x128xf32>
    %add3A_89 = vector.broadcast %get3A_88 : vector<1x128xf32> to vector<2000x128xf32>
    %add3A_90 = arith.addf %add3A_85, %add3A_89 : vector<2000x128xf32>
    %max3A_91 = arith.constant 0.000000e+00 : f32
    %max3A_92 = vector.broadcast %max3A_91 : f32 to vector<2000x128xf32>
    %max3A_93 = arith.maximumf %add3A_90, %max3A_92 : vector<2000x128xf32>
    %swap3A = arith.constant 0 : index
    %swap3A_94 = arith.constant 0 : index
    %swap3A_95 = vector.load %arg14[%swap3A, %swap3A_94] : memref<2000x128xf32, #tpu.memory_space<vmem>>, vector<2000x128xf32>
    tpu.vector_store %arg14[%swap3A, %swap3A_94], %max3A_93 {strides = array<i32>} : memref<2000x128xf32, #tpu.memory_space<vmem>>, vector<2000x128xf32>,
    %get3A_96 = arith.constant 0 : index
    %get3A_97 = arith.constant 0 : index
    %get3A_98 = vector.load %arg12[%get3A_96, %get3A_97] : memref<128x128xf32, #tpu.memory_space<vmem>>, vector<128x128xf32>
    %dot_general3A_99 = arith.constant dense<0.000000e+00> : vector<2000x128xf32>
    %dot_general3A_100 = tpu.matmul %add3A_90, %get3A_98, %dot_general3A_99 {dimension_numbers = #tpu.dot_dimension_numbers<[1], [0], [0], [1], [0, 0, 1, 1], [], []>, transpose_lhs_hint = false} : vector<2000x128xf32>, vector<128x128xf32>, vector<2000x128xf32> -> vector<2000x128xf32>
    %swap3A_101 = arith.constant 0 : index
    %swap3A_102 = arith.constant 0 : index
    %swap3A_103 = vector.load %arg15[%swap3A_101, %swap3A_102] : memref<2000x128xf32, #tpu.memory_space<vmem>>, vector<2000x128xf32>
    tpu.vector_store %arg15[%swap3A_101, %swap3A_102], %dot_general3A_100 {strides = array<i32>} : memref<2000x128xf32, #tpu.memory_space<vmem>>, vector<2000x128xf32>,
    %get3A_104 = arith.constant 0 : index
    %get3A_105 = arith.constant 0 : index
    %get3A_106 = vector.load %arg13[%get3A_104, %get3A_105] : memref<128x128xf32, #tpu.memory_space<vmem>>, vector<128x128xf32>
    %dot_general3A_107 = arith.constant dense<0.000000e+00> : vector<2000x128xf32>
    %dot_general3A_108 = tpu.matmul %add3A_90, %get3A_106, %dot_general3A_107 {dimension_numbers = #tpu.dot_dimension_numbers<[1], [0], [0], [1], [0, 0, 1, 1], [], []>, transpose_lhs_hint = false} : vector<2000x128xf32>, vector<128x128xf32>, vector<2000x128xf32> -> vector<2000x128xf32>
    %swap3A_109 = arith.constant 0 : index
    %swap3A_110 = arith.constant 0 : index
    %swap3A_111 = vector.load %arg16[%swap3A_109, %swap3A_110] : memref<2000x128xf32, #tpu.memory_space<vmem>>, vector<2000x128xf32>
    tpu.vector_store %arg16[%swap3A_109, %swap3A_110], %dot_general3A_108 {strides = array<i32>} : memref<2000x128xf32, #tpu.memory_space<vmem>>, vector<2000x128xf32>,
    return
  }
  func.func @transform_0(%arg0: i32) -> (i32, i32, i32) {
    %c0_i32 = arith.constant 0 : i32
    %c0_i32_0 = arith.constant 0 : i32
    %c0_i32_1 = arith.constant 0 : i32
    return %c0_i32, %arg0, %c0_i32_0 : i32, i32, i32
  }
  func.func @transform_1(%arg0: i32) -> (i32, i32, i32) {
    %c0_i32 = arith.constant 0 : i32
    %c0_i32_0 = arith.constant 0 : i32
    %c0_i32_1 = arith.constant 0 : i32
    return %c0_i32, %arg0, %c0_i32_0 : i32, i32, i32
  }
  func.func @transform_2(%arg0: i32) -> (i32, i32, i32) {
    %c0_i32 = arith.constant 0 : i32
    %c0_i32_0 = arith.constant 0 : i32
    %c0_i32_1 = arith.constant 0 : i32
    return %c0_i32, %arg0, %c0_i32_0 : i32, i32, i32
  }
  func.func @transform_3(%arg0: i32) -> (i32, i32, i32) {
    %c0_i32 = arith.constant 0 : i32
    %c0_i32_0 = arith.constant 0 : i32
    %c0_i32_1 = arith.constant 0 : i32
    return %c0_i32, %arg0, %c0_i32_0 : i32, i32, i32
  }
  func.func @transform_4(%arg0: i32) -> (i32, i32) {
    %c0_i32 = arith.constant 0 : i32
    %c0_i32_0 = arith.constant 0 : i32
    return %arg0, %c0_i32 : i32, i32
  }
  func.func @transform_5(%arg0: i32) -> (i32, i32) {
    %c0_i32 = arith.constant 0 : i32
    %c0_i32_0 = arith.constant 0 : i32
    %c0_i32_1 = arith.constant 0 : i32
    return %c0_i32, %c0_i32_0 : i32, i32
  }
  func.func @transform_6(%arg0: i32) -> (i32, i32) {
    %c0_i32 = arith.constant 0 : i32
    %c0_i32_0 = arith.constant 0 : i32
    %c0_i32_1 = arith.constant 0 : i32
    return %c0_i32, %c0_i32_0 : i32, i32
  }
  func.func @transform_7(%arg0: i32) -> (i32, i32) {
    %c0_i32 = arith.constant 0 : i32
    %c0_i32_0 = arith.constant 0 : i32
    %c0_i32_1 = arith.constant 0 : i32
    return %c0_i32, %c0_i32_0 : i32, i32
  }
  func.func @transform_8(%arg0: i32) -> (i32, i32) {
    %c0_i32 = arith.constant 0 : i32
    %c0_i32_0 = arith.constant 0 : i32
    %c0_i32_1 = arith.constant 0 : i32
    return %c0_i32, %c0_i32_0 : i32, i32
  }
  func.func @transform_9(%arg0: i32) -> (i32, i32) {
    %c0_i32 = arith.constant 0 : i32
    %c0_i32_0 = arith.constant 0 : i32
    %c0_i32_1 = arith.constant 0 : i32
    return %c0_i32, %c0_i32_0 : i32, i32
  }
  func.func @transform_10(%arg0: i32) -> (i32, i32) {
    %c0_i32 = arith.constant 0 : i32
    %c0_i32_0 = arith.constant 0 : i32
    %c0_i32_1 = arith.constant 0 : i32
    return %c0_i32, %c0_i32_0 : i32, i32
  }
  func.func @transform_11(%arg0: i32) -> (i32, i32) {
    %c0_i32 = arith.constant 0 : i32
    %c0_i32_0 = arith.constant 0 : i32
    %c0_i32_1 = arith.constant 0 : i32
    return %c0_i32, %c0_i32_0 : i32, i32
  }
  func.func @transform_12(%arg0: i32) -> (i32, i32) {
    %c0_i32 = arith.constant 0 : i32
    %c0_i32_0 = arith.constant 0 : i32
    %c0_i32_1 = arith.constant 0 : i32
    return %c0_i32, %c0_i32_0 : i32, i32
  }
  func.func @transform_13(%arg0: i32) -> (i32, i32) {
    %c0_i32 = arith.constant 0 : i32
    %c0_i32_0 = arith.constant 0 : i32
    return %arg0, %c0_i32 : i32, i32
  }
  func.func @transform_14(%arg0: i32) -> (i32, i32) {
    %c0_i32 = arith.constant 0 : i32
    %c0_i32_0 = arith.constant 0 : i32
    return %arg0, %c0_i32 : i32, i32
  }
  func.func @transform_15(%arg0: i32) -> (i32, i32) {
    %c0_i32 = arith.constant 0 : i32
    %c0_i32_0 = arith.constant 0 : i32
    return %arg0, %c0_i32 : i32, i32
  }
}

module attributes {stable_mosaic.version = 14 : i64} {
  func.func @body(%arg0: i32, %arg1: memref<1600x1xf32, #tpu.memory_space<vmem>>, %arg2: memref<1600x128xf32, #tpu.memory_space<vmem>>, %arg3: memref<1x128xf32, #tpu.memory_space<vmem>>, %arg4: memref<128x128xf32, #tpu.memory_space<vmem>>, %arg5: memref<1x128xf32, #tpu.memory_space<vmem>>, %arg6: memref<128x128xf32, #tpu.memory_space<vmem>>, %arg7: memref<128x128xf32, #tpu.memory_space<vmem>>, %arg8: memref<1x128xf32, #tpu.memory_space<vmem>>, %arg9: memref<1600x128xf32, #tpu.memory_space<vmem>>, %arg10: memref<1600x128xf32, #tpu.memory_space<vmem>>) attributes {dimension_semantics = [#tpu.dimension_semantics<arbitrary>], iteration_bounds = array<i64: 100>, scalar_prefetch = 0 : i64, scratch_operands = 0 : i64, tpu.core_type = #tpu.core_type<tc>, window_params = [{transform_indices = @transform_0, window_bounds = array<i64: 1600, 1>}, {transform_indices = @transform_1, window_bounds = array<i64: 1600, 128>}, {pipeline_mode = #tpu.pipeline_mode<synchronous>, transform_indices = @transform_2, window_bounds = array<i64: 1, 128>}, {pipeline_mode = #tpu.pipeline_mode<synchronous>, transform_indices = @transform_3, window_bounds = array<i64: 128, 128>}, {pipeline_mode = #tpu.pipeline_mode<synchronous>, transform_indices = @transform_4, window_bounds = array<i64: 1, 128>}, {pipeline_mode = #tpu.pipeline_mode<synchronous>, transform_indices = @transform_5, window_bounds = array<i64: 128, 128>}, {pipeline_mode = #tpu.pipeline_mode<synchronous>, transform_indices = @transform_6, window_bounds = array<i64: 128, 128>}, {pipeline_mode = #tpu.pipeline_mode<synchronous>, transform_indices = @transform_7, window_bounds = array<i64: 1, 128>}, {transform_indices = @transform_8, window_bounds = array<i64: 1600, 128>}, {transform_indices = @transform_9, window_bounds = array<i64: 1600, 128>}]} {
    %get3A = arith.constant 0 : index
    %get3A_0 = arith.constant 0 : index
    %get3A_1 = vector.load %arg1[%get3A, %get3A_0] : memref<1600x1xf32, #tpu.memory_space<vmem>>, vector<1600x1xf32>
    %get3A_2 = arith.constant 0 : index
    %get3A_3 = arith.constant 0 : index
    %get3A_4 = vector.load %arg3[%get3A_2, %get3A_3] : memref<1x128xf32, #tpu.memory_space<vmem>>, vector<1x128xf32>
    %mul3A = vector.broadcast %get3A_1 : vector<1600x1xf32> to vector<1600x128xf32>
    %mul3A_5 = vector.broadcast %get3A_4 : vector<1x128xf32> to vector<1600x128xf32>
    %mul3A_6 = arith.mulf %mul3A, %mul3A_5 : vector<1600x128xf32>
    %sin3A = math.sin %mul3A_6 : vector<1600x128xf32>
    %get3A_7 = arith.constant 0 : index
    %get3A_8 = arith.constant 0 : index
    %get3A_9 = vector.load %arg4[%get3A_7, %get3A_8] : memref<128x128xf32, #tpu.memory_space<vmem>>, vector<128x128xf32>
    %dot_general3A = arith.constant dense<0.000000e+00> : vector<1600x128xf32>
    %dot_general3A_10 = tpu.matmul %sin3A, %get3A_9, %dot_general3A {dimension_numbers = #tpu.dot_dimension_numbers<[1], [0], [0], [1], [0, 0, 1, 1], [], []>, transpose_lhs_hint = false} : vector<1600x128xf32>, vector<128x128xf32>, vector<1600x128xf32> -> vector<1600x128xf32>
    %get3A_11 = arith.constant 0 : index
    %get3A_12 = arith.constant 0 : index
    %get3A_13 = vector.load %arg5[%get3A_11, %get3A_12] : memref<1x128xf32, #tpu.memory_space<vmem>>, vector<1x128xf32>
    %add3A = vector.broadcast %get3A_13 : vector<1x128xf32> to vector<1600x128xf32>
    %add3A_14 = arith.addf %dot_general3A_10, %add3A : vector<1600x128xf32>
    %max3A = arith.constant 0.000000e+00 : f32
    %max3A_15 = vector.broadcast %max3A : f32 to vector<1600x128xf32>
    %max3A_16 = arith.maximumf %add3A_14, %max3A_15 : vector<1600x128xf32>
    %swap3A = arith.constant 0 : index
    %swap3A_17 = arith.constant 0 : index
    %swap3A_18 = vector.load %arg9[%swap3A, %swap3A_17] : memref<1600x128xf32, #tpu.memory_space<vmem>>, vector<1600x128xf32>
    tpu.vector_store %arg9[%swap3A, %swap3A_17], %max3A_16 {strides = array<i32>} : memref<1600x128xf32, #tpu.memory_space<vmem>>, vector<1600x128xf32>,
    %get3A_19 = arith.constant 0 : index
    %get3A_20 = arith.constant 0 : index
    %get3A_21 = vector.load %arg2[%get3A_19, %get3A_20] : memref<1600x128xf32, #tpu.memory_space<vmem>>, vector<1600x128xf32>
    %get3A_22 = arith.constant 0 : index
    %get3A_23 = arith.constant 0 : index
    %get3A_24 = vector.load %arg6[%get3A_22, %get3A_23] : memref<128x128xf32, #tpu.memory_space<vmem>>, vector<128x128xf32>
    %dot_general3A_25 = arith.constant dense<0.000000e+00> : vector<1600x128xf32>
    %dot_general3A_26 = tpu.matmul %get3A_21, %get3A_24, %dot_general3A_25 {dimension_numbers = #tpu.dot_dimension_numbers<[1], [0], [0], [1], [0, 0, 1, 1], [], []>, transpose_lhs_hint = false} : vector<1600x128xf32>, vector<128x128xf32>, vector<1600x128xf32> -> vector<1600x128xf32>
    %get3A_27 = arith.constant 0 : index
    %get3A_28 = arith.constant 0 : index
    %get3A_29 = vector.load %arg7[%get3A_27, %get3A_28] : memref<128x128xf32, #tpu.memory_space<vmem>>, vector<128x128xf32>
    %dot_general3A_30 = arith.constant dense<0.000000e+00> : vector<1600x128xf32>
    %dot_general3A_31 = tpu.matmul %max3A_16, %get3A_29, %dot_general3A_30 {dimension_numbers = #tpu.dot_dimension_numbers<[1], [0], [0], [1], [0, 0, 1, 1], [], []>, transpose_lhs_hint = false} : vector<1600x128xf32>, vector<128x128xf32>, vector<1600x128xf32> -> vector<1600x128xf32>
    %add3A_32 = arith.addf %dot_general3A_26, %dot_general3A_31 : vector<1600x128xf32>
    %get3A_33 = arith.constant 0 : index
    %get3A_34 = arith.constant 0 : index
    %get3A_35 = vector.load %arg8[%get3A_33, %get3A_34] : memref<1x128xf32, #tpu.memory_space<vmem>>, vector<1x128xf32>
    %add3A_36 = vector.broadcast %get3A_35 : vector<1x128xf32> to vector<1600x128xf32>
    %add3A_37 = arith.addf %add3A_32, %add3A_36 : vector<1600x128xf32>
    %swap3A_38 = arith.constant 0 : index
    %swap3A_39 = arith.constant 0 : index
    %swap3A_40 = vector.load %arg10[%swap3A_38, %swap3A_39] : memref<1600x128xf32, #tpu.memory_space<vmem>>, vector<1600x128xf32>
    tpu.vector_store %arg10[%swap3A_38, %swap3A_39], %add3A_37 {strides = array<i32>} : memref<1600x128xf32, #tpu.memory_space<vmem>>, vector<1600x128xf32>,
    return
  }
  func.func @transform_0(%arg0: i32) -> (i32, i32) {
    %c0_i32 = arith.constant 0 : i32
    %c0_i32_0 = arith.constant 0 : i32
    return %arg0, %c0_i32 : i32, i32
  }
  func.func @transform_1(%arg0: i32) -> (i32, i32) {
    %c0_i32 = arith.constant 0 : i32
    %c0_i32_0 = arith.constant 0 : i32
    return %arg0, %c0_i32 : i32, i32
  }
  func.func @transform_2(%arg0: i32) -> (i32, i32) {
    %c0_i32 = arith.constant 0 : i32
    %c0_i32_0 = arith.constant 0 : i32
    %c0_i32_1 = arith.constant 0 : i32
    return %c0_i32, %c0_i32_0 : i32, i32
  }
  func.func @transform_3(%arg0: i32) -> (i32, i32) {
    %c0_i32 = arith.constant 0 : i32
    %c0_i32_0 = arith.constant 0 : i32
    %c0_i32_1 = arith.constant 0 : i32
    return %c0_i32, %c0_i32_0 : i32, i32
  }
  func.func @transform_4(%arg0: i32) -> (i32, i32) {
    %c0_i32 = arith.constant 0 : i32
    %c0_i32_0 = arith.constant 0 : i32
    %c0_i32_1 = arith.constant 0 : i32
    return %c0_i32, %c0_i32_0 : i32, i32
  }
  func.func @transform_5(%arg0: i32) -> (i32, i32) {
    %c0_i32 = arith.constant 0 : i32
    %c0_i32_0 = arith.constant 0 : i32
    %c0_i32_1 = arith.constant 0 : i32
    return %c0_i32, %c0_i32_0 : i32, i32
  }
  func.func @transform_6(%arg0: i32) -> (i32, i32) {
    %c0_i32 = arith.constant 0 : i32
    %c0_i32_0 = arith.constant 0 : i32
    %c0_i32_1 = arith.constant 0 : i32
    return %c0_i32, %c0_i32_0 : i32, i32
  }
  func.func @transform_7(%arg0: i32) -> (i32, i32) {
    %c0_i32 = arith.constant 0 : i32
    %c0_i32_0 = arith.constant 0 : i32
    %c0_i32_1 = arith.constant 0 : i32
    return %c0_i32, %c0_i32_0 : i32, i32
  }
  func.func @transform_8(%arg0: i32) -> (i32, i32) {
    %c0_i32 = arith.constant 0 : i32
    %c0_i32_0 = arith.constant 0 : i32
    return %arg0, %c0_i32 : i32, i32
  }
  func.func @transform_9(%arg0: i32) -> (i32, i32) {
    %c0_i32 = arith.constant 0 : i32
    %c0_i32_0 = arith.constant 0 : i32
    return %arg0, %c0_i32 : i32, i32
  }
}

module attributes {stable_mosaic.version = 14 : i64} {
  func.func @body(%arg0: i32, %arg1: memref<2x2000x128xf32, #tpu.memory_space<vmem>>, %arg2: memref<2x2000x128xf32, #tpu.memory_space<vmem>>, %arg3: memref<2x2000x128xf32, #tpu.memory_space<vmem>>, %arg4: memref<2x2000x128xf32, #tpu.memory_space<vmem>>, %arg5: memref<2000x128xf32, #tpu.memory_space<vmem>>, %arg6: memref<128x128xf32, #tpu.memory_space<vmem>>, %arg7: memref<128x128xf32, #tpu.memory_space<vmem>>, %arg8: memref<128x128xf32, #tpu.memory_space<vmem>>, %arg9: memref<1x128xf32, #tpu.memory_space<vmem>>, %arg10: memref<128x128xf32, #tpu.memory_space<vmem>>, %arg11: memref<1x128xf32, #tpu.memory_space<vmem>>, %arg12: memref<128x128xf32, #tpu.memory_space<vmem>>, %arg13: memref<128x128xf32, #tpu.memory_space<vmem>>, %arg14: memref<128x128xf32, #tpu.memory_space<vmem>>, %arg15: memref<128x128xf32, #tpu.memory_space<vmem>>, %arg16: memref<128x128xf32, #tpu.memory_space<vmem>>, %arg17: memref<128x128xf32, #tpu.memory_space<vmem>>, %arg18: memref<1x128xf32, #tpu.memory_space<vmem>>, %arg19: memref<128x1xi32, #tpu.memory_space<vmem>>, %arg20: memref<128x1xi32, #tpu.memory_space<vmem>>, %arg21: memref<128x128xf32, #tpu.memory_space<vmem>>) attributes {dimension_semantics = [#tpu.dimension_semantics<arbitrary>], iteration_bounds = array<i64: 5>, scalar_prefetch = 0 : i64, scratch_operands = 0 : i64, tpu.core_type = #tpu.core_type<tc>, window_params = [{transform_indices = @transform_0, window_bounds = array<i64: 2, 2000, 128>}, {transform_indices = @transform_1, window_bounds = array<i64: 2, 2000, 128>}, {transform_indices = @transform_2, window_bounds = array<i64: 2, 2000, 128>}, {transform_indices = @transform_3, window_bounds = array<i64: 2, 2000, 128>}, {transform_indices = @transform_4, window_bounds = array<i64: 2000, 128>}, {pipeline_mode = #tpu.pipeline_mode<synchronous>, transform_indices = @transform_5, window_bounds = array<i64: 128, 128>}, {pipeline_mode = #tpu.pipeline_mode<synchronous>, transform_indices = @transform_6, window_bounds = array<i64: 128, 128>}, {pipeline_mode = #tpu.pipeline_mode<synchronous>, transform_indices = @transform_7, window_bounds = array<i64: 128, 128>}, {pipeline_mode = #tpu.pipeline_mode<synchronous>, transform_indices = @transform_8, window_bounds = array<i64: 1, 128>}, {pipeline_mode = #tpu.pipeline_mode<synchronous>, transform_indices = @transform_9, window_bounds = array<i64: 128, 128>}, {pipeline_mode = #tpu.pipeline_mode<synchronous>, transform_indices = @transform_10, window_bounds = array<i64: 1, 128>}, {pipeline_mode = #tpu.pipeline_mode<synchronous>, transform_indices = @transform_11, window_bounds = array<i64: 128, 128>}, {pipeline_mode = #tpu.pipeline_mode<synchronous>, transform_indices = @transform_12, window_bounds = array<i64: 128, 128>}, {pipeline_mode = #tpu.pipeline_mode<synchronous>, transform_indices = @transform_13, window_bounds = array<i64: 128, 128>}, {pipeline_mode = #tpu.pipeline_mode<synchronous>, transform_indices = @transform_14, window_bounds = array<i64: 128, 128>}, {pipeline_mode = #tpu.pipeline_mode<synchronous>, transform_indices = @transform_15, window_bounds = array<i64: 128, 128>}, {pipeline_mode = #tpu.pipeline_mode<synchronous>, transform_indices = @transform_16, window_bounds = array<i64: 128, 128>}, {pipeline_mode = #tpu.pipeline_mode<synchronous>, transform_indices = @transform_17, window_bounds = array<i64: 1, 128>}, {pipeline_mode = #tpu.pipeline_mode<synchronous>, transform_indices = @transform_18, window_bounds = array<i64: 128, 1>}, {pipeline_mode = #tpu.pipeline_mode<synchronous>, transform_indices = @transform_19, window_bounds = array<i64: 128, 1>}, {pipeline_mode = #tpu.pipeline_mode<synchronous>, transform_indices = @transform_20, window_bounds = array<i64: 128, 128>}]} {
    %get3A = arith.constant 0 : index
    %get3A_0 = arith.constant 0 : index
    %get3A_1 = arith.constant 0 : index
    %get3A_2 = vector.load %arg1[%get3A, %get3A_0, %get3A_1] : memref<2x2000x128xf32, #tpu.memory_space<vmem>>, vector<1x2000x1xf32>
    %get3A_3 = vector.shape_cast %get3A_2 : vector<1x2000x1xf32> to vector<2000x1xf32>
    %get3A_4 = arith.constant 1 : index
    %get3A_5 = arith.constant 0 : index
    %get3A_6 = arith.constant 0 : index
    %get3A_7 = vector.load %arg1[%get3A_4, %get3A_5, %get3A_6] : memref<2x2000x128xf32, #tpu.memory_space<vmem>>, vector<1x2000x1xf32>
    %get3A_8 = vector.shape_cast %get3A_7 : vector<1x2000x1xf32> to vector<2000x1xf32>
    %add3A = arith.addf %get3A_3, %get3A_8 : vector<2000x1xf32>
    %max3A = arith.constant 1.000000e+00 : f32
    %max3A_9 = vector.broadcast %max3A : f32 to vector<2000x1xf32>
    %max3A_10 = arith.maximumf %add3A, %max3A_9 : vector<2000x1xf32>
    %div3A = arith.constant 1.000000e+00 : f32
    %div3A_11 = vector.broadcast %div3A : f32 to vector<2000x1xf32>
    %div3A_12 = arith.divf %div3A_11, %max3A_10 : vector<2000x1xf32>
    %gt3A = arith.constant 0.000000e+00 : f32
    %gt3A_13 = vector.broadcast %gt3A : f32 to vector<2000x1xf32>
    %gt3A_14 = arith.cmpf ogt, %add3A, %gt3A_13 : vector<2000x1xf32>
    %convert_element_type3A = arith.extui %gt3A_14 : vector<2000x1xi1> to vector<2000x1xi32>
    %convert_element_type3A_15 = arith.sitofp %convert_element_type3A : vector<2000x1xi32> to vector<2000x1xf32>
    %get3A_16 = arith.constant 0 : index
    %get3A_17 = arith.constant 0 : index
    %get3A_18 = arith.constant 0 : index
    %get3A_19 = vector.load %arg2[%get3A_16, %get3A_17, %get3A_18] : memref<2x2000x128xf32, #tpu.memory_space<vmem>>, vector<1x2000x128xf32>
    %get3A_20 = vector.shape_cast %get3A_19 : vector<1x2000x128xf32> to vector<2000x128xf32>
    %get3A_21 = arith.constant 1 : index
    %get3A_22 = arith.constant 0 : index
    %get3A_23 = arith.constant 0 : index
    %get3A_24 = vector.load %arg2[%get3A_21, %get3A_22, %get3A_23] : memref<2x2000x128xf32, #tpu.memory_space<vmem>>, vector<1x2000x128xf32>
    %get3A_25 = vector.shape_cast %get3A_24 : vector<1x2000x128xf32> to vector<2000x128xf32>
    %add3A_26 = arith.addf %get3A_20, %get3A_25 : vector<2000x128xf32>
    %mul3A = vector.broadcast %div3A_12 : vector<2000x1xf32> to vector<2000x128xf32>
    %mul3A_27 = arith.mulf %add3A_26, %mul3A : vector<2000x128xf32>
    %get3A_28 = arith.constant 0 : index
    %get3A_29 = arith.constant 0 : index
    %get3A_30 = arith.constant 0 : index
    %get3A_31 = vector.load %arg3[%get3A_28, %get3A_29, %get3A_30] : memref<2x2000x128xf32, #tpu.memory_space<vmem>>, vector<1x2000x128xf32>
    %get3A_32 = vector.shape_cast %get3A_31 : vector<1x2000x128xf32> to vector<2000x128xf32>
    %get3A_33 = arith.constant 1 : index
    %get3A_34 = arith.constant 0 : index
    %get3A_35 = arith.constant 0 : index
    %get3A_36 = vector.load %arg3[%get3A_33, %get3A_34, %get3A_35] : memref<2x2000x128xf32, #tpu.memory_space<vmem>>, vector<1x2000x128xf32>
    %get3A_37 = vector.shape_cast %get3A_36 : vector<1x2000x128xf32> to vector<2000x128xf32>
    %add3A_38 = arith.addf %get3A_32, %get3A_37 : vector<2000x128xf32>
    %mul3A_39 = vector.broadcast %div3A_12 : vector<2000x1xf32> to vector<2000x128xf32>
    %mul3A_40 = arith.mulf %add3A_38, %mul3A_39 : vector<2000x128xf32>
    %get3A_41 = arith.constant 0 : index
    %get3A_42 = arith.constant 0 : index
    %get3A_43 = arith.constant 0 : index
    %get3A_44 = vector.load %arg4[%get3A_41, %get3A_42, %get3A_43] : memref<2x2000x128xf32, #tpu.memory_space<vmem>>, vector<1x2000x128xf32>
    %get3A_45 = vector.shape_cast %get3A_44 : vector<1x2000x128xf32> to vector<2000x128xf32>
    %get3A_46 = arith.constant 1 : index
    %get3A_47 = arith.constant 0 : index
    %get3A_48 = arith.constant 0 : index
    %get3A_49 = vector.load %arg4[%get3A_46, %get3A_47, %get3A_48] : memref<2x2000x128xf32, #tpu.memory_space<vmem>>, vector<1x2000x128xf32>
    %get3A_50 = vector.shape_cast %get3A_49 : vector<1x2000x128xf32> to vector<2000x128xf32>
    %add3A_51 = arith.addf %get3A_45, %get3A_50 : vector<2000x128xf32>
    %mul3A_52 = vector.broadcast %div3A_12 : vector<2000x1xf32> to vector<2000x128xf32>
    %mul3A_53 = arith.mulf %add3A_51, %mul3A_52 : vector<2000x128xf32>
    %get3A_54 = arith.constant 0 : index
    %get3A_55 = arith.constant 0 : index
    %get3A_56 = vector.load %arg6[%get3A_54, %get3A_55] : memref<128x128xf32, #tpu.memory_space<vmem>>, vector<128x128xf32>
    %dot_general3A = arith.constant dense<0.000000e+00> : vector<2000x128xf32>
    %dot_general3A_57 = tpu.matmul %mul3A_27, %get3A_56, %dot_general3A {dimension_numbers = #tpu.dot_dimension_numbers<[1], [0], [0], [1], [0, 0, 1, 1], [], []>, transpose_lhs_hint = false} : vector<2000x128xf32>, vector<128x128xf32>, vector<2000x128xf32> -> vector<2000x128xf32>
    %get3A_58 = arith.constant 0 : index
    %get3A_59 = arith.constant 0 : index
    %get3A_60 = vector.load %arg7[%get3A_58, %get3A_59] : memref<128x128xf32, #tpu.memory_space<vmem>>, vector<128x128xf32>
    %dot_general3A_61 = arith.constant dense<0.000000e+00> : vector<2000x128xf32>
    %dot_general3A_62 = tpu.matmul %mul3A_40, %get3A_60, %dot_general3A_61 {dimension_numbers = #tpu.dot_dimension_numbers<[1], [0], [0], [1], [0, 0, 1, 1], [], []>, transpose_lhs_hint = false} : vector<2000x128xf32>, vector<128x128xf32>, vector<2000x128xf32> -> vector<2000x128xf32>
    %add3A_63 = arith.addf %dot_general3A_57, %dot_general3A_62 : vector<2000x128xf32>
    %get3A_64 = arith.constant 0 : index
    %get3A_65 = arith.constant 0 : index
    %get3A_66 = vector.load %arg8[%get3A_64, %get3A_65] : memref<128x128xf32, #tpu.memory_space<vmem>>, vector<128x128xf32>
    %dot_general3A_67 = arith.constant dense<0.000000e+00> : vector<2000x128xf32>
    %dot_general3A_68 = tpu.matmul %mul3A_53, %get3A_66, %dot_general3A_67 {dimension_numbers = #tpu.dot_dimension_numbers<[1], [0], [0], [1], [0, 0, 1, 1], [], []>, transpose_lhs_hint = false} : vector<2000x128xf32>, vector<128x128xf32>, vector<2000x128xf32> -> vector<2000x128xf32>
    %add3A_69 = arith.addf %add3A_63, %dot_general3A_68 : vector<2000x128xf32>
    %get3A_70 = arith.constant 0 : index
    %get3A_71 = arith.constant 0 : index
    %get3A_72 = vector.load %arg9[%get3A_70, %get3A_71] : memref<1x128xf32, #tpu.memory_space<vmem>>, vector<1x128xf32>
    %mul3A_73 = vector.broadcast %convert_element_type3A_15 : vector<2000x1xf32> to vector<2000x128xf32>
    %mul3A_74 = vector.broadcast %get3A_72 : vector<1x128xf32> to vector<2000x128xf32>
    %mul3A_75 = arith.mulf %mul3A_73, %mul3A_74 : vector<2000x128xf32>
    %add3A_76 = arith.addf %add3A_69, %mul3A_75 : vector<2000x128xf32>
    %get3A_77 = arith.constant 0 : index
    %get3A_78 = arith.constant 0 : index
    %get3A_79 = vector.load %arg5[%get3A_77, %get3A_78] : memref<2000x128xf32, #tpu.memory_space<vmem>>, vector<2000x128xf32>
    %get3A_80 = arith.constant 0 : index
    %get3A_81 = arith.constant 0 : index
    %get3A_82 = vector.load %arg10[%get3A_80, %get3A_81] : memref<128x128xf32, #tpu.memory_space<vmem>>, vector<128x128xf32>
    %dot_general3A_83 = arith.constant dense<0.000000e+00> : vector<2000x128xf32>
    %dot_general3A_84 = tpu.matmul %get3A_79, %get3A_82, %dot_general3A_83 {dimension_numbers = #tpu.dot_dimension_numbers<[1], [0], [0], [1], [0, 0, 1, 1], [], []>, transpose_lhs_hint = false} : vector<2000x128xf32>, vector<128x128xf32>, vector<2000x128xf32> -> vector<2000x128xf32>
    %add3A_85 = arith.addf %add3A_76, %dot_general3A_84 : vector<2000x128xf32>
    %get3A_86 = arith.constant 0 : index
    %get3A_87 = arith.constant 0 : index
    %get3A_88 = vector.load %arg11[%get3A_86, %get3A_87] : memref<1x128xf32, #tpu.memory_space<vmem>>, vector<1x128xf32>
    %add3A_89 = vector.broadcast %get3A_88 : vector<1x128xf32> to vector<2000x128xf32>
    %add3A_90 = arith.addf %add3A_85, %add3A_89 : vector<2000x128xf32>
    %get3A_91 = arith.constant 0 : index
    %get3A_92 = arith.constant 0 : index
    %get3A_93 = vector.load %arg12[%get3A_91, %get3A_92] : memref<128x128xf32, #tpu.memory_space<vmem>>, vector<128x128xf32>
    %dot_general3A_94 = arith.constant dense<0.000000e+00> : vector<2000x128xf32>
    %dot_general3A_95 = tpu.matmul %add3A_90, %get3A_93, %dot_general3A_94 {dimension_numbers = #tpu.dot_dimension_numbers<[1], [0], [0], [1], [0, 0, 1, 1], [], []>, transpose_lhs_hint = false} : vector<2000x128xf32>, vector<128x128xf32>, vector<2000x128xf32> -> vector<2000x128xf32>
    %get3A_96 = arith.constant 0 : index
    %get3A_97 = arith.constant 0 : index
    %get3A_98 = vector.load %arg13[%get3A_96, %get3A_97] : memref<128x128xf32, #tpu.memory_space<vmem>>, vector<128x128xf32>
    %dot_general3A_99 = arith.constant dense<0.000000e+00> : vector<2000x128xf32>
    %dot_general3A_100 = tpu.matmul %add3A_90, %get3A_98, %dot_general3A_99 {dimension_numbers = #tpu.dot_dimension_numbers<[1], [0], [0], [1], [0, 0, 1, 1], [], []>, transpose_lhs_hint = false} : vector<2000x128xf32>, vector<128x128xf32>, vector<2000x128xf32> -> vector<2000x128xf32>
    %iota3A = tpu.iota {dimensions = array<i32: 1>} : vector<128x2000xi32>
    %mul3A_101 = arith.constant 2000 : i32
    %mul3A_102 = arith.muli %arg0, %mul3A_101 : i32
    %add3A_103 = vector.broadcast %mul3A_102 : i32 to vector<128x2000xi32>
    %add3A_104 = arith.addi %iota3A, %add3A_103 : vector<128x2000xi32>
    %get3A_105 = arith.constant 0 : index
    %get3A_106 = arith.constant 0 : index
    %get3A_107 = vector.load %arg19[%get3A_105, %get3A_106] : memref<128x1xi32, #tpu.memory_space<vmem>>, vector<128x1xi32>
    %eq3A = vector.broadcast %get3A_107 : vector<128x1xi32> to vector<128x2000xi32>
    %eq3A_108 = arith.cmpi eq, %add3A_104, %eq3A : vector<128x2000xi32>
    %convert_element_type3A_109 = arith.extui %eq3A_108 : vector<128x2000xi1> to vector<128x2000xi32>
    %convert_element_type3A_110 = arith.sitofp %convert_element_type3A_109 : vector<128x2000xi32> to vector<128x2000xf32>
    %get3A_111 = arith.constant 0 : index
    %get3A_112 = arith.constant 0 : index
    %get3A_113 = vector.load %arg20[%get3A_111, %get3A_112] : memref<128x1xi32, #tpu.memory_space<vmem>>, vector<128x1xi32>
    %eq3A_114 = vector.broadcast %get3A_113 : vector<128x1xi32> to vector<128x2000xi32>
    %eq3A_115 = arith.cmpi eq, %add3A_104, %eq3A_114 : vector<128x2000xi32>
    %convert_element_type3A_116 = arith.extui %eq3A_115 : vector<128x2000xi1> to vector<128x2000xi32>
    %convert_element_type3A_117 = arith.sitofp %convert_element_type3A_116 : vector<128x2000xi32> to vector<128x2000xf32>
    %eq3A_118 = arith.constant 0 : i32
    %eq3A_119 = arith.cmpi eq, %arg0, %eq3A_118 : i32
    %convert_element_type3A_120 = arith.extui %eq3A_119 : i1 to i32
    %cond3A = arith.constant 0 : i32
    %cond3A_121 = arith.cmpi ne, %convert_element_type3A_120, %cond3A : i32
    scf.if %cond3A_121 {
      %get3A_133 = arith.constant 0 : index
      %get3A_134 = arith.constant 0 : index
      %get3A_135 = vector.load %arg14[%get3A_133, %get3A_134] : memref<128x128xf32, #tpu.memory_space<vmem>>, vector<128x128xf32>
      %get3A_136 = arith.constant 0 : index
      %get3A_137 = arith.constant 0 : index
      %get3A_138 = vector.load %arg16[%get3A_136, %get3A_137] : memref<128x128xf32, #tpu.memory_space<vmem>>, vector<128x128xf32>
      %dot_general3A_139 = arith.constant dense<0.000000e+00> : vector<128x128xf32>
      %dot_general3A_140 = tpu.matmul %get3A_135, %get3A_138, %dot_general3A_139 {dimension_numbers = #tpu.dot_dimension_numbers<[1], [0], [0], [1], [0, 0, 1, 1], [], []>, transpose_lhs_hint = false} : vector<128x128xf32>, vector<128x128xf32>, vector<128x128xf32> -> vector<128x128xf32>
      %get3A_141 = arith.constant 0 : index
      %get3A_142 = arith.constant 0 : index
      %get3A_143 = vector.load %arg15[%get3A_141, %get3A_142] : memref<128x128xf32, #tpu.memory_space<vmem>>, vector<128x128xf32>
      %get3A_144 = arith.constant 0 : index
      %get3A_145 = arith.constant 0 : index
      %get3A_146 = vector.load %arg17[%get3A_144, %get3A_145] : memref<128x128xf32, #tpu.memory_space<vmem>>, vector<128x128xf32>
      %dot_general3A_147 = arith.constant dense<0.000000e+00> : vector<128x128xf32>
      %dot_general3A_148 = tpu.matmul %get3A_143, %get3A_146, %dot_general3A_147 {dimension_numbers = #tpu.dot_dimension_numbers<[1], [0], [0], [1], [0, 0, 1, 1], [], []>, transpose_lhs_hint = false} : vector<128x128xf32>, vector<128x128xf32>, vector<128x128xf32> -> vector<128x128xf32>
      %add3A_149 = arith.addf %dot_general3A_140, %dot_general3A_148 : vector<128x128xf32>
      %get3A_150 = arith.constant 0 : index
      %get3A_151 = arith.constant 0 : index
      %get3A_152 = vector.load %arg18[%get3A_150, %get3A_151] : memref<1x128xf32, #tpu.memory_space<vmem>>, vector<1x128xf32>
      %add3A_153 = vector.broadcast %get3A_152 : vector<1x128xf32> to vector<128x128xf32>
      %add3A_154 = arith.addf %add3A_149, %add3A_153 : vector<128x128xf32>
      %swap3A_155 = arith.constant 0 : index
      %swap3A_156 = arith.constant 0 : index
      %swap3A_157 = vector.load %arg21[%swap3A_155, %swap3A_156] : memref<128x128xf32, #tpu.memory_space<vmem>>, vector<128x128xf32>
      tpu.vector_store %arg21[%swap3A_155, %swap3A_156], %add3A_154 {strides = array<i32>} : memref<128x128xf32, #tpu.memory_space<vmem>>, vector<128x128xf32>,
    } else {
    }
    %get3A_122 = arith.constant 0 : index
    %get3A_123 = arith.constant 0 : index
    %get3A_124 = vector.load %arg21[%get3A_122, %get3A_123] : memref<128x128xf32, #tpu.memory_space<vmem>>, vector<128x128xf32>
    %dot_general3A_125 = arith.constant dense<0.000000e+00> : vector<128x128xf32>
    %dot_general3A_126 = tpu.matmul %convert_element_type3A_110, %dot_general3A_95, %dot_general3A_125 {dimension_numbers = #tpu.dot_dimension_numbers<[1], [0], [0], [1], [0, 0, 1, 1], [], []>, transpose_lhs_hint = false} : vector<128x2000xf32>, vector<2000x128xf32>, vector<128x128xf32> -> vector<128x128xf32>
    %dot_general3A_127 = arith.constant dense<0.000000e+00> : vector<128x128xf32>
    %dot_general3A_128 = tpu.matmul %convert_element_type3A_117, %dot_general3A_100, %dot_general3A_127 {dimension_numbers = #tpu.dot_dimension_numbers<[1], [0], [0], [1], [0, 0, 1, 1], [], []>, transpose_lhs_hint = false} : vector<128x2000xf32>, vector<2000x128xf32>, vector<128x128xf32> -> vector<128x128xf32>
    %add3A_129 = arith.addf %dot_general3A_126, %dot_general3A_128 : vector<128x128xf32>
    %add3A_130 = arith.addf %get3A_124, %add3A_129 : vector<128x128xf32>
    %swap3A = arith.constant 0 : index
    %swap3A_131 = arith.constant 0 : index
    %swap3A_132 = vector.load %arg21[%swap3A, %swap3A_131] : memref<128x128xf32, #tpu.memory_space<vmem>>, vector<128x128xf32>
    tpu.vector_store %arg21[%swap3A, %swap3A_131], %add3A_130 {strides = array<i32>} : memref<128x128xf32, #tpu.memory_space<vmem>>, vector<128x128xf32>,
    return
  }
  func.func @transform_0(%arg0: i32) -> (i32, i32, i32) {
    %c0_i32 = arith.constant 0 : i32
    %c0_i32_0 = arith.constant 0 : i32
    %c0_i32_1 = arith.constant 0 : i32
    return %c0_i32, %arg0, %c0_i32_0 : i32, i32, i32
  }
  func.func @transform_1(%arg0: i32) -> (i32, i32, i32) {
    %c0_i32 = arith.constant 0 : i32
    %c0_i32_0 = arith.constant 0 : i32
    %c0_i32_1 = arith.constant 0 : i32
    return %c0_i32, %arg0, %c0_i32_0 : i32, i32, i32
  }
  func.func @transform_2(%arg0: i32) -> (i32, i32, i32) {
    %c0_i32 = arith.constant 0 : i32
    %c0_i32_0 = arith.constant 0 : i32
    %c0_i32_1 = arith.constant 0 : i32
    return %c0_i32, %arg0, %c0_i32_0 : i32, i32, i32
  }
  func.func @transform_3(%arg0: i32) -> (i32, i32, i32) {
    %c0_i32 = arith.constant 0 : i32
    %c0_i32_0 = arith.constant 0 : i32
    %c0_i32_1 = arith.constant 0 : i32
    return %c0_i32, %arg0, %c0_i32_0 : i32, i32, i32
  }
  func.func @transform_4(%arg0: i32) -> (i32, i32) {
    %c0_i32 = arith.constant 0 : i32
    %c0_i32_0 = arith.constant 0 : i32
    return %arg0, %c0_i32 : i32, i32
  }
  func.func @transform_5(%arg0: i32) -> (i32, i32) {
    %c0_i32 = arith.constant 0 : i32
    %c0_i32_0 = arith.constant 0 : i32
    %c0_i32_1 = arith.constant 0 : i32
    return %c0_i32, %c0_i32_0 : i32, i32
  }
  func.func @transform_6(%arg0: i32) -> (i32, i32) {
    %c0_i32 = arith.constant 0 : i32
    %c0_i32_0 = arith.constant 0 : i32
    %c0_i32_1 = arith.constant 0 : i32
    return %c0_i32, %c0_i32_0 : i32, i32
  }
  func.func @transform_7(%arg0: i32) -> (i32, i32) {
    %c0_i32 = arith.constant 0 : i32
    %c0_i32_0 = arith.constant 0 : i32
    %c0_i32_1 = arith.constant 0 : i32
    return %c0_i32, %c0_i32_0 : i32, i32
  }
  func.func @transform_8(%arg0: i32) -> (i32, i32) {
    %c0_i32 = arith.constant 0 : i32
    %c0_i32_0 = arith.constant 0 : i32
    %c0_i32_1 = arith.constant 0 : i32
    return %c0_i32, %c0_i32_0 : i32, i32
  }
  func.func @transform_9(%arg0: i32) -> (i32, i32) {
    %c0_i32 = arith.constant 0 : i32
    %c0_i32_0 = arith.constant 0 : i32
    %c0_i32_1 = arith.constant 0 : i32
    return %c0_i32, %c0_i32_0 : i32, i32
  }
  func.func @transform_10(%arg0: i32) -> (i32, i32) {
    %c0_i32 = arith.constant 0 : i32
    %c0_i32_0 = arith.constant 0 : i32
    %c0_i32_1 = arith.constant 0 : i32
    return %c0_i32, %c0_i32_0 : i32, i32
  }
  func.func @transform_11(%arg0: i32) -> (i32, i32) {
    %c0_i32 = arith.constant 0 : i32
    %c0_i32_0 = arith.constant 0 : i32
    %c0_i32_1 = arith.constant 0 : i32
    return %c0_i32, %c0_i32_0 : i32, i32
  }
  func.func @transform_12(%arg0: i32) -> (i32, i32) {
    %c0_i32 = arith.constant 0 : i32
    %c0_i32_0 = arith.constant 0 : i32
    %c0_i32_1 = arith.constant 0 : i32
    return %c0_i32, %c0_i32_0 : i32, i32
  }
  func.func @transform_13(%arg0: i32) -> (i32, i32) {
    %c0_i32 = arith.constant 0 : i32
    %c0_i32_0 = arith.constant 0 : i32
    %c0_i32_1 = arith.constant 0 : i32
    return %c0_i32, %c0_i32_0 : i32, i32
  }
  func.func @transform_14(%arg0: i32) -> (i32, i32) {
    %c0_i32 = arith.constant 0 : i32
    %c0_i32_0 = arith.constant 0 : i32
    %c0_i32_1 = arith.constant 0 : i32
    return %c0_i32, %c0_i32_0 : i32, i32
  }
  func.func @transform_15(%arg0: i32) -> (i32, i32) {
    %c0_i32 = arith.constant 0 : i32
    %c0_i32_0 = arith.constant 0 : i32
    %c0_i32_1 = arith.constant 0 : i32
    return %c0_i32, %c0_i32_0 : i32, i32
  }
  func.func @transform_16(%arg0: i32) -> (i32, i32) {
    %c0_i32 = arith.constant 0 : i32
    %c0_i32_0 = arith.constant 0 : i32
    %c0_i32_1 = arith.constant 0 : i32
    return %c0_i32, %c0_i32_0 : i32, i32
  }
  func.func @transform_17(%arg0: i32) -> (i32, i32) {
    %c0_i32 = arith.constant 0 : i32
    %c0_i32_0 = arith.constant 0 : i32
    %c0_i32_1 = arith.constant 0 : i32
    return %c0_i32, %c0_i32_0 : i32, i32
  }
  func.func @transform_18(%arg0: i32) -> (i32, i32) {
    %c0_i32 = arith.constant 0 : i32
    %c0_i32_0 = arith.constant 0 : i32
    %c0_i32_1 = arith.constant 0 : i32
    return %c0_i32, %c0_i32_0 : i32, i32
  }
  func.func @transform_19(%arg0: i32) -> (i32, i32) {
    %c0_i32 = arith.constant 0 : i32
    %c0_i32_0 = arith.constant 0 : i32
    %c0_i32_1 = arith.constant 0 : i32
    return %c0_i32, %c0_i32_0 : i32, i32
  }
  func.func @transform_20(%arg0: i32) -> (i32, i32) {
    %c0_i32 = arith.constant 0 : i32
    %c0_i32_0 = arith.constant 0 : i32
    %c0_i32_1 = arith.constant 0 : i32
    return %c0_i32, %c0_i32_0 : i32, i32
  }
}

</mosaic_0001>

<sc_bundles>
// kernel: kernel.12.cloned.1.call-start
scs
__scs_entry_jumppad:
0x0: {  	(pc) =	sbr.rel $0x88, $3  }
0x1: {  	(tag) =	ssettag $0x0;
	lr =	simm.s32 $0x1  }
0x2: {  	[smem:$0x3F90] =	sst lr;
	_ =	strace $0xD0000000  }
0x3: {  	_ = 	snop  }
0x4: {  	_ = 	snop  }
0x5: {  	_ = 	snop  }
0x6: {  	_ = 	snop  }
0x7: {  	_ = 	snop  }
__scs_overlays_trampoline_lowered:
0x8: {  	[smem:$0x3F9F] =	sst s0  }
0x9: {  	[smem:$0x3FA0] =	sst s1  }
0xa: {  	[smem:$0x3FA1] =	sst s2  }
0xb: {  	[smem:$0x3FA2] =	sst s3  }
0xc: {  	[smem:$0x3FA3] =	sst s4  }
0xd: {  	[smem:$0x3FA4] =	sst s5  }
0xe: {  	[smem:$0x3FA5] =	sst s6  }
0xf: {  	[smem:$0x3FA6] =	sst s7  }
0x10: {  	[smem:$0x3FA7] =	sst s8  }
0x11: {  	[smem:$0x3FA8] =	sst s9;
	s0 =	simm.s32 @!p0 $0x0  }
0x12: {  	s1 =	sld [smem:$0x3F8E];
	s0 =	simm.s32 @p0 $0x1  }
0x13: {  	[smem:$0x3FA9] =	sst s0;
	s0 =	simm.s32 @!p1 $0x0  }
0x14: {  	s2 =	sld [smem:$0x3F8D];
	s0 =	simm.s32 @p1 $0x1  }
0x15: {  	[smem:$0x3FAA] =	sst s0;
	s0 =	simm.s32 @!p2 $0x0  }
0x16: {  	s3 =	sld [smem:$0x3FDB];
	s0 =	simm.s32 @p2 $0x1  }
0x17: {  	s4 =	simm.s32 $0x1BF5;
	[smem:$0x3FAC] =	sst s0  }
0x18: {  	s0 =	sld [smem:$0x3F8F];
	_ =	swait.ge [sflag:s4], $0x0  }
0x19: {  	s7 =	sld [smem:$0x3F90]  }
0x1a: {  	s8 =	sadd.s32 $0xFFFFE003, lr  }
0x1b: {  	s9 =	sadd.s32 $0xFFFFFEF7, lr;
	s5 =	simm.s32 $0xFFFFFFFF;
	p2 =	slt.u32 s8, $0xFFFFF086  }
0x1c: {  	p1 =	slt.u32 s9, $0xF7A;
	s5 =	simm.s32 @!p2 $0x0  }
0x1d: {  	s5 =	simm.s32 @p1 $0x1;
	p0 =	seq.s32 s7, s2  }
0x1e: {  	s7 =	smul.u32 @!p0 $0xF7A, s2;
	p2 =	seq.s32 @!p0 s5, $0x0  }
0x1f: {  	s9 =	smul.u32 $0xF7A, s1;
	s8 =	simm.s32 @!p0 $0x1BF5;
	p2 =	por !p2, p0  }
0x20: {  	[sflag:s8] =	ssyncset.s32 @!p0 $0xFFFFF086;
	s6 =	sadd.s32 @!p0 s3, s7;
	s7 =	simm.s32 @!p0 $0x108  }
0x21: {  	s3 =	sadd.s32 s3, s9;
	s6 =	sadd.s32 @!p0 $0x88, s6;
	s7 =	simm.s32 @p2 $0x1082  }
0x22: {  	[simem:s7], [sflag:s8] =	dma.local @!p0 [hbm:s6], $0xF7A  }
0x23: {  	s9 =	sor.u32 $0xD0000000, s2;
	s6 =	simm.s32 $0x108;
	_ =	swait.ge @!p0 [sflag:s8], $0x0  }
0x24: {  	s3 =	sadd.s32 $0x88, s3;
	s6 =	simm.s32 @!p1 $0x1082;
	[sflag:s4] =	ssyncset.s32 $0xFFFFF086  }
0x25: {  	[simem:s6], [sflag:s4] =	dma.local [hbm:s3], $0xF7A  }
0x26: {  	[smem:$0x3F90] =	sst s1;
	(tag) =	ssettag s2;
	_ =	strace s9  }
0x27: {  	s1 =	sld [smem:$0x3FA0]  }
0x28: {  	s2 =	sld [smem:$0x3FA1]  }
0x29: {  	s4 =	sld [smem:$0x3FA3]  }
0x2a: {  	p0 =	seq.s32 s5, $0x0;
	s5 =	sld [smem:$0x3FA4]  }
0x2b: {  	s6 =	sld [smem:$0x3FA5]  }
0x2c: {  	s7 =	sld [smem:$0x3FA6]  }
0x2d: {  	s3 =	simm.s32 $0x108;
	s8 =	sld [smem:$0x3FA7]  }
0x2e: {  	s3 =	simm.s32 @!p0 $0x1082;
	s9 =	sld [smem:$0x3FA8]  }
0x2f: {  	lr =	sadd.s32 s0, s3;
	s0 =	sld [smem:$0x3F9F]  }
0x30: {  	s3 =	sld [smem:$0x3FA2]  }
0x31: {  	[smem:$0x3FAB] =	sst s10  }
0x32: {  	s10 =	sld [smem:$0x3FA9];
	_ =	sdelay $0x3  }
0x33: {  	p0 =	seq.s32 s10, $0x1;
	s10 =	sld [smem:$0x3FAB];
	_ =	sdelay $0x3  }
0x34: {  	[smem:$0x3FAB] =	sst s10  }
0x35: {  	s10 =	sld [smem:$0x3FAA];
	_ =	sdelay $0x3  }
0x36: {  	p1 =	seq.s32 s10, $0x1;
	s10 =	sld [smem:$0x3FAB];
	_ =	sdelay $0x3  }
0x37: {  	[smem:$0x3FAB] =	sst s10  }
0x38: {  	s10 =	sld [smem:$0x3FAC]  }
0x39: {  	_ = 	snop;
	(pc) =	sbr.ind lr, $3  }
0x3a: {  	_ = 	snop  }
0x3b: {  	_ = 	snop  }
0x3c: {  	p2 =	seq.s32 s10, $0x1;
	s10 =	sld [smem:$0x3FAB]  }
0x3d: {  	_ =	shalt  }
0x3e: {  	_ =	shalt  }
0x3f: {  	_ =	shalt  }
0x40: {  	_ =	shalt  }
0x41: {  	_ =	shalt  }
0x42: {  	_ =	shalt  }
0x43: {  	_ =	shalt  }
0x44: {  	_ =	shalt  }
0x45: {  	_ =	shalt  }
0x46: {  	_ =	shalt  }
0x47: {  	_ =	shalt  }
0x48: {  	_ =	shalt  }
0x49: {  	_ =	shalt  }
0x4a: {  	_ =	shalt  }
0x4b: {  	_ =	shalt  }
0x4c: {  	_ =	shalt  }
0x4d: {  	_ =	shalt  }
0x4e: {  	_ =	shalt  }
0x4f: {  	_ =	shalt  }
0x50: {  	_ =	shalt  }
0x51: {  	_ =	shalt  }
0x52: {  	_ =	shalt  }
0x53: {  	_ =	shalt  }
0x54: {  	_ =	shalt  }
0x55: {  	_ =	shalt  }
0x56: {  	_ =	shalt  }
0x57: {  	_ =	shalt  }
0x58: {  	_ =	shalt  }
0x59: {  	_ =	shalt  }
0x5a: {  	_ =	shalt  }
0x5b: {  	_ =	shalt  }
0x5c: {  	_ =	shalt  }
0x5d: {  	_ =	shalt  }
0x5e: {  	_ =	shalt  }
0x5f: {  	_ =	shalt  }
0x60: {  	_ =	shalt  }
0x61: {  	_ =	shalt  }
0x62: {  	_ =	shalt  }
0x63: {  	_ =	shalt  }
0x64: {  	_ =	shalt  }
0x65: {  	_ =	shalt  }
0x66: {  	_ =	shalt  }
0x67: {  	_ =	shalt  }
0x68: {  	_ =	shalt  }
0x69: {  	_ =	shalt  }
0x6a: {  	_ =	shalt  }
0x6b: {  	_ =	shalt  }
0x6c: {  	_ =	shalt  }
0x6d: {  	_ =	shalt  }
0x6e: {  	_ =	shalt  }
0x6f: {  	_ =	shalt  }
0x70: {  	_ =	shalt  }
0x71: {  	_ =	shalt  }
0x72: {  	_ =	shalt  }
0x73: {  	_ =	shalt  }
0x74: {  	_ =	shalt  }
0x75: {  	_ =	shalt  }
0x76: {  	_ =	shalt  }
0x77: {  	_ =	shalt  }
0x78: {  	_ =	shalt  }
0x79: {  	_ =	shalt  }
0x7a: {  	_ =	shalt  }
0x7b: {  	_ =	shalt  }
0x7c: {  	_ =	shalt  }
0x7d: {  	_ =	shalt  }
0x7e: {  	_ =	shalt  }
0x7f: {  	_ =	shalt  }
0x80: {  	_ =	shalt  }
0x81: {  	_ =	shalt  }
0x82: {  	_ =	shalt  }
0x83: {  	_ =	shalt  }
0x84: {  	_ =	shalt  }
0x85: {  	_ =	shalt  }
0x86: {  	_ =	shalt  }
0x87: {  	_ =	shalt  }
.Lfunc_end0:
.L_simem_size_0:
called_computation.1_lowered:
.L_overlay_start_0:
0x88: {  	s2 =	sld [smem:$0x3FD9]  }
0x89: {  	s3 =	sld [smem:$0x3FFE];
	_ =	sdelay $0x1  }
0x8a: {  	s1 =	srdreg.scid  }
0x8b: {  	s0 =	sand.u32 $0x1, s1  }
0x8c: {  	s17 =	sshll.u32 s0, $0xA;
	s2 =	sadd.s32 s3, s2  }
0x8d: {  	s2 =	sadd.s32 s2, s17  }
0x8e: {  	[smem:$0x3FB7] =	sst s2  }
0x8f: {  	_ = 	snop  }
0x90: {  	s18 =	sld [smem:$0x3FD0];
	(tm) =	ssettm $0x1  }
0x91: {  	s19 =	sld [smem:$0x3FFB];
	_ =	sdelay $0x3  }
0x92: {  	_ =	strace s19  }
0x93: {  	s2 =	sld [smem:$0x3FFC];
	_ =	sdelay $0x3  }
0x94: {  	_ =	strace s2  }
0x95: {  	s2 =	sld [smem:$0x3FFD];
	_ =	sdelay $0x3  }
0x96: {  	_ =	strace s2  }
0x97: {  	_ =	strace $0x8FFFFFFF  }
0x98: {  	s20 =	sld [smem:$0x3FDB];
	_ =	sdelay $0x1  }
0x99: {  	s4 =	simm.s32 $_scs_section_size  }
0x9a: {  	s5 =	simm.s32 $_size__tile_overlayer_lowered;
	s6 =	simm.s32 $_tile_overlayer_lowered  }
0x9b: {  	s7 =	simm.s32 $0x1BFF;
	s21 =	sshll.u32 s6, $0x1;
	s4 =	sadd.s32 s4, s20  }
0x9c: {  	s22 =	simm.s32 $0x0;
	s5 =	sshll.u32 s5, $0x1;
	s6 =	sadd.s32 s21, s4  }
0x9d: {  	[timem:s22], [sflag:s7] =	dma.local [hbm:s6], s5  }
0x9e: {  	_ =	swait.ge [sflag:s7], s5  }
0x9f: {  	s5 =	ssub.s32 $0x0, s5;
	[sflag:s7] =	ssyncset.done $0x0  }
0xa0: {  	[sflag:s7] =	ssyncadd.s32 s5;
	_ =	sdelay $0x1  }
0xa1: {  	s23 =	simm.s32 $0x1B8B  }
0xa2: {  	_ =	swait.ge [sflag:s23], $0x1  }
0xa3: {  	[sflag:s23] =	ssyncset.done $0x0  }
0xa4: {  	[sflag:s23] =	ssyncadd.s32 $0xFFFFFFFF  }
0xa5: {  	s5 =	sld [smem:$0x0]  }
0xa6: {  	s6 =	sand.u32 $0xFFFFFFFE, s1  }
0xa7: {  	p0 =	sne.s32 s1, s6  }
0xa8: {  	s6 =	sshll.u32 @p0 s6, $0xE  }
0xa9: {  	s6 =	sadd.s32 @p0 $0x11B8D, s6;
	s7 =	sshll.u32 @p0 s5, $0x11  }
0xaa: {  	s6 =	sor.u32 @p0 s7, s6  }
0xab: {  	[sflag:s6] =	ssyncadd.remote.s32 @p0 $0x1;
	_ =	sdelay $0x1  }
0xac: {  	s6 =	simm.s32 @p0 $0x1B8D  }
0xad: {  	_ =	swait.eq @p0 [sflag:s6], $0x1  }
0xae: {  	[sflag:s6] =	ssyncadd.s32 @p0 $0xFFFFFFFF  }
0xaf: {  	s7 =	sshll.u32 @!p0 s1, $0xE  }
0xb0: {  	s7 =	sor.u32 @!p0 $0x4000, s7;
	s6 =	simm.s32 @!p0 $0x1B8D  }
0xb1: {  	s5 =	sshll.u32 @!p0 s5, $0x11;
	s7 =	sadd.s32 @!p0 $0x11B8D, s7;
	_ =	swait.eq @!p0 [sflag:s6], $0x1  }
0xb2: {  	s5 =	sor.u32 @!p0 s5, s7;
	[sflag:s6] =	ssyncadd.s32 @!p0 $0xFFFFFFFF  }
0xb3: {  	s25 =	simm.s32 $0x1B8E;
	s24 =	sld [smem:$0x3FFE];
	[sflag:s5] =	ssyncadd.remote.s32 @!p0 $0x1  }
0xb4: {  	s26 =	simm.s32 $execute0_lowered;
	[smem:$0x3FD2] =	sst s25  }
0xb5: {  	s6 =	sshll.u32 s26, $0x1;
	_ =	strace $0x80000049;
	[dreg:$0x1] =	wrdreg $0xFFFFFFFF  }
0xb6: {  	s28 =	simm.s32 $_size_execute0_lowered;
	s4 =	sadd.s32 s4, s6;
	[dreg:$0x0] =	wrdreg $0x0  }
0xb7: {  	s6 =	sshll.u32 s28, $0x1;
	[dreg:$0x2] =	wrdreg s4  }
0xb8: {  	[dreg:$0x3] =	wrdreg s6  }
0xb9: {  	[dreg:$0x4] =	wrdreg $0xC0  }
0xba: {  	_ =	task [dreg:s22], $0x5FFFF  }
0xbb: {  	[dreg:$0x1] =	wrdreg $0xFFFFFFFF  }
0xbc: {  	[dreg:$0x0] =	wrdreg $0x60  }
0xbd: {  	[dreg:$0x2] =	wrdreg s24  }
0xbe: {  	[dreg:$0x3] =	wrdreg s18  }
0xbf: {  	[dreg:$0x4] =	wrdreg $0x81000  }
0xc0: {  	[dreg:$0x5] =	wrdreg $0xA  }
0xc1: {  	_ =	task.clear_ibuf [dreg:s22], $0x6FFFF;
	_ =	strace $0x90000049  }
0xc2: {  	s29 =	simm.s32 $0xA;
	_ =	strace $0x8000004B  }
0xc3: {  	_ =	swait.ge [sflag:s29], $0x1  }
0xc4: {  	[sflag:s29] =	ssyncadd.s32 $0xFFFFFFFF  }
0xc5: {  	_ =	strace $0x9000004B  }
0xc6: {  	_ =	sfence  }
0xc7: {  	s30 =	sld [smem:$0x0];
	_ =	sdelay $0x2  }
0xc8: {  	s31 =	sshll.u32 s1, $0xD;
	s1 =	sshrl.u32 s1, $0x2  }
0xc9: {  	s4 =	sand.u32 $0x4000, s31;
	s1 =	sadd.s32 s1, s30  }
0xca: {  	s0 =	sor.u32 s4, s0;
	s1 =	sshll.u32 s1, $0x11  }
0xcb: {  	s0 =	sor.u32 s1, s0  }
0xcc: {  	s0 =	sadd.s32 $0x8F2B, s0  }
0xcd: {  	[sflag:s0] =	ssyncadd.remote.s32 $0x1  }
0xce: {  	_ =	sfence.sel $0xFFFF  }
0xcf: {  	[dreg:$0x0] =	wrdreg $0xFFFFFFFF;
	(pc) =	sbr.abs _section_cstart, $3  }
0xd0: {  	[dreg:$0x1] =	wrdreg $0xFFFFFFFF  }
0xd1: {  	_ =	task.clear_ibuf [dreg:s22], $0x2FFFF;
	_ =	strace $0x9FFFFFFF  }
0xd2: {  	(tm) =	ssettm $0x7FFFFFFF  }
0xd3: {  	_ =	shalt  }
tec
execute0_lowered:
.L_overlay_start_1:
0x0: {  	(tag) =	ssettag $0x1  }
0x1: {  	s5 =	rddreg [dreg:$0x0]  }
0x2: {  	s2 =	rddreg [dreg:$0x2];
	s3 =	simm.s32 $0x0  }
0x3: {  	s4 =	srdreg.scid;
	s20 =	simm.s32 $0x3;
	s21 =	simm.s32 $0x2  }
0x4: {  	[smem:$0x7FF] =	sst s3;
	s13 =	sand.u32 $0x1, s4;
	s9 =	sadd.s32 $0xAE00, s5  }
0x5: {  	s14 =	sadd.s32 $0x36BC00, s5;
	s4 =	stileid.u32;
	_ =	strace $0x8000004A  }
0x6: {  	s6 =	smul.u32 $0x27100, s13;
	s7 =	ssub.s32 $0x2, s13;
	s26 =	sshll.u32 s4, $0x1  }
0x7: {  	p0 =	seq.s32 s4, $0x0;
	s28 =	ssub.s32 $0x8C, s4;
	s15 =	sshll.u32 s4, $0x5  }
0x8: {  	s17 =	smul.u32 $0xA000, s4;
	s18 =	sshll.u32 s13, $0x4;
	s19 =	sshll.u32 s4, $0xC  }
0x9: {  	s31 =	sshll.u32 s13, $0xB;
	s24 =	smul.u32 $0x500, s4;
	s8 =	sshrl.u32 s7, $0x1  }
0xa: {  	s29 =	sor.u32 s13, s26;
	s16 =	sand.u32 $0x180, s15;
	s15 =	sor.u32 s18, s15  }
0xb: {  	s18 =	simm.s32 $0x1;
	s10 =	sadd.s32 s6, s5;
	s11 =	ssub.s32 s7, s8  }
0xc: {  	s5 =	simm.s32 $0x28;
	s6 =	sshrl.u32 s28, $0x4;
	s12 =	sshll.u32 s29, $0x4  }
0xd: {  	s8 =	sshll.u32 s29, $0xB;
	s16 =	sadd.s32 s9, s16;
	s17 =	sshrl.u32 s17, $0x2  }
0xe: {  	s15 =	sand.u32 $0x70, s15;
	s5 =	simm.s32 @!p0 $0x27;
	s7 =	sadd.s32 s9, s12  }
0xf: {  	s8 =	sadd.s32 s14, s8;
	s12 =	sand.u32 $0x70, s12;
	s23 =	sadd.s32 $0xFAC00, s10  }
0x10: {  	s9 =	smax.u32 s11, $0x1;
	s14 =	sadd.s32 s19, s14;
	s13 =	sadd.s32 s17, s2  }
0x11: {  	s15 =	sadd.s32 s15, s16;
	s17 =	simm.s32 $0x5;
	s19 =	simm.s32 $0x80  }
0x12: {  	s30 =	sand.u32 $0x1, s5;
	s12 =	sadd.s32 s12, s16;
	s11 =	sadd.s32 $0x10000, s8  }
0x13: {  	s14 =	sadd.s32 s31, s14;
	s15 =	sadd.s32 $0x600, s15;
	s16 =	simm.s32 $0x100  }
0x14: {  	s23 =	sadd.s32 s23, s24;
	s24 =	simm.s32 $0x0;
	p0 =	seq.s32 s30, $0x1  }
0x15: {  	s10 =	sadd.s32 $0x200, s12;
	s12 =	sadd.s32 $0x400, s12;
	s14 =	sadd.s32 $0x20000, s14  }
.LBB2_1:
0x16: {  	s0 =	rddreg [dreg:$0x1]  }
0x17: {  	[tilespmem:s16], [sflag:$0x5] =	stream.linear.gather [hbm4b:s0+s3], $0x4000, $0x38;
	[tilespmem:$0x1B980] =	vst v63  }
0x18: {  	p1 =	sne.s32 s6, $0x1;
	_ =	swait.ge [sflag:s17], $0x4000  }
.Ltmp0:
0x19: {  	[sflag:s17] =	ssyncset.done $0x0;
	(pc) =	sbr.rel @!p1 .LBB2_3-.Ltmp0, $4  }
0x1a: {  	[sflag:s17] =	ssyncadd.s32 $0xFFFFC000  }
0x1b: {  	[spmem:s13] =	stream.linear.scatter [tilespmem:s16], [sflag:$0x5], $0x2800, $0x38;
	[tilespmem:$0x1B980] =	vst v63  }
0x1c: {  	_ =	swait.ge [sflag:s17], $0x2800  }
0x1d: {  	s25 =	sadd.s32 $0xFFFFFFFF, s6;
	s26 =	smov.u32 s13;
	[sflag:s17] =	ssyncset.done $0x0  }
.LBB2_2:
0x1e: {  	p2 =	sne.s32 s25, $0x1;
	[sflag:s17] =	ssyncadd.s32 $0xFFFFD800;
	s26 =	sadd.s32 $0x28000, s26  }
.Ltmp1:
0x1f: {  	s25 =	sadd.s32 $0xFFFFFFFF, s25;
	(pc) =	sbr.rel @p2 .LBB2_2-.Ltmp1, $4  }
0x20: {  	_ = 	snop  }
0x21: {  	[spmem:s26] =	stream.linear.scatter [tilespmem:s16], [sflag:$0x5], $0x2800, $0x38;
	[tilespmem:$0x1B980] =	vst v63  }
0x22: {  	_ =	swait.ge [sflag:s17], $0x2800  }
0x23: {  	[sflag:s17] =	ssyncset.done $0x0  }
.LBB2_3:
0x24: {  	[sflag:s17] =	ssyncadd.s32 $0xFFFFD800  }
0x25: {  	[bflag:$0x0] =	sbarrier.arrive $0xFFFF  }
0x26: {  	[tilespmem:s3], [sflag:$0x1] =	stream.linear.gather [hbm4b:s7+s3], $0x80, $0x38;
	[tilespmem:$0x1B980] =	vst v63  }
0x27: {  	_ =	swait.ge [sflag:s18], $0x80  }
0x28: {  	[sflag:s18] =	ssyncset.done $0x0  }
0x29: {  	[sflag:s18] =	ssyncadd.s32 $0xFFFFFF80  }
0x2a: {  	[tilespmem:s16], [sflag:$0x3] =	stream.linear.gather [hbm4b:s8+s3], $0x4000, $0x38;
	[tilespmem:$0x1B980] =	vst v63  }
0x2b: {  	_ = 	snop  }
0x2c: {  	[tilespmem:s19], [sflag:$0x2] =	stream.linear.gather [hbm4b:s10+s3], $0x80, $0x38;
	[tilespmem:$0x1B980] =	vst v63  }
0x2d: {  	_ =	swait.ge [sflag:s20], $0x4000  }
0x2e: {  	[sflag:s20] =	ssyncset.done $0x0  }
0x2f: {  	[sflag:s20] =	ssyncadd.s32 $0xFFFFC000  }
0x30: {  	_ =	swait.ge [sflag:s21], $0x80  }
0x31: {  	[sflag:s21] =	ssyncset.done $0x0  }
0x32: {  	s0 =	simm.s32 $0x4100;
	[sflag:s21] =	ssyncadd.s32 $0xFFFFFF80  }
0x33: {  	[tilespmem:s0], [sflag:$0x4] =	stream.linear.gather [hbm4b:s11+s3], $0x4000, $0x38;
	[tilespmem:$0x1B980] =	vst v63  }
0x34: {  	_ = 	snop  }
0x35: {  	[spmem:s2] =	stream.indirect.scatter.add.f32 [tilespmem:s16], [sflag:$0x5], $0x80, s3, s19, $0xb8;
	[tilespmem:$0x1B980] =	vst v63  }
0x36: {  	_ =	swait.ge [sflag:s17], $0x4000  }
0x37: {  	[sflag:s17] =	ssyncset.done $0x0  }
0x38: {  	s25 =	simm.s32 $0x4;
	[sflag:s17] =	ssyncadd.s32 $0xFFFFC000  }
0x39: {  	[tilespmem:s3], [sflag:$0x1] =	stream.linear.gather [hbm4b:s12+s3], $0x80, $0x38;
	[tilespmem:$0x1B980] =	vst v63  }
0x3a: {  	_ =	swait.ge [sflag:s25], $0x4000  }
0x3b: {  	p3 =	sle.u32 s5, $0x2;
	[sflag:s25] =	ssyncset.done $0x0  }
0x3c: {  	[sflag:s25] =	ssyncadd.s32 $0xFFFFC000;
	s25 =	simm.s32 @!p3 $0x1  }
0x3d: {  	_ =	swait.ge @!p3 [sflag:s25], $0x80  }
0x3e: {  	[sflag:s25] =	ssyncset.done @!p3 $0x0  }
0x3f: {  	s26 =	simm.s32 @!p3 $0x100;
	[sflag:s25] =	ssyncadd.s32 @!p3 $0xFFFFFF80;
	s25 =	simm.s32 @!p3 $0x0  }
0x40: {  	[tilespmem:s26], [sflag:$0x3] =	stream.linear.gather @!p3 [hbm4b:s14+s25], $0x4000, $0x38;
	[tilespmem:$0x1B980] =	vst v63  }
0x41: {  	s28 =	simm.s32 @!p3 $0x5;
	s25 =	simm.s32 @!p3 $0x80;
	s26 =	simm.s32 @!p3 $0x4100  }
0x42: {  	[spmem:s2] =	stream.indirect.scatter.add.f32 @!p3 [tilespmem:s26], [sflag:$0x5], $0x80, s25, s25, $0xb8;
	[tilespmem:$0x1B980] =	vst v63  }
0x43: {  	p2 =	sle.u32 @!p3 s5, $0x3;
	_ =	swait.ge @!p3 [sflag:s28], $0x4000  }
0x44: {  	p2 =	por p2, p3;
	s25 =	simm.s32 @!p3 $0x3;
	[sflag:s28] =	ssyncset.done @!p3 $0x0  }
0x45: {  	s26 =	simm.s32 @!p2 $0x0;
	[sflag:s28] =	ssyncadd.s32 @!p3 $0xFFFFC000;
	s28 =	simm.s32 @!p2 $0x80  }
0x46: {  	[tilespmem:s28], [sflag:$0x2] =	stream.linear.gather @!p2 [hbm4b:s15+s26], $0x80, $0x38;
	[tilespmem:$0x1B980] =	vst v63  }
0x47: {  	_ =	swait.ge @!p3 [sflag:s25], $0x4000  }
0x48: {  	p2 =	sle.u32 s5, $0x3;
	[sflag:s25] =	ssyncset.done @!p3 $0x0  }
0x49: {  	[sflag:s25] =	ssyncadd.s32 @!p3 $0xFFFFC000;
	s25 =	simm.s32 @!p2 $0x2  }
0x4a: {  	_ =	swait.ge @!p2 [sflag:s25], $0x80  }
0x4b: {  	s26 =	simm.s32 @!p2 $0x4100;
	[sflag:s25] =	ssyncset.done @!p2 $0x0  }
0x4c: {  	s28 =	simm.s32 @!p2 $0x0;
	[sflag:s25] =	ssyncadd.s32 @!p2 $0xFFFFFF80;
	s25 =	sadd.s32 @!p2 $0x10000, s14  }
0x4d: {  	[tilespmem:s26], [sflag:$0x4] =	stream.linear.gather @!p2 [hbm4b:s25+s28], $0x4000, $0x38;
	[tilespmem:$0x1B980] =	vst v63  }
0x4e: {  	s29 =	simm.s32 @!p2 $0x5;
	s25 =	simm.s32 @!p2 $0x80;
	s26 =	simm.s32 @!p2 $0x100  }
0x4f: {  	[spmem:s2] =	stream.indirect.scatter.add.f32 @!p2 [tilespmem:s26], [sflag:$0x5], $0x80, s28, s25, $0xb8;
	[tilespmem:$0x1B980] =	vst v63  }
0x50: {  	s30 =	simm.s32 @!p2 $0x4;
	p3 =	sle.u32 @!p2 s5, $0x4;
	_ =	swait.ge @!p2 [sflag:s29], $0x4000  }
0x51: {  	p3 =	por p3, p2;
	s25 =	simm.s32 $0x6;
	[sflag:s29] =	ssyncset.done @!p2 $0x0  }
0x52: {  	s26 =	sadd.s32 @!p3 $0x200, s15;
	s28 =	simm.s32 @!p3 $0x0;
	[sflag:s29] =	ssyncadd.s32 @!p2 $0xFFFFC000  }
0x53: {  	[tilespmem:s28], [sflag:$0x1] =	stream.linear.gather @!p3 [hbm4b:s26+s28], $0x80, $0x38;
	[tilespmem:$0x1B980] =	vst v63  }
0x54: {  	s29 =	simm.s32 $0x8;
	s26 =	sadd.s32 $0x400, s15;
	_ =	swait.ge @!p2 [sflag:s30], $0x4000  }
0x55: {  	p3 =	sle.u32 s5, $0x4;
	s28 =	sadd.s32 $0x20000, s14;
	[sflag:s30] =	ssyncset.done @!p2 $0x0  }
.LBB2_4:
0x56: {  	s31 =	simm.s32 @!p3 $0x1  }
0x57: {  	[sflag:s30] =	ssyncadd.s32 @!p2 $0xFFFFC000;
	s30 =	smov.u32 s29;
	s29 =	sadd.s32 $0x2, s29  }
0x58: {  	p4 =	sne.s32 s29, $0x2A;
	_ =	swait.ge @!p3 [sflag:s31], $0x80  }
0x59: {  	s0 =	sadd.s32 @!p3 $0xFFFFFFFF, s25;
	[sflag:s31] =	ssyncset.done @!p3 $0x0  }
0x5a: {  	s1 =	simm.s32 @!p3 $0x100;
	[sflag:s31] =	ssyncadd.s32 @!p3 $0xFFFFFF80;
	s31 =	simm.s32 @!p3 $0x0  }
0x5b: {  	[tilespmem:s1], [sflag:$0x3] =	stream.linear.gather @!p3 [hbm4b:s28+s31], $0x4000, $0x38;
	[tilespmem:$0x1B980] =	vst v63  }
0x5c: {  	s22 =	simm.s32 @!p3 $0x5;
	s1 =	simm.s32 @!p3 $0x80;
	s31 =	simm.s32 @!p3 $0x4100  }
0x5d: {  	[spmem:s2] =	stream.indirect.scatter.add.f32 @!p3 [tilespmem:s31], [sflag:$0x5], $0x80, s1, s1, $0xb8;
	[tilespmem:$0x1B980] =	vst v63  }
0x5e: {  	p2 =	sge.u32 @!p3 s0, s5;
	_ =	swait.ge @!p3 [sflag:s22], $0x4000  }
0x5f: {  	s0 =	simm.s32 @!p3 $0x3;
	p2 =	por p2, p3;
	[sflag:s22] =	ssyncset.done @!p3 $0x0  }
0x60: {  	s1 =	simm.s32 @!p2 $0x0;
	[sflag:s22] =	ssyncadd.s32 @!p3 $0xFFFFC000;
	s22 =	simm.s32 @!p2 $0x80  }
0x61: {  	[tilespmem:s22], [sflag:$0x2] =	stream.linear.gather @!p2 [hbm4b:s26+s1], $0x80, $0x38;
	[tilespmem:$0x1B980] =	vst v63  }
0x62: {  	s1 =	sadd.s32 $0xFFFFFFFF, s25;
	_ =	swait.ge @!p3 [sflag:s0], $0x4000  }
0x63: {  	p2 =	sge.u32 s1, s5;
	[sflag:s0] =	ssyncset.done @!p3 $0x0  }
0x64: {  	[sflag:s0] =	ssyncadd.s32 @!p3 $0xFFFFC000;
	s0 =	simm.s32 @!p2 $0x2;
	p3 =	sge.u32 @!p2 s25, s5  }
0x65: {  	s25 =	smov.u32 s30;
	_ =	swait.ge @!p2 [sflag:s0], $0x80;
	p3 =	por p3, p2  }
0x66: {  	s1 =	simm.s32 @!p2 $0x4100;
	[sflag:s0] =	ssyncset.done @!p2 $0x0  }
0x67: {  	s22 =	simm.s32 @!p2 $0x0;
	[sflag:s0] =	ssyncadd.s32 @!p2 $0xFFFFFF80;
	s0 =	sadd.s32 @!p2 $0x10000, s28  }
0x68: {  	[tilespmem:s1], [sflag:$0x4] =	stream.linear.gather @!p2 [hbm4b:s0+s22], $0x4000, $0x38;
	[tilespmem:$0x1B980] =	vst v63  }
0x69: {  	s31 =	simm.s32 @!p2 $0x5;
	s0 =	simm.s32 @!p2 $0x80;
	s1 =	simm.s32 @!p2 $0x100  }
0x6a: {  	[spmem:s2] =	stream.indirect.scatter.add.f32 @!p2 [tilespmem:s1], [sflag:$0x5], $0x80, s22, s0, $0xb8;
	[tilespmem:$0x1B980] =	vst v63  }
0x6b: {  	_ =	swait.ge @!p2 [sflag:s31], $0x4000  }
.Ltmp2:
0x6c: {  	s30 =	simm.s32 @!p2 $0x4;
	[sflag:s31] =	ssyncset.done @!p2 $0x0;
	(pc) =	sbr.rel @p4 .LBB2_4-.Ltmp2, $4  }
0x6d: {  	s0 =	sadd.s32 @!p3 $0x200, s26;
	s1 =	simm.s32 @!p3 $0x0;
	[sflag:s31] =	ssyncadd.s32 @!p2 $0xFFFFC000  }
0x6e: {  	[tilespmem:s1], [sflag:$0x1] =	stream.linear.gather @!p3 [hbm4b:s0+s1], $0x80, $0x38;
	[tilespmem:$0x1B980] =	vst v63  }
0x6f: {  	s26 =	sadd.s32 $0x400, s26;
	s0 =	sadd.s32 $0xFFFFFFFE, s25;
	_ =	swait.ge @!p2 [sflag:s30], $0x4000  }
0x70: {  	s28 =	sadd.s32 $0x20000, s28;
	p3 =	sge.u32 s0, s5;
	[sflag:s30] =	ssyncset.done @!p2 $0x0  }
0x71: {  	s0 =	simm.s32 @!p3 $0x1;
	[sflag:s30] =	ssyncadd.s32 @!p2 $0xFFFFC000  }
0x72: {  	_ =	swait.ge @!p3 [sflag:s0], $0x80  }
0x73: {  	s1 =	sadd.s32 @!p3 $0xFFFFFFFF, s25;
	s22 =	simm.s32 @!p3 $0x100;
	[sflag:s0] =	ssyncset.done @!p3 $0x0  }
0x74: {  	s29 =	simm.s32 @!p3 $0x5;
	[sflag:s0] =	ssyncadd.s32 @!p3 $0xFFFFFF80;
	s0 =	simm.s32 @!p3 $0x0  }
0x75: {  	[tilespmem:s22], [sflag:$0x3] =	stream.linear.gather @!p3 [hbm4b:s28+s0], $0x4000, $0x38;
	[tilespmem:$0x1B980] =	vst v63  }
0x76: {  	p2 =	sge.u32 @!p3 s1, s5;
	s0 =	simm.s32 @!p3 $0x80;
	s22 =	simm.s32 @!p3 $0x4100  }
0x77: {  	[spmem:s2] =	stream.indirect.scatter.add.f32 @!p3 [tilespmem:s22], [sflag:$0x5], $0x80, s0, s0, $0xb8;
	[tilespmem:$0x1B980] =	vst v63  }
0x78: {  	p2 =	por p2, p3;
	_ =	swait.ge @!p3 [sflag:s29], $0x4000  }
0x79: {  	s1 =	simm.s32 @!p2 $0x0;
	[sflag:s29] =	ssyncset.done @!p3 $0x0  }
0x7a: {  	s0 =	simm.s32 @!p3 $0x3;
	s22 =	simm.s32 @!p2 $0x80;
	[sflag:s29] =	ssyncadd.s32 @!p3 $0xFFFFC000  }
0x7b: {  	[tilespmem:s22], [sflag:$0x2] =	stream.linear.gather @!p2 [hbm4b:s26+s1], $0x80, $0x38;
	[tilespmem:$0x1B980] =	vst v63  }
0x7c: {  	s22 =	sadd.s32 $0xFFFFFFFF, s25;
	_ =	swait.ge @!p3 [sflag:s0], $0x4000  }
0x7d: {  	p2 =	sge.u32 s22, s5;
	[sflag:s0] =	ssyncset.done @!p3 $0x0  }
0x7e: {  	[sflag:s0] =	ssyncadd.s32 @!p3 $0xFFFFC000;
	s0 =	simm.s32 @!p2 $0x2  }
0x7f: {  	_ =	swait.ge @!p2 [sflag:s0], $0x80  }
0x80: {  	s1 =	simm.s32 @!p2 $0x4100;
	[sflag:s0] =	ssyncset.done @!p2 $0x0  }
0x81: {  	s22 =	simm.s32 @!p2 $0x0;
	[sflag:s0] =	ssyncadd.s32 @!p2 $0xFFFFFF80;
	s0 =	sadd.s32 @!p2 $0x10000, s28  }
0x82: {  	[tilespmem:s1], [sflag:$0x4] =	stream.linear.gather @!p2 [hbm4b:s0+s22], $0x4000, $0x38;
	[tilespmem:$0x1B980] =	vst v63  }
0x83: {  	s28 =	simm.s32 @!p2 $0x5;
	s0 =	simm.s32 @!p2 $0x80;
	s1 =	simm.s32 @!p2 $0x100  }
0x84: {  	[spmem:s2] =	stream.indirect.scatter.add.f32 @!p2 [tilespmem:s1], [sflag:$0x5], $0x80, s22, s0, $0xb8;
	[tilespmem:$0x1B980] =	vst v63  }
0x85: {  	p3 =	sge.u32 @!p2 s25, s5;
	_ =	swait.ge @!p2 [sflag:s28], $0x4000  }
0x86: {  	p3 =	por p3, p2;
	s0 =	simm.s32 @!p2 $0x4;
	[sflag:s28] =	ssyncset.done @!p2 $0x0  }
0x87: {  	s1 =	sadd.s32 @!p3 $0x200, s26;
	s22 =	simm.s32 @!p3 $0x0;
	[sflag:s28] =	ssyncadd.s32 @!p2 $0xFFFFC000  }
0x88: {  	[tilespmem:s22], [sflag:$0x1] =	stream.linear.gather @!p3 [hbm4b:s1+s22], $0x80, $0x38;
	[tilespmem:$0x1B980] =	vst v63  }
0x89: {  	_ =	swait.ge @!p2 [sflag:s0], $0x4000  }
0x8a: {  	[sflag:s0] =	ssyncset.done @!p2 $0x0  }
0x8b: {  	s1 =	simm.s32 @!p0 $0x4100;
	[sflag:s0] =	ssyncadd.s32 @!p2 $0xFFFFC000;
	s0 =	simm.s32 @!p0 $0x80  }
0x8c: {  	[spmem:s2] =	stream.indirect.scatter.add.f32 @!p0 [tilespmem:s1], [sflag:$0x5], $0x80, s0, s0, $0xb8;
	[tilespmem:$0x1B980] =	vst v63  }
0x8d: {  	s22 =	simm.s32 @p0 $0x100;
	s0 =	simm.s32 @p0 $0x80;
	s1 =	simm.s32 @p0 $0x0  }
0x8e: {  	[spmem:s2] =	stream.indirect.scatter.add.f32 @p0 [tilespmem:s22], [sflag:$0x5], $0x80, s1, s0, $0xb8;
	[tilespmem:$0x1B980] =	vst v63  }
0x8f: {  	_ =	swait.ge [sflag:s17], $0x4000  }
.Ltmp3:
0x90: {  	[sflag:s17] =	ssyncset.done $0x0;
	(pc) =	sbr.rel @!p1 .LBB2_7-.Ltmp3, $4  }
0x91: {  	s30 =	sshll.u32 s4, $0x6;
	s31 =	sshrl.u32 s13, $0x3;
	[sflag:s17] =	ssyncadd.s32 $0xFFFFC000  }
0x92: {  	s29 =	smov.u32 s13;
	s25 =	sor.u32 $0x1C05, s30;
	[bflag:$0x0] =	sbarrier.arrive $0xFFFF  }
0x93: {  	[hbm:s23], [sflag:s25] =	dma.local [spmem:s31], $0x500  }
0x94: {  	s26 =	sadd.s32 $0xFFFFFFFF, s6;
	s28 =	sadd.s32 $0x5000, s23;
	_ =	swait.ge [sflag:s17], $0x500  }
.LBB2_6:
0x95: {  	[sflag:s17] =	ssyncset.done $0x0;
	s29 =	sadd.s32 $0x28000, s29;
	p1 =	sne.s32 s26, $0x1  }
.Ltmp4:
0x96: {  	s0 =	sshrl.u32 s29, $0x3;
	[sflag:s17] =	ssyncadd.s32 $0xFFFFFB00;
	(pc) =	sbr.rel @p1 .LBB2_6-.Ltmp4, $3  }
0x97: {  	[hbm:s28], [sflag:s25] =	dma.local [spmem:s0], $0x500  }
0x98: {  	s26 =	sadd.s32 $0xFFFFFFFF, s26;
	_ =	sdelay $0x1  }
0x99: {  	s28 =	sadd.s32 $0x5000, s28;
	_ =	swait.ge [sflag:s17], $0x500  }
.LBB2_7:
0x9a: {  	s24 =	sadd.s32 $0x1, s24  }
0x9b: {  	p1 =	sne.s32 s24, s9  }
.Ltmp5:
0x9c: {  	_ = 	snop;
	(pc) =	sbr.rel @p1 .LBB2_1-.Ltmp5, $3  }
0x9d: {  	_ =	sdelay $0x1  }
0x9e: {  	[sflag:s17] =	ssyncset.done $0x0  }
0x9f: {  	[sflag:s17] =	ssyncadd.s32 $0xFFFFFB00  }
0xa0: {  	_ =	sfence.sel $0x180000  }
0xa1: {  	[bflag:$0x0] =	sbarrier.arrive $0xFFFF  }
0xa2: {  	_ =	strace $0x9000004A  }
0xa3: {  	[bflag:$0x2] =	sbarrier.arrive $0xFFFF  }
0xa4: {  	p0 =	sne.s32 s4, $0x0;
	s0 =	rddreg [dreg:$0x3]  }
0xa5: {  	s0 =	sadd.s32 @!p0 $0x100000, s0  }
0xa6: {  	[sflag:s0] =	ssyncadd.tile.s32 @!p0 $0x1;
	_ =	shalt  }
.Lfunc_end2:
_tile_overlayer_lowered:
.L_overlay_start_2:
0xa7: {  	(tag) =	ssettag $0x2  }
0xa8: {  	s0 =	rddreg [dreg:$0x0];
	s2 =	stileid.u32  }
0xa9: {  	s1 =	rddreg [dreg:$0x1];
	p0 =	sne.s32 s2, $0x0  }
0xaa: {  	s3 =	rddreg [dreg:$0x2];
	[bflag:$0x3] =	sbarrier.arrive $0xFFFF;
	s2 =	simm.s32 @!p0 $0x1C05  }
0xab: {  	[timem:s3], [sflag:s2] =	dma.local @!p0 [hbm:s0], s1  }
0xac: {  	s0 =	simm.s32 @!p0 $0x5  }
0xad: {  	_ =	swait.ge @!p0 [sflag:s0], s1  }
0xae: {  	s1 =	ssub.s32 @!p0 $0x0, s1;
	[sflag:s0] =	ssyncset.done @!p0 $0x0  }
0xaf: {  	[sflag:s0] =	ssyncadd.s32 @!p0 s1  }
0xb0: {  	[bflag:$0x3] =	sbarrier.arrive $0xFFFF  }
0xb1: {  	_ =	shalt  }

// kernel: kernel.15.cloned.1.call-start
scs
__scs_entry_jumppad:
0x0: {  	(pc) =	sbr.rel $0x88, $3  }
0x1: {  	(tag) =	ssettag $0x0;
	lr =	simm.s32 $0x1  }
0x2: {  	[smem:$0x3F90] =	sst lr;
	_ =	strace $0xD0000000  }
0x3: {  	_ = 	snop  }
0x4: {  	_ = 	snop  }
0x5: {  	_ = 	snop  }
0x6: {  	_ = 	snop  }
0x7: {  	_ = 	snop  }
__scs_overlays_trampoline_lowered:
0x8: {  	[smem:$0x3F9F] =	sst s0  }
0x9: {  	[smem:$0x3FA0] =	sst s1  }
0xa: {  	[smem:$0x3FA1] =	sst s2  }
0xb: {  	[smem:$0x3FA2] =	sst s3  }
0xc: {  	[smem:$0x3FA3] =	sst s4  }
0xd: {  	[smem:$0x3FA4] =	sst s5  }
0xe: {  	[smem:$0x3FA5] =	sst s6  }
0xf: {  	[smem:$0x3FA6] =	sst s7  }
0x10: {  	[smem:$0x3FA7] =	sst s8  }
0x11: {  	[smem:$0x3FA8] =	sst s9;
	s0 =	simm.s32 @!p0 $0x0  }
0x12: {  	s1 =	sld [smem:$0x3F8E];
	s0 =	simm.s32 @p0 $0x1  }
0x13: {  	[smem:$0x3FA9] =	sst s0;
	s0 =	simm.s32 @!p1 $0x0  }
0x14: {  	s2 =	sld [smem:$0x3F8D];
	s0 =	simm.s32 @p1 $0x1  }
0x15: {  	[smem:$0x3FAA] =	sst s0;
	s0 =	simm.s32 @!p2 $0x0  }
0x16: {  	s3 =	sld [smem:$0x3FDB];
	s0 =	simm.s32 @p2 $0x1  }
0x17: {  	s4 =	simm.s32 $0x1BF5;
	[smem:$0x3FAC] =	sst s0  }
0x18: {  	s0 =	sld [smem:$0x3F8F];
	_ =	swait.ge [sflag:s4], $0x0  }
0x19: {  	s7 =	sld [smem:$0x3F90]  }
0x1a: {  	s8 =	sadd.s32 $0xFFFFE003, lr  }
0x1b: {  	s9 =	sadd.s32 $0xFFFFFEF7, lr;
	s5 =	simm.s32 $0xFFFFFFFF;
	p2 =	slt.u32 s8, $0xFFFFF086  }
0x1c: {  	p1 =	slt.u32 s9, $0xF7A;
	s5 =	simm.s32 @!p2 $0x0  }
0x1d: {  	s5 =	simm.s32 @p1 $0x1;
	p0 =	seq.s32 s7, s2  }
0x1e: {  	s7 =	smul.u32 @!p0 $0xF7A, s2;
	p2 =	seq.s32 @!p0 s5, $0x0  }
0x1f: {  	s9 =	smul.u32 $0xF7A, s1;
	s8 =	simm.s32 @!p0 $0x1BF5;
	p2 =	por !p2, p0  }
0x20: {  	[sflag:s8] =	ssyncset.s32 @!p0 $0xFFFFF086;
	s6 =	sadd.s32 @!p0 s3, s7;
	s7 =	simm.s32 @!p0 $0x108  }
0x21: {  	s3 =	sadd.s32 s3, s9;
	s6 =	sadd.s32 @!p0 $0x88, s6;
	s7 =	simm.s32 @p2 $0x1082  }
0x22: {  	[simem:s7], [sflag:s8] =	dma.local @!p0 [hbm:s6], $0xF7A  }
0x23: {  	s9 =	sor.u32 $0xD0000000, s2;
	s6 =	simm.s32 $0x108;
	_ =	swait.ge @!p0 [sflag:s8], $0x0  }
0x24: {  	s3 =	sadd.s32 $0x88, s3;
	s6 =	simm.s32 @!p1 $0x1082;
	[sflag:s4] =	ssyncset.s32 $0xFFFFF086  }
0x25: {  	[simem:s6], [sflag:s4] =	dma.local [hbm:s3], $0xF7A  }
0x26: {  	[smem:$0x3F90] =	sst s1;
	(tag) =	ssettag s2;
	_ =	strace s9  }
0x27: {  	s1 =	sld [smem:$0x3FA0]  }
0x28: {  	s2 =	sld [smem:$0x3FA1]  }
0x29: {  	s4 =	sld [smem:$0x3FA3]  }
0x2a: {  	p0 =	seq.s32 s5, $0x0;
	s5 =	sld [smem:$0x3FA4]  }
0x2b: {  	s6 =	sld [smem:$0x3FA5]  }
0x2c: {  	s7 =	sld [smem:$0x3FA6]  }
0x2d: {  	s3 =	simm.s32 $0x108;
	s8 =	sld [smem:$0x3FA7]  }
0x2e: {  	s3 =	simm.s32 @!p0 $0x1082;
	s9 =	sld [smem:$0x3FA8]  }
0x2f: {  	lr =	sadd.s32 s0, s3;
	s0 =	sld [smem:$0x3F9F]  }
0x30: {  	s3 =	sld [smem:$0x3FA2]  }
0x31: {  	[smem:$0x3FAB] =	sst s10  }
0x32: {  	s10 =	sld [smem:$0x3FA9];
	_ =	sdelay $0x3  }
0x33: {  	p0 =	seq.s32 s10, $0x1;
	s10 =	sld [smem:$0x3FAB];
	_ =	sdelay $0x3  }
0x34: {  	[smem:$0x3FAB] =	sst s10  }
0x35: {  	s10 =	sld [smem:$0x3FAA];
	_ =	sdelay $0x3  }
0x36: {  	p1 =	seq.s32 s10, $0x1;
	s10 =	sld [smem:$0x3FAB];
	_ =	sdelay $0x3  }
0x37: {  	[smem:$0x3FAB] =	sst s10  }
0x38: {  	s10 =	sld [smem:$0x3FAC]  }
0x39: {  	_ = 	snop;
	(pc) =	sbr.ind lr, $3  }
0x3a: {  	_ = 	snop  }
0x3b: {  	_ = 	snop  }
0x3c: {  	p2 =	seq.s32 s10, $0x1;
	s10 =	sld [smem:$0x3FAB]  }
0x3d: {  	_ =	shalt  }
0x3e: {  	_ =	shalt  }
0x3f: {  	_ =	shalt  }
0x40: {  	_ =	shalt  }
0x41: {  	_ =	shalt  }
0x42: {  	_ =	shalt  }
0x43: {  	_ =	shalt  }
0x44: {  	_ =	shalt  }
0x45: {  	_ =	shalt  }
0x46: {  	_ =	shalt  }
0x47: {  	_ =	shalt  }
0x48: {  	_ =	shalt  }
0x49: {  	_ =	shalt  }
0x4a: {  	_ =	shalt  }
0x4b: {  	_ =	shalt  }
0x4c: {  	_ =	shalt  }
0x4d: {  	_ =	shalt  }
0x4e: {  	_ =	shalt  }
0x4f: {  	_ =	shalt  }
0x50: {  	_ =	shalt  }
0x51: {  	_ =	shalt  }
0x52: {  	_ =	shalt  }
0x53: {  	_ =	shalt  }
0x54: {  	_ =	shalt  }
0x55: {  	_ =	shalt  }
0x56: {  	_ =	shalt  }
0x57: {  	_ =	shalt  }
0x58: {  	_ =	shalt  }
0x59: {  	_ =	shalt  }
0x5a: {  	_ =	shalt  }
0x5b: {  	_ =	shalt  }
0x5c: {  	_ =	shalt  }
0x5d: {  	_ =	shalt  }
0x5e: {  	_ =	shalt  }
0x5f: {  	_ =	shalt  }
0x60: {  	_ =	shalt  }
0x61: {  	_ =	shalt  }
0x62: {  	_ =	shalt  }
0x63: {  	_ =	shalt  }
0x64: {  	_ =	shalt  }
0x65: {  	_ =	shalt  }
0x66: {  	_ =	shalt  }
0x67: {  	_ =	shalt  }
0x68: {  	_ =	shalt  }
0x69: {  	_ =	shalt  }
0x6a: {  	_ =	shalt  }
0x6b: {  	_ =	shalt  }
0x6c: {  	_ =	shalt  }
0x6d: {  	_ =	shalt  }
0x6e: {  	_ =	shalt  }
0x6f: {  	_ =	shalt  }
0x70: {  	_ =	shalt  }
0x71: {  	_ =	shalt  }
0x72: {  	_ =	shalt  }
0x73: {  	_ =	shalt  }
0x74: {  	_ =	shalt  }
0x75: {  	_ =	shalt  }
0x76: {  	_ =	shalt  }
0x77: {  	_ =	shalt  }
0x78: {  	_ =	shalt  }
0x79: {  	_ =	shalt  }
0x7a: {  	_ =	shalt  }
0x7b: {  	_ =	shalt  }
0x7c: {  	_ =	shalt  }
0x7d: {  	_ =	shalt  }
0x7e: {  	_ =	shalt  }
0x7f: {  	_ =	shalt  }
0x80: {  	_ =	shalt  }
0x81: {  	_ =	shalt  }
0x82: {  	_ =	shalt  }
0x83: {  	_ =	shalt  }
0x84: {  	_ =	shalt  }
0x85: {  	_ =	shalt  }
0x86: {  	_ =	shalt  }
0x87: {  	_ =	shalt  }
.Lfunc_end0:
.L_simem_size_0:
called_computation.2_lowered:
.L_overlay_start_0:
0x88: {  	s2 =	sld [smem:$0x3FD9]  }
0x89: {  	s3 =	sld [smem:$0x3FFE];
	_ =	sdelay $0x1  }
0x8a: {  	s1 =	srdreg.scid  }
0x8b: {  	s0 =	sand.u32 $0x1, s1  }
0x8c: {  	s17 =	sshll.u32 s0, $0xA;
	s2 =	sadd.s32 s3, s2  }
0x8d: {  	s2 =	sadd.s32 s2, s17  }
0x8e: {  	[smem:$0x3FB7] =	sst s2  }
0x8f: {  	_ = 	snop  }
0x90: {  	s18 =	sld [smem:$0x3FD0];
	(tm) =	ssettm $0x1  }
0x91: {  	s19 =	sld [smem:$0x3FFB];
	_ =	sdelay $0x3  }
0x92: {  	_ =	strace s19  }
0x93: {  	s2 =	sld [smem:$0x3FFC];
	_ =	sdelay $0x3  }
0x94: {  	_ =	strace s2  }
0x95: {  	s2 =	sld [smem:$0x3FFD];
	_ =	sdelay $0x3  }
0x96: {  	_ =	strace s2  }
0x97: {  	_ =	strace $0x8FFFFFFF  }
0x98: {  	s20 =	sld [smem:$0x3FDB];
	_ =	sdelay $0x1  }
0x99: {  	s4 =	simm.s32 $_scs_section_size  }
0x9a: {  	s5 =	simm.s32 $_size__tile_overlayer_lowered;
	s6 =	simm.s32 $_tile_overlayer_lowered  }
0x9b: {  	s7 =	simm.s32 $0x1BFF;
	s21 =	sshll.u32 s6, $0x1;
	s4 =	sadd.s32 s4, s20  }
0x9c: {  	s22 =	simm.s32 $0x0;
	s5 =	sshll.u32 s5, $0x1;
	s6 =	sadd.s32 s21, s4  }
0x9d: {  	[timem:s22], [sflag:s7] =	dma.local [hbm:s6], s5  }
0x9e: {  	_ =	swait.ge [sflag:s7], s5  }
0x9f: {  	s5 =	ssub.s32 $0x0, s5;
	[sflag:s7] =	ssyncset.done $0x0  }
0xa0: {  	[sflag:s7] =	ssyncadd.s32 s5;
	_ =	sdelay $0x1  }
0xa1: {  	s23 =	simm.s32 $0x1B8B  }
0xa2: {  	_ =	swait.ge [sflag:s23], $0x1  }
0xa3: {  	[sflag:s23] =	ssyncset.done $0x0  }
0xa4: {  	[sflag:s23] =	ssyncadd.s32 $0xFFFFFFFF  }
0xa5: {  	s5 =	sld [smem:$0x0]  }
0xa6: {  	s6 =	sand.u32 $0xFFFFFFFE, s1  }
0xa7: {  	p0 =	sne.s32 s1, s6  }
0xa8: {  	s6 =	sshll.u32 @p0 s6, $0xE  }
0xa9: {  	s6 =	sadd.s32 @p0 $0x11B8D, s6;
	s7 =	sshll.u32 @p0 s5, $0x11  }
0xaa: {  	s6 =	sor.u32 @p0 s7, s6  }
0xab: {  	[sflag:s6] =	ssyncadd.remote.s32 @p0 $0x1;
	_ =	sdelay $0x1  }
0xac: {  	s6 =	simm.s32 @p0 $0x1B8D  }
0xad: {  	_ =	swait.eq @p0 [sflag:s6], $0x1  }
0xae: {  	[sflag:s6] =	ssyncadd.s32 @p0 $0xFFFFFFFF  }
0xaf: {  	s7 =	sshll.u32 @!p0 s1, $0xE  }
0xb0: {  	s7 =	sor.u32 @!p0 $0x4000, s7;
	s6 =	simm.s32 @!p0 $0x1B8D  }
0xb1: {  	s5 =	sshll.u32 @!p0 s5, $0x11;
	s7 =	sadd.s32 @!p0 $0x11B8D, s7;
	_ =	swait.eq @!p0 [sflag:s6], $0x1  }
0xb2: {  	s5 =	sor.u32 @!p0 s5, s7;
	[sflag:s6] =	ssyncadd.s32 @!p0 $0xFFFFFFFF  }
0xb3: {  	s25 =	simm.s32 $0x1B8E;
	s24 =	sld [smem:$0x3FFE];
	[sflag:s5] =	ssyncadd.remote.s32 @!p0 $0x1  }
0xb4: {  	s26 =	simm.s32 $execute0_lowered;
	[smem:$0x3FD2] =	sst s25  }
0xb5: {  	s6 =	sshll.u32 s26, $0x1;
	_ =	strace $0x8000004F;
	[dreg:$0x1] =	wrdreg $0xFFFFFFFF  }
0xb6: {  	s28 =	simm.s32 $_size_execute0_lowered;
	s4 =	sadd.s32 s4, s6;
	[dreg:$0x0] =	wrdreg $0x0  }
0xb7: {  	s6 =	sshll.u32 s28, $0x1;
	[dreg:$0x2] =	wrdreg s4  }
0xb8: {  	[dreg:$0x3] =	wrdreg s6  }
0xb9: {  	[dreg:$0x4] =	wrdreg $0xC0  }
0xba: {  	_ =	task [dreg:s22], $0x5FFFF  }
0xbb: {  	[dreg:$0x1] =	wrdreg $0xFFFFFFFF  }
0xbc: {  	[dreg:$0x0] =	wrdreg $0x60  }
0xbd: {  	[dreg:$0x2] =	wrdreg s24  }
0xbe: {  	[dreg:$0x3] =	wrdreg s18  }
0xbf: {  	[dreg:$0x4] =	wrdreg $0xC2000  }
0xc0: {  	[dreg:$0x5] =	wrdreg $0x9  }
0xc1: {  	_ =	task.clear_ibuf [dreg:s22], $0x6FFFF;
	_ =	strace $0x9000004F  }
0xc2: {  	s29 =	simm.s32 $0x9;
	_ =	strace $0x80000051  }
0xc3: {  	_ =	swait.ge [sflag:s29], $0x1  }
0xc4: {  	[sflag:s29] =	ssyncadd.s32 $0xFFFFFFFF  }
0xc5: {  	_ =	strace $0x90000051  }
0xc6: {  	_ =	sfence  }
0xc7: {  	s30 =	sld [smem:$0x0];
	_ =	sdelay $0x2  }
0xc8: {  	s31 =	sshll.u32 s1, $0xD;
	s1 =	sshrl.u32 s1, $0x2  }
0xc9: {  	s4 =	sand.u32 $0x4000, s31;
	s1 =	sadd.s32 s1, s30  }
0xca: {  	s0 =	sor.u32 s4, s0;
	s1 =	sshll.u32 s1, $0x11  }
0xcb: {  	s0 =	sor.u32 s1, s0  }
0xcc: {  	s0 =	sadd.s32 $0x8F2B, s0  }
0xcd: {  	[sflag:s0] =	ssyncadd.remote.s32 $0x1  }
0xce: {  	_ =	sfence.sel $0xFFFF  }
0xcf: {  	[dreg:$0x0] =	wrdreg $0xFFFFFFFF;
	(pc) =	sbr.abs _section_cstart, $3  }
0xd0: {  	[dreg:$0x1] =	wrdreg $0xFFFFFFFF  }
0xd1: {  	_ =	task.clear_ibuf [dreg:s22], $0x2FFFF;
	_ =	strace $0x9FFFFFFF  }
0xd2: {  	(tm) =	ssettm $0x7FFFFFFF  }
0xd3: {  	_ =	shalt  }
tec
execute0_lowered:
.L_overlay_start_1:
0x0: {  	(tag) =	ssettag $0x1  }
0x1: {  	s0 =	rddreg [dreg:$0x0]  }
0x2: {  	s1 =	rddreg [dreg:$0x1]  }
0x3: {  	s20 =	rddreg [dreg:$0x2];
	s3 =	simm.s32 $0x0;
	s4 =	srdreg.scid  }
0x4: {  	s2 =	stileid.u32;
	s28 =	simm.s32 $0x200;
	s29 =	simm.s32 $0x4200  }
0x5: {  	s30 =	simm.s32 $0x8200;
	s31 =	simm.s32 $0x6;
	[smem:$0x7FF] =	sst s3  }
0x6: {  	s8 =	sand.u32 $0x1, s4;
	s4 =	sadd.s32 $0xAE00, s0;
	s5 =	sadd.s32 $0x5E00, s0  }
0x7: {  	s6 =	sadd.s32 $0x5E200, s0;
	s7 =	sadd.s32 $0x37000, s0;
	s14 =	sadd.s32 $0x5DCC00, s0  }
0x8: {  	s24 =	sshll.u32 s2, $0x1;
	p0 =	seq.s32 s2, $0x0;
	s25 =	ssub.s32 $0x8C, s2  }
0x9: {  	s15 =	sshll.u32 s2, $0x5;
	s22 =	sshll.u32 s2, $0x6;
	s23 =	smul.u32 $0xA000, s2  }
0xa: {  	_ =	strace $0x80000050;
	s9 =	smul.u32 $0x27100, s8;
	s10 =	ssub.s32 $0x2, s8  }
0xb: {  	s12 =	sor.u32 s8, s24;
	s17 =	sshrl.u32 s25, $0x4;
	[dreg:$0x4] =	wrdreg s14  }
0xc: {  	s25 =	smul.u32 $0x500, s2;
	s11 =	sshrl.u32 s10, $0x1;
	s26 =	sshll.u32 s12, $0x4  }
0xd: {  	[dreg:$0x6] =	wrdreg s12;
	s12 =	sshll.u32 s12, $0xB;
	s24 =	sshrl.u32 s23, $0x2  }
0xe: {  	[dreg:$0x7] =	wrdreg s17;
	s9 =	sadd.s32 s9, s0;
	s0 =	sadd.s32 $0x85400, s0  }
0xf: {  	s13 =	sadd.s32 s4, s26;
	s16 =	sadd.s32 s5, s26;
	[dreg:$0x5] =	wrdreg s0  }
0x10: {  	s8 =	sand.u32 $0x70, s26;
	s19 =	sadd.s32 s14, s12;
	[dreg:$0x8] =	wrdreg s13  }
0x11: {  	s14 =	sadd.s32 s24, s20;
	s0 =	ssub.s32 s10, s11;
	[dreg:$0x9] =	wrdreg s16  }
0x12: {  	s11 =	simm.s32 $0x28;
	s10 =	sand.u32 $0x180, s15;
	[dreg:$0xa] =	wrdreg s19  }
0x13: {  	s21 =	sadd.s32 $0x197000, s9;
	s19 =	sor.u32 $0x1C05, s22;
	s22 =	simm.s32 $0x5  }
0x14: {  	s9 =	simm.s32 $0x2;
	s15 =	simm.s32 $0x4;
	[dreg:$0xd] =	wrdreg s14  }
0x15: {  	s11 =	simm.s32 @!p0 $0x27;
	s16 =	sor.u32 s8, s10;
	s0 =	smax.u32 s0, $0x1  }
0x16: {  	s26 =	sadd.s32 s21, s25;
	s25 =	simm.s32 $0x1;
	s18 =	sand.u32 $0x1, s11  }
0x17: {  	[dreg:$0xb] =	wrdreg s0;
	s0 =	simm.s32 $0x0;
	p0 =	seq.s32 s18, $0x1  }
0x18: {  	s8 =	simm.s32 $0x0;
	[dreg:$0xe] =	wrdreg s26;
	s0 =	simm.s32 @!p0 $0x80  }
0x19: {  	s26 =	simm.s32 $0x80;
	[dreg:$0xc] =	wrdreg s0;
	s0 =	simm.s32 $0x3  }
.LBB2_1:
0x1a: {  	p0 =	sne.s32 s17, $0x1  }
.Ltmp0:
0x1b: {  	[dreg:$0xf] =	wrdreg s8;
	s2 =	sshrl.u32 s14, $0x3;
	(pc) =	sbr.rel @!p0 .LBB2_3-.Ltmp0, $4  }
0x1c: {  	[dreg:$0x10] =	wrdreg s2  }
0x1d: {  	[spmem:s2], [sflag:s19] =	dma.local [hbm:s1], $0x500  }
0x1e: {  	_ =	swait.ge [sflag:s22], $0x500  }
0x1f: {  	s8 =	sadd.s32 $0xFFFFFFFF, s17;
	s10 =	sadd.s32 $0x28000, s14;
	[sflag:s22] =	ssyncset.done $0x0  }
.LBB2_2:
0x20: {  	s12 =	sshrl.u32 s10, $0x3;
	[sflag:s22] =	ssyncadd.s32 $0xFFFFFB00;
	p1 =	sne.s32 s8, $0x1  }
0x21: {  	[spmem:s12], [sflag:s19] =	dma.local [hbm:s1], $0x500  }
.Ltmp1:
0x22: {  	_ = 	snop;
	(pc) =	sbr.rel @p1 .LBB2_2-.Ltmp1, $4  }
0x23: {  	_ = 	snop  }
0x24: {  	s8 =	sadd.s32 $0xFFFFFFFF, s8  }
0x25: {  	_ =	swait.ge [sflag:s22], $0x500  }
0x26: {  	s10 =	sadd.s32 $0x28000, s10;
	[sflag:s22] =	ssyncset.done $0x0  }
.LBB2_3:
0x27: {  	[sflag:s22] =	ssyncadd.s32 $0xFFFFFB00  }
.Ltmp2:
0x28: {  	[bflag:$0x0] =	sbarrier.arrive $0xFFFF;
	(pc) =	sbr.rel .LBB2_4-.Ltmp2, $4  }
0x29: {  	s24 =	simm.s32 $0x0;
	s2 =	rddreg [dreg:$0x8]  }
0x2a: {  	[tilespmem:s24], [sflag:$0x1] =	stream.linear.gather [hbm4b:s2+s24], $0x80, $0x38;
	[tilespmem:$0x1FA80] =	vst v63  }
0x2b: {  	s8 =	simm.s32 $0x100;
	s23 =	rddreg [dreg:$0x9]  }
0x2c: {  	[tilespmem:s8], [sflag:$0x1] =	stream.linear.gather [hbm4b:s23+s24], $0x80, $0x38;
	[tilespmem:$0x1FA80] =	vst v63  }
.LBB2_12:
0x2d: {  	v1 =	vadd.f32 v1, v8;
	_ =	sdelay $0x1  }
0x2e: {  	v1 =	vmax.f32 v1, $0.0e+00  }
0x2f: {  	[tilespmem:s8+$0x60] =	vst v1  }
0x30: {  	v1 =	vld [tilespmem:s13+$0x70]  }
0x31: {  	v62 =	vld [tilespmem:s12+$0x70];
	_ =	sdelay $0x2  }
0x32: {  	v4 =	vadd.f32 v6, v4  }
0x33: {  	v5 =	vadd.f32 v7, v5  }
0x34: {  	v2 =	vadd.f32 v2, v4;
	v1 =	vadd.f32 v62, v1  }
0x35: {  	v3 =	vadd.f32 v3, v5  }
0x36: {  	v2 =	vmax.f32 v2, $0.0e+00;
	v0 =	vadd.f32 v0, v1  }
0x37: {  	v63 =	vmax.f32 v3, $0.0e+00;
	[tilespmem:s8+$0xFFFFFF70] =	vst v2  }
0x38: {  	[tilespmem:s8+$0xFFFFFFF0] =	vst v63;
	v0 =	vmax.f32 v0, $0.0e+00  }
0x39: {  	[tilespmem:s8+$0x70] =	vst v0  }
.LBB2_13:
0x3a: {  	s24 =	sadd.s32 $0x1, s24  }
0x3b: {  	p1 =	sne.s32 s24, $0x14  }
.Ltmp3:
0x3c: {  	_ = 	snop;
	(pc) =	sbr.rel @!p1 .LBB2_14-.Ltmp3, $1  }
0x3d: {  	_ =	sdelay $0x3  }
.LBB2_4:
0x3e: {  	s13 =	sshll.u32 s24, $0x1  }
0x3f: {  	p1 =	slt.u32 s13, s11  }
.Ltmp4:
0x40: {  	_ = 	snop;
	(pc) =	sbr.rel @!p1 .LBB2_5-.Ltmp4, $1  }
0x41: {  	_ =	sdelay $0x3  }
0x42: {  	_ =	swait.ge [sflag:s25], $0x80  }
0x43: {  	[sflag:s25] =	ssyncset.done $0x0  }
0x44: {  	[sflag:s25] =	ssyncadd.s32 $0xFFFFFF80  }
0x45: {  	_ =	swait.ge [sflag:s25], $0x80  }
0x46: {  	[sflag:s25] =	ssyncset.done $0x0  }
0x47: {  	s2 =	simm.s32 $0x100;
	[sflag:s25] =	ssyncadd.s32 $0xFFFFFF80  }
0x48: {  	[tilespmem:s28], [sflag:$0x3] =	stream.indirect.gather [hbm4b:s6+s26], $0x80, s2, s26, $0xb8;
	[tilespmem:$0x1FA80] =	vst v63  }
0x49: {  	p1 =	seq.s32 s24, $0x0  }
0x4a: {  	[tilespmem:s29], [sflag:$0x3] =	stream.indirect.gather [hbm4b:s7+s26], $0x80, s3, s26, $0xb8;
	[tilespmem:$0x1FA80] =	vst v63  }
0x4b: {  	s8 =	simm.s32 @!p1 $0x80;
	s10 =	simm.s32 @!p1 $0x8200  }
0x4c: {  	[spmem:s20] =	stream.indirect.scatter.add.f32 @!p1 [tilespmem:s10], [sflag:$0x6], $0x80, s8, s8, $0xb8;
	[tilespmem:$0x1FA80] =	vst v63  }
0x4d: {  	s21 =	sor.u32 $0x1, s13;
	s8 =	simm.s32 @!p1 $0x6  }
0x4e: {  	s18 =	sshll.u32 s24, $0x6;
	p2 =	sge.u32 s21, s11;
	_ =	swait.ge @!p1 [sflag:s8], $0x4000  }
0x4f: {  	s12 =	simm.s32 @!p2 $0x0;
	s10 =	sshll.u32 @!p2 s21, $0x9;
	[sflag:s8] =	ssyncset.done @!p1 $0x0  }
0x50: {  	s14 =	simm.s32 @!p2 $0x80;
	[sflag:s8] =	ssyncadd.s32 @!p1 $0xFFFFC000;
	s8 =	sor.u32 @!p2 s16, s10  }
0x51: {  	s2 =	smov.u32 s20;
	s20 =	rddreg [dreg:$0x6];
	s10 =	sadd.s32 @!p2 s4, s8  }
0x52: {  	[tilespmem:s14], [sflag:$0x2] =	stream.linear.gather @!p2 [hbm4b:s10+s12], $0x80, $0x38;
	[tilespmem:$0x1FA80] =	vst v63  }
0x53: {  	s20 =	sor.u32 s20, s18;
	s8 =	sadd.s32 @!p2 s5, s8;
	s10 =	simm.s32 @!p2 $0x180  }
0x54: {  	[tilespmem:s10], [sflag:$0x2] =	stream.linear.gather @!p2 [hbm4b:s8+s12], $0x80, $0x38;
	[tilespmem:$0x1FA80] =	vst v63  }
0x55: {  	s23 =	rddreg [dreg:$0x4];
	s8 =	sshll.u32 s20, $0xB  }
0x56: {  	s8 =	sadd.s32 s23, s8  }
0x57: {  	[tilespmem:s30], [sflag:$0x6] =	stream.linear.gather [hbm4b:s8+s3], $0x4000, $0x38;
	[tilespmem:$0x1FA80] =	vst v63  }
0x58: {  	_ =	swait.ge [sflag:s31], $0x4000  }
0x59: {  	[sflag:s31] =	ssyncset.done $0x0  }
0x5a: {  	[sflag:s31] =	ssyncadd.s32 $0xFFFFC000  }
0x5b: {  	_ =	swait.ge [sflag:s0], $0x4000  }
0x5c: {  	[sflag:s0] =	ssyncset.done $0x0  }
0x5d: {  	[sflag:s0] =	ssyncadd.s32 $0xFFFFC000  }
0x5e: {  	_ =	swait.ge [sflag:s0], $0x4000  }
0x5f: {  	[sflag:s0] =	ssyncset.done $0x0  }
0x60: {  	s18 =	simm.s32 $0x300;
	[sflag:s0] =	ssyncadd.s32 $0xFFFFC000  }
0x61: {  	s14 =	simm.s32 $0x4300;
	v0 =	vld [tilespmem:s18+$0x80]  }
0x62: {  	v1 =	vld [tilespmem:s14+$0x80]  }
0x63: {  	s23 =	simm.s32 $0x8300  }
0x64: {  	v2 =	vld [tilespmem:s23+$0x80];
	_ =	sdelay $0x1  }
0x65: {  	v3 =	vld [tilespmem:s14+$0xFFFFFF00]  }
0x66: {  	v4 =	vld [tilespmem:s18+$0xFFFFFF80];
	v0 =	vadd.f32 v1, v0  }
0x67: {  	v5 =	vld [tilespmem:s14+$0xFFFFFF80]  }
0x68: {  	v6 =	vld [tilespmem:s18+$0xFFFFFF00];
	v0 =	vadd.f32 v2, v0  }
0x69: {  	v7 =	vld [tilespmem:s23+$0xFFFFFF00]  }
0x6a: {  	v8 =	vld [tilespmem:s23+$0xFFFFFF80];
	v0 =	vmax.f32 v0, $0.0e+00  }
0x6b: {  	v1 =	vld [tilespmem:s18+$0x0];
	[tilespmem:s23+$0x80] =	vst v0  }
0x6c: {  	v0 =	vld [tilespmem:s18+$0x90]  }
0x6d: {  	v3 =	vadd.f32 v3, v6;
	v6 =	vld [tilespmem:s14+$0x90]  }
0x6e: {  	v4 =	vadd.f32 v5, v4;
	v5 =	vld [tilespmem:s23+$0x90]  }
0x6f: {  	v2 =	vld [tilespmem:s14+$0x0];
	v3 =	vadd.f32 v7, v3  }
0x70: {  	v9 =	vld [tilespmem:s23+$0x0]  }
0x71: {  	v10 =	vld [tilespmem:s23+$0x10];
	v4 =	vadd.f32 v8, v4;
	v3 =	vmax.f32 v3, $0.0e+00  }
0x72: {  	v7 =	vld [tilespmem:s23+$0xFFFFFF10];
	[tilespmem:s23+$0xFFFFFF00] =	vst v3;
	v0 =	vadd.f32 v6, v0  }
0x73: {  	v3 =	vmax.f32 v4, $0.0e+00;
	v4 =	vld [tilespmem:s18+$0xFFFFFF10]  }
0x74: {  	[tilespmem:s23+$0xFFFFFF80] =	vst v3;
	v1 =	vadd.f32 v2, v1;
	v2 =	vld [tilespmem:s14+$0xFFFFFF10];
	v0 =	vadd.f32 v5, v0  }
0x75: {  	v3 =	vld [tilespmem:s18+$0xFFFFFF90]  }
0x76: {  	v1 =	vadd.f32 v9, v1;
	v5 =	vld [tilespmem:s14+$0xFFFFFF90];
	v0 =	vmax.f32 v0, $0.0e+00  }
0x77: {  	v8 =	vld [tilespmem:s23+$0xFFFFFF90];
	[tilespmem:s23+$0x90] =	vst v0  }
0x78: {  	v0 =	vmax.f32 v1, $0.0e+00;
	v1 =	vld [tilespmem:s18+$0xA0]  }
0x79: {  	[tilespmem:s23+$0x0] =	vst v0;
	v0 =	vadd.f32 v2, v4;
	v2 =	vld [tilespmem:s14+$0xA0]  }
0x7a: {  	v9 =	vld [tilespmem:s23+$0xFFFFFFA0]  }
0x7b: {  	v3 =	vadd.f32 v5, v3;
	v5 =	vld [tilespmem:s23+$0xA0];
	v0 =	vadd.f32 v7, v0  }
0x7c: {  	v4 =	vld [tilespmem:s18+$0x10]  }
0x7d: {  	v7 =	vld [tilespmem:s14+$0x10];
	v3 =	vadd.f32 v8, v3;
	v0 =	vmax.f32 v0, $0.0e+00  }
0x7e: {  	v6 =	vld [tilespmem:s23+$0xFFFFFF20];
	[tilespmem:s23+$0xFFFFFF10] =	vst v0;
	v0 =	vadd.f32 v2, v1  }
0x7f: {  	v2 =	vmax.f32 v3, $0.0e+00;
	v1 =	vld [tilespmem:s18+$0xFFFFFF20]  }
0x80: {  	v3 =	vld [tilespmem:s14+$0xFFFFFF20];
	[tilespmem:s23+$0xFFFFFF90] =	vst v2;
	v0 =	vadd.f32 v5, v0  }
0x81: {  	v2 =	vld [tilespmem:s18+$0xFFFFFFA0]  }
0x82: {  	v4 =	vadd.f32 v7, v4;
	v5 =	vld [tilespmem:s14+$0xFFFFFFA0];
	v0 =	vmax.f32 v0, $0.0e+00  }
0x83: {  	v8 =	vld [tilespmem:s23+$0x20];
	[tilespmem:s23+$0xA0] =	vst v0  }
0x84: {  	v0 =	vadd.f32 v10, v4;
	v4 =	vld [tilespmem:s18+$0xB0]  }
0x85: {  	v1 =	vadd.f32 v3, v1;
	v3 =	vld [tilespmem:s14+$0xB0]  }
0x86: {  	v7 =	vld [tilespmem:s23+$0xFFFFFF30];
	v0 =	vmax.f32 v0, $0.0e+00  }
0x87: {  	[tilespmem:s23+$0x10] =	vst v0;
	v0 =	vadd.f32 v6, v1;
	v1 =	vadd.f32 v5, v2;
	v2 =	vld [tilespmem:s23+$0xB0]  }
0x88: {  	v5 =	vld [tilespmem:s18+$0x20]  }
0x89: {  	v6 =	vld [tilespmem:s14+$0x20];
	v0 =	vmax.f32 v0, $0.0e+00;
	v1 =	vadd.f32 v9, v1  }
0x8a: {  	v10 =	vld [tilespmem:s23+$0xFFFFFFB0];
	[tilespmem:s23+$0xFFFFFF20] =	vst v0;
	v0 =	vadd.f32 v3, v4  }
0x8b: {  	v3 =	vld [tilespmem:s18+$0xFFFFFF30];
	v1 =	vmax.f32 v1, $0.0e+00  }
0x8c: {  	v4 =	vld [tilespmem:s14+$0xFFFFFF30];
	[tilespmem:s23+$0xFFFFFFA0] =	vst v1;
	v0 =	vadd.f32 v2, v0  }
0x8d: {  	v1 =	vld [tilespmem:s18+$0xFFFFFFB0]  }
0x8e: {  	v2 =	vadd.f32 v6, v5;
	v5 =	vld [tilespmem:s14+$0xFFFFFFB0];
	v0 =	vmax.f32 v0, $0.0e+00  }
0x8f: {  	v9 =	vld [tilespmem:s23+$0x30];
	[tilespmem:s23+$0xB0] =	vst v0  }
0x90: {  	v0 =	vadd.f32 v8, v2;
	v2 =	vld [tilespmem:s18+$0xC0]  }
0x91: {  	v3 =	vadd.f32 v4, v3;
	v4 =	vld [tilespmem:s14+$0xC0]  }
0x92: {  	v6 =	vld [tilespmem:s23+$0xFFFFFF40];
	v0 =	vmax.f32 v0, $0.0e+00  }
0x93: {  	[tilespmem:s23+$0x20] =	vst v0;
	v0 =	vadd.f32 v7, v3;
	v1 =	vadd.f32 v5, v1;
	v3 =	vld [tilespmem:s23+$0xC0]  }
0x94: {  	v5 =	vld [tilespmem:s18+$0x30]  }
0x95: {  	v7 =	vld [tilespmem:s14+$0x30];
	v0 =	vmax.f32 v0, $0.0e+00;
	v1 =	vadd.f32 v10, v1  }
0x96: {  	v8 =	vld [tilespmem:s23+$0xFFFFFFC0];
	[tilespmem:s23+$0xFFFFFF30] =	vst v0;
	v0 =	vadd.f32 v4, v2  }
0x97: {  	v2 =	vld [tilespmem:s18+$0xFFFFFF40];
	v1 =	vmax.f32 v1, $0.0e+00  }
0x98: {  	v4 =	vld [tilespmem:s14+$0xFFFFFF40];
	[tilespmem:s23+$0xFFFFFFB0] =	vst v1;
	v0 =	vadd.f32 v3, v0  }
0x99: {  	v1 =	vld [tilespmem:s18+$0xFFFFFFC0]  }
0x9a: {  	v3 =	vld [tilespmem:s14+$0xFFFFFFC0];
	v5 =	vadd.f32 v7, v5;
	v0 =	vmax.f32 v0, $0.0e+00  }
0x9b: {  	v10 =	vld [tilespmem:s23+$0x40];
	[tilespmem:s23+$0xC0] =	vst v0  }
0x9c: {  	v0 =	vadd.f32 v9, v5;
	v5 =	vld [tilespmem:s18+$0xD0]  }
0x9d: {  	v2 =	vadd.f32 v4, v2;
	v4 =	vld [tilespmem:s14+$0xD0]  }
0x9e: {  	v7 =	vld [tilespmem:s23+$0xFFFFFF50];
	v0 =	vmax.f32 v0, $0.0e+00  }
0x9f: {  	v2 =	vadd.f32 v6, v2;
	v1 =	vadd.f32 v3, v1;
	[tilespmem:s23+$0x30] =	vst v0;
	v0 =	vld [tilespmem:s23+$0xD0]  }
0xa0: {  	v3 =	vld [tilespmem:s18+$0x40]  }
0xa1: {  	v6 =	vld [tilespmem:s14+$0x40];
	v2 =	vmax.f32 v2, $0.0e+00;
	v1 =	vadd.f32 v8, v1  }
0xa2: {  	v9 =	vld [tilespmem:s23+$0x50];
	[tilespmem:s23+$0xFFFFFF40] =	vst v2;
	v2 =	vadd.f32 v4, v5  }
0xa3: {  	v4 =	vld [tilespmem:s18+$0xFFFFFF50];
	v1 =	vmax.f32 v1, $0.0e+00  }
0xa4: {  	v5 =	vld [tilespmem:s14+$0xFFFFFF50];
	[tilespmem:s23+$0xFFFFFFC0] =	vst v1;
	v0 =	vadd.f32 v0, v2  }
0xa5: {  	v2 =	vld [tilespmem:s18+$0xFFFFFFD0]  }
0xa6: {  	v11 =	vld [tilespmem:s14+$0xFFFFFFD0];
	v1 =	vadd.f32 v6, v3;
	v0 =	vmax.f32 v0, $0.0e+00  }
0xa7: {  	v8 =	vld [tilespmem:s23+$0xFFFFFFD0];
	[tilespmem:s23+$0xD0] =	vst v0  }
0xa8: {  	v0 =	vadd.f32 v10, v1;
	v6 =	vld [tilespmem:s18+$0xE0]  }
0xa9: {  	v4 =	vadd.f32 v5, v4;
	v5 =	vld [tilespmem:s14+$0xE0]  }
0xaa: {  	v3 =	vld [tilespmem:s23+$0xFFFFFF60];
	v0 =	vmax.f32 v0, $0.0e+00  }
0xab: {  	v4 =	vadd.f32 v7, v4;
	v2 =	vadd.f32 v11, v2;
	[tilespmem:s23+$0x40] =	vst v0;
	v0 =	vld [tilespmem:s23+$0xE0]  }
0xac: {  	v7 =	vld [tilespmem:s18+$0x50]  }
0xad: {  	v4 =	vmax.f32 v4, $0.0e+00;
	v2 =	vadd.f32 v8, v2;
	v8 =	vld [tilespmem:s14+$0x50]  }
0xae: {  	v1 =	vld [tilespmem:s23+$0x60];
	[tilespmem:s23+$0xFFFFFF50] =	vst v4;
	v4 =	vadd.f32 v5, v6  }
0xaf: {  	v5 =	vld [tilespmem:s18+$0xFFFFFF60];
	v2 =	vmax.f32 v2, $0.0e+00  }
0xb0: {  	v6 =	vld [tilespmem:s14+$0xFFFFFF60];
	[tilespmem:s23+$0xFFFFFFD0] =	vst v2;
	v0 =	vadd.f32 v0, v4  }
0xb1: {  	v4 =	vld [tilespmem:s18+$0xFFFFFFE0]  }
0xb2: {  	v11 =	vld [tilespmem:s14+$0xFFFFFFE0];
	v2 =	vadd.f32 v8, v7;
	v0 =	vmax.f32 v0, $0.0e+00  }
0xb3: {  	v10 =	vld [tilespmem:s23+$0xFFFFFFE0];
	[tilespmem:s23+$0xE0] =	vst v0  }
0xb4: {  	v0 =	vadd.f32 v9, v2;
	v7 =	vld [tilespmem:s18+$0xF0]  }
0xb5: {  	v5 =	vadd.f32 v6, v5;
	v6 =	vld [tilespmem:s14+$0xF0]  }
0xb6: {  	v2 =	vld [tilespmem:s23+$0xFFFFFF70];
	v0 =	vmax.f32 v0, $0.0e+00  }
0xb7: {  	v3 =	vadd.f32 v3, v5;
	v4 =	vadd.f32 v11, v4;
	[tilespmem:s23+$0x50] =	vst v0;
	v0 =	vld [tilespmem:s23+$0xF0]  }
0xb8: {  	v8 =	vld [tilespmem:s18+$0x60]  }
0xb9: {  	v3 =	vmax.f32 v3, $0.0e+00;
	v5 =	vadd.f32 v10, v4;
	v9 =	vld [tilespmem:s14+$0x60]  }
0xba: {  	[tilespmem:s23+$0xFFFFFF60] =	vst v3;
	v3 =	vld [tilespmem:s23+$0xFFFFFFF0];
	v7 =	vadd.f32 v6, v7  }
0xbb: {  	v4 =	vld [tilespmem:s18+$0xFFFFFF70];
	v5 =	vmax.f32 v5, $0.0e+00  }
0xbc: {  	v6 =	vld [tilespmem:s14+$0xFFFFFF70];
	[tilespmem:s23+$0xFFFFFFE0] =	vst v5;
	v0 =	vadd.f32 v0, v7  }
0xbd: {  	v5 =	vld [tilespmem:s18+$0xFFFFFFF0]  }
0xbe: {  	s17 =	simm.s32 $0x500;
	v7 =	vld [tilespmem:s14+$0xFFFFFFF0];
	v8 =	vadd.f32 v9, v8;
	v10 =	vmax.f32 v0, $0.0e+00  }
0xbf: {  	s10 =	simm.s32 $0x0;
	s12 =	simm.s32 $0x4300;
	s8 =	simm.s32 $0x8300;
	v0 =	vld [tilespmem:s23+$0x70];
	[tilespmem:s23+$0xF0] =	vst v10  }
.LBB2_7:
0xc0: {  	v9 =	vld [tilespmem:s17+$0x80];
	v1 =	vadd.f32 v1, v8;
	s14 =	sadd.s32 $0x200, s14  }
0xc1: {  	v8 =	vld [tilespmem:s14+$0x80];
	v4 =	vadd.f32 v6, v4  }
0xc2: {  	s23 =	sadd.s32 $0x200, s23;
	v6 =	vld [tilespmem:s14+$0xFFFFFF00];
	v1 =	vmax.f32 v1, $0.0e+00  }
0xc3: {  	v10 =	vld [tilespmem:s23+$0x80];
	v2 =	vadd.f32 v2, v4;
	v4 =	vadd.f32 v7, v5;
	[tilespmem:s8+$0x60] =	vst v1  }
0xc4: {  	v1 =	vld [tilespmem:s17+$0xFFFFFF80]  }
0xc5: {  	v5 =	vld [tilespmem:s14+$0xFFFFFF80];
	v2 =	vmax.f32 v2, $0.0e+00;
	v3 =	vadd.f32 v3, v4  }
0xc6: {  	v4 =	vld [tilespmem:s17+$0x0];
	v7 =	vadd.f32 v8, v9;
	[tilespmem:s8+$0xFFFFFF70] =	vst v2  }
0xc7: {  	v2 =	vld [tilespmem:s14+$0x0];
	v3 =	vmax.f32 v3, $0.0e+00  }
0xc8: {  	s10 =	sadd.s32 $0x4, s10;
	v8 =	vld [tilespmem:s17+$0xFFFFFF00];
	v7 =	vadd.f32 v10, v7;
	[tilespmem:s8+$0xFFFFFFF0] =	vst v3  }
0xc9: {  	p1 =	slt.u32 s10, $0x7C;
	v3 =	vld [tilespmem:s23+$0xFFFFFF00]  }
0xca: {  	v1 =	vadd.f32 v5, v1;
	v5 =	vld [tilespmem:s23+$0xFFFFFF80];
	v7 =	vmax.f32 v7, $0.0e+00  }
0xcb: {  	v9 =	vld [tilespmem:s23+$0x0];
	[tilespmem:s23+$0x80] =	vst v7  }
0xcc: {  	v2 =	vadd.f32 v2, v4;
	v4 =	vld [tilespmem:s17+$0x90]  }
0xcd: {  	v6 =	vadd.f32 v6, v8;
	v7 =	vld [tilespmem:s14+$0x90]  }
0xce: {  	v8 =	vld [tilespmem:s23+$0xFFFFFF10]  }
0xcf: {  	v3 =	vadd.f32 v3, v6;
	v1 =	vadd.f32 v5, v1;
	v5 =	vld [tilespmem:s23+$0x90]  }
0xd0: {  	v6 =	vld [tilespmem:s23+$0xFFFFFF90];
	v2 =	vadd.f32 v9, v2  }
0xd1: {  	v3 =	vmax.f32 v3, $0.0e+00;
	v1 =	vmax.f32 v1, $0.0e+00;
	v9 =	vld [tilespmem:s23+$0x10]  }
0xd2: {  	[tilespmem:s23+$0xFFFFFF00] =	vst v3;
	v3 =	vld [tilespmem:s23+$0xFFFFFF20];
	v2 =	vmax.f32 v2, $0.0e+00;
	v4 =	vadd.f32 v7, v4  }
0xd3: {  	v7 =	vld [tilespmem:s17+$0xFFFFFF10];
	[tilespmem:s23+$0xFFFFFF80] =	vst v1  }
0xd4: {  	v1 =	vld [tilespmem:s14+$0xFFFFFF10];
	[tilespmem:s23+$0x0] =	vst v2;
	v2 =	vadd.f32 v5, v4  }
0xd5: {  	v4 =	vld [tilespmem:s17+$0xFFFFFF90]  }
0xd6: {  	v5 =	vld [tilespmem:s14+$0xFFFFFF90];
	v2 =	vmax.f32 v2, $0.0e+00  }
0xd7: {  	v10 =	vld [tilespmem:s17+$0x10];
	[tilespmem:s23+$0x90] =	vst v2  }
0xd8: {  	v2 =	vld [tilespmem:s17+$0xA0]  }
0xd9: {  	v1 =	vadd.f32 v1, v7;
	v7 =	vld [tilespmem:s14+$0xA0]  }
0xda: {  	v11 =	vld [tilespmem:s14+$0x10]  }
0xdb: {  	v1 =	vadd.f32 v8, v1;
	v4 =	vadd.f32 v5, v4;
	v5 =	vld [tilespmem:s23+$0xA0]  }
0xdc: {  	v8 =	vld [tilespmem:s23+$0xFFFFFFA0]  }
0xdd: {  	v1 =	vmax.f32 v1, $0.0e+00;
	v4 =	vadd.f32 v6, v4;
	v6 =	vld [tilespmem:s23+$0x20]  }
0xde: {  	[tilespmem:s23+$0xFFFFFF10] =	vst v1;
	v1 =	vld [tilespmem:s23+$0xFFFFFF30];
	v2 =	vadd.f32 v7, v2  }
0xdf: {  	v7 =	vld [tilespmem:s17+$0xFFFFFF20];
	v4 =	vmax.f32 v4, $0.0e+00;
	v10 =	vadd.f32 v11, v10  }
0xe0: {  	v11 =	vld [tilespmem:s14+$0xFFFFFF20];
	[tilespmem:s23+$0xFFFFFF90] =	vst v4;
	v2 =	vadd.f32 v5, v2  }
0xe1: {  	v4 =	vld [tilespmem:s17+$0xFFFFFFA0];
	v5 =	vadd.f32 v9, v10  }
0xe2: {  	v9 =	vld [tilespmem:s14+$0xFFFFFFA0];
	v2 =	vmax.f32 v2, $0.0e+00  }
0xe3: {  	v10 =	vld [tilespmem:s23+$0xFFFFFFB0];
	v5 =	vmax.f32 v5, $0.0e+00;
	[tilespmem:s23+$0xA0] =	vst v2  }
0xe4: {  	[tilespmem:s23+$0x10] =	vst v5;
	v2 =	vld [tilespmem:s17+$0xB0]  }
0xe5: {  	v5 =	vadd.f32 v11, v7;
	v7 =	vld [tilespmem:s14+$0xB0]  }
0xe6: {  	v11 =	vld [tilespmem:s17+$0x20]  }
0xe7: {  	v3 =	vadd.f32 v3, v5;
	v4 =	vadd.f32 v9, v4;
	v5 =	vld [tilespmem:s23+$0xB0]  }
0xe8: {  	v9 =	vld [tilespmem:s14+$0x20]  }
0xe9: {  	v3 =	vmax.f32 v3, $0.0e+00;
	v4 =	vadd.f32 v8, v4;
	v8 =	vld [tilespmem:s23+$0x30]  }
0xea: {  	[tilespmem:s23+$0xFFFFFF20] =	vst v3;
	v3 =	vld [tilespmem:s23+$0xFFFFFF40];
	v2 =	vadd.f32 v7, v2  }
0xeb: {  	v7 =	vld [tilespmem:s17+$0xFFFFFF30];
	v4 =	vmax.f32 v4, $0.0e+00  }
0xec: {  	v12 =	vld [tilespmem:s14+$0xFFFFFF30];
	[tilespmem:s23+$0xFFFFFFA0] =	vst v4;
	v2 =	vadd.f32 v5, v2  }
0xed: {  	v4 =	vld [tilespmem:s17+$0xFFFFFFB0];
	v5 =	vadd.f32 v9, v11  }
0xee: {  	v9 =	vld [tilespmem:s14+$0xFFFFFFB0];
	v2 =	vmax.f32 v2, $0.0e+00  }
0xef: {  	v11 =	vld [tilespmem:s23+$0xFFFFFFC0];
	v5 =	vadd.f32 v6, v5;
	[tilespmem:s23+$0xB0] =	vst v2  }
0xf0: {  	v2 =	vld [tilespmem:s17+$0xC0]  }
0xf1: {  	v6 =	vadd.f32 v12, v7;
	v5 =	vmax.f32 v5, $0.0e+00;
	v7 =	vld [tilespmem:s14+$0xC0]  }
0xf2: {  	[tilespmem:s23+$0x20] =	vst v5;
	v5 =	vld [tilespmem:s23+$0x40]  }
0xf3: {  	v1 =	vadd.f32 v1, v6;
	v4 =	vadd.f32 v9, v4;
	v6 =	vld [tilespmem:s23+$0xC0]  }
0xf4: {  	v9 =	vld [tilespmem:s17+$0x30]  }
0xf5: {  	v1 =	vmax.f32 v1, $0.0e+00;
	v4 =	vadd.f32 v10, v4;
	v10 =	vld [tilespmem:s14+$0x30]  }
0xf6: {  	[tilespmem:s23+$0xFFFFFF30] =	vst v1;
	v12 =	vld [tilespmem:s23+$0xFFFFFF50];
	v1 =	vadd.f32 v7, v2  }
0xf7: {  	v2 =	vld [tilespmem:s17+$0xFFFFFF40];
	v4 =	vmax.f32 v4, $0.0e+00  }
0xf8: {  	v7 =	vld [tilespmem:s14+$0xFFFFFF40];
	[tilespmem:s23+$0xFFFFFFB0] =	vst v4;
	v1 =	vadd.f32 v6, v1  }
0xf9: {  	v4 =	vld [tilespmem:s17+$0xFFFFFFC0]  }
0xfa: {  	v6 =	vld [tilespmem:s14+$0xFFFFFFC0];
	v9 =	vadd.f32 v10, v9;
	v1 =	vmax.f32 v1, $0.0e+00  }
0xfb: {  	v10 =	vld [tilespmem:s23+$0xFFFFFFD0];
	[tilespmem:s23+$0xC0] =	vst v1  }
0xfc: {  	v1 =	vadd.f32 v8, v9;
	v8 =	vld [tilespmem:s17+$0xD0]  }
0xfd: {  	v2 =	vadd.f32 v7, v2;
	v7 =	vld [tilespmem:s14+$0xD0]  }
0xfe: {  	v1 =	vmax.f32 v1, $0.0e+00;
	v9 =	vld [tilespmem:s23+$0x50]  }
0xff: {  	v2 =	vadd.f32 v3, v2;
	v3 =	vadd.f32 v6, v4;
	[tilespmem:s23+$0x30] =	vst v1;
	v1 =	vld [tilespmem:s23+$0xD0]  }
0x100: {  	v4 =	vld [tilespmem:s17+$0x40]  }
0x101: {  	v2 =	vmax.f32 v2, $0.0e+00;
	v3 =	vadd.f32 v11, v3;
	v6 =	vld [tilespmem:s14+$0x40]  }
0x102: {  	[tilespmem:s23+$0xFFFFFF40] =	vst v2;
	v11 =	vld [tilespmem:s23+$0xFFFFFF60];
	v2 =	vadd.f32 v7, v8  }
0x103: {  	v7 =	vld [tilespmem:s17+$0xFFFFFF50];
	v3 =	vmax.f32 v3, $0.0e+00  }
0x104: {  	v8 =	vld [tilespmem:s14+$0xFFFFFF50];
	[tilespmem:s23+$0xFFFFFFC0] =	vst v3;
	v1 =	vadd.f32 v1, v2  }
0x105: {  	v2 =	vld [tilespmem:s17+$0xFFFFFFD0]  }
0x106: {  	v3 =	vld [tilespmem:s14+$0xFFFFFFD0];
	v4 =	vadd.f32 v6, v4;
	v1 =	vmax.f32 v1, $0.0e+00  }
0x107: {  	v6 =	vld [tilespmem:s23+$0xFFFFFFE0];
	[tilespmem:s23+$0xD0] =	vst v1  }
0x108: {  	v1 =	vadd.f32 v5, v4;
	v4 =	vld [tilespmem:s17+$0xE0]  }
0x109: {  	v5 =	vadd.f32 v8, v7;
	v7 =	vld [tilespmem:s14+$0xE0]  }
0x10a: {  	v8 =	vmax.f32 v1, $0.0e+00;
	v1 =	vld [tilespmem:s23+$0x60]  }
0x10b: {  	v5 =	vadd.f32 v12, v5;
	v2 =	vadd.f32 v3, v2;
	[tilespmem:s23+$0x40] =	vst v8;
	v3 =	vld [tilespmem:s23+$0xE0]  }
0x10c: {  	v8 =	vld [tilespmem:s17+$0x50]  }
0x10d: {  	v5 =	vmax.f32 v5, $0.0e+00;
	v2 =	vadd.f32 v10, v2;
	v10 =	vld [tilespmem:s14+$0x50]  }
0x10e: {  	[tilespmem:s23+$0xFFFFFF50] =	vst v5;
	v4 =	vadd.f32 v7, v4;
	v5 =	vld [tilespmem:s18+$0x70];
	s18 =	smov.u32 s17  }
0x10f: {  	v7 =	vld [tilespmem:s17+$0xFFFFFF60];
	v2 =	vmax.f32 v2, $0.0e+00  }
0x110: {  	v12 =	vld [tilespmem:s14+$0xFFFFFF60];
	[tilespmem:s23+$0xFFFFFFD0] =	vst v2;
	v2 =	vadd.f32 v3, v4  }
0x111: {  	v3 =	vld [tilespmem:s17+$0xFFFFFFE0]  }
0x112: {  	v4 =	vld [tilespmem:s14+$0xFFFFFFE0];
	v8 =	vadd.f32 v10, v8;
	v2 =	vmax.f32 v2, $0.0e+00  }
0x113: {  	[tilespmem:s23+$0xE0] =	vst v2;
	v10 =	vld [tilespmem:s12+$0x70];
	s12 =	smov.u32 s14  }
0x114: {  	v8 =	vadd.f32 v9, v8;
	v9 =	vld [tilespmem:s17+$0xF0]  }
0x115: {  	v7 =	vadd.f32 v12, v7;
	v12 =	vld [tilespmem:s14+$0xF0]  }
0x116: {  	v2 =	vld [tilespmem:s23+$0xFFFFFF70];
	v8 =	vmax.f32 v8, $0.0e+00  }
0x117: {  	v7 =	vadd.f32 v11, v7;
	v3 =	vadd.f32 v4, v3;
	[tilespmem:s23+$0x50] =	vst v8;
	v8 =	vld [tilespmem:s23+$0xF0]  }
0x118: {  	v11 =	vld [tilespmem:s17+$0x60];
	v4 =	vadd.f32 v10, v5  }
0x119: {  	v5 =	vmax.f32 v7, $0.0e+00;
	v6 =	vadd.f32 v6, v3;
	v10 =	vld [tilespmem:s14+$0x60]  }
0x11a: {  	[tilespmem:s23+$0xFFFFFF60] =	vst v5;
	v3 =	vld [tilespmem:s23+$0xFFFFFFF0];
	v5 =	vadd.f32 v12, v9;
	v0 =	vadd.f32 v0, v4  }
.Ltmp5:
0x11b: {  	v4 =	vld [tilespmem:s17+$0xFFFFFF70];
	v7 =	vmax.f32 v6, $0.0e+00;
	(pc) =	sbr.rel @p1 .LBB2_7-.Ltmp5, $4  }
0x11c: {  	v6 =	vld [tilespmem:s14+$0xFFFFFF70];
	[tilespmem:s23+$0xFFFFFFE0] =	vst v7;
	v9 =	vadd.f32 v8, v5;
	v0 =	vmax.f32 v0, $0.0e+00  }
0x11d: {  	v5 =	vld [tilespmem:s17+$0xFFFFFFF0];
	[tilespmem:s8+$0x70] =	vst v0;
	s8 =	smov.u32 s23  }
0x11e: {  	v7 =	vld [tilespmem:s14+$0xFFFFFFF0];
	v8 =	vadd.f32 v10, v11;
	v9 =	vmax.f32 v9, $0.0e+00  }
0x11f: {  	s17 =	sadd.s32 $0x200, s17;
	v0 =	vld [tilespmem:s23+$0x70];
	[tilespmem:s23+$0xF0] =	vst v9  }
0x120: {  	v1 =	vadd.f32 v1, v8;
	_ =	sdelay $0x1  }
0x121: {  	v1 =	vmax.f32 v1, $0.0e+00  }
0x122: {  	[tilespmem:s8+$0x60] =	vst v1  }
0x123: {  	v1 =	vld [tilespmem:s18+$0x70]  }
0x124: {  	v62 =	vld [tilespmem:s12+$0x70];
	_ =	sdelay $0x2  }
0x125: {  	v4 =	vadd.f32 v6, v4  }
0x126: {  	v5 =	vadd.f32 v7, v5  }
0x127: {  	v2 =	vadd.f32 v2, v4;
	v1 =	vadd.f32 v62, v1  }
0x128: {  	v3 =	vadd.f32 v3, v5  }
0x129: {  	v2 =	vmax.f32 v2, $0.0e+00;
	v0 =	vadd.f32 v0, v1  }
0x12a: {  	[tilespmem:s8+$0xFFFFFF70] =	vst v2;
	v63 =	vmax.f32 v3, $0.0e+00  }
0x12b: {  	[tilespmem:s8+$0xFFFFFFF0] =	vst v63;
	v0 =	vmax.f32 v0, $0.0e+00  }
0x12c: {  	p1 =	sne.s32 s20, $0x0;
	[tilespmem:s8+$0x70] =	vst v0  }
0x12d: {  	s10 =	simm.s32 @!p1 $0x8200;
	s8 =	simm.s32 @!p1 $0x0;
	s12 =	rddreg [dreg:$0x5]  }
0x12e: {  	[hbm4b:s12+s8] =	stream.linear.scatter @!p1 [tilespmem:s10], [sflag:$0x6], $0x4000, $0x38;
	[tilespmem:$0x1FA80] =	vst v63  }
.Ltmp6:
0x12f: {  	_ = 	snop;
	(pc) =	sbr.rel .LBB2_9-.Ltmp6, $4  }
0x130: {  	s8 =	simm.s32 @!p1 $0x6  }
0x131: {  	_ =	swait.ge @!p1 [sflag:s8], $0x4000  }
0x132: {  	[sflag:s8] =	ssyncset.done @!p1 $0x0  }
0x133: {  	s20 =	smov.u32 s2;
	[sflag:s8] =	ssyncadd.s32 @!p1 $0xFFFFC000  }
.LBB2_5:
0x134: {  	s21 =	sor.u32 $0x1, s13  }
.LBB2_9:
0x135: {  	p1 =	sge.u32 s21, s11  }
.Ltmp7:
0x136: {  	_ = 	snop;
	(pc) =	sbr.rel @p1 .LBB2_13-.Ltmp7, $1  }
0x137: {  	_ =	sdelay $0x3  }
0x138: {  	_ =	swait.ge [sflag:s9], $0x80  }
0x139: {  	[sflag:s9] =	ssyncset.done $0x0  }
0x13a: {  	[sflag:s9] =	ssyncadd.s32 $0xFFFFFF80  }
0x13b: {  	_ =	swait.ge [sflag:s9], $0x80  }
0x13c: {  	[sflag:s9] =	ssyncset.done $0x0  }
0x13d: {  	s2 =	simm.s32 $0x180;
	[sflag:s9] =	ssyncadd.s32 $0xFFFFFF80  }
0x13e: {  	[tilespmem:s28], [sflag:$0x4] =	stream.indirect.gather [hbm4b:s6+s26], $0x80, s2, s26, $0xb8;
	[tilespmem:$0x1FA80] =	vst v63  }
0x13f: {  	s8 =	sadd.s32 $0x2, s13  }
0x140: {  	[tilespmem:s29], [sflag:$0x4] =	stream.indirect.gather [hbm4b:s7+s26], $0x80, s26, s26, $0xb8;
	[tilespmem:$0x1FA80] =	vst v63  }
0x141: {  	p1 =	sge.u32 s8, s11  }
0x142: {  	[spmem:s20] =	stream.indirect.scatter.add.f32 [tilespmem:s30], [sflag:$0x6], $0x80, s3, s26, $0xb8;
	[tilespmem:$0x1FA80] =	vst v63  }
0x143: {  	s8 =	sshll.u32 @!p1 s8, $0x9;
	_ =	swait.ge [sflag:s31], $0x4000  }
0x144: {  	s21 =	sshll.u32 s21, $0x10;
	s8 =	sor.u32 @!p1 s16, s8;
	[sflag:s31] =	ssyncset.done $0x0  }
0x145: {  	s12 =	simm.s32 @!p1 $0x0;
	s10 =	sadd.s32 @!p1 s4, s8;
	[sflag:s31] =	ssyncadd.s32 $0xFFFFC000  }
0x146: {  	[tilespmem:s12], [sflag:$0x1] =	stream.linear.gather @!p1 [hbm4b:s10+s12], $0x80, $0x38;
	[tilespmem:$0x1FA80] =	vst v63  }
0x147: {  	s8 =	sadd.s32 @!p1 s5, s8;
	s23 =	rddreg [dreg:$0xa];
	s10 =	simm.s32 @!p1 $0x100  }
0x148: {  	[tilespmem:s10], [sflag:$0x1] =	stream.linear.gather @!p1 [hbm4b:s8+s12], $0x80, $0x38;
	[tilespmem:$0x1FA80] =	vst v63  }
0x149: {  	s8 =	sadd.s32 s21, s23  }
0x14a: {  	[tilespmem:s30], [sflag:$0x6] =	stream.linear.gather [hbm4b:s8+s3], $0x4000, $0x38;
	[tilespmem:$0x1FA80] =	vst v63  }
0x14b: {  	_ =	swait.ge [sflag:s31], $0x4000  }
0x14c: {  	[sflag:s31] =	ssyncset.done $0x0  }
0x14d: {  	[sflag:s31] =	ssyncadd.s32 $0xFFFFC000  }
0x14e: {  	_ =	swait.ge [sflag:s15], $0x4000  }
0x14f: {  	[sflag:s15] =	ssyncset.done $0x0  }
0x150: {  	[sflag:s15] =	ssyncadd.s32 $0xFFFFC000  }
0x151: {  	_ =	swait.ge [sflag:s15], $0x4000  }
0x152: {  	[sflag:s15] =	ssyncset.done $0x0  }
0x153: {  	s13 =	simm.s32 $0x300;
	[sflag:s15] =	ssyncadd.s32 $0xFFFFC000  }
0x154: {  	s14 =	simm.s32 $0x4300;
	v0 =	vld [tilespmem:s13+$0x80]  }
0x155: {  	v1 =	vld [tilespmem:s14+$0x80]  }
0x156: {  	s18 =	simm.s32 $0x8300  }
0x157: {  	v2 =	vld [tilespmem:s18+$0x80];
	_ =	sdelay $0x1  }
0x158: {  	v3 =	vld [tilespmem:s14+$0xFFFFFF00]  }
0x159: {  	v4 =	vld [tilespmem:s13+$0xFFFFFF80];
	v0 =	vadd.f32 v1, v0  }
0x15a: {  	v5 =	vld [tilespmem:s14+$0xFFFFFF80]  }
0x15b: {  	v6 =	vld [tilespmem:s13+$0xFFFFFF00];
	v0 =	vadd.f32 v2, v0  }
0x15c: {  	v7 =	vld [tilespmem:s18+$0xFFFFFF00]  }
0x15d: {  	v8 =	vld [tilespmem:s18+$0xFFFFFF80];
	v0 =	vmax.f32 v0, $0.0e+00  }
0x15e: {  	v1 =	vld [tilespmem:s13+$0x0];
	[tilespmem:s18+$0x80] =	vst v0  }
0x15f: {  	v0 =	vld [tilespmem:s13+$0x90]  }
0x160: {  	v3 =	vadd.f32 v3, v6;
	v6 =	vld [tilespmem:s14+$0x90]  }
0x161: {  	v4 =	vadd.f32 v5, v4;
	v5 =	vld [tilespmem:s18+$0x90]  }
0x162: {  	v2 =	vld [tilespmem:s14+$0x0];
	v3 =	vadd.f32 v7, v3  }
0x163: {  	v9 =	vld [tilespmem:s18+$0x0]  }
0x164: {  	v10 =	vld [tilespmem:s18+$0x10];
	v4 =	vadd.f32 v8, v4;
	v3 =	vmax.f32 v3, $0.0e+00  }
0x165: {  	v7 =	vld [tilespmem:s18+$0xFFFFFF10];
	[tilespmem:s18+$0xFFFFFF00] =	vst v3;
	v0 =	vadd.f32 v6, v0  }
0x166: {  	v3 =	vmax.f32 v4, $0.0e+00;
	v4 =	vld [tilespmem:s13+$0xFFFFFF10]  }
0x167: {  	[tilespmem:s18+$0xFFFFFF80] =	vst v3;
	v1 =	vadd.f32 v2, v1;
	v2 =	vld [tilespmem:s14+$0xFFFFFF10];
	v0 =	vadd.f32 v5, v0  }
0x168: {  	v3 =	vld [tilespmem:s13+$0xFFFFFF90]  }
0x169: {  	v1 =	vadd.f32 v9, v1;
	v5 =	vld [tilespmem:s14+$0xFFFFFF90];
	v0 =	vmax.f32 v0, $0.0e+00  }
0x16a: {  	v8 =	vld [tilespmem:s18+$0xFFFFFF90];
	[tilespmem:s18+$0x90] =	vst v0  }
0x16b: {  	v0 =	vmax.f32 v1, $0.0e+00;
	v1 =	vld [tilespmem:s13+$0xA0]  }
0x16c: {  	[tilespmem:s18+$0x0] =	vst v0;
	v0 =	vadd.f32 v2, v4;
	v2 =	vld [tilespmem:s14+$0xA0]  }
0x16d: {  	v9 =	vld [tilespmem:s18+$0xFFFFFFA0]  }
0x16e: {  	v3 =	vadd.f32 v5, v3;
	v5 =	vld [tilespmem:s18+$0xA0];
	v0 =	vadd.f32 v7, v0  }
0x16f: {  	v4 =	vld [tilespmem:s13+$0x10]  }
0x170: {  	v7 =	vld [tilespmem:s14+$0x10];
	v3 =	vadd.f32 v8, v3;
	v0 =	vmax.f32 v0, $0.0e+00  }
0x171: {  	v6 =	vld [tilespmem:s18+$0xFFFFFF20];
	[tilespmem:s18+$0xFFFFFF10] =	vst v0;
	v0 =	vadd.f32 v2, v1  }
0x172: {  	v2 =	vmax.f32 v3, $0.0e+00;
	v1 =	vld [tilespmem:s13+$0xFFFFFF20]  }
0x173: {  	v3 =	vld [tilespmem:s14+$0xFFFFFF20];
	[tilespmem:s18+$0xFFFFFF90] =	vst v2;
	v0 =	vadd.f32 v5, v0  }
0x174: {  	v2 =	vld [tilespmem:s13+$0xFFFFFFA0]  }
0x175: {  	v4 =	vadd.f32 v7, v4;
	v5 =	vld [tilespmem:s14+$0xFFFFFFA0];
	v0 =	vmax.f32 v0, $0.0e+00  }
0x176: {  	v8 =	vld [tilespmem:s18+$0x20];
	[tilespmem:s18+$0xA0] =	vst v0  }
0x177: {  	v0 =	vadd.f32 v10, v4;
	v4 =	vld [tilespmem:s13+$0xB0]  }
0x178: {  	v1 =	vadd.f32 v3, v1;
	v3 =	vld [tilespmem:s14+$0xB0]  }
0x179: {  	v7 =	vld [tilespmem:s18+$0xFFFFFF30];
	v0 =	vmax.f32 v0, $0.0e+00  }
0x17a: {  	[tilespmem:s18+$0x10] =	vst v0;
	v0 =	vadd.f32 v6, v1;
	v1 =	vadd.f32 v5, v2;
	v2 =	vld [tilespmem:s18+$0xB0]  }
0x17b: {  	v5 =	vld [tilespmem:s13+$0x20]  }
0x17c: {  	v6 =	vld [tilespmem:s14+$0x20];
	v0 =	vmax.f32 v0, $0.0e+00;
	v1 =	vadd.f32 v9, v1  }
0x17d: {  	v10 =	vld [tilespmem:s18+$0xFFFFFFB0];
	[tilespmem:s18+$0xFFFFFF20] =	vst v0;
	v0 =	vadd.f32 v3, v4  }
0x17e: {  	v3 =	vld [tilespmem:s13+$0xFFFFFF30];
	v1 =	vmax.f32 v1, $0.0e+00  }
0x17f: {  	v4 =	vld [tilespmem:s14+$0xFFFFFF30];
	[tilespmem:s18+$0xFFFFFFA0] =	vst v1;
	v0 =	vadd.f32 v2, v0  }
0x180: {  	v1 =	vld [tilespmem:s13+$0xFFFFFFB0]  }
0x181: {  	v2 =	vadd.f32 v6, v5;
	v5 =	vld [tilespmem:s14+$0xFFFFFFB0];
	v0 =	vmax.f32 v0, $0.0e+00  }
0x182: {  	v9 =	vld [tilespmem:s18+$0x30];
	[tilespmem:s18+$0xB0] =	vst v0  }
0x183: {  	v0 =	vadd.f32 v8, v2;
	v2 =	vld [tilespmem:s13+$0xC0]  }
0x184: {  	v3 =	vadd.f32 v4, v3;
	v4 =	vld [tilespmem:s14+$0xC0]  }
0x185: {  	v6 =	vld [tilespmem:s18+$0xFFFFFF40];
	v0 =	vmax.f32 v0, $0.0e+00  }
0x186: {  	[tilespmem:s18+$0x20] =	vst v0;
	v0 =	vadd.f32 v7, v3;
	v1 =	vadd.f32 v5, v1;
	v3 =	vld [tilespmem:s18+$0xC0]  }
0x187: {  	v5 =	vld [tilespmem:s13+$0x30]  }
0x188: {  	v7 =	vld [tilespmem:s14+$0x30];
	v0 =	vmax.f32 v0, $0.0e+00;
	v1 =	vadd.f32 v10, v1  }
0x189: {  	v8 =	vld [tilespmem:s18+$0xFFFFFFC0];
	[tilespmem:s18+$0xFFFFFF30] =	vst v0;
	v0 =	vadd.f32 v4, v2  }
0x18a: {  	v2 =	vld [tilespmem:s13+$0xFFFFFF40];
	v1 =	vmax.f32 v1, $0.0e+00  }
0x18b: {  	v4 =	vld [tilespmem:s14+$0xFFFFFF40];
	[tilespmem:s18+$0xFFFFFFB0] =	vst v1;
	v0 =	vadd.f32 v3, v0  }
0x18c: {  	v1 =	vld [tilespmem:s13+$0xFFFFFFC0]  }
0x18d: {  	v3 =	vld [tilespmem:s14+$0xFFFFFFC0];
	v5 =	vadd.f32 v7, v5;
	v0 =	vmax.f32 v0, $0.0e+00  }
0x18e: {  	v10 =	vld [tilespmem:s18+$0x40];
	[tilespmem:s18+$0xC0] =	vst v0  }
0x18f: {  	v0 =	vadd.f32 v9, v5;
	v5 =	vld [tilespmem:s13+$0xD0]  }
0x190: {  	v2 =	vadd.f32 v4, v2;
	v4 =	vld [tilespmem:s14+$0xD0]  }
0x191: {  	v7 =	vld [tilespmem:s18+$0xFFFFFF50];
	v0 =	vmax.f32 v0, $0.0e+00  }
0x192: {  	v2 =	vadd.f32 v6, v2;
	v1 =	vadd.f32 v3, v1;
	[tilespmem:s18+$0x30] =	vst v0;
	v0 =	vld [tilespmem:s18+$0xD0]  }
0x193: {  	v3 =	vld [tilespmem:s13+$0x40]  }
0x194: {  	v6 =	vld [tilespmem:s14+$0x40];
	v2 =	vmax.f32 v2, $0.0e+00;
	v1 =	vadd.f32 v8, v1  }
0x195: {  	v9 =	vld [tilespmem:s18+$0x50];
	[tilespmem:s18+$0xFFFFFF40] =	vst v2;
	v2 =	vadd.f32 v4, v5  }
0x196: {  	v4 =	vld [tilespmem:s13+$0xFFFFFF50];
	v1 =	vmax.f32 v1, $0.0e+00  }
0x197: {  	v5 =	vld [tilespmem:s14+$0xFFFFFF50];
	[tilespmem:s18+$0xFFFFFFC0] =	vst v1;
	v0 =	vadd.f32 v0, v2  }
0x198: {  	v2 =	vld [tilespmem:s13+$0xFFFFFFD0]  }
0x199: {  	v11 =	vld [tilespmem:s14+$0xFFFFFFD0];
	v1 =	vadd.f32 v6, v3;
	v0 =	vmax.f32 v0, $0.0e+00  }
0x19a: {  	v8 =	vld [tilespmem:s18+$0xFFFFFFD0];
	[tilespmem:s18+$0xD0] =	vst v0  }
0x19b: {  	v0 =	vadd.f32 v10, v1;
	v6 =	vld [tilespmem:s13+$0xE0]  }
0x19c: {  	v4 =	vadd.f32 v5, v4;
	v5 =	vld [tilespmem:s14+$0xE0]  }
0x19d: {  	v3 =	vld [tilespmem:s18+$0xFFFFFF60];
	v0 =	vmax.f32 v0, $0.0e+00  }
0x19e: {  	v4 =	vadd.f32 v7, v4;
	v2 =	vadd.f32 v11, v2;
	[tilespmem:s18+$0x40] =	vst v0;
	v0 =	vld [tilespmem:s18+$0xE0]  }
0x19f: {  	v7 =	vld [tilespmem:s13+$0x50]  }
0x1a0: {  	v4 =	vmax.f32 v4, $0.0e+00;
	v2 =	vadd.f32 v8, v2;
	v8 =	vld [tilespmem:s14+$0x50]  }
0x1a1: {  	v1 =	vld [tilespmem:s18+$0x60];
	[tilespmem:s18+$0xFFFFFF50] =	vst v4;
	v4 =	vadd.f32 v5, v6  }
0x1a2: {  	v5 =	vld [tilespmem:s13+$0xFFFFFF60];
	v2 =	vmax.f32 v2, $0.0e+00  }
0x1a3: {  	v6 =	vld [tilespmem:s14+$0xFFFFFF60];
	[tilespmem:s18+$0xFFFFFFD0] =	vst v2;
	v0 =	vadd.f32 v0, v4  }
0x1a4: {  	v4 =	vld [tilespmem:s13+$0xFFFFFFE0]  }
0x1a5: {  	v11 =	vld [tilespmem:s14+$0xFFFFFFE0];
	v2 =	vadd.f32 v8, v7;
	v0 =	vmax.f32 v0, $0.0e+00  }
0x1a6: {  	v10 =	vld [tilespmem:s18+$0xFFFFFFE0];
	[tilespmem:s18+$0xE0] =	vst v0  }
0x1a7: {  	v0 =	vadd.f32 v9, v2;
	v7 =	vld [tilespmem:s13+$0xF0]  }
0x1a8: {  	v5 =	vadd.f32 v6, v5;
	v6 =	vld [tilespmem:s14+$0xF0]  }
0x1a9: {  	v2 =	vld [tilespmem:s18+$0xFFFFFF70];
	v0 =	vmax.f32 v0, $0.0e+00  }
0x1aa: {  	v3 =	vadd.f32 v3, v5;
	v4 =	vadd.f32 v11, v4;
	[tilespmem:s18+$0x50] =	vst v0;
	v0 =	vld [tilespmem:s18+$0xF0]  }
0x1ab: {  	v8 =	vld [tilespmem:s13+$0x60]  }
0x1ac: {  	v3 =	vmax.f32 v3, $0.0e+00;
	v5 =	vadd.f32 v10, v4;
	v9 =	vld [tilespmem:s14+$0x60]  }
0x1ad: {  	[tilespmem:s18+$0xFFFFFF60] =	vst v3;
	v3 =	vld [tilespmem:s18+$0xFFFFFFF0];
	v7 =	vadd.f32 v6, v7  }
0x1ae: {  	v4 =	vld [tilespmem:s13+$0xFFFFFF70];
	v5 =	vmax.f32 v5, $0.0e+00  }
0x1af: {  	v6 =	vld [tilespmem:s14+$0xFFFFFF70];
	[tilespmem:s18+$0xFFFFFFE0] =	vst v5;
	v0 =	vadd.f32 v0, v7  }
0x1b0: {  	v5 =	vld [tilespmem:s13+$0xFFFFFFF0]  }
0x1b1: {  	s17 =	simm.s32 $0x500;
	v7 =	vld [tilespmem:s14+$0xFFFFFFF0];
	v8 =	vadd.f32 v9, v8;
	v10 =	vmax.f32 v0, $0.0e+00  }
0x1b2: {  	s10 =	simm.s32 $0x0;
	s12 =	simm.s32 $0x4300;
	s8 =	simm.s32 $0x8300;
	v0 =	vld [tilespmem:s18+$0x70];
	[tilespmem:s18+$0xF0] =	vst v10  }
.LBB2_11:
0x1b3: {  	v9 =	vld [tilespmem:s17+$0x80];
	v1 =	vadd.f32 v1, v8;
	s14 =	sadd.s32 $0x200, s14  }
0x1b4: {  	v4 =	vadd.f32 v6, v4;
	v8 =	vld [tilespmem:s14+$0x80]  }
0x1b5: {  	s18 =	sadd.s32 $0x200, s18;
	v6 =	vld [tilespmem:s14+$0xFFFFFF00];
	v1 =	vmax.f32 v1, $0.0e+00  }
0x1b6: {  	v2 =	vadd.f32 v2, v4;
	v4 =	vadd.f32 v7, v5;
	v10 =	vld [tilespmem:s18+$0x80];
	[tilespmem:s8+$0x60] =	vst v1  }
0x1b7: {  	v1 =	vld [tilespmem:s17+$0xFFFFFF80]  }
0x1b8: {  	v2 =	vmax.f32 v2, $0.0e+00;
	v3 =	vadd.f32 v3, v4;
	v5 =	vld [tilespmem:s14+$0xFFFFFF80]  }
0x1b9: {  	v4 =	vld [tilespmem:s17+$0x0];
	v7 =	vadd.f32 v8, v9;
	[tilespmem:s8+$0xFFFFFF70] =	vst v2  }
0x1ba: {  	v3 =	vmax.f32 v3, $0.0e+00;
	v2 =	vld [tilespmem:s14+$0x0]  }
0x1bb: {  	s10 =	sadd.s32 $0x4, s10;
	v8 =	vld [tilespmem:s17+$0xFFFFFF00];
	v7 =	vadd.f32 v10, v7;
	[tilespmem:s8+$0xFFFFFFF0] =	vst v3  }
0x1bc: {  	p1 =	slt.u32 s10, $0x7C;
	v3 =	vld [tilespmem:s18+$0xFFFFFF00]  }
0x1bd: {  	v1 =	vadd.f32 v5, v1;
	v5 =	vld [tilespmem:s18+$0xFFFFFF80];
	v7 =	vmax.f32 v7, $0.0e+00  }
0x1be: {  	v9 =	vld [tilespmem:s18+$0x0];
	[tilespmem:s18+$0x80] =	vst v7  }
0x1bf: {  	v2 =	vadd.f32 v2, v4;
	v4 =	vld [tilespmem:s17+$0x90]  }
0x1c0: {  	v6 =	vadd.f32 v6, v8;
	v7 =	vld [tilespmem:s14+$0x90]  }
0x1c1: {  	v8 =	vld [tilespmem:s18+$0xFFFFFF10]  }
0x1c2: {  	v3 =	vadd.f32 v3, v6;
	v1 =	vadd.f32 v5, v1;
	v5 =	vld [tilespmem:s18+$0x90]  }
0x1c3: {  	v6 =	vld [tilespmem:s18+$0xFFFFFF90];
	v2 =	vadd.f32 v9, v2  }
0x1c4: {  	v3 =	vmax.f32 v3, $0.0e+00;
	v1 =	vmax.f32 v1, $0.0e+00;
	v9 =	vld [tilespmem:s18+$0x10]  }
0x1c5: {  	[tilespmem:s18+$0xFFFFFF00] =	vst v3;
	v3 =	vld [tilespmem:s18+$0xFFFFFF20];
	v2 =	vmax.f32 v2, $0.0e+00;
	v4 =	vadd.f32 v7, v4  }
0x1c6: {  	v7 =	vld [tilespmem:s17+$0xFFFFFF10];
	[tilespmem:s18+$0xFFFFFF80] =	vst v1  }
0x1c7: {  	v1 =	vld [tilespmem:s14+$0xFFFFFF10];
	[tilespmem:s18+$0x0] =	vst v2;
	v2 =	vadd.f32 v5, v4  }
0x1c8: {  	v4 =	vld [tilespmem:s17+$0xFFFFFF90]  }
0x1c9: {  	v5 =	vld [tilespmem:s14+$0xFFFFFF90];
	v2 =	vmax.f32 v2, $0.0e+00  }
0x1ca: {  	v10 =	vld [tilespmem:s17+$0x10];
	[tilespmem:s18+$0x90] =	vst v2  }
0x1cb: {  	v2 =	vld [tilespmem:s17+$0xA0]  }
0x1cc: {  	v1 =	vadd.f32 v1, v7;
	v7 =	vld [tilespmem:s14+$0xA0]  }
0x1cd: {  	v11 =	vld [tilespmem:s14+$0x10]  }
0x1ce: {  	v1 =	vadd.f32 v8, v1;
	v4 =	vadd.f32 v5, v4;
	v5 =	vld [tilespmem:s18+$0xA0]  }
0x1cf: {  	v8 =	vld [tilespmem:s18+$0xFFFFFFA0]  }
0x1d0: {  	v1 =	vmax.f32 v1, $0.0e+00;
	v4 =	vadd.f32 v6, v4;
	v6 =	vld [tilespmem:s18+$0x20]  }
0x1d1: {  	[tilespmem:s18+$0xFFFFFF10] =	vst v1;
	v1 =	vld [tilespmem:s18+$0xFFFFFF30];
	v2 =	vadd.f32 v7, v2  }
0x1d2: {  	v7 =	vld [tilespmem:s17+$0xFFFFFF20];
	v4 =	vmax.f32 v4, $0.0e+00;
	v10 =	vadd.f32 v11, v10  }
0x1d3: {  	v11 =	vld [tilespmem:s14+$0xFFFFFF20];
	[tilespmem:s18+$0xFFFFFF90] =	vst v4;
	v2 =	vadd.f32 v5, v2  }
0x1d4: {  	v4 =	vld [tilespmem:s17+$0xFFFFFFA0];
	v5 =	vadd.f32 v9, v10  }
0x1d5: {  	v9 =	vld [tilespmem:s14+$0xFFFFFFA0];
	v2 =	vmax.f32 v2, $0.0e+00  }
0x1d6: {  	v10 =	vld [tilespmem:s18+$0xFFFFFFB0];
	v5 =	vmax.f32 v5, $0.0e+00;
	[tilespmem:s18+$0xA0] =	vst v2  }
0x1d7: {  	[tilespmem:s18+$0x10] =	vst v5;
	v2 =	vld [tilespmem:s17+$0xB0]  }
0x1d8: {  	v5 =	vadd.f32 v11, v7;
	v7 =	vld [tilespmem:s14+$0xB0]  }
0x1d9: {  	v11 =	vld [tilespmem:s17+$0x20]  }
0x1da: {  	v3 =	vadd.f32 v3, v5;
	v4 =	vadd.f32 v9, v4;
	v5 =	vld [tilespmem:s18+$0xB0]  }
0x1db: {  	v9 =	vld [tilespmem:s14+$0x20]  }
0x1dc: {  	v3 =	vmax.f32 v3, $0.0e+00;
	v4 =	vadd.f32 v8, v4;
	v8 =	vld [tilespmem:s18+$0x30]  }
0x1dd: {  	[tilespmem:s18+$0xFFFFFF20] =	vst v3;
	v3 =	vld [tilespmem:s18+$0xFFFFFF40];
	v2 =	vadd.f32 v7, v2  }
0x1de: {  	v7 =	vld [tilespmem:s17+$0xFFFFFF30];
	v4 =	vmax.f32 v4, $0.0e+00  }
0x1df: {  	v12 =	vld [tilespmem:s14+$0xFFFFFF30];
	[tilespmem:s18+$0xFFFFFFA0] =	vst v4;
	v2 =	vadd.f32 v5, v2  }
0x1e0: {  	v4 =	vld [tilespmem:s17+$0xFFFFFFB0];
	v5 =	vadd.f32 v9, v11  }
0x1e1: {  	v9 =	vld [tilespmem:s14+$0xFFFFFFB0];
	v2 =	vmax.f32 v2, $0.0e+00  }
0x1e2: {  	v11 =	vld [tilespmem:s18+$0xFFFFFFC0];
	v5 =	vadd.f32 v6, v5;
	[tilespmem:s18+$0xB0] =	vst v2  }
0x1e3: {  	v2 =	vld [tilespmem:s17+$0xC0]  }
0x1e4: {  	v6 =	vadd.f32 v12, v7;
	v5 =	vmax.f32 v5, $0.0e+00;
	v7 =	vld [tilespmem:s14+$0xC0]  }
0x1e5: {  	[tilespmem:s18+$0x20] =	vst v5;
	v5 =	vld [tilespmem:s18+$0x40]  }
0x1e6: {  	v1 =	vadd.f32 v1, v6;
	v4 =	vadd.f32 v9, v4;
	v6 =	vld [tilespmem:s18+$0xC0]  }
0x1e7: {  	v9 =	vld [tilespmem:s17+$0x30]  }
0x1e8: {  	v1 =	vmax.f32 v1, $0.0e+00;
	v4 =	vadd.f32 v10, v4;
	v10 =	vld [tilespmem:s14+$0x30]  }
0x1e9: {  	[tilespmem:s18+$0xFFFFFF30] =	vst v1;
	v12 =	vld [tilespmem:s18+$0xFFFFFF50];
	v1 =	vadd.f32 v7, v2  }
0x1ea: {  	v2 =	vld [tilespmem:s17+$0xFFFFFF40];
	v4 =	vmax.f32 v4, $0.0e+00  }
0x1eb: {  	v7 =	vld [tilespmem:s14+$0xFFFFFF40];
	[tilespmem:s18+$0xFFFFFFB0] =	vst v4;
	v1 =	vadd.f32 v6, v1  }
0x1ec: {  	v4 =	vld [tilespmem:s17+$0xFFFFFFC0]  }
0x1ed: {  	v6 =	vld [tilespmem:s14+$0xFFFFFFC0];
	v9 =	vadd.f32 v10, v9;
	v1 =	vmax.f32 v1, $0.0e+00  }
0x1ee: {  	v10 =	vld [tilespmem:s18+$0xFFFFFFD0];
	[tilespmem:s18+$0xC0] =	vst v1  }
0x1ef: {  	v1 =	vadd.f32 v8, v9;
	v8 =	vld [tilespmem:s17+$0xD0]  }
0x1f0: {  	v2 =	vadd.f32 v7, v2;
	v7 =	vld [tilespmem:s14+$0xD0]  }
0x1f1: {  	v1 =	vmax.f32 v1, $0.0e+00;
	v9 =	vld [tilespmem:s18+$0x50]  }
0x1f2: {  	v2 =	vadd.f32 v3, v2;
	v3 =	vadd.f32 v6, v4;
	[tilespmem:s18+$0x30] =	vst v1;
	v1 =	vld [tilespmem:s18+$0xD0]  }
0x1f3: {  	v4 =	vld [tilespmem:s17+$0x40]  }
0x1f4: {  	v2 =	vmax.f32 v2, $0.0e+00;
	v3 =	vadd.f32 v11, v3;
	v6 =	vld [tilespmem:s14+$0x40]  }
0x1f5: {  	[tilespmem:s18+$0xFFFFFF40] =	vst v2;
	v11 =	vld [tilespmem:s18+$0xFFFFFF60];
	v2 =	vadd.f32 v7, v8  }
0x1f6: {  	v7 =	vld [tilespmem:s17+$0xFFFFFF50];
	v3 =	vmax.f32 v3, $0.0e+00  }
0x1f7: {  	v8 =	vld [tilespmem:s14+$0xFFFFFF50];
	[tilespmem:s18+$0xFFFFFFC0] =	vst v3;
	v1 =	vadd.f32 v1, v2  }
0x1f8: {  	v2 =	vld [tilespmem:s17+$0xFFFFFFD0]  }
0x1f9: {  	v3 =	vld [tilespmem:s14+$0xFFFFFFD0];
	v4 =	vadd.f32 v6, v4;
	v1 =	vmax.f32 v1, $0.0e+00  }
0x1fa: {  	v6 =	vld [tilespmem:s18+$0xFFFFFFE0];
	[tilespmem:s18+$0xD0] =	vst v1  }
0x1fb: {  	v1 =	vadd.f32 v5, v4;
	v4 =	vld [tilespmem:s17+$0xE0]  }
0x1fc: {  	v5 =	vadd.f32 v8, v7;
	v7 =	vld [tilespmem:s14+$0xE0]  }
0x1fd: {  	v8 =	vmax.f32 v1, $0.0e+00;
	v1 =	vld [tilespmem:s18+$0x60]  }
0x1fe: {  	v5 =	vadd.f32 v12, v5;
	v2 =	vadd.f32 v3, v2;
	[tilespmem:s18+$0x40] =	vst v8;
	v3 =	vld [tilespmem:s18+$0xE0]  }
0x1ff: {  	v8 =	vld [tilespmem:s17+$0x50]  }
0x200: {  	v5 =	vmax.f32 v5, $0.0e+00;
	v2 =	vadd.f32 v10, v2;
	v10 =	vld [tilespmem:s14+$0x50]  }
0x201: {  	[tilespmem:s18+$0xFFFFFF50] =	vst v5;
	v4 =	vadd.f32 v7, v4;
	v5 =	vld [tilespmem:s13+$0x70];
	s13 =	smov.u32 s17  }
0x202: {  	v7 =	vld [tilespmem:s17+$0xFFFFFF60];
	v2 =	vmax.f32 v2, $0.0e+00  }
0x203: {  	v12 =	vld [tilespmem:s14+$0xFFFFFF60];
	[tilespmem:s18+$0xFFFFFFD0] =	vst v2;
	v2 =	vadd.f32 v3, v4  }
0x204: {  	v3 =	vld [tilespmem:s17+$0xFFFFFFE0]  }
0x205: {  	v4 =	vld [tilespmem:s14+$0xFFFFFFE0];
	v8 =	vadd.f32 v10, v8;
	v2 =	vmax.f32 v2, $0.0e+00  }
0x206: {  	[tilespmem:s18+$0xE0] =	vst v2;
	v10 =	vld [tilespmem:s12+$0x70];
	s12 =	smov.u32 s14  }
0x207: {  	v8 =	vadd.f32 v9, v8;
	v9 =	vld [tilespmem:s17+$0xF0]  }
0x208: {  	v7 =	vadd.f32 v12, v7;
	v12 =	vld [tilespmem:s14+$0xF0]  }
0x209: {  	v2 =	vld [tilespmem:s18+$0xFFFFFF70];
	v8 =	vmax.f32 v8, $0.0e+00  }
0x20a: {  	v7 =	vadd.f32 v11, v7;
	v3 =	vadd.f32 v4, v3;
	[tilespmem:s18+$0x50] =	vst v8;
	v8 =	vld [tilespmem:s18+$0xF0]  }
0x20b: {  	v11 =	vld [tilespmem:s17+$0x60];
	v4 =	vadd.f32 v10, v5  }
0x20c: {  	v5 =	vmax.f32 v7, $0.0e+00;
	v6 =	vadd.f32 v6, v3;
	v10 =	vld [tilespmem:s14+$0x60]  }
0x20d: {  	[tilespmem:s18+$0xFFFFFF60] =	vst v5;
	v3 =	vld [tilespmem:s18+$0xFFFFFFF0];
	v5 =	vadd.f32 v12, v9;
	v0 =	vadd.f32 v0, v4  }
.Ltmp8:
0x20e: {  	v4 =	vld [tilespmem:s17+$0xFFFFFF70];
	v7 =	vmax.f32 v6, $0.0e+00;
	(pc) =	sbr.rel @p1 .LBB2_11-.Ltmp8, $4  }
0x20f: {  	v6 =	vld [tilespmem:s14+$0xFFFFFF70];
	[tilespmem:s18+$0xFFFFFFE0] =	vst v7;
	v9 =	vadd.f32 v8, v5;
	v0 =	vmax.f32 v0, $0.0e+00  }
0x210: {  	v5 =	vld [tilespmem:s17+$0xFFFFFFF0];
	[tilespmem:s8+$0x70] =	vst v0;
	s8 =	smov.u32 s18  }
0x211: {  	v7 =	vld [tilespmem:s14+$0xFFFFFFF0];
	v8 =	vadd.f32 v10, v11;
	v9 =	vmax.f32 v9, $0.0e+00  }
0x212: {  	s17 =	sadd.s32 $0x200, s17;
	v0 =	vld [tilespmem:s18+$0x70];
	[tilespmem:s18+$0xF0] =	vst v9  }
.Ltmp9:
0x213: {  	_ = 	snop;
	(pc) =	sbr.rel .LBB2_12-.Ltmp9, $1  }
0x214: {  	_ =	sdelay $0x3  }
.LBB2_14:
0x215: {  	s2 =	rddreg [dreg:$0xc]  }
0x216: {  	[spmem:s20] =	stream.indirect.scatter.add.f32 [tilespmem:s30], [sflag:$0x5], $0x80, s2, s26, $0xb8;
	[tilespmem:$0x1FA80] =	vst v63  }
0x217: {  	_ =	swait.ge [sflag:s22], $0x4000  }
0x218: {  	[sflag:s22] =	ssyncset.done $0x0  }
0x219: {  	[sflag:s22] =	ssyncadd.s32 $0xFFFFC000  }
0x21a: {  	[bflag:$0x0] =	sbarrier.arrive $0xFFFF  }
0x21b: {  	s12 =	rddreg [dreg:$0xe]  }
0x21c: {  	s24 =	rddreg [dreg:$0x10]  }
0x21d: {  	[hbm:s12], [sflag:s19] =	dma.local [spmem:s24], $0x500  }
.Ltmp10:
0x21e: {  	_ = 	snop;
	(pc) =	sbr.rel @!p0 .LBB2_16-.Ltmp10, $4  }
0x21f: {  	_ =	swait.ge [sflag:s22], $0x500  }
0x220: {  	s17 =	rddreg [dreg:$0x7]  }
0x221: {  	s14 =	rddreg [dreg:$0xd]  }
0x222: {  	[sflag:s22] =	ssyncset.done $0x0;
	s8 =	sadd.s32 $0xFFFFFFFF, s17;
	s10 =	sadd.s32 $0x28000, s14  }
.LBB2_15:
0x223: {  	s13 =	sshrl.u32 s10, $0x3  }
0x224: {  	[sflag:s22] =	ssyncadd.s32 $0xFFFFFB00;
	s12 =	sadd.s32 $0x5000, s12;
	p0 =	sne.s32 s8, $0x1  }
0x225: {  	[hbm:s12], [sflag:s19] =	dma.local [spmem:s13], $0x500  }
.Ltmp11:
0x226: {  	_ = 	snop;
	(pc) =	sbr.rel @p0 .LBB2_15-.Ltmp11, $4  }
0x227: {  	_ = 	snop  }
0x228: {  	s8 =	sadd.s32 $0xFFFFFFFF, s8  }
0x229: {  	_ =	swait.ge [sflag:s22], $0x500  }
0x22a: {  	s10 =	sadd.s32 $0x28000, s10;
	[sflag:s22] =	ssyncset.done $0x0  }
.LBB2_16:
0x22b: {  	s8 =	rddreg [dreg:$0xf]  }
0x22c: {  	s2 =	rddreg [dreg:$0xb];
	s8 =	sadd.s32 $0x1, s8  }
0x22d: {  	p0 =	sne.s32 s8, s2  }
.Ltmp12:
0x22e: {  	_ = 	snop;
	(pc) =	sbr.rel @p0 .LBB2_1-.Ltmp12, $2  }
0x22f: {  	_ =	sdelay $0x2  }
0x230: {  	[sflag:s22] =	ssyncadd.s32 $0xFFFFFB00  }
0x231: {  	_ =	sfence.sel $0x180000  }
0x232: {  	[bflag:$0x0] =	sbarrier.arrive $0xFFFF  }
0x233: {  	_ =	strace $0x90000050  }
0x234: {  	s0 =	stileid.u32;
	[bflag:$0x2] =	sbarrier.arrive $0xFFFF  }
0x235: {  	p0 =	sne.s32 s0, $0x0;
	s0 =	rddreg [dreg:$0x3]  }
0x236: {  	s0 =	sadd.s32 @!p0 $0x100000, s0  }
0x237: {  	[sflag:s0] =	ssyncadd.tile.s32 @!p0 $0x1;
	_ =	shalt  }
.Lfunc_end2:
_tile_overlayer_lowered:
.L_overlay_start_2:
0x238: {  	(tag) =	ssettag $0x2  }
0x239: {  	s0 =	rddreg [dreg:$0x0];
	s2 =	stileid.u32  }
0x23a: {  	s1 =	rddreg [dreg:$0x1];
	p0 =	sne.s32 s2, $0x0  }
0x23b: {  	s3 =	rddreg [dreg:$0x2];
	[bflag:$0x3] =	sbarrier.arrive $0xFFFF;
	s2 =	simm.s32 @!p0 $0x1C05  }
0x23c: {  	[timem:s3], [sflag:s2] =	dma.local @!p0 [hbm:s0], s1  }
0x23d: {  	s0 =	simm.s32 @!p0 $0x5  }
0x23e: {  	_ =	swait.ge @!p0 [sflag:s0], s1  }
0x23f: {  	s1 =	ssub.s32 @!p0 $0x0, s1;
	[sflag:s0] =	ssyncset.done @!p0 $0x0  }
0x240: {  	[sflag:s0] =	ssyncadd.s32 @!p0 s1  }
0x241: {  	[bflag:$0x3] =	sbarrier.arrive $0xFFFF  }
0x242: {  	_ =	shalt  }

// kernel: kernel.18.cloned.1.call-start
scs
__scs_entry_jumppad:
0x0: {  	(pc) =	sbr.rel $0x88, $3  }
0x1: {  	(tag) =	ssettag $0x0;
	lr =	simm.s32 $0x1  }
0x2: {  	[smem:$0x3F90] =	sst lr;
	_ =	strace $0xD0000000  }
0x3: {  	_ = 	snop  }
0x4: {  	_ = 	snop  }
0x5: {  	_ = 	snop  }
0x6: {  	_ = 	snop  }
0x7: {  	_ = 	snop  }
__scs_overlays_trampoline_lowered:
0x8: {  	[smem:$0x3F9F] =	sst s0  }
0x9: {  	[smem:$0x3FA0] =	sst s1  }
0xa: {  	[smem:$0x3FA1] =	sst s2  }
0xb: {  	[smem:$0x3FA2] =	sst s3  }
0xc: {  	[smem:$0x3FA3] =	sst s4  }
0xd: {  	[smem:$0x3FA4] =	sst s5  }
0xe: {  	[smem:$0x3FA5] =	sst s6  }
0xf: {  	[smem:$0x3FA6] =	sst s7  }
0x10: {  	[smem:$0x3FA7] =	sst s8  }
0x11: {  	[smem:$0x3FA8] =	sst s9;
	s0 =	simm.s32 @!p0 $0x0  }
0x12: {  	s1 =	sld [smem:$0x3F8E];
	s0 =	simm.s32 @p0 $0x1  }
0x13: {  	[smem:$0x3FA9] =	sst s0;
	s0 =	simm.s32 @!p1 $0x0  }
0x14: {  	s2 =	sld [smem:$0x3F8D];
	s0 =	simm.s32 @p1 $0x1  }
0x15: {  	[smem:$0x3FAA] =	sst s0;
	s0 =	simm.s32 @!p2 $0x0  }
0x16: {  	s3 =	sld [smem:$0x3FDB];
	s0 =	simm.s32 @p2 $0x1  }
0x17: {  	s4 =	simm.s32 $0x1BF5;
	[smem:$0x3FAC] =	sst s0  }
0x18: {  	s0 =	sld [smem:$0x3F8F];
	_ =	swait.ge [sflag:s4], $0x0  }
0x19: {  	s7 =	sld [smem:$0x3F90]  }
0x1a: {  	s8 =	sadd.s32 $0xFFFFE003, lr  }
0x1b: {  	s9 =	sadd.s32 $0xFFFFFEF7, lr;
	s5 =	simm.s32 $0xFFFFFFFF;
	p2 =	slt.u32 s8, $0xFFFFF086  }
0x1c: {  	p1 =	slt.u32 s9, $0xF7A;
	s5 =	simm.s32 @!p2 $0x0  }
0x1d: {  	s5 =	simm.s32 @p1 $0x1;
	p0 =	seq.s32 s7, s2  }
0x1e: {  	s7 =	smul.u32 @!p0 $0xF7A, s2;
	p2 =	seq.s32 @!p0 s5, $0x0  }
0x1f: {  	s9 =	smul.u32 $0xF7A, s1;
	s8 =	simm.s32 @!p0 $0x1BF5;
	p2 =	por !p2, p0  }
0x20: {  	[sflag:s8] =	ssyncset.s32 @!p0 $0xFFFFF086;
	s6 =	sadd.s32 @!p0 s3, s7;
	s7 =	simm.s32 @!p0 $0x108  }
0x21: {  	s3 =	sadd.s32 s3, s9;
	s6 =	sadd.s32 @!p0 $0x88, s6;
	s7 =	simm.s32 @p2 $0x1082  }
0x22: {  	[simem:s7], [sflag:s8] =	dma.local @!p0 [hbm:s6], $0xF7A  }
0x23: {  	s9 =	sor.u32 $0xD0000000, s2;
	s6 =	simm.s32 $0x108;
	_ =	swait.ge @!p0 [sflag:s8], $0x0  }
0x24: {  	s3 =	sadd.s32 $0x88, s3;
	s6 =	simm.s32 @!p1 $0x1082;
	[sflag:s4] =	ssyncset.s32 $0xFFFFF086  }
0x25: {  	[simem:s6], [sflag:s4] =	dma.local [hbm:s3], $0xF7A  }
0x26: {  	[smem:$0x3F90] =	sst s1;
	(tag) =	ssettag s2;
	_ =	strace s9  }
0x27: {  	s1 =	sld [smem:$0x3FA0]  }
0x28: {  	s2 =	sld [smem:$0x3FA1]  }
0x29: {  	s4 =	sld [smem:$0x3FA3]  }
0x2a: {  	p0 =	seq.s32 s5, $0x0;
	s5 =	sld [smem:$0x3FA4]  }
0x2b: {  	s6 =	sld [smem:$0x3FA5]  }
0x2c: {  	s7 =	sld [smem:$0x3FA6]  }
0x2d: {  	s3 =	simm.s32 $0x108;
	s8 =	sld [smem:$0x3FA7]  }
0x2e: {  	s3 =	simm.s32 @!p0 $0x1082;
	s9 =	sld [smem:$0x3FA8]  }
0x2f: {  	lr =	sadd.s32 s0, s3;
	s0 =	sld [smem:$0x3F9F]  }
0x30: {  	s3 =	sld [smem:$0x3FA2]  }
0x31: {  	[smem:$0x3FAB] =	sst s10  }
0x32: {  	s10 =	sld [smem:$0x3FA9];
	_ =	sdelay $0x3  }
0x33: {  	p0 =	seq.s32 s10, $0x1;
	s10 =	sld [smem:$0x3FAB];
	_ =	sdelay $0x3  }
0x34: {  	[smem:$0x3FAB] =	sst s10  }
0x35: {  	s10 =	sld [smem:$0x3FAA];
	_ =	sdelay $0x3  }
0x36: {  	p1 =	seq.s32 s10, $0x1;
	s10 =	sld [smem:$0x3FAB];
	_ =	sdelay $0x3  }
0x37: {  	[smem:$0x3FAB] =	sst s10  }
0x38: {  	s10 =	sld [smem:$0x3FAC]  }
0x39: {  	_ = 	snop;
	(pc) =	sbr.ind lr, $3  }
0x3a: {  	_ = 	snop  }
0x3b: {  	_ = 	snop  }
0x3c: {  	p2 =	seq.s32 s10, $0x1;
	s10 =	sld [smem:$0x3FAB]  }
0x3d: {  	_ =	shalt  }
0x3e: {  	_ =	shalt  }
0x3f: {  	_ =	shalt  }
0x40: {  	_ =	shalt  }
0x41: {  	_ =	shalt  }
0x42: {  	_ =	shalt  }
0x43: {  	_ =	shalt  }
0x44: {  	_ =	shalt  }
0x45: {  	_ =	shalt  }
0x46: {  	_ =	shalt  }
0x47: {  	_ =	shalt  }
0x48: {  	_ =	shalt  }
0x49: {  	_ =	shalt  }
0x4a: {  	_ =	shalt  }
0x4b: {  	_ =	shalt  }
0x4c: {  	_ =	shalt  }
0x4d: {  	_ =	shalt  }
0x4e: {  	_ =	shalt  }
0x4f: {  	_ =	shalt  }
0x50: {  	_ =	shalt  }
0x51: {  	_ =	shalt  }
0x52: {  	_ =	shalt  }
0x53: {  	_ =	shalt  }
0x54: {  	_ =	shalt  }
0x55: {  	_ =	shalt  }
0x56: {  	_ =	shalt  }
0x57: {  	_ =	shalt  }
0x58: {  	_ =	shalt  }
0x59: {  	_ =	shalt  }
0x5a: {  	_ =	shalt  }
0x5b: {  	_ =	shalt  }
0x5c: {  	_ =	shalt  }
0x5d: {  	_ =	shalt  }
0x5e: {  	_ =	shalt  }
0x5f: {  	_ =	shalt  }
0x60: {  	_ =	shalt  }
0x61: {  	_ =	shalt  }
0x62: {  	_ =	shalt  }
0x63: {  	_ =	shalt  }
0x64: {  	_ =	shalt  }
0x65: {  	_ =	shalt  }
0x66: {  	_ =	shalt  }
0x67: {  	_ =	shalt  }
0x68: {  	_ =	shalt  }
0x69: {  	_ =	shalt  }
0x6a: {  	_ =	shalt  }
0x6b: {  	_ =	shalt  }
0x6c: {  	_ =	shalt  }
0x6d: {  	_ =	shalt  }
0x6e: {  	_ =	shalt  }
0x6f: {  	_ =	shalt  }
0x70: {  	_ =	shalt  }
0x71: {  	_ =	shalt  }
0x72: {  	_ =	shalt  }
0x73: {  	_ =	shalt  }
0x74: {  	_ =	shalt  }
0x75: {  	_ =	shalt  }
0x76: {  	_ =	shalt  }
0x77: {  	_ =	shalt  }
0x78: {  	_ =	shalt  }
0x79: {  	_ =	shalt  }
0x7a: {  	_ =	shalt  }
0x7b: {  	_ =	shalt  }
0x7c: {  	_ =	shalt  }
0x7d: {  	_ =	shalt  }
0x7e: {  	_ =	shalt  }
0x7f: {  	_ =	shalt  }
0x80: {  	_ =	shalt  }
0x81: {  	_ =	shalt  }
0x82: {  	_ =	shalt  }
0x83: {  	_ =	shalt  }
0x84: {  	_ =	shalt  }
0x85: {  	_ =	shalt  }
0x86: {  	_ =	shalt  }
0x87: {  	_ =	shalt  }
.Lfunc_end0:
.L_simem_size_0:
called_computation.3_lowered:
.L_overlay_start_0:
0x88: {  	s2 =	sld [smem:$0x3FD9]  }
0x89: {  	s3 =	sld [smem:$0x3FFE];
	_ =	sdelay $0x1  }
0x8a: {  	s1 =	srdreg.scid  }
0x8b: {  	s0 =	sand.u32 $0x1, s1  }
0x8c: {  	s17 =	sshll.u32 s0, $0xA;
	s2 =	sadd.s32 s3, s2  }
0x8d: {  	s2 =	sadd.s32 s2, s17  }
0x8e: {  	[smem:$0x3FB7] =	sst s2  }
0x8f: {  	_ = 	snop  }
0x90: {  	s2 =	sld [smem:$0x3FD0];
	(tm) =	ssettm $0x1  }
0x91: {  	s18 =	sld [smem:$0x3FFB];
	_ =	sdelay $0x3  }
0x92: {  	_ =	strace s18  }
0x93: {  	s3 =	sld [smem:$0x3FFC];
	_ =	sdelay $0x3  }
0x94: {  	_ =	strace s3  }
0x95: {  	s3 =	sld [smem:$0x3FFD];
	_ =	sdelay $0x3  }
0x96: {  	_ =	strace s3  }
0x97: {  	_ =	strace $0x8FFFFFFF  }
0x98: {  	s19 =	sld [smem:$0x3FDB];
	_ =	sdelay $0x1  }
0x99: {  	s4 =	simm.s32 $_scs_section_size  }
0x9a: {  	s5 =	simm.s32 $_size__tile_overlayer_lowered;
	s6 =	simm.s32 $_tile_overlayer_lowered  }
0x9b: {  	s22 =	simm.s32 $0x1BFF;
	s21 =	sshll.u32 s6, $0x1;
	s3 =	sadd.s32 s4, s19  }
0x9c: {  	s7 =	simm.s32 $0x0;
	s20 =	sshll.u32 s5, $0x1;
	s5 =	sadd.s32 s21, s3  }
0x9d: {  	[timem:s7], [sflag:s22] =	dma.local [hbm:s5], s20  }
0x9e: {  	_ =	swait.ge [sflag:s22], s20  }
0x9f: {  	s4 =	ssub.s32 $0x0, s20;
	[sflag:s22] =	ssyncset.done $0x0  }
0xa0: {  	[sflag:s22] =	ssyncadd.s32 s4;
	_ =	sdelay $0x1  }
0xa1: {  	s23 =	simm.s32 $0x1B8B  }
0xa2: {  	_ =	swait.ge [sflag:s23], $0x1  }
0xa3: {  	[sflag:s23] =	ssyncset.done $0x0  }
0xa4: {  	s25 =	simm.s32 $0x1B8E;
	s24 =	sld [smem:$0x3FFE];
	[sflag:s23] =	ssyncadd.s32 $0xFFFFFFFF  }
0xa5: {  	s26 =	simm.s32 $execute0_lowered;
	[smem:$0x3FD2] =	sst s25  }
0xa6: {  	s5 =	sshll.u32 s26, $0x1;
	_ =	strace $0x8000004C;
	[dreg:$0x1] =	wrdreg $0xFFFFFFFF  }
0xa7: {  	s28 =	simm.s32 $_size_execute0_lowered;
	s3 =	sadd.s32 s3, s5;
	[dreg:$0x0] =	wrdreg $0x0  }
0xa8: {  	s5 =	sshll.u32 s28, $0x1;
	[dreg:$0x2] =	wrdreg s3  }
0xa9: {  	[dreg:$0x3] =	wrdreg s5  }
0xaa: {  	[dreg:$0x4] =	wrdreg $0xC0  }
0xab: {  	_ =	task [dreg:s7], $0x5FFFF  }
0xac: {  	[dreg:$0x1] =	wrdreg $0xFFFFFFFF  }
0xad: {  	[dreg:$0x0] =	wrdreg $0x60  }
0xae: {  	[dreg:$0x2] =	wrdreg s24  }
0xaf: {  	[dreg:$0x3] =	wrdreg s2  }
0xb0: {  	[dreg:$0x4] =	wrdreg $0x82000  }
0xb1: {  	[dreg:$0x5] =	wrdreg $0xA  }
0xb2: {  	_ =	task.clear_ibuf [dreg:s7], $0x6FFFF;
	_ =	strace $0x9000004C  }
0xb3: {  	s29 =	simm.s32 $0xA;
	_ =	strace $0x8000004E  }
0xb4: {  	_ =	swait.ge [sflag:s29], $0x1  }
0xb5: {  	[sflag:s29] =	ssyncadd.s32 $0xFFFFFFFF  }
0xb6: {  	_ =	strace $0x9000004E  }
0xb7: {  	_ =	sfence  }
0xb8: {  	s30 =	sld [smem:$0x0];
	_ =	sdelay $0x2  }
0xb9: {  	s31 =	sshll.u32 s1, $0xD;
	s1 =	sshrl.u32 s1, $0x2  }
0xba: {  	s3 =	sand.u32 $0x4000, s31;
	s1 =	sadd.s32 s1, s30  }
0xbb: {  	s0 =	sor.u32 s3, s0;
	s1 =	sshll.u32 s1, $0x11  }
0xbc: {  	s0 =	sor.u32 s1, s0  }
0xbd: {  	s0 =	sadd.s32 $0x8F2B, s0  }
0xbe: {  	[sflag:s0] =	ssyncadd.remote.s32 $0x1  }
0xbf: {  	_ =	sfence.sel $0xFFFF  }
0xc0: {  	[dreg:$0x0] =	wrdreg $0xFFFFFFFF;
	(pc) =	sbr.abs _section_cstart, $3  }
0xc1: {  	[dreg:$0x1] =	wrdreg $0xFFFFFFFF  }
0xc2: {  	_ =	task.clear_ibuf [dreg:s7], $0x2FFFF;
	_ =	strace $0x9FFFFFFF  }
0xc3: {  	(tm) =	ssettm $0x7FFFFFFF  }
tec
execute0_lowered:
.L_overlay_start_1:
0x0: {  	(tag) =	ssettag $0x1  }
0x1: {  	s0 =	rddreg [dreg:$0x0]  }
0x2: {  	s2 =	rddreg [dreg:$0x2];
	s3 =	simm.s32 $0x0;
	s1 =	srdreg.scid  }
0x3: {  	s25 =	stileid.u32;
	s19 =	simm.s32 $0x5;
	s20 =	simm.s32 $0x100  }
0x4: {  	s21 =	simm.s32 $0x1;
	s22 =	simm.s32 $0x80;
	s23 =	simm.s32 $0x180  }
0x5: {  	s29 =	simm.s32 $0x0;
	[smem:$0x7FF] =	sst s3;
	s1 =	sand.u32 $0x1, s1  }
0x6: {  	s24 =	sadd.s32 $0xAE00, s0;
	s15 =	sadd.s32 $0x5E00, s0;
	s5 =	sadd.s32 $0xFE00, s0  }
0x7: {  	p0 =	seq.s32 s25, $0x0;
	s26 =	ssub.s32 $0x8C, s25;
	s17 =	smul.u32 $0xA000, s25  }
0x8: {  	s16 =	sshll.u32 s25, $0x5;
	s31 =	smul.u32 $0x500, s25;
	s25 =	simm.s32 $0x3  }
0x9: {  	_ =	strace $0x8000004D;
	s4 =	smul.u32 $0x27100, s1;
	s6 =	ssub.s32 $0x2, s1  }
0xa: {  	s1 =	sshll.u32 s1, $0x4;
	s18 =	sadd.s32 s16, s15;
	s3 =	sadd.s32 s16, s24  }
0xb: {  	s7 =	sshrl.u32 s6, $0x1;
	s12 =	sor.u32 s1, s16;
	s17 =	sshrl.u32 s17, $0x2  }
0xc: {  	s16 =	sadd.s32 s1, s18;
	s18 =	simm.s32 $0x200;
	s0 =	sadd.s32 s4, s0  }
0xd: {  	s10 =	ssub.s32 s6, s7;
	s6 =	simm.s32 $0x28;
	s7 =	sshrl.u32 s26, $0x4  }
0xe: {  	s8 =	sadd.s32 s24, s12;
	s28 =	sadd.s32 s15, s12;
	s30 =	sor.u32 $0x200, s12  }
0xf: {  	s14 =	sor.u32 $0x400, s12;
	s26 =	simm.s32 $0x2;
	[dreg:$0x5] =	wrdreg s8  }
0x10: {  	s6 =	simm.s32 @!p0 $0x27;
	[dreg:$0x6] =	wrdreg s28;
	s0 =	sadd.s32 $0x148E00, s0  }
0x11: {  	s10 =	smax.u32 s10, $0x1;
	s11 =	sadd.s32 $0xFFFFFFFF, s6;
	s13 =	sand.u32 $0x1, s6  }
0x12: {  	s12 =	sadd.s32 s15, s30;
	[dreg:$0x4] =	wrdreg s11;
	p0 =	seq.s32 s13, $0x1  }
0x13: {  	s11 =	sadd.s32 s24, s30;
	s13 =	sadd.s32 s24, s14;
	s14 =	sadd.s32 s15, s14  }
0x14: {  	s15 =	sadd.s32 s17, s2;
	s17 =	sadd.s32 s1, s3;
	s24 =	sadd.s32 s0, s31  }
.LBB2_1:
0x15: {  	s0 =	rddreg [dreg:$0x1];
	s1 =	simm.s32 $0x0  }
0x16: {  	[tilespmem:s18], [sflag:$0x5] =	stream.linear.gather [hbm4b:s0+s1], $0x4000, $0x38;
	[tilespmem:$0x1BA80] =	vst v63  }
0x17: {  	p1 =	sne.s32 s7, $0x1;
	_ =	swait.ge [sflag:s19], $0x4000  }
.Ltmp0:
0x18: {  	[sflag:s19] =	ssyncset.done $0x0;
	(pc) =	sbr.rel @!p1 .LBB2_3-.Ltmp0, $4  }
0x19: {  	[sflag:s19] =	ssyncadd.s32 $0xFFFFC000  }
0x1a: {  	[spmem:s15] =	stream.linear.scatter [tilespmem:s18], [sflag:$0x5], $0x2800, $0x38;
	[tilespmem:$0x1BA80] =	vst v63  }
0x1b: {  	_ =	swait.ge [sflag:s19], $0x2800  }
0x1c: {  	s0 =	sadd.s32 $0xFFFFFFFF, s7;
	s1 =	smov.u32 s15;
	[sflag:s19] =	ssyncset.done $0x0  }
.LBB2_2:
0x1d: {  	p2 =	sne.s32 s0, $0x1;
	[sflag:s19] =	ssyncadd.s32 $0xFFFFD800;
	s1 =	sadd.s32 $0x28000, s1  }
.Ltmp1:
0x1e: {  	s0 =	sadd.s32 $0xFFFFFFFF, s0;
	(pc) =	sbr.rel @p2 .LBB2_2-.Ltmp1, $4  }
0x1f: {  	_ = 	snop  }
0x20: {  	[spmem:s1] =	stream.linear.scatter [tilespmem:s18], [sflag:$0x5], $0x2800, $0x38;
	[tilespmem:$0x1BA80] =	vst v63  }
0x21: {  	_ =	swait.ge [sflag:s19], $0x2800  }
0x22: {  	[sflag:s19] =	ssyncset.done $0x0  }
.LBB2_3:
0x23: {  	[sflag:s19] =	ssyncadd.s32 $0xFFFFD800  }
0x24: {  	[bflag:$0x0] =	sbarrier.arrive $0xFFFF  }
0x25: {  	s0 =	simm.s32 $0x0;
	s1 =	rddreg [dreg:$0x5]  }
0x26: {  	[tilespmem:s0], [sflag:$0x1] =	stream.linear.gather [hbm4b:s1+s0], $0x80, $0x38;
	[tilespmem:$0x1BA80] =	vst v63  }
0x27: {  	s3 =	rddreg [dreg:$0x6]  }
0x28: {  	[tilespmem:s20], [sflag:$0x1] =	stream.linear.gather [hbm4b:s3+s0], $0x80, $0x38;
	[tilespmem:$0x1BA80] =	vst v63  }
0x29: {  	_ =	swait.ge [sflag:s21], $0x80  }
0x2a: {  	[sflag:s21] =	ssyncset.done $0x0  }
0x2b: {  	[sflag:s21] =	ssyncadd.s32 $0xFFFFFF80  }
0x2c: {  	_ =	swait.ge [sflag:s21], $0x80  }
0x2d: {  	[sflag:s21] =	ssyncset.done $0x0  }
0x2e: {  	[sflag:s21] =	ssyncadd.s32 $0xFFFFFF80  }
0x2f: {  	[tilespmem:s18], [sflag:$0x3] =	stream.indirect.gather [hbm4b:s5+s22], $0x80, s20, s22, $0xb8;
	[tilespmem:$0x1BA80] =	vst v63  }
0x30: {  	_ = 	snop  }
0x31: {  	[tilespmem:s22], [sflag:$0x2] =	stream.linear.gather [hbm4b:s11+s0], $0x80, $0x38;
	[tilespmem:$0x1BA80] =	vst v63  }
0x32: {  	_ = 	snop  }
0x33: {  	[tilespmem:s23], [sflag:$0x2] =	stream.linear.gather [hbm4b:s12+s0], $0x80, $0x38;
	[tilespmem:$0x1BA80] =	vst v63  }
0x34: {  	_ =	swait.ge [sflag:s25], $0x4000  }
0x35: {  	[sflag:s25] =	ssyncset.done $0x0  }
0x36: {  	[sflag:s25] =	ssyncadd.s32 $0xFFFFC000  }
0x37: {  	_ =	swait.ge [sflag:s26], $0x80  }
0x38: {  	[sflag:s26] =	ssyncset.done $0x0  }
0x39: {  	[sflag:s26] =	ssyncadd.s32 $0xFFFFFF80  }
0x3a: {  	_ =	swait.ge [sflag:s26], $0x80  }
0x3b: {  	[sflag:s26] =	ssyncset.done $0x0  }
0x3c: {  	s4 =	simm.s32 $0x4200;
	[sflag:s26] =	ssyncadd.s32 $0xFFFFFF80  }
0x3d: {  	[tilespmem:s4], [sflag:$0x4] =	stream.indirect.gather [hbm4b:s5+s22], $0x80, s23, s22, $0xb8;
	[tilespmem:$0x1BA80] =	vst v63  }
0x3e: {  	_ = 	snop  }
0x3f: {  	[spmem:s2] =	stream.indirect.scatter.add.f32 [tilespmem:s18], [sflag:$0x5], $0x80, s0, s22, $0xb8;
	[tilespmem:$0x1BA80] =	vst v63  }
0x40: {  	_ =	swait.ge [sflag:s19], $0x4000  }
0x41: {  	[sflag:s19] =	ssyncset.done $0x0  }
0x42: {  	[sflag:s19] =	ssyncadd.s32 $0xFFFFC000  }
0x43: {  	[tilespmem:s0], [sflag:$0x1] =	stream.linear.gather [hbm4b:s13+s0], $0x80, $0x38;
	[tilespmem:$0x1BA80] =	vst v63  }
0x44: {  	s8 =	simm.s32 $0x4  }
0x45: {  	[tilespmem:s20], [sflag:$0x1] =	stream.linear.gather [hbm4b:s14+s0], $0x80, $0x38;
	[tilespmem:$0x1BA80] =	vst v63  }
0x46: {  	_ =	swait.ge [sflag:s8], $0x4000  }
0x47: {  	p2 =	sle.u32 s6, $0x2;
	[sflag:s8] =	ssyncset.done $0x0  }
0x48: {  	s0 =	simm.s32 @!p2 $0x1;
	[sflag:s8] =	ssyncadd.s32 $0xFFFFC000  }
0x49: {  	_ =	swait.ge @!p2 [sflag:s0], $0x80  }
0x4a: {  	[sflag:s0] =	ssyncset.done @!p2 $0x0  }
0x4b: {  	[sflag:s0] =	ssyncadd.s32 @!p2 $0xFFFFFF80  }
0x4c: {  	_ =	swait.ge @!p2 [sflag:s0], $0x80  }
0x4d: {  	s1 =	simm.s32 @!p2 $0x200;
	[sflag:s0] =	ssyncset.done @!p2 $0x0  }
0x4e: {  	s3 =	simm.s32 @!p2 $0x100;
	[sflag:s0] =	ssyncadd.s32 @!p2 $0xFFFFFF80;
	s0 =	simm.s32 @!p2 $0x80  }
0x4f: {  	[tilespmem:s1], [sflag:$0x3] =	stream.indirect.gather @!p2 [hbm4b:s5+s0], $0x80, s3, s0, $0xb8;
	[tilespmem:$0x1BA80] =	vst v63  }
0x50: {  	p3 =	sle.u32 @!p2 s6, $0x3;
	s1 =	simm.s32 @!p2 $0x4200;
	s3 =	simm.s32 @!p2 $0x5  }
0x51: {  	[spmem:s2] =	stream.indirect.scatter.add.f32 @!p2 [tilespmem:s1], [sflag:$0x5], $0x80, s0, s0, $0xb8;
	[tilespmem:$0x1BA80] =	vst v63  }
0x52: {  	p3 =	por p3, p2;
	_ =	swait.ge @!p2 [sflag:s3], $0x4000  }
0x53: {  	s0 =	sadd.s32 @!p3 $0x0, s17;
	s1 =	simm.s32 @!p3 $0x80;
	[sflag:s3] =	ssyncset.done @!p2 $0x0  }
0x54: {  	s0 =	sadd.s32 @!p3 $0x600, s0;
	[sflag:s3] =	ssyncadd.s32 @!p2 $0xFFFFC000;
	s3 =	simm.s32 @!p3 $0x0  }
0x55: {  	[tilespmem:s1], [sflag:$0x2] =	stream.linear.gather @!p3 [hbm4b:s0+s3], $0x80, $0x38;
	[tilespmem:$0x1BA80] =	vst v63  }
0x56: {  	s0 =	sadd.s32 @!p3 $0x0, s16  }
0x57: {  	s28 =	simm.s32 @!p2 $0x3;
	s1 =	simm.s32 @!p3 $0x180;
	s0 =	sadd.s32 @!p3 $0x600, s0  }
0x58: {  	[tilespmem:s1], [sflag:$0x2] =	stream.linear.gather @!p3 [hbm4b:s0+s3], $0x80, $0x38;
	[tilespmem:$0x1BA80] =	vst v63  }
0x59: {  	_ =	swait.ge @!p2 [sflag:s28], $0x4000  }
0x5a: {  	s9 =	rddreg [dreg:$0x4]  }
0x5b: {  	[sflag:s28] =	ssyncset.done @!p2 $0x0;
	p3 =	sle.u32 s9, $0x2  }
0x5c: {  	[sflag:s28] =	ssyncadd.s32 @!p2 $0xFFFFC000;
	s0 =	simm.s32 @!p3 $0x2  }
0x5d: {  	_ =	swait.ge @!p3 [sflag:s0], $0x80  }
0x5e: {  	[sflag:s0] =	ssyncset.done @!p3 $0x0  }
0x5f: {  	[sflag:s0] =	ssyncadd.s32 @!p3 $0xFFFFFF80  }
0x60: {  	s30 =	simm.s32 $0x400;
	_ =	swait.ge @!p3 [sflag:s0], $0x80  }
0x61: {  	p2 =	sle.u32 @!p3 s6, $0x4;
	s1 =	simm.s32 @!p3 $0x4200;
	[sflag:s0] =	ssyncset.done @!p3 $0x0  }
0x62: {  	s3 =	simm.s32 @!p3 $0x80;
	s28 =	simm.s32 @!p3 $0x180;
	[sflag:s0] =	ssyncadd.s32 @!p3 $0xFFFFFF80  }
0x63: {  	[tilespmem:s1], [sflag:$0x4] =	stream.indirect.gather @!p3 [hbm4b:s5+s3], $0x80, s28, s3, $0xb8;
	[tilespmem:$0x1BA80] =	vst v63  }
0x64: {  	s0 =	simm.s32 @!p3 $0x0;
	s1 =	simm.s32 @!p3 $0x200;
	s28 =	simm.s32 @!p3 $0x5  }
0x65: {  	[spmem:s2] =	stream.indirect.scatter.add.f32 @!p3 [tilespmem:s1], [sflag:$0x5], $0x80, s0, s3, $0xb8;
	[tilespmem:$0x1BA80] =	vst v63  }
0x66: {  	s31 =	simm.s32 $0x6;
	p2 =	por p2, p3;
	_ =	swait.ge @!p3 [sflag:s28], $0x4000  }
0x67: {  	s0 =	sadd.s32 @!p2 $0x0, s17;
	s1 =	sadd.s32 @!p2 $0x0, s16;
	[sflag:s28] =	ssyncset.done @!p3 $0x0  }
0x68: {  	s3 =	simm.s32 @!p2 $0x0;
	s0 =	sadd.s32 @!p2 $0x800, s0;
	[sflag:s28] =	ssyncadd.s32 @!p3 $0xFFFFC000  }
0x69: {  	[tilespmem:s3], [sflag:$0x1] =	stream.linear.gather @!p2 [hbm4b:s0+s3], $0x80, $0x38;
	[tilespmem:$0x1BA80] =	vst v63  }
0x6a: {  	s28 =	simm.s32 @!p3 $0x4;
	s0 =	sadd.s32 @!p2 $0x800, s1;
	s1 =	simm.s32 @!p2 $0x100  }
0x6b: {  	[tilespmem:s1], [sflag:$0x1] =	stream.linear.gather @!p2 [hbm4b:s0+s3], $0x80, $0x38;
	[tilespmem:$0x1BA80] =	vst v63  }
0x6c: {  	s0 =	simm.s32 $0x800;
	s1 =	simm.s32 $0x4;
	_ =	swait.ge @!p3 [sflag:s28], $0x4000  }
.LBB2_4:
0x6d: {  	p4 =	sge.u32 s1, s6;
	[sflag:s28] =	ssyncset.done @!p3 $0x0  }
0x6e: {  	s4 =	simm.s32 @!p4 $0x1;
	[sflag:s28] =	ssyncadd.s32 @!p3 $0xFFFFC000  }
0x6f: {  	_ =	swait.ge @!p4 [sflag:s4], $0x80  }
0x70: {  	[sflag:s4] =	ssyncset.done @!p4 $0x0  }
0x71: {  	[sflag:s4] =	ssyncadd.s32 @!p4 $0xFFFFFF80  }
0x72: {  	s8 =	sadd.s32 @!p4 $0xFFFFFFFF, s31;
	_ =	swait.ge @!p4 [sflag:s4], $0x80  }
0x73: {  	s28 =	simm.s32 @!p4 $0x100;
	p3 =	sge.u32 @!p4 s8, s6;
	[sflag:s4] =	ssyncset.done @!p4 $0x0  }
0x74: {  	s8 =	simm.s32 @!p4 $0x200;
	[sflag:s4] =	ssyncadd.s32 @!p4 $0xFFFFFF80;
	s4 =	simm.s32 @!p4 $0x80  }
0x75: {  	[tilespmem:s8], [sflag:$0x3] =	stream.indirect.gather @!p4 [hbm4b:s5+s4], $0x80, s28, s4, $0xb8;
	[tilespmem:$0x1BA80] =	vst v63  }
0x76: {  	s8 =	simm.s32 @!p4 $0x4200;
	s28 =	simm.s32 @!p4 $0x5  }
0x77: {  	[spmem:s2] =	stream.indirect.scatter.add.f32 @!p4 [tilespmem:s8], [sflag:$0x5], $0x80, s4, s4, $0xb8;
	[tilespmem:$0x1BA80] =	vst v63  }
0x78: {  	p3 =	por p3, p4;
	_ =	swait.ge @!p4 [sflag:s28], $0x4000  }
0x79: {  	s4 =	sadd.s32 @!p3 s30, s17;
	s8 =	simm.s32 @!p3 $0x80;
	[sflag:s28] =	ssyncset.done @!p4 $0x0  }
0x7a: {  	s4 =	sadd.s32 @!p3 $0x600, s4;
	[sflag:s28] =	ssyncadd.s32 @!p4 $0xFFFFC000;
	s28 =	simm.s32 @!p3 $0x0  }
0x7b: {  	[tilespmem:s8], [sflag:$0x2] =	stream.linear.gather @!p3 [hbm4b:s4+s28], $0x80, $0x38;
	[tilespmem:$0x1BA80] =	vst v63  }
0x7c: {  	s4 =	sadd.s32 @!p3 s30, s16  }
0x7d: {  	s9 =	simm.s32 @!p4 $0x3;
	s8 =	simm.s32 @!p3 $0x180;
	s4 =	sadd.s32 @!p3 $0x600, s4  }
0x7e: {  	[tilespmem:s8], [sflag:$0x2] =	stream.linear.gather @!p3 [hbm4b:s4+s28], $0x80, $0x38;
	[tilespmem:$0x1BA80] =	vst v63  }
0x7f: {  	_ =	swait.ge @!p4 [sflag:s9], $0x4000  }
0x80: {  	s8 =	rddreg [dreg:$0x4]  }
0x81: {  	[sflag:s9] =	ssyncset.done @!p4 $0x0;
	p3 =	sge.u32 s1, s8  }
0x82: {  	[sflag:s9] =	ssyncadd.s32 @!p4 $0xFFFFC000;
	s1 =	simm.s32 @!p3 $0x2  }
0x83: {  	_ =	swait.ge @!p3 [sflag:s1], $0x80  }
0x84: {  	[sflag:s1] =	ssyncset.done @!p3 $0x0  }
0x85: {  	s3 =	smov.u32 s0;
	s0 =	sadd.s32 $0x400, s0;
	[sflag:s1] =	ssyncadd.s32 @!p3 $0xFFFFFF80  }
0x86: {  	p2 =	sne.s32 s0, $0x4C00;
	p4 =	sge.u32 @!p3 s31, s6;
	_ =	swait.ge @!p3 [sflag:s1], $0x80  }
0x87: {  	s4 =	simm.s32 @!p3 $0x4200;
	s8 =	simm.s32 @!p3 $0x80;
	[sflag:s1] =	ssyncset.done @!p3 $0x0  }
0x88: {  	s9 =	simm.s32 @!p3 $0x180;
	s28 =	simm.s32 @!p3 $0x200;
	[sflag:s1] =	ssyncadd.s32 @!p3 $0xFFFFFF80  }
0x89: {  	[tilespmem:s4], [sflag:$0x4] =	stream.indirect.gather @!p3 [hbm4b:s5+s8], $0x80, s9, s8, $0xb8;
	[tilespmem:$0x1BA80] =	vst v63  }
0x8a: {  	p4 =	por p4, p3;
	s1 =	simm.s32 @!p3 $0x0;
	s4 =	simm.s32 @!p3 $0x5  }
0x8b: {  	[spmem:s2] =	stream.indirect.scatter.add.f32 @!p3 [tilespmem:s28], [sflag:$0x5], $0x80, s1, s8, $0xb8;
	[tilespmem:$0x1BA80] =	vst v63  }
0x8c: {  	s31 =	sadd.s32 $0x2, s31;
	s9 =	simm.s32 @!p4 $0x0;
	_ =	swait.ge @!p3 [sflag:s4], $0x4000  }
0x8d: {  	s1 =	sadd.s32 @!p4 s30, s17;
	s8 =	sadd.s32 @!p4 s30, s16;
	[sflag:s4] =	ssyncset.done @!p3 $0x0  }
.Ltmp2:
0x8e: {  	s1 =	sadd.s32 @!p4 $0x800, s1;
	[sflag:s4] =	ssyncadd.s32 @!p3 $0xFFFFC000;
	(pc) =	sbr.rel @p2 .LBB2_4-.Ltmp2, $4  }
0x8f: {  	[tilespmem:s9], [sflag:$0x1] =	stream.linear.gather @!p4 [hbm4b:s1+s9], $0x80, $0x38;
	[tilespmem:$0x1BA80] =	vst v63  }
0x90: {  	s28 =	simm.s32 @!p3 $0x4;
	s4 =	sadd.s32 @!p4 $0x800, s8;
	s8 =	simm.s32 @!p4 $0x100  }
0x91: {  	[tilespmem:s8], [sflag:$0x1] =	stream.linear.gather @!p4 [hbm4b:s4+s9], $0x80, $0x38;
	[tilespmem:$0x1BA80] =	vst v63  }
0x92: {  	s30 =	smov.u32 s3;
	s1 =	sadd.s32 $0xFFFFFFFE, s31;
	_ =	swait.ge @!p3 [sflag:s28], $0x4000  }
0x93: {  	p2 =	sge.u32 s1, s6;
	[sflag:s28] =	ssyncset.done @!p3 $0x0  }
0x94: {  	s0 =	simm.s32 @!p2 $0x1;
	[sflag:s28] =	ssyncadd.s32 @!p3 $0xFFFFC000  }
0x95: {  	_ =	swait.ge @!p2 [sflag:s0], $0x80  }
0x96: {  	[sflag:s0] =	ssyncset.done @!p2 $0x0  }
0x97: {  	[sflag:s0] =	ssyncadd.s32 @!p2 $0xFFFFFF80  }
0x98: {  	_ =	swait.ge @!p2 [sflag:s0], $0x80  }
0x99: {  	s3 =	sadd.s32 @!p2 $0xFFFFFFFF, s31;
	s4 =	simm.s32 @!p2 $0x200;
	[sflag:s0] =	ssyncset.done @!p2 $0x0  }
0x9a: {  	s8 =	simm.s32 @!p2 $0x100;
	[sflag:s0] =	ssyncadd.s32 @!p2 $0xFFFFFF80;
	s0 =	simm.s32 @!p2 $0x80  }
0x9b: {  	[tilespmem:s4], [sflag:$0x3] =	stream.indirect.gather @!p2 [hbm4b:s5+s0], $0x80, s8, s0, $0xb8;
	[tilespmem:$0x1BA80] =	vst v63  }
0x9c: {  	p3 =	sge.u32 @!p2 s3, s6;
	s3 =	simm.s32 @!p2 $0x4200;
	s4 =	simm.s32 @!p2 $0x5  }
0x9d: {  	[spmem:s2] =	stream.indirect.scatter.add.f32 @!p2 [tilespmem:s3], [sflag:$0x5], $0x80, s0, s0, $0xb8;
	[tilespmem:$0x1BA80] =	vst v63  }
0x9e: {  	p3 =	por p3, p2;
	_ =	swait.ge @!p2 [sflag:s4], $0x4000  }
0x9f: {  	s0 =	sadd.s32 @!p3 s30, s17;
	s3 =	simm.s32 @!p3 $0x80;
	[sflag:s4] =	ssyncset.done @!p2 $0x0  }
0xa0: {  	s0 =	sadd.s32 @!p3 $0x600, s0;
	[sflag:s4] =	ssyncadd.s32 @!p2 $0xFFFFC000;
	s4 =	simm.s32 @!p3 $0x0  }
0xa1: {  	[tilespmem:s3], [sflag:$0x2] =	stream.linear.gather @!p3 [hbm4b:s0+s4], $0x80, $0x38;
	[tilespmem:$0x1BA80] =	vst v63  }
0xa2: {  	s0 =	sadd.s32 @!p3 s30, s16  }
0xa3: {  	s8 =	simm.s32 @!p2 $0x3;
	s3 =	simm.s32 @!p3 $0x180;
	s0 =	sadd.s32 @!p3 $0x600, s0  }
0xa4: {  	[tilespmem:s3], [sflag:$0x2] =	stream.linear.gather @!p3 [hbm4b:s0+s4], $0x80, $0x38;
	[tilespmem:$0x1BA80] =	vst v63  }
0xa5: {  	_ =	swait.ge @!p2 [sflag:s8], $0x4000  }
0xa6: {  	s9 =	rddreg [dreg:$0x4]  }
0xa7: {  	[sflag:s8] =	ssyncset.done @!p2 $0x0;
	p3 =	sge.u32 s1, s9  }
0xa8: {  	[sflag:s8] =	ssyncadd.s32 @!p2 $0xFFFFC000;
	s0 =	simm.s32 @!p3 $0x2  }
0xa9: {  	_ =	swait.ge @!p3 [sflag:s0], $0x80  }
0xaa: {  	[sflag:s0] =	ssyncset.done @!p3 $0x0  }
0xab: {  	[sflag:s0] =	ssyncadd.s32 @!p3 $0xFFFFFF80  }
0xac: {  	_ =	swait.ge @!p3 [sflag:s0], $0x80  }
0xad: {  	p2 =	sge.u32 @!p3 s31, s6;
	s1 =	simm.s32 @!p3 $0x4200;
	[sflag:s0] =	ssyncset.done @!p3 $0x0  }
0xae: {  	s3 =	simm.s32 @!p3 $0x80;
	s4 =	simm.s32 @!p3 $0x180;
	[sflag:s0] =	ssyncadd.s32 @!p3 $0xFFFFFF80  }
0xaf: {  	[tilespmem:s1], [sflag:$0x4] =	stream.indirect.gather @!p3 [hbm4b:s5+s3], $0x80, s4, s3, $0xb8;
	[tilespmem:$0x1BA80] =	vst v63  }
0xb0: {  	s0 =	simm.s32 @!p3 $0x0;
	s1 =	simm.s32 @!p3 $0x200;
	s4 =	simm.s32 @!p3 $0x5  }
0xb1: {  	[spmem:s2] =	stream.indirect.scatter.add.f32 @!p3 [tilespmem:s1], [sflag:$0x5], $0x80, s0, s3, $0xb8;
	[tilespmem:$0x1BA80] =	vst v63  }
0xb2: {  	p2 =	por p2, p3;
	_ =	swait.ge @!p3 [sflag:s4], $0x4000  }
0xb3: {  	s0 =	sadd.s32 @!p2 s30, s17;
	s1 =	sadd.s32 @!p2 s30, s16;
	[sflag:s4] =	ssyncset.done @!p3 $0x0  }
0xb4: {  	s3 =	simm.s32 @!p2 $0x0;
	s0 =	sadd.s32 @!p2 $0x800, s0;
	[sflag:s4] =	ssyncadd.s32 @!p3 $0xFFFFC000  }
0xb5: {  	[tilespmem:s3], [sflag:$0x1] =	stream.linear.gather @!p2 [hbm4b:s0+s3], $0x80, $0x38;
	[tilespmem:$0x1BA80] =	vst v63  }
0xb6: {  	s4 =	simm.s32 @!p3 $0x4;
	s0 =	sadd.s32 @!p2 $0x800, s1;
	s1 =	simm.s32 @!p2 $0x100  }
0xb7: {  	[tilespmem:s1], [sflag:$0x1] =	stream.linear.gather @!p2 [hbm4b:s0+s3], $0x80, $0x38;
	[tilespmem:$0x1BA80] =	vst v63  }
0xb8: {  	_ =	swait.ge @!p3 [sflag:s4], $0x4000  }
0xb9: {  	[sflag:s4] =	ssyncset.done @!p3 $0x0  }
0xba: {  	s0 =	simm.s32 @!p0 $0x80;
	s1 =	simm.s32 @!p0 $0x4200;
	[sflag:s4] =	ssyncadd.s32 @!p3 $0xFFFFC000  }
0xbb: {  	[spmem:s2] =	stream.indirect.scatter.add.f32 @!p0 [tilespmem:s1], [sflag:$0x5], $0x80, s0, s0, $0xb8;
	[tilespmem:$0x1BA80] =	vst v63  }
0xbc: {  	s3 =	simm.s32 @p0 $0x200;
	s0 =	simm.s32 @p0 $0x80;
	s1 =	simm.s32 @p0 $0x0  }
0xbd: {  	[spmem:s2] =	stream.indirect.scatter.add.f32 @p0 [tilespmem:s3], [sflag:$0x5], $0x80, s1, s0, $0xb8;
	[tilespmem:$0x1BA80] =	vst v63  }
0xbe: {  	_ =	swait.ge [sflag:s19], $0x4000  }
.Ltmp3:
0xbf: {  	s30 =	stileid.u32;
	[sflag:s19] =	ssyncset.done $0x0;
	(pc) =	sbr.rel @!p1 .LBB2_7-.Ltmp3, $4  }
0xc0: {  	s28 =	smov.u32 s15;
	s0 =	sshll.u32 s30, $0x6;
	[sflag:s19] =	ssyncadd.s32 $0xFFFFC000  }
0xc1: {  	s31 =	sshrl.u32 s15, $0x3;
	s0 =	sor.u32 $0x1C05, s0;
	[bflag:$0x0] =	sbarrier.arrive $0xFFFF  }
0xc2: {  	[hbm:s24], [sflag:s0] =	dma.local [spmem:s31], $0x500  }
0xc3: {  	s1 =	sadd.s32 $0xFFFFFFFF, s7;
	s3 =	sadd.s32 $0x5000, s24;
	_ =	swait.ge [sflag:s19], $0x500  }
.LBB2_6:
0xc4: {  	[sflag:s19] =	ssyncset.done $0x0;
	s28 =	sadd.s32 $0x28000, s28;
	p1 =	sne.s32 s1, $0x1  }
.Ltmp4:
0xc5: {  	s4 =	sshrl.u32 s28, $0x3;
	[sflag:s19] =	ssyncadd.s32 $0xFFFFFB00;
	(pc) =	sbr.rel @p1 .LBB2_6-.Ltmp4, $3  }
0xc6: {  	[hbm:s3], [sflag:s0] =	dma.local [spmem:s4], $0x500  }
0xc7: {  	s1 =	sadd.s32 $0xFFFFFFFF, s1;
	_ =	sdelay $0x1  }
0xc8: {  	s3 =	sadd.s32 $0x5000, s3;
	_ =	swait.ge [sflag:s19], $0x500  }
.LBB2_7:
0xc9: {  	s29 =	sadd.s32 $0x1, s29  }
0xca: {  	p1 =	sne.s32 s29, s10  }
.Ltmp5:
0xcb: {  	_ = 	snop;
	(pc) =	sbr.rel @p1 .LBB2_1-.Ltmp5, $3  }
0xcc: {  	_ =	sdelay $0x1  }
0xcd: {  	[sflag:s19] =	ssyncset.done $0x0  }
0xce: {  	[sflag:s19] =	ssyncadd.s32 $0xFFFFFB00  }
0xcf: {  	_ =	sfence.sel $0x180000  }
0xd0: {  	[bflag:$0x0] =	sbarrier.arrive $0xFFFF  }
0xd1: {  	_ =	strace $0x9000004D  }
0xd2: {  	s0 =	stileid.u32;
	[bflag:$0x2] =	sbarrier.arrive $0xFFFF  }
0xd3: {  	p0 =	sne.s32 s0, $0x0;
	s0 =	rddreg [dreg:$0x3]  }
0xd4: {  	s0 =	sadd.s32 @!p0 $0x100000, s0  }
0xd5: {  	[sflag:s0] =	ssyncadd.tile.s32 @!p0 $0x1;
	_ =	shalt  }
.Lfunc_end2:
_tile_overlayer_lowered:
.L_overlay_start_2:
0xd6: {  	(tag) =	ssettag $0x2  }
0xd7: {  	s0 =	rddreg [dreg:$0x0];
	s2 =	stileid.u32  }
0xd8: {  	s1 =	rddreg [dreg:$0x1];
	p0 =	sne.s32 s2, $0x0  }
0xd9: {  	s3 =	rddreg [dreg:$0x2];
	[bflag:$0x3] =	sbarrier.arrive $0xFFFF;
	s2 =	simm.s32 @!p0 $0x1C05  }
0xda: {  	[timem:s3], [sflag:s2] =	dma.local @!p0 [hbm:s0], s1  }
0xdb: {  	s0 =	simm.s32 @!p0 $0x5  }
0xdc: {  	_ =	swait.ge @!p0 [sflag:s0], s1  }
0xdd: {  	s1 =	ssub.s32 @!p0 $0x0, s1;
	[sflag:s0] =	ssyncset.done @!p0 $0x0  }
0xde: {  	[sflag:s0] =	ssyncadd.s32 @!p0 s1  }
0xdf: {  	[bflag:$0x3] =	sbarrier.arrive $0xFFFF  }
0xe0: {  	_ =	shalt  }

// kernel: kernel.9.cloned.1.call-start
scs
__scs_entry_jumppad:
0x0: {  	(pc) =	sbr.rel $0x88, $3  }
0x1: {  	(tag) =	ssettag $0x0;
	lr =	simm.s32 $0x1  }
0x2: {  	[smem:$0x3F90] =	sst lr;
	_ =	strace $0xD0000000  }
0x3: {  	_ = 	snop  }
0x4: {  	_ = 	snop  }
0x5: {  	_ = 	snop  }
0x6: {  	_ = 	snop  }
0x7: {  	_ = 	snop  }
__scs_overlays_trampoline_lowered:
0x8: {  	[smem:$0x3F9F] =	sst s0  }
0x9: {  	[smem:$0x3FA0] =	sst s1  }
0xa: {  	[smem:$0x3FA1] =	sst s2  }
0xb: {  	[smem:$0x3FA2] =	sst s3  }
0xc: {  	[smem:$0x3FA3] =	sst s4  }
0xd: {  	[smem:$0x3FA4] =	sst s5  }
0xe: {  	[smem:$0x3FA5] =	sst s6  }
0xf: {  	[smem:$0x3FA6] =	sst s7  }
0x10: {  	[smem:$0x3FA7] =	sst s8  }
0x11: {  	[smem:$0x3FA8] =	sst s9;
	s0 =	simm.s32 @!p0 $0x0  }
0x12: {  	s1 =	sld [smem:$0x3F8E];
	s0 =	simm.s32 @p0 $0x1  }
0x13: {  	[smem:$0x3FA9] =	sst s0;
	s0 =	simm.s32 @!p1 $0x0  }
0x14: {  	s2 =	sld [smem:$0x3F8D];
	s0 =	simm.s32 @p1 $0x1  }
0x15: {  	[smem:$0x3FAA] =	sst s0;
	s0 =	simm.s32 @!p2 $0x0  }
0x16: {  	s3 =	sld [smem:$0x3FDB];
	s0 =	simm.s32 @p2 $0x1  }
0x17: {  	s4 =	simm.s32 $0x1BF5;
	[smem:$0x3FAC] =	sst s0  }
0x18: {  	s0 =	sld [smem:$0x3F8F];
	_ =	swait.ge [sflag:s4], $0x0  }
0x19: {  	s7 =	sld [smem:$0x3F90]  }
0x1a: {  	s8 =	sadd.s32 $0xFFFFE003, lr  }
0x1b: {  	s9 =	sadd.s32 $0xFFFFFEF7, lr;
	s5 =	simm.s32 $0xFFFFFFFF;
	p2 =	slt.u32 s8, $0xFFFFF086  }
0x1c: {  	p1 =	slt.u32 s9, $0xF7A;
	s5 =	simm.s32 @!p2 $0x0  }
0x1d: {  	s5 =	simm.s32 @p1 $0x1;
	p0 =	seq.s32 s7, s2  }
0x1e: {  	s7 =	smul.u32 @!p0 $0xF7A, s2;
	p2 =	seq.s32 @!p0 s5, $0x0  }
0x1f: {  	s9 =	smul.u32 $0xF7A, s1;
	s8 =	simm.s32 @!p0 $0x1BF5;
	p2 =	por !p2, p0  }
0x20: {  	[sflag:s8] =	ssyncset.s32 @!p0 $0xFFFFF086;
	s6 =	sadd.s32 @!p0 s3, s7;
	s7 =	simm.s32 @!p0 $0x108  }
0x21: {  	s3 =	sadd.s32 s3, s9;
	s6 =	sadd.s32 @!p0 $0x88, s6;
	s7 =	simm.s32 @p2 $0x1082  }
0x22: {  	[simem:s7], [sflag:s8] =	dma.local @!p0 [hbm:s6], $0xF7A  }
0x23: {  	s9 =	sor.u32 $0xD0000000, s2;
	s6 =	simm.s32 $0x108;
	_ =	swait.ge @!p0 [sflag:s8], $0x0  }
0x24: {  	s3 =	sadd.s32 $0x88, s3;
	s6 =	simm.s32 @!p1 $0x1082;
	[sflag:s4] =	ssyncset.s32 $0xFFFFF086  }
0x25: {  	[simem:s6], [sflag:s4] =	dma.local [hbm:s3], $0xF7A  }
0x26: {  	[smem:$0x3F90] =	sst s1;
	(tag) =	ssettag s2;
	_ =	strace s9  }
0x27: {  	s1 =	sld [smem:$0x3FA0]  }
0x28: {  	s2 =	sld [smem:$0x3FA1]  }
0x29: {  	s4 =	sld [smem:$0x3FA3]  }
0x2a: {  	p0 =	seq.s32 s5, $0x0;
	s5 =	sld [smem:$0x3FA4]  }
0x2b: {  	s6 =	sld [smem:$0x3FA5]  }
0x2c: {  	s7 =	sld [smem:$0x3FA6]  }
0x2d: {  	s3 =	simm.s32 $0x108;
	s8 =	sld [smem:$0x3FA7]  }
0x2e: {  	s3 =	simm.s32 @!p0 $0x1082;
	s9 =	sld [smem:$0x3FA8]  }
0x2f: {  	lr =	sadd.s32 s0, s3;
	s0 =	sld [smem:$0x3F9F]  }
0x30: {  	s3 =	sld [smem:$0x3FA2]  }
0x31: {  	[smem:$0x3FAB] =	sst s10  }
0x32: {  	s10 =	sld [smem:$0x3FA9];
	_ =	sdelay $0x3  }
0x33: {  	p0 =	seq.s32 s10, $0x1;
	s10 =	sld [smem:$0x3FAB];
	_ =	sdelay $0x3  }
0x34: {  	[smem:$0x3FAB] =	sst s10  }
0x35: {  	s10 =	sld [smem:$0x3FAA];
	_ =	sdelay $0x3  }
0x36: {  	p1 =	seq.s32 s10, $0x1;
	s10 =	sld [smem:$0x3FAB];
	_ =	sdelay $0x3  }
0x37: {  	[smem:$0x3FAB] =	sst s10  }
0x38: {  	s10 =	sld [smem:$0x3FAC]  }
0x39: {  	_ = 	snop;
	(pc) =	sbr.ind lr, $3  }
0x3a: {  	_ = 	snop  }
0x3b: {  	_ = 	snop  }
0x3c: {  	p2 =	seq.s32 s10, $0x1;
	s10 =	sld [smem:$0x3FAB]  }
0x3d: {  	_ =	shalt  }
0x3e: {  	_ =	shalt  }
0x3f: {  	_ =	shalt  }
0x40: {  	_ =	shalt  }
0x41: {  	_ =	shalt  }
0x42: {  	_ =	shalt  }
0x43: {  	_ =	shalt  }
0x44: {  	_ =	shalt  }
0x45: {  	_ =	shalt  }
0x46: {  	_ =	shalt  }
0x47: {  	_ =	shalt  }
0x48: {  	_ =	shalt  }
0x49: {  	_ =	shalt  }
0x4a: {  	_ =	shalt  }
0x4b: {  	_ =	shalt  }
0x4c: {  	_ =	shalt  }
0x4d: {  	_ =	shalt  }
0x4e: {  	_ =	shalt  }
0x4f: {  	_ =	shalt  }
0x50: {  	_ =	shalt  }
0x51: {  	_ =	shalt  }
0x52: {  	_ =	shalt  }
0x53: {  	_ =	shalt  }
0x54: {  	_ =	shalt  }
0x55: {  	_ =	shalt  }
0x56: {  	_ =	shalt  }
0x57: {  	_ =	shalt  }
0x58: {  	_ =	shalt  }
0x59: {  	_ =	shalt  }
0x5a: {  	_ =	shalt  }
0x5b: {  	_ =	shalt  }
0x5c: {  	_ =	shalt  }
0x5d: {  	_ =	shalt  }
0x5e: {  	_ =	shalt  }
0x5f: {  	_ =	shalt  }
0x60: {  	_ =	shalt  }
0x61: {  	_ =	shalt  }
0x62: {  	_ =	shalt  }
0x63: {  	_ =	shalt  }
0x64: {  	_ =	shalt  }
0x65: {  	_ =	shalt  }
0x66: {  	_ =	shalt  }
0x67: {  	_ =	shalt  }
0x68: {  	_ =	shalt  }
0x69: {  	_ =	shalt  }
0x6a: {  	_ =	shalt  }
0x6b: {  	_ =	shalt  }
0x6c: {  	_ =	shalt  }
0x6d: {  	_ =	shalt  }
0x6e: {  	_ =	shalt  }
0x6f: {  	_ =	shalt  }
0x70: {  	_ =	shalt  }
0x71: {  	_ =	shalt  }
0x72: {  	_ =	shalt  }
0x73: {  	_ =	shalt  }
0x74: {  	_ =	shalt  }
0x75: {  	_ =	shalt  }
0x76: {  	_ =	shalt  }
0x77: {  	_ =	shalt  }
0x78: {  	_ =	shalt  }
0x79: {  	_ =	shalt  }
0x7a: {  	_ =	shalt  }
0x7b: {  	_ =	shalt  }
0x7c: {  	_ =	shalt  }
0x7d: {  	_ =	shalt  }
0x7e: {  	_ =	shalt  }
0x7f: {  	_ =	shalt  }
0x80: {  	_ =	shalt  }
0x81: {  	_ =	shalt  }
0x82: {  	_ =	shalt  }
0x83: {  	_ =	shalt  }
0x84: {  	_ =	shalt  }
0x85: {  	_ =	shalt  }
0x86: {  	_ =	shalt  }
0x87: {  	_ =	shalt  }
.Lfunc_end0:
.L_simem_size_0:
called_computation_lowered:
.L_overlay_start_0:
0x88: {  	s2 =	sld [smem:$0x3FD9]  }
0x89: {  	s3 =	sld [smem:$0x3FFE];
	_ =	sdelay $0x1  }
0x8a: {  	s1 =	srdreg.scid  }
0x8b: {  	s0 =	sand.u32 $0x1, s1  }
0x8c: {  	s17 =	sshll.u32 s0, $0xA;
	s2 =	sadd.s32 s3, s2  }
0x8d: {  	s2 =	sadd.s32 s2, s17  }
0x8e: {  	[smem:$0x3FB7] =	sst s2  }
0x8f: {  	_ = 	snop  }
0x90: {  	s2 =	sld [smem:$0x3FC9]  }
0x91: {  	s18 =	sld [smem:$0x3FC7]  }
0x92: {  	s4 =	sld [smem:$0x3FD0];
	(tm) =	ssettm $0x1  }
0x93: {  	s5 =	sld [smem:$0x3FFB];
	_ =	sdelay $0x3  }
0x94: {  	_ =	strace s5  }
0x95: {  	s5 =	sld [smem:$0x3FFC];
	_ =	sdelay $0x3  }
0x96: {  	_ =	strace s5  }
0x97: {  	s5 =	sld [smem:$0x3FFD];
	_ =	sdelay $0x3  }
0x98: {  	_ =	strace s5  }
0x99: {  	_ =	strace $0x8FFFFFFF  }
0x9a: {  	s19 =	sld [smem:$0x3FDB];
	_ =	sdelay $0x1  }
0x9b: {  	s6 =	simm.s32 $_scs_section_size  }
0x9c: {  	s7 =	simm.s32 $_size__tile_overlayer_lowered;
	s8 =	simm.s32 $_tile_overlayer_lowered  }
0x9d: {  	s22 =	simm.s32 $0x1BFF;
	s21 =	sshll.u32 s8, $0x1;
	s5 =	sadd.s32 s6, s19  }
0x9e: {  	s9 =	simm.s32 $0x0;
	s20 =	sshll.u32 s7, $0x1;
	s7 =	sadd.s32 s21, s5  }
0x9f: {  	[timem:s9], [sflag:s22] =	dma.local [hbm:s7], s20  }
0xa0: {  	_ =	swait.ge [sflag:s22], s20  }
0xa1: {  	s6 =	ssub.s32 $0x0, s20;
	[sflag:s22] =	ssyncset.done $0x0  }
0xa2: {  	[sflag:s22] =	ssyncadd.s32 s6;
	_ =	sdelay $0x1  }
0xa3: {  	s23 =	simm.s32 $0x1B8B  }
0xa4: {  	_ =	swait.ge [sflag:s23], $0x1  }
0xa5: {  	[sflag:s23] =	ssyncset.done $0x0  }
0xa6: {  	s25 =	simm.s32 $0x1B8E;
	s24 =	sld [smem:$0x3FFE];
	[sflag:s23] =	ssyncadd.s32 $0xFFFFFFFF  }
0xa7: {  	s26 =	simm.s32 $execute0_lowered;
	[smem:$0x3FD2] =	sst s25  }
0xa8: {  	s7 =	sshll.u32 s26, $0x1;
	_ =	strace $0x80000046;
	[dreg:$0x1] =	wrdreg $0xFFFFFFFF  }
0xa9: {  	s28 =	simm.s32 $_size_execute0_lowered;
	s5 =	sadd.s32 s5, s7;
	[dreg:$0x0] =	wrdreg $0x0  }
0xaa: {  	s7 =	sshll.u32 s28, $0x1;
	[dreg:$0x2] =	wrdreg s5  }
0xab: {  	[dreg:$0x3] =	wrdreg s7  }
0xac: {  	[dreg:$0x4] =	wrdreg $0xC0  }
0xad: {  	_ =	task [dreg:s9], $0x5FFFF  }
0xae: {  	[dreg:$0x1] =	wrdreg $0xFFFFFFFF  }
0xaf: {  	[dreg:$0x0] =	wrdreg $0x60  }
0xb0: {  	[dreg:$0x2] =	wrdreg s24  }
0xb1: {  	[dreg:$0x3] =	wrdreg s2  }
0xb2: {  	[dreg:$0x4] =	wrdreg s18  }
0xb3: {  	[dreg:$0x5] =	wrdreg s4  }
0xb4: {  	[dreg:$0x6] =	wrdreg $0x82000  }
0xb5: {  	[dreg:$0x7] =	wrdreg $0x9  }
0xb6: {  	_ =	task.clear_ibuf [dreg:s9], $0x8FFFF;
	_ =	strace $0x90000046  }
0xb7: {  	s29 =	simm.s32 $0x9;
	_ =	strace $0x80000048  }
0xb8: {  	_ =	swait.ge [sflag:s29], $0x1  }
0xb9: {  	[sflag:s29] =	ssyncadd.s32 $0xFFFFFFFF  }
0xba: {  	_ =	strace $0x90000048  }
0xbb: {  	_ =	sfence  }
0xbc: {  	s30 =	sld [smem:$0x0];
	_ =	sdelay $0x2  }
0xbd: {  	s31 =	sshll.u32 s1, $0xD;
	s1 =	sshrl.u32 s1, $0x2  }
0xbe: {  	s3 =	sand.u32 $0x4000, s31;
	s1 =	sadd.s32 s1, s30  }
0xbf: {  	s0 =	sor.u32 s3, s0;
	s1 =	sshll.u32 s1, $0x11  }
0xc0: {  	s0 =	sor.u32 s1, s0  }
0xc1: {  	s0 =	sadd.s32 $0x8F2B, s0  }
0xc2: {  	[sflag:s0] =	ssyncadd.remote.s32 $0x1  }
0xc3: {  	_ =	sfence.sel $0xFFFF  }
0xc4: {  	[dreg:$0x0] =	wrdreg $0xFFFFFFFF;
	(pc) =	sbr.abs _section_cstart, $3  }
0xc5: {  	[dreg:$0x1] =	wrdreg $0xFFFFFFFF  }
0xc6: {  	_ =	task.clear_ibuf [dreg:s9], $0x2FFFF;
	_ =	strace $0x9FFFFFFF  }
0xc7: {  	(tm) =	ssettm $0x7FFFFFFF  }
tec
execute0_lowered:
.L_overlay_start_1:
0x0: {  	(tag) =	ssettag $0x1  }
0x1: {  	s0 =	rddreg [dreg:$0x0]  }
0x2: {  	s1 =	rddreg [dreg:$0x1]  }
0x3: {  	s2 =	rddreg [dreg:$0x2]  }
0x4: {  	s26 =	rddreg [dreg:$0x3]  }
0x5: {  	s3 =	rddreg [dreg:$0x4]  }
0x6: {  	s4 =	simm.s32 $0x0;
	s5 =	srdreg.scid;
	s20 =	stileid.u32  }
0x7: {  	s30 =	simm.s32 $0x80;
	[smem:$0x7FF] =	sst s4;
	s5 =	sand.u32 $0x1, s5  }
0x8: {  	s6 =	sadd.s32 $0xAE00, s0;
	s10 =	sadd.s32 $0x5E00, s0;
	s9 =	sadd.s32 $0xFE00, s0  }
0x9: {  	s21 =	sshll.u32 s20, $0x1;
	p0 =	seq.s32 s20, $0x0;
	s22 =	ssub.s32 $0x8C, s20  }
0xa: {  	s14 =	sshll.u32 s20, $0x5;
	_ =	strace $0x80000047;
	s7 =	smul.u32 $0x27100, s5  }
0xb: {  	s8 =	ssub.s32 $0x2, s5;
	[dreg:$0x6] =	wrdreg s9;
	s12 =	sor.u32 s5, s21  }
0xc: {  	s15 =	sand.u32 $0x180, s14;
	s19 =	sshrl.u32 s8, $0x1;
	s13 =	sshll.u32 s12, $0x4  }
0xd: {  	s12 =	sshll.u32 s12, $0xB;
	s29 =	sadd.s32 s6, s15;
	s0 =	sadd.s32 s7, s0  }
0xe: {  	s11 =	ssub.s32 s8, s19;
	s7 =	simm.s32 $0x28;
	s8 =	sshrl.u32 s22, $0x4  }
0xf: {  	s23 =	sadd.s32 s6, s13;
	s16 =	sand.u32 $0x70, s13;
	s24 =	sadd.s32 s10, s13  }
0x10: {  	s22 =	sadd.s32 s15, s10;
	s9 =	sadd.s32 s2, s12;
	[dreg:$0x7] =	wrdreg s23  }
0x11: {  	s12 =	simm.s32 $0x0;
	s7 =	simm.s32 @!p0 $0x27;
	[dreg:$0x8] =	wrdreg s24  }
0x12: {  	s25 =	sor.u32 s16, s15;
	s18 =	sadd.s32 $0x10600, s0;
	s23 =	sshll.u32 s5, $0x4  }
0x13: {  	s24 =	sadd.s32 s16, s29;
	s5 =	sshll.u32 s5, $0xB;
	s15 =	smul.u32 $0xA000, s20  }
0x14: {  	[dreg:$0xd] =	wrdreg s9;
	s17 =	sand.u32 $0x1, s7;
	s19 =	sor.u32 $0x200, s25  }
0x15: {  	s13 =	sor.u32 $0x400, s25;
	s25 =	sadd.s32 $0x5E800, s0;
	s0 =	sadd.s32 $0xACA00, s0  }
0x16: {  	s28 =	sadd.s32 $0xFFFFFFFF, s7;
	p0 =	seq.s32 s17, $0x0;
	s31 =	sadd.s32 s6, s19  }
0x17: {  	s19 =	sadd.s32 s10, s19;
	s6 =	sadd.s32 s6, s13;
	[dreg:$0x9] =	wrdreg s31  }
0x18: {  	s21 =	sadd.s32 s10, s13;
	s10 =	sor.u32 s23, s14;
	[dreg:$0xa] =	wrdreg s19  }
0x19: {  	s14 =	smax.u32 s11, $0x1;
	s23 =	sadd.s32 $0x400, s24;
	[dreg:$0xb] =	wrdreg s6  }
0x1a: {  	s11 =	simm.s32 $0x1;
	s13 =	simm.s32 $0x3;
	[dreg:$0xc] =	wrdreg s21  }
0x1b: {  	s10 =	sand.u32 $0x70, s10;
	s31 =	smul.u32 $0x500, s20;
	[dreg:$0xe] =	wrdreg s14  }
0x1c: {  	s21 =	sadd.s32 $0x200, s24;
	[dreg:$0x14] =	wrdreg s23;
	s6 =	simm.s32 $0x5  }
0x1d: {  	s14 =	simm.s32 $0x2;
	s16 =	sadd.s32 s10, s22;
	s17 =	sadd.s32 s10, s29  }
0x1e: {  	s29 =	sshll.u32 s20, $0xC;
	[dreg:$0x12] =	wrdreg s21;
	s19 =	sadd.s32 s18, s31  }
0x1f: {  	s22 =	sshrl.u32 s15, $0x2;
	s20 =	sadd.s32 s25, s31;
	[dreg:$0xf] =	wrdreg s19  }
0x20: {  	s2 =	sadd.s32 s29, s2;
	s0 =	sadd.s32 s0, s31;
	[dreg:$0x10] =	wrdreg s20  }
0x21: {  	s29 =	sadd.s32 $0x10000, s9;
	s31 =	sadd.s32 $0x600, s17;
	[dreg:$0x11] =	wrdreg s0  }
0x22: {  	s2 =	sadd.s32 s5, s2;
	s5 =	simm.s32 $0x80;
	[dreg:$0x16] =	wrdreg s29  }
0x23: {  	s25 =	sadd.s32 s22, s3;
	[dreg:$0x17] =	wrdreg s31;
	s5 =	simm.s32 @!p0 $0x0  }
0x24: {  	s22 =	sadd.s32 $0x800, s17;
	s24 =	sadd.s32 $0x20000, s2;
	[dreg:$0x13] =	wrdreg s5  }
0x25: {  	s18 =	simm.s32 $0x4200;
	[dreg:$0x15] =	wrdreg s24;
	s5 =	simm.s32 $0x200  }
.LBB2_1:
0x26: {  	[tilespmem:s5], [sflag:$0x5] =	stream.linear.gather [hbm4b:s26+s4], $0x4000, $0x38;
	[tilespmem:$0x1BA80] =	vst v63  }
0x27: {  	p1 =	sne.s32 s8, $0x1;
	_ =	swait.ge [sflag:s6], $0x4000  }
.Ltmp0:
0x28: {  	[sflag:s6] =	ssyncset.done $0x0;
	(pc) =	sbr.rel @!p1 .LBB2_3-.Ltmp0, $4  }
0x29: {  	[sflag:s6] =	ssyncadd.s32 $0xFFFFC000  }
0x2a: {  	[spmem:s25] =	stream.linear.scatter [tilespmem:s5], [sflag:$0x5], $0x2800, $0x38;
	[tilespmem:$0x1BA80] =	vst v63  }
0x2b: {  	_ =	swait.ge [sflag:s6], $0x2800  }
0x2c: {  	s0 =	sadd.s32 $0xFFFFFFFF, s8;
	s2 =	smov.u32 s25;
	[sflag:s6] =	ssyncset.done $0x0  }
.LBB2_2:
0x2d: {  	p2 =	sne.s32 s0, $0x1;
	[sflag:s6] =	ssyncadd.s32 $0xFFFFD800;
	s2 =	sadd.s32 $0x28000, s2  }
.Ltmp1:
0x2e: {  	s0 =	sadd.s32 $0xFFFFFFFF, s0;
	(pc) =	sbr.rel @p2 .LBB2_2-.Ltmp1, $4  }
0x2f: {  	_ = 	snop  }
0x30: {  	[spmem:s2] =	stream.linear.scatter [tilespmem:s5], [sflag:$0x5], $0x2800, $0x38;
	[tilespmem:$0x1BA80] =	vst v63  }
0x31: {  	_ =	swait.ge [sflag:s6], $0x2800  }
0x32: {  	[sflag:s6] =	ssyncset.done $0x0  }
.LBB2_3:
0x33: {  	[sflag:s6] =	ssyncadd.s32 $0xFFFFD800  }
0x34: {  	[bflag:$0x0] =	sbarrier.arrive $0xFFFF  }
0x35: {  	s0 =	simm.s32 $0x0;
	s2 =	rddreg [dreg:$0x7]  }
0x36: {  	[tilespmem:s0], [sflag:$0x1] =	stream.linear.gather [hbm4b:s2+s0], $0x80, $0x38;
	[tilespmem:$0x1BA80] =	vst v63  }
0x37: {  	s9 =	simm.s32 $0x100;
	s19 =	rddreg [dreg:$0x8]  }
0x38: {  	[tilespmem:s9], [sflag:$0x1] =	stream.linear.gather [hbm4b:s19+s0], $0x80, $0x38;
	[tilespmem:$0x1BA80] =	vst v63  }
0x39: {  	_ =	swait.ge [sflag:s11], $0x80  }
0x3a: {  	[sflag:s11] =	ssyncset.done $0x0  }
0x3b: {  	[sflag:s11] =	ssyncadd.s32 $0xFFFFFF80  }
0x3c: {  	_ =	swait.ge [sflag:s11], $0x80  }
0x3d: {  	[sflag:s11] =	ssyncset.done $0x0  }
0x3e: {  	[sflag:s11] =	ssyncadd.s32 $0xFFFFFF80  }
0x3f: {  	[tilespmem:s5], [sflag:$0x3] =	stream.indirect.gather [hbm4b:s1+s30], $0x80, s9, s30, $0xb8;
	[tilespmem:$0x1BA80] =	vst v63  }
0x40: {  	s20 =	rddreg [dreg:$0x9]  }
0x41: {  	[tilespmem:s30], [sflag:$0x2] =	stream.linear.gather [hbm4b:s20+s0], $0x80, $0x38;
	[tilespmem:$0x1BA80] =	vst v63  }
0x42: {  	s10 =	simm.s32 $0x180;
	s21 =	rddreg [dreg:$0xa]  }
0x43: {  	[tilespmem:s10], [sflag:$0x2] =	stream.linear.gather [hbm4b:s21+s0], $0x80, $0x38;
	[tilespmem:$0x1BA80] =	vst v63  }
0x44: {  	_ =	swait.ge [sflag:s13], $0x4000  }
0x45: {  	[sflag:s13] =	ssyncset.done $0x0  }
0x46: {  	[sflag:s13] =	ssyncadd.s32 $0xFFFFC000  }
0x47: {  	_ =	swait.ge [sflag:s14], $0x80  }
0x48: {  	[sflag:s14] =	ssyncset.done $0x0  }
0x49: {  	[sflag:s14] =	ssyncadd.s32 $0xFFFFFF80  }
0x4a: {  	_ =	swait.ge [sflag:s14], $0x80  }
0x4b: {  	[sflag:s14] =	ssyncset.done $0x0  }
0x4c: {  	[sflag:s14] =	ssyncadd.s32 $0xFFFFFF80  }
0x4d: {  	[tilespmem:s18], [sflag:$0x4] =	stream.indirect.gather [hbm4b:s1+s30], $0x80, s10, s30, $0xb8;
	[tilespmem:$0x1BA80] =	vst v63  }
0x4e: {  	_ = 	snop  }
0x4f: {  	[spmem:s3] =	stream.indirect.scatter.add.f32 [tilespmem:s5], [sflag:$0x5], $0x80, s0, s30, $0xb8;
	[tilespmem:$0x1BA80] =	vst v63  }
0x50: {  	_ =	swait.ge [sflag:s6], $0x4000  }
0x51: {  	[sflag:s6] =	ssyncset.done $0x0  }
0x52: {  	s23 =	rddreg [dreg:$0xb];
	[sflag:s6] =	ssyncadd.s32 $0xFFFFC000  }
0x53: {  	[tilespmem:s0], [sflag:$0x1] =	stream.linear.gather [hbm4b:s23+s0], $0x80, $0x38;
	[tilespmem:$0x1BA80] =	vst v63  }
0x54: {  	s31 =	simm.s32 $0x4;
	s24 =	rddreg [dreg:$0xc]  }
0x55: {  	[tilespmem:s9], [sflag:$0x1] =	stream.linear.gather [hbm4b:s24+s0], $0x80, $0x38;
	[tilespmem:$0x1BA80] =	vst v63  }
0x56: {  	_ =	swait.ge [sflag:s31], $0x4000  }
0x57: {  	p3 =	sle.u32 s7, $0x2;
	[sflag:s31] =	ssyncset.done $0x0  }
0x58: {  	s0 =	simm.s32 @!p3 $0x1;
	[sflag:s31] =	ssyncadd.s32 $0xFFFFC000  }
0x59: {  	_ =	swait.ge @!p3 [sflag:s0], $0x80  }
0x5a: {  	[sflag:s0] =	ssyncset.done @!p3 $0x0  }
0x5b: {  	[sflag:s0] =	ssyncadd.s32 @!p3 $0xFFFFFF80  }
0x5c: {  	_ =	swait.ge @!p3 [sflag:s0], $0x80  }
0x5d: {  	p2 =	sle.u32 @!p3 s7, $0x3;
	s2 =	simm.s32 @!p3 $0x200;
	[sflag:s0] =	ssyncset.done @!p3 $0x0  }
0x5e: {  	s10 =	simm.s32 @!p3 $0x100;
	[sflag:s0] =	ssyncadd.s32 @!p3 $0xFFFFFF80;
	s0 =	simm.s32 @!p3 $0x80  }
0x5f: {  	[tilespmem:s2], [sflag:$0x3] =	stream.indirect.gather @!p3 [hbm4b:s1+s0], $0x80, s10, s0, $0xb8;
	[tilespmem:$0x1BA80] =	vst v63  }
0x60: {  	p2 =	por p2, p3;
	s2 =	simm.s32 @!p3 $0x4200;
	s10 =	simm.s32 @!p3 $0x5  }
0x61: {  	[spmem:s3] =	stream.indirect.scatter.add.f32 @!p3 [tilespmem:s2], [sflag:$0x5], $0x80, s0, s0, $0xb8;
	[tilespmem:$0x1BA80] =	vst v63  }
0x62: {  	s15 =	simm.s32 @!p2 $0x0;
	_ =	swait.ge @!p3 [sflag:s10], $0x4000  }
0x63: {  	s0 =	sadd.s32 @!p2 $0x0, s17;
	s2 =	simm.s32 @!p2 $0x80;
	[sflag:s10] =	ssyncset.done @!p3 $0x0  }
0x64: {  	s0 =	sadd.s32 @!p2 $0x600, s0;
	[sflag:s10] =	ssyncadd.s32 @!p3 $0xFFFFC000;
	s10 =	sadd.s32 @!p2 $0x0, s16  }
0x65: {  	[tilespmem:s2], [sflag:$0x2] =	stream.linear.gather @!p2 [hbm4b:s0+s15], $0x80, $0x38;
	[tilespmem:$0x1BA80] =	vst v63  }
0x66: {  	s0 =	sadd.s32 @!p2 $0x600, s10;
	s2 =	simm.s32 @!p2 $0x180;
	s10 =	simm.s32 @!p3 $0x3  }
0x67: {  	[tilespmem:s2], [sflag:$0x2] =	stream.linear.gather @!p2 [hbm4b:s0+s15], $0x80, $0x38;
	[tilespmem:$0x1BA80] =	vst v63  }
0x68: {  	_ =	swait.ge @!p3 [sflag:s10], $0x4000  }
0x69: {  	p2 =	sle.u32 s28, $0x2;
	[sflag:s10] =	ssyncset.done @!p3 $0x0  }
0x6a: {  	s0 =	simm.s32 @!p2 $0x2;
	[sflag:s10] =	ssyncadd.s32 @!p3 $0xFFFFC000  }
0x6b: {  	_ =	swait.ge @!p2 [sflag:s0], $0x80  }
0x6c: {  	[sflag:s0] =	ssyncset.done @!p2 $0x0  }
0x6d: {  	[sflag:s0] =	ssyncadd.s32 @!p2 $0xFFFFFF80  }
0x6e: {  	_ =	swait.ge @!p2 [sflag:s0], $0x80  }
0x6f: {  	s2 =	simm.s32 @!p2 $0x4200;
	s15 =	simm.s32 @!p2 $0x180;
	[sflag:s0] =	ssyncset.done @!p2 $0x0  }
0x70: {  	p3 =	sle.u32 @!p2 s7, $0x4;
	s10 =	simm.s32 @!p2 $0x80;
	[sflag:s0] =	ssyncadd.s32 @!p2 $0xFFFFFF80  }
0x71: {  	[tilespmem:s2], [sflag:$0x4] =	stream.indirect.gather @!p2 [hbm4b:s1+s10], $0x80, s15, s10, $0xb8;
	[tilespmem:$0x1BA80] =	vst v63  }
0x72: {  	s0 =	simm.s32 @!p2 $0x0;
	s2 =	simm.s32 @!p2 $0x200;
	s15 =	simm.s32 @!p2 $0x5  }
0x73: {  	[spmem:s3] =	stream.indirect.scatter.add.f32 @!p2 [tilespmem:s2], [sflag:$0x5], $0x80, s0, s10, $0xb8;
	[tilespmem:$0x1BA80] =	vst v63  }
0x74: {  	p3 =	por p3, p2;
	_ =	swait.ge @!p2 [sflag:s15], $0x4000  }
0x75: {  	s0 =	sadd.s32 @!p3 $0x0, s17;
	s2 =	sadd.s32 @!p3 $0x0, s16;
	[sflag:s15] =	ssyncset.done @!p2 $0x0  }
0x76: {  	s10 =	simm.s32 @!p3 $0x0;
	s0 =	sadd.s32 @!p3 $0x800, s0;
	[sflag:s15] =	ssyncadd.s32 @!p2 $0xFFFFC000  }
0x77: {  	[tilespmem:s10], [sflag:$0x1] =	stream.linear.gather @!p3 [hbm4b:s0+s10], $0x80, $0x38;
	[tilespmem:$0x1BA80] =	vst v63  }
0x78: {  	s0 =	sadd.s32 @!p3 $0x800, s2;
	s2 =	simm.s32 @!p3 $0x100  }
0x79: {  	[tilespmem:s2], [sflag:$0x1] =	stream.linear.gather @!p3 [hbm4b:s0+s10], $0x80, $0x38;
	[tilespmem:$0x1BA80] =	vst v63  }
0x7a: {  	s29 =	simm.s32 $0x6;
	s23 =	simm.s32 $0x4;
	s0 =	simm.s32 @!p2 $0x4  }
0x7b: {  	s15 =	simm.s32 $0x400;
	s2 =	simm.s32 $0x800;
	_ =	swait.ge @!p2 [sflag:s0], $0x4000  }
.LBB2_4:
0x7c: {  	p4 =	sge.u32 s23, s7  }
0x7d: {  	[sflag:s0] =	ssyncset.done @!p2 $0x0;
	s10 =	smov.u32 s2;
	s2 =	sadd.s32 $0x400, s2  }
0x7e: {  	s19 =	simm.s32 @!p4 $0x1;
	s20 =	sadd.s32 @!p4 $0xFFFFFFFF, s29;
	[sflag:s0] =	ssyncadd.s32 @!p2 $0xFFFFC000  }
0x7f: {  	p3 =	sne.s32 s2, $0x4C00;
	_ =	swait.ge @!p4 [sflag:s19], $0x80;
	p2 =	sge.u32 @!p4 s20, s7  }
0x80: {  	[sflag:s19] =	ssyncset.done @!p4 $0x0  }
0x81: {  	[sflag:s19] =	ssyncadd.s32 @!p4 $0xFFFFFF80  }
0x82: {  	_ =	swait.ge @!p4 [sflag:s19], $0x80  }
0x83: {  	s0 =	simm.s32 @!p4 $0x200;
	[sflag:s19] =	ssyncset.done @!p4 $0x0  }
0x84: {  	s20 =	simm.s32 @!p4 $0x100;
	[sflag:s19] =	ssyncadd.s32 @!p4 $0xFFFFFF80;
	s19 =	simm.s32 @!p4 $0x80  }
0x85: {  	[tilespmem:s0], [sflag:$0x3] =	stream.indirect.gather @!p4 [hbm4b:s1+s19], $0x80, s20, s19, $0xb8;
	[tilespmem:$0x1BA80] =	vst v63  }
0x86: {  	s0 =	simm.s32 @!p4 $0x4200;
	s20 =	simm.s32 @!p4 $0x5  }
0x87: {  	[spmem:s3] =	stream.indirect.scatter.add.f32 @!p4 [tilespmem:s0], [sflag:$0x5], $0x80, s19, s19, $0xb8;
	[tilespmem:$0x1BA80] =	vst v63  }
0x88: {  	p2 =	por p2, p4;
	_ =	swait.ge @!p4 [sflag:s20], $0x4000  }
0x89: {  	s0 =	sadd.s32 @!p2 s15, s17;
	s19 =	simm.s32 @!p2 $0x80;
	[sflag:s20] =	ssyncset.done @!p4 $0x0  }
0x8a: {  	s0 =	sadd.s32 @!p2 $0x600, s0;
	[sflag:s20] =	ssyncadd.s32 @!p4 $0xFFFFC000;
	s20 =	sadd.s32 @!p2 s15, s16  }
0x8b: {  	s24 =	simm.s32 @!p2 $0x0;
	s20 =	sadd.s32 @!p2 $0x600, s20  }
0x8c: {  	[tilespmem:s19], [sflag:$0x2] =	stream.linear.gather @!p2 [hbm4b:s0+s24], $0x80, $0x38;
	[tilespmem:$0x1BA80] =	vst v63  }
0x8d: {  	s0 =	simm.s32 @!p2 $0x180;
	s19 =	simm.s32 @!p4 $0x3  }
0x8e: {  	[tilespmem:s0], [sflag:$0x2] =	stream.linear.gather @!p2 [hbm4b:s20+s24], $0x80, $0x38;
	[tilespmem:$0x1BA80] =	vst v63  }
0x8f: {  	p2 =	sge.u32 s23, s28;
	_ =	swait.ge @!p4 [sflag:s19], $0x4000  }
0x90: {  	s0 =	simm.s32 @!p2 $0x2;
	p5 =	sge.u32 @!p2 s29, s7;
	[sflag:s19] =	ssyncset.done @!p4 $0x0  }
0x91: {  	[sflag:s19] =	ssyncadd.s32 @!p4 $0xFFFFC000  }
0x92: {  	_ =	swait.ge @!p2 [sflag:s0], $0x80  }
0x93: {  	[sflag:s0] =	ssyncset.done @!p2 $0x0  }
0x94: {  	[sflag:s0] =	ssyncadd.s32 @!p2 $0xFFFFFF80  }
0x95: {  	s20 =	simm.s32 @!p2 $0x80;
	s19 =	simm.s32 @!p2 $0x4200;
	_ =	swait.ge @!p2 [sflag:s0], $0x80  }
0x96: {  	s23 =	simm.s32 @!p2 $0x180;
	s24 =	simm.s32 @!p2 $0x200;
	[sflag:s0] =	ssyncset.done @!p2 $0x0  }
0x97: {  	p4 =	por p5, p2;
	[sflag:s0] =	ssyncadd.s32 @!p2 $0xFFFFFF80;
	s0 =	simm.s32 @!p2 $0x0  }
0x98: {  	[tilespmem:s19], [sflag:$0x4] =	stream.indirect.gather @!p2 [hbm4b:s1+s20], $0x80, s23, s20, $0xb8;
	[tilespmem:$0x1BA80] =	vst v63  }
0x99: {  	s19 =	simm.s32 @!p2 $0x5;
	s23 =	simm.s32 @!p4 $0x100  }
0x9a: {  	[spmem:s3] =	stream.indirect.scatter.add.f32 @!p2 [tilespmem:s24], [sflag:$0x5], $0x80, s0, s20, $0xb8;
	[tilespmem:$0x1BA80] =	vst v63  }
0x9b: {  	s0 =	sadd.s32 @!p4 s15, s17;
	s15 =	sadd.s32 @!p4 s15, s16;
	_ =	swait.ge @!p2 [sflag:s19], $0x4000  }
0x9c: {  	s20 =	simm.s32 @!p4 $0x0;
	s0 =	sadd.s32 @!p4 $0x800, s0;
	[sflag:s19] =	ssyncset.done @!p2 $0x0  }
.Ltmp2:
0x9d: {  	[sflag:s19] =	ssyncadd.s32 @!p2 $0xFFFFC000;
	s19 =	sadd.s32 @!p4 $0x800, s15;
	(pc) =	sbr.rel @p3 .LBB2_4-.Ltmp2, $4  }
0x9e: {  	[tilespmem:s20], [sflag:$0x1] =	stream.linear.gather @!p4 [hbm4b:s0+s20], $0x80, $0x38;
	[tilespmem:$0x1BA80] =	vst v63  }
0x9f: {  	s29 =	sadd.s32 $0x2, s29;
	s15 =	smov.u32 s10;
	s0 =	simm.s32 @!p2 $0x4  }
0xa0: {  	[tilespmem:s23], [sflag:$0x1] =	stream.linear.gather @!p4 [hbm4b:s19+s20], $0x80, $0x38;
	[tilespmem:$0x1BA80] =	vst v63  }
0xa1: {  	s23 =	sadd.s32 $0xFFFFFFFE, s29;
	_ =	swait.ge @!p2 [sflag:s0], $0x4000  }
0xa2: {  	p3 =	sge.u32 s23, s7;
	[sflag:s0] =	ssyncset.done @!p2 $0x0  }
0xa3: {  	s2 =	simm.s32 @!p3 $0x1;
	[sflag:s0] =	ssyncadd.s32 @!p2 $0xFFFFC000  }
0xa4: {  	_ =	swait.ge @!p3 [sflag:s2], $0x80  }
0xa5: {  	[sflag:s2] =	ssyncset.done @!p3 $0x0  }
0xa6: {  	[sflag:s2] =	ssyncadd.s32 @!p3 $0xFFFFFF80  }
0xa7: {  	_ =	swait.ge @!p3 [sflag:s2], $0x80  }
0xa8: {  	s0 =	simm.s32 @!p3 $0x200;
	[sflag:s2] =	ssyncset.done @!p3 $0x0  }
0xa9: {  	s10 =	simm.s32 @!p3 $0x100;
	[sflag:s2] =	ssyncadd.s32 @!p3 $0xFFFFFF80;
	s2 =	simm.s32 @!p3 $0x80  }
0xaa: {  	[tilespmem:s0], [sflag:$0x3] =	stream.indirect.gather @!p3 [hbm4b:s1+s2], $0x80, s10, s2, $0xb8;
	[tilespmem:$0x1BA80] =	vst v63  }
0xab: {  	s0 =	sadd.s32 @!p3 $0xFFFFFFFF, s29  }
0xac: {  	s10 =	simm.s32 @!p3 $0x4200;
	p2 =	sge.u32 @!p3 s0, s7  }
0xad: {  	[spmem:s3] =	stream.indirect.scatter.add.f32 @!p3 [tilespmem:s10], [sflag:$0x5], $0x80, s2, s2, $0xb8;
	[tilespmem:$0x1BA80] =	vst v63  }
0xae: {  	s19 =	simm.s32 @!p3 $0x5;
	p2 =	por p2, p3  }
0xaf: {  	_ =	swait.ge @!p3 [sflag:s19], $0x4000;
	s0 =	sadd.s32 @!p2 s15, s17  }
0xb0: {  	s2 =	simm.s32 @!p2 $0x80;
	s10 =	sadd.s32 @!p2 s15, s16;
	[sflag:s19] =	ssyncset.done @!p3 $0x0  }
0xb1: {  	s0 =	sadd.s32 @!p2 $0x600, s0;
	[sflag:s19] =	ssyncadd.s32 @!p3 $0xFFFFC000;
	s19 =	simm.s32 @!p2 $0x0  }
0xb2: {  	[tilespmem:s2], [sflag:$0x2] =	stream.linear.gather @!p2 [hbm4b:s0+s19], $0x80, $0x38;
	[tilespmem:$0x1BA80] =	vst v63  }
0xb3: {  	s0 =	sadd.s32 @!p2 $0x600, s10;
	s2 =	simm.s32 @!p2 $0x180;
	s10 =	simm.s32 @!p3 $0x3  }
0xb4: {  	[tilespmem:s2], [sflag:$0x2] =	stream.linear.gather @!p2 [hbm4b:s0+s19], $0x80, $0x38;
	[tilespmem:$0x1BA80] =	vst v63  }
0xb5: {  	_ =	swait.ge @!p3 [sflag:s10], $0x4000  }
0xb6: {  	p2 =	sge.u32 s23, s28;
	[sflag:s10] =	ssyncset.done @!p3 $0x0  }
0xb7: {  	s0 =	simm.s32 @!p2 $0x2;
	[sflag:s10] =	ssyncadd.s32 @!p3 $0xFFFFC000  }
0xb8: {  	_ =	swait.ge @!p2 [sflag:s0], $0x80  }
0xb9: {  	[sflag:s0] =	ssyncset.done @!p2 $0x0  }
0xba: {  	[sflag:s0] =	ssyncadd.s32 @!p2 $0xFFFFFF80  }
0xbb: {  	_ =	swait.ge @!p2 [sflag:s0], $0x80  }
0xbc: {  	s2 =	simm.s32 @!p2 $0x4200;
	s19 =	simm.s32 @!p2 $0x180;
	[sflag:s0] =	ssyncset.done @!p2 $0x0  }
0xbd: {  	p3 =	sge.u32 @!p2 s29, s7;
	s10 =	simm.s32 @!p2 $0x80;
	[sflag:s0] =	ssyncadd.s32 @!p2 $0xFFFFFF80  }
0xbe: {  	[tilespmem:s2], [sflag:$0x4] =	stream.indirect.gather @!p2 [hbm4b:s1+s10], $0x80, s19, s10, $0xb8;
	[tilespmem:$0x1BA80] =	vst v63  }
0xbf: {  	s0 =	simm.s32 @!p2 $0x0;
	s2 =	simm.s32 @!p2 $0x200;
	s19 =	simm.s32 @!p2 $0x5  }
0xc0: {  	[spmem:s3] =	stream.indirect.scatter.add.f32 @!p2 [tilespmem:s2], [sflag:$0x5], $0x80, s0, s10, $0xb8;
	[tilespmem:$0x1BA80] =	vst v63  }
0xc1: {  	p3 =	por p3, p2;
	_ =	swait.ge @!p2 [sflag:s19], $0x4000  }
0xc2: {  	s0 =	sadd.s32 @!p3 s15, s17;
	s2 =	sadd.s32 @!p3 s15, s16;
	[sflag:s19] =	ssyncset.done @!p2 $0x0  }
0xc3: {  	s10 =	simm.s32 @!p3 $0x0;
	s0 =	sadd.s32 @!p3 $0x800, s0;
	[sflag:s19] =	ssyncadd.s32 @!p2 $0xFFFFC000  }
0xc4: {  	[tilespmem:s10], [sflag:$0x1] =	stream.linear.gather @!p3 [hbm4b:s0+s10], $0x80, $0x38;
	[tilespmem:$0x1BA80] =	vst v63  }
0xc5: {  	s15 =	simm.s32 @!p2 $0x4;
	s0 =	sadd.s32 @!p3 $0x800, s2;
	s2 =	simm.s32 @!p3 $0x100  }
0xc6: {  	[tilespmem:s2], [sflag:$0x1] =	stream.linear.gather @!p3 [hbm4b:s0+s10], $0x80, $0x38;
	[tilespmem:$0x1BA80] =	vst v63  }
0xc7: {  	_ =	swait.ge @!p2 [sflag:s15], $0x4000  }
0xc8: {  	[sflag:s15] =	ssyncset.done @!p2 $0x0  }
0xc9: {  	s0 =	simm.s32 @p0 $0x80;
	s2 =	simm.s32 @p0 $0x4200;
	[sflag:s15] =	ssyncadd.s32 @!p2 $0xFFFFC000  }
0xca: {  	[spmem:s3] =	stream.indirect.scatter.add.f32 @p0 [tilespmem:s2], [sflag:$0x5], $0x80, s0, s0, $0xb8;
	[tilespmem:$0x1BA80] =	vst v63  }
0xcb: {  	s10 =	simm.s32 @!p0 $0x200;
	s0 =	simm.s32 @!p0 $0x80;
	s2 =	simm.s32 @!p0 $0x0  }
0xcc: {  	[spmem:s3] =	stream.indirect.scatter.add.f32 @!p0 [tilespmem:s10], [sflag:$0x5], $0x80, s2, s0, $0xb8;
	[tilespmem:$0x1BA80] =	vst v63  }
0xcd: {  	_ =	swait.ge [sflag:s6], $0x4000  }
0xce: {  	[sflag:s6] =	ssyncset.done $0x0  }
.Ltmp3:
0xcf: {  	s31 =	stileid.u32;
	[sflag:s6] =	ssyncadd.s32 $0xFFFFC000;
	(pc) =	sbr.rel @!p1 .LBB2_7-.Ltmp3, $4  }
0xd0: {  	s19 =	smov.u32 s25;
	s0 =	sshll.u32 s31, $0x6;
	[bflag:$0x0] =	sbarrier.arrive $0xFFFF  }
0xd1: {  	s15 =	sshrl.u32 s25, $0x3;
	s29 =	sor.u32 $0x1C05, s0;
	s9 =	rddreg [dreg:$0xf]  }
0xd2: {  	[hbm:s9], [sflag:s29] =	dma.local [spmem:s15], $0x500  }
0xd3: {  	s2 =	sadd.s32 $0xFFFFFFFF, s8;
	s10 =	sadd.s32 $0x5000, s9;
	_ =	swait.ge [sflag:s6], $0x500  }
.LBB2_6:
0xd4: {  	[sflag:s6] =	ssyncset.done $0x0  }
0xd5: {  	s19 =	sadd.s32 $0x28000, s19;
	s29 =	sor.u32 $0x1C05, s0;
	p2 =	sne.s32 s2, $0x1  }
.Ltmp4:
0xd6: {  	s20 =	sshrl.u32 s19, $0x3;
	[sflag:s6] =	ssyncadd.s32 $0xFFFFFB00;
	(pc) =	sbr.rel @p2 .LBB2_6-.Ltmp4, $3  }
0xd7: {  	[hbm:s10], [sflag:s29] =	dma.local [spmem:s20], $0x500  }
0xd8: {  	s2 =	sadd.s32 $0xFFFFFFFF, s2;
	_ =	sdelay $0x1  }
0xd9: {  	s10 =	sadd.s32 $0x5000, s10;
	_ =	swait.ge [sflag:s6], $0x500  }
.LBB2_7:
0xda: {  	[sflag:s6] =	ssyncset.done $0x0  }
0xdb: {  	[sflag:s6] =	ssyncadd.s32 $0xFFFFFB00  }
0xdc: {  	[tilespmem:s5], [sflag:$0x5] =	stream.linear.gather [hbm4b:s26+s4], $0x4000, $0x38;
	[tilespmem:$0x1BA80] =	vst v63  }
0xdd: {  	_ =	swait.ge [sflag:s6], $0x4000  }
.Ltmp5:
0xde: {  	[sflag:s6] =	ssyncset.done $0x0;
	(pc) =	sbr.rel @!p1 .LBB2_9-.Ltmp5, $4  }
0xdf: {  	[sflag:s6] =	ssyncadd.s32 $0xFFFFC000  }
0xe0: {  	[spmem:s25] =	stream.linear.scatter [tilespmem:s5], [sflag:$0x5], $0x2800, $0x38;
	[tilespmem:$0x1BA80] =	vst v63  }
0xe1: {  	_ =	swait.ge [sflag:s6], $0x2800  }
0xe2: {  	s0 =	sadd.s32 $0xFFFFFFFF, s8;
	s2 =	smov.u32 s25;
	[sflag:s6] =	ssyncset.done $0x0  }
.LBB2_8:
0xe3: {  	p2 =	sne.s32 s0, $0x1;
	[sflag:s6] =	ssyncadd.s32 $0xFFFFD800;
	s2 =	sadd.s32 $0x28000, s2  }
.Ltmp6:
0xe4: {  	s0 =	sadd.s32 $0xFFFFFFFF, s0;
	(pc) =	sbr.rel @p2 .LBB2_8-.Ltmp6, $4  }
0xe5: {  	_ = 	snop  }
0xe6: {  	[spmem:s2] =	stream.linear.scatter [tilespmem:s5], [sflag:$0x5], $0x2800, $0x38;
	[tilespmem:$0x1BA80] =	vst v63  }
0xe7: {  	_ =	swait.ge [sflag:s6], $0x2800  }
0xe8: {  	[sflag:s6] =	ssyncset.done $0x0  }
.LBB2_9:
0xe9: {  	[sflag:s6] =	ssyncadd.s32 $0xFFFFD800  }
0xea: {  	[bflag:$0x0] =	sbarrier.arrive $0xFFFF  }
0xeb: {  	s0 =	rddreg [dreg:$0x7]  }
0xec: {  	[tilespmem:s4], [sflag:$0x1] =	stream.linear.gather [hbm4b:s0+s4], $0x80, $0x38;
	[tilespmem:$0x1BA80] =	vst v63  }
0xed: {  	_ =	swait.ge [sflag:s11], $0x80  }
0xee: {  	[sflag:s11] =	ssyncset.done $0x0  }
0xef: {  	s20 =	rddreg [dreg:$0xd];
	[sflag:s11] =	ssyncadd.s32 $0xFFFFFF80  }
0xf0: {  	[tilespmem:s5], [sflag:$0x3] =	stream.linear.gather [hbm4b:s20+s4], $0x4000, $0x38;
	[tilespmem:$0x1BA80] =	vst v63  }
0xf1: {  	s21 =	rddreg [dreg:$0x12]  }
0xf2: {  	[tilespmem:s30], [sflag:$0x2] =	stream.linear.gather [hbm4b:s21+s4], $0x80, $0x38;
	[tilespmem:$0x1BA80] =	vst v63  }
0xf3: {  	_ =	swait.ge [sflag:s13], $0x4000  }
0xf4: {  	[sflag:s13] =	ssyncset.done $0x0  }
0xf5: {  	[sflag:s13] =	ssyncadd.s32 $0xFFFFC000  }
0xf6: {  	_ =	swait.ge [sflag:s14], $0x80  }
0xf7: {  	[sflag:s14] =	ssyncset.done $0x0  }
0xf8: {  	s23 =	rddreg [dreg:$0x16];
	[sflag:s14] =	ssyncadd.s32 $0xFFFFFF80  }
0xf9: {  	[tilespmem:s18], [sflag:$0x4] =	stream.linear.gather [hbm4b:s23+s4], $0x4000, $0x38;
	[tilespmem:$0x1BA80] =	vst v63  }
0xfa: {  	_ = 	snop  }
0xfb: {  	[spmem:s3] =	stream.indirect.scatter.add.f32 [tilespmem:s5], [sflag:$0x5], $0x80, s4, s30, $0xb8;
	[tilespmem:$0x1BA80] =	vst v63  }
0xfc: {  	_ =	swait.ge [sflag:s6], $0x4000  }
0xfd: {  	[sflag:s6] =	ssyncset.done $0x0  }
0xfe: {  	s31 =	simm.s32 $0x4;
	s24 =	rddreg [dreg:$0x14];
	[sflag:s6] =	ssyncadd.s32 $0xFFFFC000  }
0xff: {  	[tilespmem:s4], [sflag:$0x1] =	stream.linear.gather [hbm4b:s24+s4], $0x80, $0x38;
	[tilespmem:$0x1BA80] =	vst v63  }
0x100: {  	_ =	swait.ge [sflag:s31], $0x4000  }
0x101: {  	p3 =	sle.u32 s7, $0x2;
	[sflag:s31] =	ssyncset.done $0x0  }
0x102: {  	s0 =	simm.s32 @!p3 $0x1;
	[sflag:s31] =	ssyncadd.s32 $0xFFFFC000  }
0x103: {  	_ =	swait.ge @!p3 [sflag:s0], $0x80  }
0x104: {  	s2 =	simm.s32 @!p3 $0x200;
	s10 =	simm.s32 @!p3 $0x5;
	[sflag:s0] =	ssyncset.done @!p3 $0x0  }
0x105: {  	s9 =	rddreg [dreg:$0x15];
	[sflag:s0] =	ssyncadd.s32 @!p3 $0xFFFFFF80;
	s0 =	simm.s32 @!p3 $0x0  }
0x106: {  	[tilespmem:s2], [sflag:$0x3] =	stream.linear.gather @!p3 [hbm4b:s9+s0], $0x4000, $0x38;
	[tilespmem:$0x1BA80] =	vst v63  }
0x107: {  	p2 =	sle.u32 @!p3 s7, $0x3;
	s0 =	simm.s32 @!p3 $0x80;
	s2 =	simm.s32 @!p3 $0x4200  }
0x108: {  	[spmem:s3] =	stream.indirect.scatter.add.f32 @!p3 [tilespmem:s2], [sflag:$0x5], $0x80, s0, s0, $0xb8;
	[tilespmem:$0x1BA80] =	vst v63  }
0x109: {  	p2 =	por p2, p3;
	_ =	swait.ge @!p3 [sflag:s10], $0x4000  }
0x10a: {  	s0 =	simm.s32 @!p3 $0x3;
	s2 =	simm.s32 @!p2 $0x0;
	[sflag:s10] =	ssyncset.done @!p3 $0x0  }
0x10b: {  	s20 =	rddreg [dreg:$0x17];
	[sflag:s10] =	ssyncadd.s32 @!p3 $0xFFFFC000;
	s10 =	simm.s32 @!p2 $0x80  }
0x10c: {  	[tilespmem:s10], [sflag:$0x2] =	stream.linear.gather @!p2 [hbm4b:s20+s2], $0x80, $0x38;
	[tilespmem:$0x1BA80] =	vst v63  }
0x10d: {  	_ =	swait.ge @!p3 [sflag:s0], $0x4000  }
0x10e: {  	p2 =	sle.u32 s7, $0x3;
	[sflag:s0] =	ssyncset.done @!p3 $0x0  }
0x10f: {  	[sflag:s0] =	ssyncadd.s32 @!p3 $0xFFFFC000;
	s0 =	simm.s32 @!p2 $0x2  }
0x110: {  	_ =	swait.ge @!p2 [sflag:s0], $0x80  }
0x111: {  	s2 =	simm.s32 @!p2 $0x4200;
	[sflag:s0] =	ssyncset.done @!p2 $0x0  }
0x112: {  	s10 =	simm.s32 @!p2 $0x0;
	[sflag:s0] =	ssyncadd.s32 @!p2 $0xFFFFFF80;
	s0 =	sadd.s32 @!p2 $0x10000, s9  }
0x113: {  	[tilespmem:s2], [sflag:$0x4] =	stream.linear.gather @!p2 [hbm4b:s0+s10], $0x4000, $0x38;
	[tilespmem:$0x1BA80] =	vst v63  }
0x114: {  	s19 =	simm.s32 @!p2 $0x5;
	s0 =	simm.s32 @!p2 $0x80;
	s2 =	simm.s32 @!p2 $0x200  }
0x115: {  	[spmem:s3] =	stream.indirect.scatter.add.f32 @!p2 [tilespmem:s2], [sflag:$0x5], $0x80, s10, s0, $0xb8;
	[tilespmem:$0x1BA80] =	vst v63  }
0x116: {  	s23 =	simm.s32 $0x6;
	p3 =	sle.u32 @!p2 s7, $0x4;
	_ =	swait.ge @!p2 [sflag:s19], $0x4000  }
0x117: {  	p3 =	por p3, p2;
	s0 =	simm.s32 @!p2 $0x4;
	[sflag:s19] =	ssyncset.done @!p2 $0x0  }
0x118: {  	s2 =	sadd.s32 @!p3 $0x200, s20;
	s10 =	simm.s32 @!p3 $0x0;
	[sflag:s19] =	ssyncadd.s32 @!p2 $0xFFFFC000  }
0x119: {  	[tilespmem:s10], [sflag:$0x1] =	stream.linear.gather @!p3 [hbm4b:s2+s10], $0x80, $0x38;
	[tilespmem:$0x1BA80] =	vst v63  }
0x11a: {  	s19 =	simm.s32 $0x8;
	s2 =	sadd.s32 $0x400, s20;
	_ =	swait.ge @!p2 [sflag:s0], $0x4000  }
0x11b: {  	p3 =	sle.u32 s7, $0x4;
	s10 =	sadd.s32 $0x20000, s9;
	[sflag:s0] =	ssyncset.done @!p2 $0x0  }
.LBB2_10:
0x11c: {  	s20 =	simm.s32 @!p3 $0x1  }
0x11d: {  	[sflag:s0] =	ssyncadd.s32 @!p2 $0xFFFFC000;
	s0 =	smov.u32 s19;
	s19 =	sadd.s32 $0x2, s19  }
0x11e: {  	p4 =	sne.s32 s19, $0x2A;
	_ =	swait.ge @!p3 [sflag:s20], $0x80  }
0x11f: {  	s24 =	sadd.s32 @!p3 $0xFFFFFFFF, s23;
	[sflag:s20] =	ssyncset.done @!p3 $0x0  }
0x120: {  	s21 =	simm.s32 @!p3 $0x200;
	[sflag:s20] =	ssyncadd.s32 @!p3 $0xFFFFFF80;
	s20 =	simm.s32 @!p3 $0x0  }
0x121: {  	[tilespmem:s21], [sflag:$0x3] =	stream.linear.gather @!p3 [hbm4b:s10+s20], $0x4000, $0x38;
	[tilespmem:$0x1BA80] =	vst v63  }
0x122: {  	s9 =	simm.s32 @!p3 $0x5;
	s20 =	simm.s32 @!p3 $0x80;
	s21 =	simm.s32 @!p3 $0x4200  }
0x123: {  	[spmem:s3] =	stream.indirect.scatter.add.f32 @!p3 [tilespmem:s21], [sflag:$0x5], $0x80, s20, s20, $0xb8;
	[tilespmem:$0x1BA80] =	vst v63  }
0x124: {  	p2 =	sge.u32 @!p3 s24, s7;
	_ =	swait.ge @!p3 [sflag:s9], $0x4000  }
0x125: {  	p2 =	por p2, p3;
	s20 =	simm.s32 @!p3 $0x3;
	[sflag:s9] =	ssyncset.done @!p3 $0x0  }
0x126: {  	s21 =	simm.s32 @!p2 $0x80;
	[sflag:s9] =	ssyncadd.s32 @!p3 $0xFFFFC000;
	s9 =	simm.s32 @!p2 $0x0  }
0x127: {  	[tilespmem:s21], [sflag:$0x2] =	stream.linear.gather @!p2 [hbm4b:s2+s9], $0x80, $0x38;
	[tilespmem:$0x1BA80] =	vst v63  }
0x128: {  	s9 =	sadd.s32 $0xFFFFFFFF, s23;
	_ =	swait.ge @!p3 [sflag:s20], $0x4000  }
0x129: {  	p2 =	sge.u32 s9, s7;
	[sflag:s20] =	ssyncset.done @!p3 $0x0  }
0x12a: {  	s9 =	simm.s32 @!p2 $0x2;
	[sflag:s20] =	ssyncadd.s32 @!p3 $0xFFFFC000;
	p3 =	sge.u32 @!p2 s23, s7  }
0x12b: {  	s23 =	smov.u32 s0;
	_ =	swait.ge @!p2 [sflag:s9], $0x80;
	p3 =	por p3, p2  }
0x12c: {  	s0 =	simm.s32 @!p2 $0x4200;
	[sflag:s9] =	ssyncset.done @!p2 $0x0  }
0x12d: {  	s20 =	simm.s32 @!p2 $0x0;
	[sflag:s9] =	ssyncadd.s32 @!p2 $0xFFFFFF80;
	s9 =	sadd.s32 @!p2 $0x10000, s10  }
0x12e: {  	[tilespmem:s0], [sflag:$0x4] =	stream.linear.gather @!p2 [hbm4b:s9+s20], $0x4000, $0x38;
	[tilespmem:$0x1BA80] =	vst v63  }
0x12f: {  	s21 =	simm.s32 @!p2 $0x5;
	s0 =	simm.s32 @!p2 $0x80;
	s9 =	simm.s32 @!p2 $0x200  }
0x130: {  	[spmem:s3] =	stream.indirect.scatter.add.f32 @!p2 [tilespmem:s9], [sflag:$0x5], $0x80, s20, s0, $0xb8;
	[tilespmem:$0x1BA80] =	vst v63  }
0x131: {  	_ =	swait.ge @!p2 [sflag:s21], $0x4000  }
.Ltmp7:
0x132: {  	s0 =	simm.s32 @!p2 $0x4;
	[sflag:s21] =	ssyncset.done @!p2 $0x0;
	(pc) =	sbr.rel @p4 .LBB2_10-.Ltmp7, $4  }
0x133: {  	s9 =	sadd.s32 @!p3 $0x200, s2;
	s20 =	simm.s32 @!p3 $0x0;
	[sflag:s21] =	ssyncadd.s32 @!p2 $0xFFFFC000  }
0x134: {  	[tilespmem:s20], [sflag:$0x1] =	stream.linear.gather @!p3 [hbm4b:s9+s20], $0x80, $0x38;
	[tilespmem:$0x1BA80] =	vst v63  }
0x135: {  	s2 =	sadd.s32 $0x400, s2;
	s9 =	sadd.s32 $0xFFFFFFFE, s23;
	_ =	swait.ge @!p2 [sflag:s0], $0x4000  }
0x136: {  	s10 =	sadd.s32 $0x20000, s10;
	p3 =	sge.u32 s9, s7;
	[sflag:s0] =	ssyncset.done @!p2 $0x0  }
0x137: {  	s9 =	simm.s32 @!p3 $0x1;
	[sflag:s0] =	ssyncadd.s32 @!p2 $0xFFFFC000  }
0x138: {  	_ =	swait.ge @!p3 [sflag:s9], $0x80  }
0x139: {  	s0 =	sadd.s32 @!p3 $0xFFFFFFFF, s23;
	[sflag:s9] =	ssyncset.done @!p3 $0x0  }
0x13a: {  	s19 =	simm.s32 @!p3 $0x200;
	[sflag:s9] =	ssyncadd.s32 @!p3 $0xFFFFFF80;
	s9 =	simm.s32 @!p3 $0x0  }
0x13b: {  	[tilespmem:s19], [sflag:$0x3] =	stream.linear.gather @!p3 [hbm4b:s10+s9], $0x4000, $0x38;
	[tilespmem:$0x1BA80] =	vst v63  }
0x13c: {  	s20 =	simm.s32 @!p3 $0x5;
	s9 =	simm.s32 @!p3 $0x80;
	s19 =	simm.s32 @!p3 $0x4200  }
0x13d: {  	[spmem:s3] =	stream.indirect.scatter.add.f32 @!p3 [tilespmem:s19], [sflag:$0x5], $0x80, s9, s9, $0xb8;
	[tilespmem:$0x1BA80] =	vst v63  }
0x13e: {  	p2 =	sge.u32 @!p3 s0, s7;
	_ =	swait.ge @!p3 [sflag:s20], $0x4000  }
0x13f: {  	s0 =	simm.s32 @!p3 $0x3;
	p2 =	por p2, p3;
	[sflag:s20] =	ssyncset.done @!p3 $0x0  }
0x140: {  	s9 =	simm.s32 @!p2 $0x0;
	s19 =	simm.s32 @!p2 $0x80;
	[sflag:s20] =	ssyncadd.s32 @!p3 $0xFFFFC000  }
0x141: {  	[tilespmem:s19], [sflag:$0x2] =	stream.linear.gather @!p2 [hbm4b:s2+s9], $0x80, $0x38;
	[tilespmem:$0x1BA80] =	vst v63  }
0x142: {  	s31 =	sadd.s32 $0xFFFFFFFF, s23;
	_ =	swait.ge @!p3 [sflag:s0], $0x4000  }
0x143: {  	p2 =	sge.u32 s31, s7;
	[sflag:s0] =	ssyncset.done @!p3 $0x0  }
0x144: {  	[sflag:s0] =	ssyncadd.s32 @!p3 $0xFFFFC000;
	s0 =	simm.s32 @!p2 $0x2  }
0x145: {  	_ =	swait.ge @!p2 [sflag:s0], $0x80  }
0x146: {  	s9 =	simm.s32 @!p2 $0x4200;
	s19 =	simm.s32 @!p2 $0x5;
	[sflag:s0] =	ssyncset.done @!p2 $0x0  }
0x147: {  	[sflag:s0] =	ssyncadd.s32 @!p2 $0xFFFFFF80;
	s0 =	sadd.s32 @!p2 $0x10000, s10;
	s10 =	simm.s32 @!p2 $0x0  }
0x148: {  	[tilespmem:s9], [sflag:$0x4] =	stream.linear.gather @!p2 [hbm4b:s0+s10], $0x4000, $0x38;
	[tilespmem:$0x1BA80] =	vst v63  }
0x149: {  	p3 =	sge.u32 @!p2 s23, s7;
	s0 =	simm.s32 @!p2 $0x80;
	s9 =	simm.s32 @!p2 $0x200  }
0x14a: {  	[spmem:s3] =	stream.indirect.scatter.add.f32 @!p2 [tilespmem:s9], [sflag:$0x5], $0x80, s10, s0, $0xb8;
	[tilespmem:$0x1BA80] =	vst v63  }
0x14b: {  	p3 =	por p3, p2;
	_ =	swait.ge @!p2 [sflag:s19], $0x4000  }
0x14c: {  	s2 =	sadd.s32 @!p3 $0x200, s2;
	[sflag:s19] =	ssyncset.done @!p2 $0x0  }
0x14d: {  	s0 =	simm.s32 @!p2 $0x4;
	s9 =	simm.s32 @!p3 $0x0;
	[sflag:s19] =	ssyncadd.s32 @!p2 $0xFFFFC000  }
0x14e: {  	[tilespmem:s9], [sflag:$0x1] =	stream.linear.gather @!p3 [hbm4b:s2+s9], $0x80, $0x38;
	[tilespmem:$0x1BA80] =	vst v63  }
0x14f: {  	_ =	swait.ge @!p2 [sflag:s0], $0x4000  }
0x150: {  	[sflag:s0] =	ssyncset.done @!p2 $0x0  }
0x151: {  	s2 =	simm.s32 @p0 $0x4200;
	[sflag:s0] =	ssyncadd.s32 @!p2 $0xFFFFC000;
	s0 =	simm.s32 @p0 $0x80  }
0x152: {  	[spmem:s3] =	stream.indirect.scatter.add.f32 @p0 [tilespmem:s2], [sflag:$0x5], $0x80, s0, s0, $0xb8;
	[tilespmem:$0x1BA80] =	vst v63  }
0x153: {  	s9 =	simm.s32 @!p0 $0x200;
	s0 =	simm.s32 @!p0 $0x80;
	s2 =	simm.s32 @!p0 $0x0  }
0x154: {  	[spmem:s3] =	stream.indirect.scatter.add.f32 @!p0 [tilespmem:s9], [sflag:$0x5], $0x80, s2, s0, $0xb8;
	[tilespmem:$0x1BA80] =	vst v63  }
0x155: {  	_ =	swait.ge [sflag:s6], $0x4000  }
0x156: {  	[sflag:s6] =	ssyncset.done $0x0  }
0x157: {  	[sflag:s6] =	ssyncadd.s32 $0xFFFFC000  }
.Ltmp8:
0x158: {  	[bflag:$0x0] =	sbarrier.arrive $0xFFFF;
	(pc) =	sbr.rel @!p1 .LBB2_13-.Ltmp8, $4  }
0x159: {  	s10 =	rddreg [dreg:$0x10]  }
0x15a: {  	[hbm:s10], [sflag:s29] =	dma.local [spmem:s15], $0x500  }
0x15b: {  	_ =	swait.ge [sflag:s6], $0x500  }
0x15c: {  	s0 =	sadd.s32 $0xFFFFFFFF, s8;
	s2 =	sadd.s32 $0x28000, s25;
	[sflag:s6] =	ssyncset.done $0x0  }
.LBB2_12:
0x15d: {  	s9 =	sshrl.u32 s2, $0x3  }
0x15e: {  	[sflag:s6] =	ssyncadd.s32 $0xFFFFFB00;
	s10 =	sadd.s32 $0x5000, s10;
	p2 =	sne.s32 s0, $0x1  }
0x15f: {  	[hbm:s10], [sflag:s29] =	dma.local [spmem:s9], $0x500  }
.Ltmp9:
0x160: {  	_ = 	snop;
	(pc) =	sbr.rel @p2 .LBB2_12-.Ltmp9, $4  }
0x161: {  	_ = 	snop  }
0x162: {  	s0 =	sadd.s32 $0xFFFFFFFF, s0  }
0x163: {  	_ =	swait.ge [sflag:s6], $0x500  }
0x164: {  	s2 =	sadd.s32 $0x28000, s2;
	[sflag:s6] =	ssyncset.done $0x0  }
.LBB2_13:
0x165: {  	[sflag:s6] =	ssyncadd.s32 $0xFFFFFB00  }
0x166: {  	[tilespmem:s18], [sflag:$0x5] =	stream.linear.gather [hbm4b:s26+s4], $0x4000, $0x38;
	[tilespmem:$0x1BA80] =	vst v63  }
0x167: {  	_ =	swait.ge [sflag:s6], $0x4000  }
.Ltmp10:
0x168: {  	[sflag:s6] =	ssyncset.done $0x0;
	(pc) =	sbr.rel @!p1 .LBB2_15-.Ltmp10, $4  }
0x169: {  	[sflag:s6] =	ssyncadd.s32 $0xFFFFC000  }
0x16a: {  	[spmem:s25] =	stream.linear.scatter [tilespmem:s18], [sflag:$0x5], $0x2800, $0x38;
	[tilespmem:$0x1BA80] =	vst v63  }
0x16b: {  	s31 =	smov.u32 s26;
	_ =	swait.ge [sflag:s6], $0x2800  }
0x16c: {  	s0 =	sadd.s32 $0xFFFFFFFF, s8;
	s2 =	smov.u32 s25;
	[sflag:s6] =	ssyncset.done $0x0  }
.LBB2_14:
0x16d: {  	p2 =	sne.s32 s0, $0x1;
	[sflag:s6] =	ssyncadd.s32 $0xFFFFD800;
	s2 =	sadd.s32 $0x28000, s2  }
.Ltmp11:
0x16e: {  	s0 =	sadd.s32 $0xFFFFFFFF, s0;
	(pc) =	sbr.rel @p2 .LBB2_14-.Ltmp11, $4  }
0x16f: {  	_ = 	snop  }
0x170: {  	[spmem:s2] =	stream.linear.scatter [tilespmem:s18], [sflag:$0x5], $0x2800, $0x38;
	[tilespmem:$0x1BA80] =	vst v63  }
0x171: {  	_ =	swait.ge [sflag:s6], $0x2800  }
0x172: {  	[sflag:s6] =	ssyncset.done $0x0  }
.LBB2_15:
0x173: {  	[sflag:s6] =	ssyncadd.s32 $0xFFFFD800;
	s0 =	rddreg [dreg:$0x6]  }
0x174: {  	[tilespmem:s5], [sflag:$0x5] =	stream.linear.gather [hbm4b:s0+s4], $0x4000, $0x38;
	[tilespmem:$0x1BA80] =	vst v63  }
0x175: {  	_ =	swait.ge [sflag:s6], $0x4000  }
0x176: {  	[sflag:s6] =	ssyncset.done $0x0  }
0x177: {  	[sflag:s6] =	ssyncadd.s32 $0xFFFFC000  }
0x178: {  	[bflag:$0x0] =	sbarrier.arrive $0xFFFF  }
0x179: {  	s23 =	rddreg [dreg:$0x7]  }
0x17a: {  	[tilespmem:s4], [sflag:$0x1] =	stream.linear.gather [hbm4b:s23+s4], $0x80, $0x38;
	[tilespmem:$0x1BA80] =	vst v63  }
0x17b: {  	_ =	swait.ge [sflag:s11], $0x80  }
0x17c: {  	[sflag:s11] =	ssyncset.done $0x0  }
0x17d: {  	s24 =	rddreg [dreg:$0x12];
	[sflag:s11] =	ssyncadd.s32 $0xFFFFFF80  }
0x17e: {  	[tilespmem:s30], [sflag:$0x2] =	stream.linear.gather [hbm4b:s24+s4], $0x80, $0x38;
	[tilespmem:$0x1BA80] =	vst v63  }
0x17f: {  	_ =	swait.ge [sflag:s14], $0x80  }
0x180: {  	[sflag:s14] =	ssyncset.done $0x0  }
0x181: {  	[sflag:s14] =	ssyncadd.s32 $0xFFFFFF80  }
0x182: {  	[spmem:s3] =	stream.indirect.scatter.add.f32 [tilespmem:s5], [sflag:$0x5], $0x80, s4, s30, $0xb8;
	[tilespmem:$0x1BA80] =	vst v63  }
0x183: {  	_ =	swait.ge [sflag:s6], $0x4000  }
0x184: {  	p3 =	sle.u32 s7, $0x2;
	[sflag:s6] =	ssyncset.done $0x0  }
0x185: {  	s0 =	simm.s32 @!p3 $0x1;
	s26 =	rddreg [dreg:$0x14];
	[sflag:s6] =	ssyncadd.s32 $0xFFFFC000  }
0x186: {  	[tilespmem:s4], [sflag:$0x1] =	stream.linear.gather [hbm4b:s26+s4], $0x80, $0x38;
	[tilespmem:$0x1BA80] =	vst v63  }
0x187: {  	p2 =	sle.u32 @!p3 s7, $0x3;
	s2 =	simm.s32 @!p3 $0x5;
	_ =	swait.ge @!p3 [sflag:s0], $0x80  }
0x188: {  	s9 =	simm.s32 @!p3 $0x200;
	p4 =	por p2, p3;
	[sflag:s0] =	ssyncset.done @!p3 $0x0  }
0x189: {  	p2 =	sle.u32 s28, $0x2;
	[sflag:s0] =	ssyncadd.s32 @!p3 $0xFFFFFF80;
	s0 =	simm.s32 @!p3 $0x80  }
0x18a: {  	[spmem:s3] =	stream.indirect.scatter.add.f32 @!p3 [tilespmem:s9], [sflag:$0x5], $0x80, s0, s0, $0xb8;
	[tilespmem:$0x1BA80] =	vst v63  }
0x18b: {  	s19 =	simm.s32 $0x8;
	s10 =	simm.s32 @!p2 $0x2;
	_ =	swait.ge @!p3 [sflag:s2], $0x4000  }
0x18c: {  	s23 =	simm.s32 $0x4;
	s0 =	simm.s32 @!p4 $0x0;
	[sflag:s2] =	ssyncset.done @!p3 $0x0  }
0x18d: {  	s9 =	simm.s32 @!p4 $0x80;
	[sflag:s2] =	ssyncadd.s32 @!p3 $0xFFFFC000;
	s2 =	sadd.s32 @!p4 $0xFFFFFE00, s22  }
0x18e: {  	[tilespmem:s9], [sflag:$0x2] =	stream.linear.gather @!p4 [hbm4b:s2+s0], $0x80, $0x38;
	[tilespmem:$0x1BA80] =	vst v63  }
0x18f: {  	s24 =	simm.s32 @!p2 $0x5;
	p3 =	sle.u32 @!p2 s7, $0x4;
	_ =	swait.ge @!p2 [sflag:s10], $0x80  }
0x190: {  	s0 =	simm.s32 @!p2 $0x200;
	s9 =	simm.s32 @!p2 $0x80;
	[sflag:s10] =	ssyncset.done @!p2 $0x0  }
0x191: {  	p5 =	por p3, p2;
	[sflag:s10] =	ssyncadd.s32 @!p2 $0xFFFFFF80;
	s10 =	simm.s32 @!p2 $0x0  }
0x192: {  	[spmem:s3] =	stream.indirect.scatter.add.f32 @!p2 [tilespmem:s0], [sflag:$0x5], $0x80, s10, s9, $0xb8;
	[tilespmem:$0x1BA80] =	vst v63  }
0x193: {  	s2 =	simm.s32 $0x6;
	s20 =	simm.s32 @!p5 $0x0;
	_ =	swait.ge @!p2 [sflag:s24], $0x4000  }
0x194: {  	s10 =	smov.u32 s22;
	s0 =	smov.u32 s22;
	[sflag:s24] =	ssyncset.done @!p2 $0x0  }
.LBB2_16:
0x195: {  	p4 =	sge.u32 s23, s7  }
0x196: {  	s10 =	sadd.s32 $0x400, s10;
	s9 =	smov.u32 s19;
	s19 =	sadd.s32 $0x2, s19  }
0x197: {  	s21 =	simm.s32 @!p4 $0x1;
	s26 =	sadd.s32 @!p4 $0xFFFFFFFF, s2;
	[sflag:s24] =	ssyncadd.s32 @!p2 $0xFFFFC000  }
0x198: {  	[tilespmem:s20], [sflag:$0x1] =	stream.linear.gather @!p5 [hbm4b:s0+s20], $0x80, $0x38;
	[tilespmem:$0x1BA80] =	vst v63  }
0x199: {  	p3 =	sne.s32 s19, $0x2A;
	p2 =	sge.u32 @!p4 s26, s7;
	_ =	swait.ge @!p4 [sflag:s21], $0x80  }
0x19a: {  	s20 =	simm.s32 @!p4 $0x5;
	p5 =	por p2, p4;
	[sflag:s21] =	ssyncset.done @!p4 $0x0  }
0x19b: {  	s0 =	simm.s32 @!p4 $0x80;
	[sflag:s21] =	ssyncadd.s32 @!p4 $0xFFFFFF80;
	s21 =	simm.s32 @!p4 $0x200  }
0x19c: {  	[spmem:s3] =	stream.indirect.scatter.add.f32 @!p4 [tilespmem:s21], [sflag:$0x5], $0x80, s0, s0, $0xb8;
	[tilespmem:$0x1BA80] =	vst v63  }
0x19d: {  	s21 =	simm.s32 @!p5 $0x0;
	s0 =	smov.u32 s10;
	_ =	swait.ge @!p4 [sflag:s20], $0x4000  }
0x19e: {  	p2 =	sge.u32 s23, s28;
	s24 =	simm.s32 @!p5 $0x80;
	[sflag:s20] =	ssyncset.done @!p4 $0x0  }
0x19f: {  	s23 =	simm.s32 @!p2 $0x2;
	[sflag:s20] =	ssyncadd.s32 @!p4 $0xFFFFC000;
	s20 =	sadd.s32 @!p5 $0xFFFFFE00, s10  }
0x1a0: {  	[tilespmem:s24], [sflag:$0x2] =	stream.linear.gather @!p5 [hbm4b:s20+s21], $0x80, $0x38;
	[tilespmem:$0x1BA80] =	vst v63  }
0x1a1: {  	p4 =	sge.u32 @!p2 s2, s7;
	s24 =	simm.s32 @!p2 $0x5;
	_ =	swait.ge @!p2 [sflag:s23], $0x80  }
.Ltmp12:
0x1a2: {  	s2 =	simm.s32 @!p2 $0x200;
	[sflag:s23] =	ssyncset.done @!p2 $0x0;
	(pc) =	sbr.rel @p3 .LBB2_16-.Ltmp12, $4  }
0x1a3: {  	s20 =	simm.s32 @!p2 $0x80;
	s21 =	simm.s32 @!p2 $0x0;
	[sflag:s23] =	ssyncadd.s32 @!p2 $0xFFFFFF80  }
0x1a4: {  	[spmem:s3] =	stream.indirect.scatter.add.f32 @!p2 [tilespmem:s2], [sflag:$0x5], $0x80, s21, s20, $0xb8;
	[tilespmem:$0x1BA80] =	vst v63  }
0x1a5: {  	p5 =	por p4, p2;
	s2 =	smov.u32 s9;
	_ =	swait.ge @!p2 [sflag:s24], $0x4000  }
0x1a6: {  	s20 =	simm.s32 @!p5 $0x0;
	s23 =	sadd.s32 $0xFFFFFFFE, s2;
	[sflag:s24] =	ssyncset.done @!p2 $0x0  }
0x1a7: {  	p3 =	sge.u32 s23, s7  }
0x1a8: {  	[sflag:s24] =	ssyncadd.s32 @!p2 $0xFFFFC000;
	s9 =	simm.s32 @!p3 $0x1;
	s19 =	sadd.s32 @!p3 $0xFFFFFFFF, s2  }
0x1a9: {  	[tilespmem:s20], [sflag:$0x1] =	stream.linear.gather @!p5 [hbm4b:s0+s20], $0x80, $0x38;
	[tilespmem:$0x1BA80] =	vst v63  }
0x1aa: {  	s0 =	simm.s32 @!p3 $0x5;
	_ =	swait.ge @!p3 [sflag:s9], $0x80;
	p2 =	sge.u32 @!p3 s19, s7  }
0x1ab: {  	s19 =	simm.s32 @!p3 $0x200;
	[sflag:s9] =	ssyncset.done @!p3 $0x0;
	p4 =	por p2, p3  }
0x1ac: {  	p2 =	sge.u32 s23, s28;
	[sflag:s9] =	ssyncadd.s32 @!p3 $0xFFFFFF80;
	s9 =	simm.s32 @!p3 $0x80  }
0x1ad: {  	[spmem:s3] =	stream.indirect.scatter.add.f32 @!p3 [tilespmem:s19], [sflag:$0x5], $0x80, s9, s9, $0xb8;
	[tilespmem:$0x1BA80] =	vst v63  }
0x1ae: {  	s20 =	simm.s32 @!p2 $0x2;
	_ =	swait.ge @!p3 [sflag:s0], $0x4000  }
0x1af: {  	s9 =	sadd.s32 $0x400, s10;
	s10 =	simm.s32 @!p4 $0x0;
	[sflag:s0] =	ssyncset.done @!p3 $0x0  }
0x1b0: {  	s19 =	simm.s32 @!p4 $0x80;
	[sflag:s0] =	ssyncadd.s32 @!p3 $0xFFFFC000;
	s0 =	sadd.s32 @!p4 $0xFFFFFE00, s9  }
0x1b1: {  	[tilespmem:s19], [sflag:$0x2] =	stream.linear.gather @!p4 [hbm4b:s0+s10], $0x80, $0x38;
	[tilespmem:$0x1BA80] =	vst v63  }
0x1b2: {  	_ =	swait.ge @!p2 [sflag:s20], $0x80  }
0x1b3: {  	s0 =	simm.s32 @!p2 $0x5;
	s10 =	simm.s32 @!p2 $0x200;
	[sflag:s20] =	ssyncset.done @!p2 $0x0  }
0x1b4: {  	s19 =	simm.s32 @!p2 $0x80;
	[sflag:s20] =	ssyncadd.s32 @!p2 $0xFFFFFF80;
	s20 =	simm.s32 @!p2 $0x0  }
0x1b5: {  	[spmem:s3] =	stream.indirect.scatter.add.f32 @!p2 [tilespmem:s10], [sflag:$0x5], $0x80, s20, s19, $0xb8;
	[tilespmem:$0x1BA80] =	vst v63  }
0x1b6: {  	p3 =	sge.u32 @!p2 s2, s7;
	_ =	swait.ge @!p2 [sflag:s0], $0x4000  }
0x1b7: {  	p3 =	por p3, p2;
	[sflag:s0] =	ssyncset.done @!p2 $0x0  }
0x1b8: {  	s2 =	simm.s32 @!p3 $0x0;
	[sflag:s0] =	ssyncadd.s32 @!p2 $0xFFFFC000  }
0x1b9: {  	[tilespmem:s2], [sflag:$0x1] =	stream.linear.gather @!p3 [hbm4b:s9+s2], $0x80, $0x38;
	[tilespmem:$0x1BA80] =	vst v63  }
0x1ba: {  	s26 =	rddreg [dreg:$0x13]  }
0x1bb: {  	[spmem:s3] =	stream.indirect.scatter.add.f32 [tilespmem:s5], [sflag:$0x5], $0x80, s26, s30, $0xb8;
	[tilespmem:$0x1BA80] =	vst v63  }
0x1bc: {  	_ =	swait.ge [sflag:s6], $0x4000  }
0x1bd: {  	[sflag:s6] =	ssyncset.done $0x0  }
0x1be: {  	[sflag:s6] =	ssyncadd.s32 $0xFFFFC000  }
.Ltmp13:
0x1bf: {  	[bflag:$0x0] =	sbarrier.arrive $0xFFFF;
	(pc) =	sbr.rel @!p1 .LBB2_19-.Ltmp13, $4  }
0x1c0: {  	s10 =	rddreg [dreg:$0x11]  }
0x1c1: {  	[hbm:s10], [sflag:s29] =	dma.local [spmem:s15], $0x500  }
0x1c2: {  	_ =	swait.ge [sflag:s6], $0x500  }
0x1c3: {  	s0 =	sadd.s32 $0xFFFFFFFF, s8;
	s2 =	sadd.s32 $0x28000, s25;
	[sflag:s6] =	ssyncset.done $0x0  }
.LBB2_18:
0x1c4: {  	s9 =	sshrl.u32 s2, $0x3  }
0x1c5: {  	[sflag:s6] =	ssyncadd.s32 $0xFFFFFB00;
	s10 =	sadd.s32 $0x5000, s10;
	p1 =	sne.s32 s0, $0x1  }
0x1c6: {  	[hbm:s10], [sflag:s29] =	dma.local [spmem:s9], $0x500  }
.Ltmp14:
0x1c7: {  	_ = 	snop;
	(pc) =	sbr.rel @p1 .LBB2_18-.Ltmp14, $4  }
0x1c8: {  	_ = 	snop  }
0x1c9: {  	s0 =	sadd.s32 $0xFFFFFFFF, s0  }
0x1ca: {  	_ =	swait.ge [sflag:s6], $0x500  }
0x1cb: {  	s2 =	sadd.s32 $0x28000, s2;
	[sflag:s6] =	ssyncset.done $0x0  }
.LBB2_19:
0x1cc: {  	s12 =	sadd.s32 $0x1, s12;
	s0 =	rddreg [dreg:$0xe]  }
0x1cd: {  	p1 =	sne.s32 s12, s0  }
.Ltmp15:
0x1ce: {  	_ = 	snop;
	(pc) =	sbr.rel @p1 .LBB2_1-.Ltmp15, $2  }
0x1cf: {  	_ =	sdelay $0x2  }
0x1d0: {  	[sflag:s6] =	ssyncadd.s32 $0xFFFFFB00;
	s26 =	smov.u32 s31  }
0x1d1: {  	_ =	sfence.sel $0x180000  }
0x1d2: {  	[bflag:$0x0] =	sbarrier.arrive $0xFFFF  }
0x1d3: {  	_ =	strace $0x90000047  }
0x1d4: {  	s0 =	stileid.u32;
	[bflag:$0x2] =	sbarrier.arrive $0xFFFF  }
0x1d5: {  	p0 =	sne.s32 s0, $0x0;
	s0 =	rddreg [dreg:$0x5]  }
0x1d6: {  	s0 =	sadd.s32 @!p0 $0x100000, s0  }
0x1d7: {  	[sflag:s0] =	ssyncadd.tile.s32 @!p0 $0x1;
	_ =	shalt  }
.Lfunc_end2:
_tile_overlayer_lowered:
.L_overlay_start_2:
0x1d8: {  	(tag) =	ssettag $0x2  }
0x1d9: {  	s0 =	rddreg [dreg:$0x0];
	s2 =	stileid.u32  }
0x1da: {  	s1 =	rddreg [dreg:$0x1];
	p0 =	sne.s32 s2, $0x0  }
0x1db: {  	s3 =	rddreg [dreg:$0x2];
	[bflag:$0x3] =	sbarrier.arrive $0xFFFF;
	s2 =	simm.s32 @!p0 $0x1C05  }
0x1dc: {  	[timem:s3], [sflag:s2] =	dma.local @!p0 [hbm:s0], s1  }
0x1dd: {  	s0 =	simm.s32 @!p0 $0x5  }
0x1de: {  	_ =	swait.ge @!p0 [sflag:s0], s1  }
0x1df: {  	s1 =	ssub.s32 @!p0 $0x0, s1;
	[sflag:s0] =	ssyncset.done @!p0 $0x0  }
0x1e0: {  	[sflag:s0] =	ssyncadd.s32 @!p0 s1  }
0x1e1: {  	[bflag:$0x3] =	sbarrier.arrive $0xFFFF  }
0x1e2: {  	_ =	shalt  }

</sc_bundles>
